<compile_context>
chip_gen: v7x
topology: tpu7x:2x2x1
jax: 0.10.2.dev20260603
libtpu: 0.0.44.dev20260713+nightly
codegen_flags: <defaults>
</compile_context>

<pallas_src>
import functools

import jax
import jax.numpy as jnp
from jax import lax
from jax.experimental import pallas as pl
from jax.experimental.pallas import tpu as pltpu
from jax.experimental.pallas import tpu_sc as plsc

NUM_ROWS = 1000000
DIM = 32

NC = 2
NS = 16
NW = NC * NS

BATCH = 16384
SEQ = 50
BW = BATCH // NW
JV = BW // 16
CT = BW // 128


def _body(idx_hbm, table_hbm, out_hbm, idx_v, idxs_v, rows_v, trans_v,
          gsem, psem):
    wid = lax.axis_index("s") * NC + lax.axis_index("c")
    b0 = wid * BW

    pltpu.sync_copy(idx_hbm.at[pl.ds(b0, BW), :], idx_v)

    iota = lax.iota(jnp.int32, 16)

    def repack(s, ib):
        col = jnp.full((16,), 0, jnp.int32) + s

        @plsc.parallel_loop(0, JV, unroll=4)
        def _jv(jv):
            row = iota + (jv * 16)
            vec = plsc.load_gather(idx_v, [row, col])
            idxs_v[ib, pl.ds(jv * 16, 16)] = vec

    def gather(ib, rb):
        src = table_hbm.at[idxs_v.at[ib]]
        return pltpu.make_async_copy(src, rows_v.at[rb], gsem.at[rb])

    def writeback(s, tb):
        dst = out_hbm.at[s, :, pl.ds(CT * wid, CT), :, :]
        return pltpu.make_async_copy(trans_v.at[tb], dst, psem.at[tb])

    def transpose(rb, tb):
        rows = rows_v.at[rb]
        trans = trans_v.at[tb]

        @plsc.parallel_loop(0, DIM, unroll=4)
        def _d(d):
            dt = d // 8
            dp = d - dt * 8
            col = jnp.full((16,), 0, jnp.int32) + d
            for jv in range(JV):
                row = iota + (jv * 16)
                vec = plsc.load_gather(rows, [row, col])
                trans[dt, jv // 8, dp, pl.ds((jv % 8) * 16, 16)] = vec

    repack(0, 0)
    gather(0, 0).start()

    @pl.loop(0, SEQ, step=2)
    def _s2(s0):
        for h in range(2):
            s = s0 + h
            rb = h
            tb = h
            ib = h
            @pl.when(s + 1 < SEQ)
            def _():
                repack(s + 1, 1 - ib)
                gather(1 - ib, 1 - rb).start()

            gather(ib, rb).wait()

            @pl.when(s >= 2)
            def _():
                writeback(s - 2, tb).wait()

            transpose(rb, tb)
            writeback(s, tb).start()

    for tb in range(2):
        writeback(0, tb).wait()


CW = 512
NCHW = NUM_ROWS // CW
CWT = NUM_ROWS - NCHW * CW
TAIL0 = NCHW * CW


PC = (NCHW + NW - 1) // NW


def _repack_body(wt_hbm, out_hbm, buf_a, buf_b, tb_a, tb_b, bt_v, tt_v,
                 ism, osm):
    bufs = (buf_a, buf_b)
    tbs = (tb_a, tb_b)
    wid = lax.axis_index("s") * NC + lax.axis_index("c")
    iota32 = lax.iota(jnp.int32, 16) * DIM

    def cstart(i):
        return pl.multiple_of((i * NW + wid) * CW, CW)

    def copy_in(i, b):
        src = wt_hbm.at[:, pl.ds(cstart(i), CW)]
        return pltpu.make_async_copy(src, bufs[b], ism.at[b])

    def copy_out(i, b):
        dst = out_hbm.at[pl.ds(cstart(i) * DIM, CW * DIM)]
        return pltpu.make_async_copy(tbs[b], dst, osm.at[b])

    def valid(i):
        return (i * NW + wid) < NCHW

    def transpose(b):
        @plsc.parallel_loop(0, DIM, unroll=4)
        def _d(d):
            for jv in range(CW // 16):
                vec = bufs[b][d, pl.ds(jv * 16, 16)]
                idx = iota32 + (jv * 16 * DIM + d)
                plsc.store_scatter(tbs[b], [idx], vec)

    @pl.when(valid(0))
    def _p():
        copy_in(0, 0).start()

    @pl.loop(0, PC, step=2)
    def _i2(i0):
        for h in range(2):
            i = i0 + h
            b = h

            @pl.when(valid(i + 1))
            def _():
                copy_in(i + 1, 1 - b).start()

            @pl.when(valid(i))
            def _():
                copy_in(i, b).wait()

                @pl.when(i >= 2)
                def _():
                    copy_out(0, b).wait()

                transpose(b)
                copy_out(i, b).start()

    for b in range(2):
        copy_out(0, b).wait()

    @pl.when(wid == 0)
    def _tail():
        pltpu.sync_copy(wt_hbm.at[:, pl.ds(TAIL0, CWT)], bt_v)

        @plsc.parallel_loop(0, DIM, unroll=4)
        def _d(d):
            for jv in range(CWT // 16):
                vec = bt_v[d, pl.ds(jv * 16, 16)]
                idx = iota32 + (jv * 16 * DIM + d)
                plsc.store_scatter(tt_v, [idx], vec)

        pltpu.sync_copy(tt_v, out_hbm.at[pl.ds(TAIL0 * DIM, CWT * DIM)])


@jax.jit
def _repack(weight_t):
    mesh = plsc.VectorSubcoreMesh(core_axis_name="c", subcore_axis_name="s")
    f = functools.partial(
        pl.kernel,
        out_type=jax.ShapeDtypeStruct((NUM_ROWS * DIM,), jnp.float32),
        mesh=mesh,
        scratch_types=[
            pltpu.VMEM((DIM, CW), jnp.float32),
            pltpu.VMEM((DIM, CW), jnp.float32),
            pltpu.VMEM((CW * DIM,), jnp.float32),
            pltpu.VMEM((CW * DIM,), jnp.float32),
            pltpu.VMEM((DIM, CWT), jnp.float32),
            pltpu.VMEM((CWT * DIM,), jnp.float32),
            pltpu.SemaphoreType.DMA((2,)),
            pltpu.SemaphoreType.DMA((2,)),
        ],
        compiler_params=pltpu.CompilerParams(
            use_tc_tiling_on_sc=True, needs_layout_passes=False
        ),
    )(_repack_body)
    return f(weight_t)


@jax.jit
def _lookup(token_ids, weight):
    mesh = plsc.VectorSubcoreMesh(core_axis_name="c", subcore_axis_name="s")
    f = functools.partial(
        pl.kernel,
        out_type=jax.ShapeDtypeStruct(
            (SEQ, DIM // 8, BATCH // 128, 8, 128), jnp.float32
        ),
        mesh=mesh,
        scratch_types=[
            pltpu.VMEM((BW, SEQ), jnp.int32),
            pltpu.VMEM((2, BW), jnp.int32),
            pltpu.VMEM((2, BW, DIM), jnp.float32),
            pltpu.VMEM((2, DIM // 8, CT, 8, 128), jnp.float32),
            pltpu.SemaphoreType.DMA((2,)),
            pltpu.SemaphoreType.DMA((2,)),
        ],
        compiler_params=pltpu.CompilerParams(
            use_tc_tiling_on_sc=False, needs_layout_passes=False
        ),
    )(_body)
    return f(token_ids, weight)


def kernel(token_ids, weight):
    wlin = _repack(weight.T)
    out5 = _lookup(token_ids.astype(jnp.int32), wlin.reshape(NUM_ROWS, DIM))
    return out5.transpose(2, 4, 0, 1, 3).reshape(BATCH, SEQ, DIM)

# --- scband reference (transcript-rebuilt; emitter-appended) ---
"""Pipeline reference for scband-embedding-1563368096581 (READ-ONLY COPY).

The authoritative reference and input builder live on the scoring server;
editing this copy changes nothing except your own understanding.
"""

import jax, jax.numpy as jnp
import numpy as np

NUM_EMBEDDINGS = 1000000
EMBEDDING_DIM = 32

def setup_inputs(seed: int = 0) -> dict:
    key = jax.random.key(seed)
    k1, k2 = jax.random.split(key)
    token_ids = jax.random.randint(k1, (16384, 50), 0, NUM_EMBEDDINGS, dtype=jnp.int64 if jax.config.jax_enable_x64 else jnp.int32)
    # trunc_normal init approximated with clipped normal (stddev 1, truncated at +/-2)
    weight = jnp.clip(jax.random.normal(k2, (NUM_EMBEDDINGS, EMBEDDING_DIM), dtype=jnp.float32), -2.0, 2.0)
    return {"token_ids": token_ids, "weight": weight}

def reference(token_ids, weight):
    # Faithful to torch: self.weight[token_ids]
    return jnp.take(weight, token_ids, axis=0)

if __name__ == "__main__":
    import jax
    _d = setup_inputs()
    print(jax.jit(kernel)(*tuple(_d.values())))

</pallas_src>

<mosaic_0001>
#map = affine_map<(d0, d1) -> (0, 0)>
#map1 = affine_map<(d0, d1) -> (0)>
module attributes {stable_mosaic.version = 14 : i64} {
  func.func @_repack_body(%arg0: i32, %arg1: i32, %arg2: memref<32x1000000xf32, #tpu.memory_space<hbm>>, %arg3: memref<32000000xf32, #tpu.memory_space<hbm>>, %arg4: memref<32x512xf32, #tpu.memory_space<vmem>>, %arg5: memref<32x512xf32, #tpu.memory_space<vmem>>, %arg6: memref<16384xf32, #tpu.memory_space<vmem>>, %arg7: memref<16384xf32, #tpu.memory_space<vmem>>, %arg8: memref<32x64xf32, #tpu.memory_space<vmem>>, %arg9: memref<2048xf32, #tpu.memory_space<vmem>>, %arg10: memref<2x!tpu.dma_semaphore, #tpu.memory_space<semaphore_mem>>, %arg11: memref<2x!tpu.dma_semaphore, #tpu.memory_space<semaphore_mem>>) attributes {dimension_semantics = [#tpu.dimension_semantics<core_parallel>, #tpu.dimension_semantics<subcore_parallel>], iteration_bounds = array<i64: 2, 16>, scalar_prefetch = 0 : i64, scratch_operands = 8 : i64, tpu.core_type = #tpu.core_type<sc_vector_subcore>, window_params = [{transform_indices = #map}, {transform_indices = #map1}]} {
    %mul3A = arith.constant 2 : i32
    %mul3A_0 = arith.muli %arg1, %mul3A : i32
    %add3A = arith.addi %mul3A_0, %arg0 : i32
    %iota3A = tpu.iota {dimensions = array<i32: 0>} : vector<16xi32>
    %mul3A_1 = arith.constant 32 : i32
    %mul3A_2 = vector.broadcast %mul3A_1 : i32 to vector<16xi32>
    %mul3A_3 = arith.muli %iota3A, %mul3A_2 : vector<16xi32>
    %add3A_4 = arith.constant 0 : i32
    %add3A_5 = arith.addi %add3A_4, %add3A : i32
    %lt3A = arith.constant 1953 : i32
    %lt3A_6 = arith.cmpi slt, %add3A_5, %lt3A : i32
    %convert_element_type3A = arith.extui %lt3A_6 : i1 to i32
    %cond3A = arith.constant 0 : i32
    %cond3A_7 = arith.cmpi ne, %convert_element_type3A, %cond3A : i32
    scf.if %cond3A_7 {
      %add3A_38 = arith.constant 0 : i32
      %add3A_39 = arith.addi %add3A_38, %add3A : i32
      %mul3A_40 = arith.constant 512 : i32
      %mul3A_41 = arith.muli %add3A_39, %mul3A_40 : i32
      %multiple_of3A_42 = tpu.assume_multiple %mul3A_41, 512 : i32
      %dma_start3A = arith.constant 0 : i32
      %dma_start3A_43 = arith.constant 0 : i32
      %dma_start3A_44 = tpu.memref_slice %arg2[%dma_start3A_43, %multiple_of3A_42] : memref<32x1000000xf32, #tpu.memory_space<hbm>> -> memref<32x512xf32, #tpu.memory_space<hbm>>
      %dma_start3A_45 = tpu.memref_slice %arg10[%dma_start3A] : memref<2x!tpu.dma_semaphore, #tpu.memory_space<semaphore_mem>> -> memref<1x!tpu.dma_semaphore, #tpu.memory_space<semaphore_mem>>
      %dma_start3A_46 = tpu.memref_squeeze %dma_start3A_45 : memref<1x!tpu.dma_semaphore, #tpu.memory_space<semaphore_mem>> -> memref<!tpu.dma_semaphore, #tpu.memory_space<semaphore_mem>>
      %dma_start3A_47 = arith.constant 0 : i32
      %dma_start3A_48 = tpu.memref_slice %arg2[%dma_start3A_47, %multiple_of3A_42] : memref<32x1000000xf32, #tpu.memory_space<hbm>> -> memref<32x512xf32, #tpu.memory_space<hbm>>
      tpu.enqueue_dma source(%dma_start3A_48 : memref<32x512xf32, #tpu.memory_space<hbm>>) target(%arg4 : memref<32x512xf32, #tpu.memory_space<vmem>>) target_semaphore(%dma_start3A_46 : memref<!tpu.dma_semaphore, #tpu.memory_space<semaphore_mem>>)
    } else {
    }
    %scan3A = arith.constant 0 : i32
    %scan3A_8 = arith.constant 31 : i32
    %scan3A_9 = arith.addi %scan3A, %scan3A_8 : i32
    %scan3A_10 = arith.constant 1 : i32
    scf.for %scan3A_38 = %scan3A to %scan3A_9 step %scan3A_10  : i32 {
      %mul3A_39 = arith.constant 2 : i32
      %mul3A_40 = arith.muli %scan3A_38, %mul3A_39 : i32
      %add3A_41 = arith.constant 0 : i32
      %add3A_42 = arith.addi %add3A_41, %mul3A_40 : i32
      %add3A_43 = arith.constant 0 : i32
      %add3A_44 = arith.addi %add3A_42, %add3A_43 : i32
      %add3A_45 = arith.constant 1 : i32
      %add3A_46 = arith.addi %add3A_44, %add3A_45 : i32
      %mul3A_47 = arith.constant 32 : i32
      %mul3A_48 = arith.muli %add3A_46, %mul3A_47 : i32
      %add3A_49 = arith.addi %mul3A_48, %add3A : i32
      %lt3A_50 = arith.constant 1953 : i32
      %lt3A_51 = arith.cmpi slt, %add3A_49, %lt3A_50 : i32
      %convert_element_type3A_52 = arith.extui %lt3A_51 : i1 to i32
      %cond3A_53 = arith.constant 0 : i32
      %cond3A_54 = arith.cmpi ne, %convert_element_type3A_52, %cond3A_53 : i32
      scf.if %cond3A_54 {
        %add3A_83 = arith.constant 1 : i32
        %add3A_84 = arith.addi %add3A_44, %add3A_83 : i32
        %mul3A_85 = arith.constant 32 : i32
        %mul3A_86 = arith.muli %add3A_84, %mul3A_85 : i32
        %add3A_87 = arith.addi %mul3A_86, %add3A : i32
        %mul3A_88 = arith.constant 512 : i32
        %mul3A_89 = arith.muli %add3A_87, %mul3A_88 : i32
        %multiple_of3A_90 = tpu.assume_multiple %mul3A_89, 512 : i32
        %dma_start3A = arith.constant 1 : i32
        %dma_start3A_91 = arith.constant 0 : i32
        %dma_start3A_92 = tpu.memref_slice %arg2[%dma_start3A_91, %multiple_of3A_90] : memref<32x1000000xf32, #tpu.memory_space<hbm>> -> memref<32x512xf32, #tpu.memory_space<hbm>>
        %dma_start3A_93 = tpu.memref_slice %arg10[%dma_start3A] : memref<2x!tpu.dma_semaphore, #tpu.memory_space<semaphore_mem>> -> memref<1x!tpu.dma_semaphore, #tpu.memory_space<semaphore_mem>>
        %dma_start3A_94 = tpu.memref_squeeze %dma_start3A_93 : memref<1x!tpu.dma_semaphore, #tpu.memory_space<semaphore_mem>> -> memref<!tpu.dma_semaphore, #tpu.memory_space<semaphore_mem>>
        %dma_start3A_95 = arith.constant 0 : i32
        %dma_start3A_96 = tpu.memref_slice %arg2[%dma_start3A_95, %multiple_of3A_90] : memref<32x1000000xf32, #tpu.memory_space<hbm>> -> memref<32x512xf32, #tpu.memory_space<hbm>>
        tpu.enqueue_dma source(%dma_start3A_96 : memref<32x512xf32, #tpu.memory_space<hbm>>) target(%arg5 : memref<32x512xf32, #tpu.memory_space<vmem>>) target_semaphore(%dma_start3A_94 : memref<!tpu.dma_semaphore, #tpu.memory_space<semaphore_mem>>)
      } else {
      }
      %mul3A_55 = arith.constant 32 : i32
      %mul3A_56 = arith.muli %add3A_44, %mul3A_55 : i32
      %add3A_57 = arith.addi %mul3A_56, %add3A : i32
      %lt3A_58 = arith.constant 1953 : i32
      %lt3A_59 = arith.cmpi slt, %add3A_57, %lt3A_58 : i32
      %convert_element_type3A_60 = arith.extui %lt3A_59 : i1 to i32
      %cond3A_61 = arith.constant 0 : i32
      %cond3A_62 = arith.cmpi ne, %convert_element_type3A_60, %cond3A_61 : i32
      scf.if %cond3A_62 {
        %mul3A_83 = arith.constant 32 : i32
        %mul3A_84 = arith.muli %add3A_44, %mul3A_83 : i32
        %add3A_85 = arith.addi %mul3A_84, %add3A : i32
        %mul3A_86 = arith.constant 512 : i32
        %mul3A_87 = arith.muli %add3A_85, %mul3A_86 : i32
        %multiple_of3A_88 = tpu.assume_multiple %mul3A_87, 512 : i32
        %dma_wait3A_89 = arith.constant 0 : i32
        %dma_wait3A_90 = arith.constant 0 : i32
        %dma_wait3A_91 = tpu.memref_slice %arg2[%dma_wait3A_90, %multiple_of3A_88] : memref<32x1000000xf32, #tpu.memory_space<hbm>> -> memref<32x512xf32, #tpu.memory_space<hbm>>
        %dma_wait3A_92 = tpu.memref_slice %arg10[%dma_wait3A_89] : memref<2x!tpu.dma_semaphore, #tpu.memory_space<semaphore_mem>> -> memref<1x!tpu.dma_semaphore, #tpu.memory_space<semaphore_mem>>
        %dma_wait3A_93 = tpu.memref_squeeze %dma_wait3A_92 : memref<1x!tpu.dma_semaphore, #tpu.memory_space<semaphore_mem>> -> memref<!tpu.dma_semaphore, #tpu.memory_space<semaphore_mem>>
        %dma_wait3A_94 = arith.constant 0 : i32
        %dma_wait3A_95 = tpu.memref_slice %arg2[%dma_wait3A_94, %multiple_of3A_88] : memref<32x1000000xf32, #tpu.memory_space<hbm>> -> memref<32x512xf32, #tpu.memory_space<hbm>>
        tpu.wait_dma2 semaphore(%dma_wait3A_93 : memref<!tpu.dma_semaphore, #tpu.memory_space<semaphore_mem>>) src(%dma_wait3A_95 : memref<32x512xf32, #tpu.memory_space<hbm>>) dst(%arg4 : memref<32x512xf32, #tpu.memory_space<vmem>>)
        %ge3A = arith.constant 2 : i32
        %ge3A_96 = arith.cmpi sge, %add3A_44, %ge3A : i32
        %convert_element_type3A_97 = arith.extui %ge3A_96 : i1 to i32
        %cond3A_98 = arith.constant 0 : i32
        %cond3A_99 = arith.cmpi ne, %convert_element_type3A_97, %cond3A_98 : i32
        scf.if %cond3A_99 {
          %add3A_114 = arith.constant 0 : i32
          %add3A_115 = arith.addi %add3A_114, %add3A : i32
          %mul3A_116 = arith.constant 512 : i32
          %mul3A_117 = arith.muli %add3A_115, %mul3A_116 : i32
          %multiple_of3A_118 = tpu.assume_multiple %mul3A_117, 512 : i32
          %mul3A_119 = arith.constant 32 : i32
          %mul3A_120 = arith.muli %multiple_of3A_118, %mul3A_119 : i32
          %dma_wait3A_121 = arith.constant 0 : i32
          %dma_wait3A_122 = tpu.memref_slice %arg3[%mul3A_120] : memref<32000000xf32, #tpu.memory_space<hbm>> -> memref<16384xf32, #tpu.memory_space<hbm>>
          %dma_wait3A_123 = tpu.memref_slice %arg11[%dma_wait3A_121] : memref<2x!tpu.dma_semaphore, #tpu.memory_space<semaphore_mem>> -> memref<1x!tpu.dma_semaphore, #tpu.memory_space<semaphore_mem>>
          %dma_wait3A_124 = tpu.memref_squeeze %dma_wait3A_123 : memref<1x!tpu.dma_semaphore, #tpu.memory_space<semaphore_mem>> -> memref<!tpu.dma_semaphore, #tpu.memory_space<semaphore_mem>>
          %dma_wait3A_125 = tpu.memref_slice %arg3[%mul3A_120] : memref<32000000xf32, #tpu.memory_space<hbm>> -> memref<16384xf32, #tpu.memory_space<hbm>>
          tpu.wait_dma2 semaphore(%dma_wait3A_124 : memref<!tpu.dma_semaphore, #tpu.memory_space<semaphore_mem>>) src(%arg6 : memref<16384xf32, #tpu.memory_space<vmem>>) dst(%dma_wait3A_125 : memref<16384xf32, #tpu.memory_space<hbm>>)
        } else {
        }
        %parallel_loop3A = arith.constant 0 : i32
        %parallel_loop3A_100 = arith.constant 32 : i32
        %parallel_loop3A_101 = arith.constant 1 : i32
        scf.for %parallel_loop3A_114 = %parallel_loop3A to %parallel_loop3A_100 step %parallel_loop3A_101  : i32 {
          %parallel_loop3A_115 = arith.index_cast %parallel_loop3A_114 : i32 to index
          %parallel_loop3A_116 = arith.constant 0 : index
          %parallel_loop3A_117 = tpu.vector_load %arg4[%parallel_loop3A_115, %parallel_loop3A_116] {strides = array<i32>} : memref<32x512xf32, #tpu.memory_space<vmem>>, vector<16xf32>,
          %parallel_loop3A_118 = arith.constant 0 : i32
          %parallel_loop3A_119 = arith.addi %parallel_loop3A_118, %parallel_loop3A_114 : i32
          %parallel_loop3A_120 = vector.broadcast %parallel_loop3A_119 : i32 to vector<16xi32>
          %parallel_loop3A_121 = arith.addi %mul3A_3, %parallel_loop3A_120 : vector<16xi32>
          tpu.vector_store_idx %arg6[%parallel_loop3A_121], %parallel_loop3A_117 : memref<16384xf32, #tpu.memory_space<vmem>>[vector<16xi32>], vector<16xf32>,
          %parallel_loop3A_122 = arith.index_cast %parallel_loop3A_114 : i32 to index
          %parallel_loop3A_123 = arith.constant 16 : index
          %parallel_loop3A_124 = tpu.vector_load %arg4[%parallel_loop3A_122, %parallel_loop3A_123] {strides = array<i32>} : memref<32x512xf32, #tpu.memory_space<vmem>>, vector<16xf32>,
          %parallel_loop3A_125 = arith.constant 512 : i32
          %parallel_loop3A_126 = arith.addi %parallel_loop3A_125, %parallel_loop3A_114 : i32
          %parallel_loop3A_127 = vector.broadcast %parallel_loop3A_126 : i32 to vector<16xi32>
          %parallel_loop3A_128 = arith.addi %mul3A_3, %parallel_loop3A_127 : vector<16xi32>
          tpu.vector_store_idx %arg6[%parallel_loop3A_128], %parallel_loop3A_124 : memref<16384xf32, #tpu.memory_space<vmem>>[vector<16xi32>], vector<16xf32>,
          %parallel_loop3A_129 = arith.index_cast %parallel_loop3A_114 : i32 to index
          %parallel_loop3A_130 = arith.constant 32 : index
          %parallel_loop3A_131 = tpu.vector_load %arg4[%parallel_loop3A_129, %parallel_loop3A_130] {strides = array<i32>} : memref<32x512xf32, #tpu.memory_space<vmem>>, vector<16xf32>,
          %parallel_loop3A_132 = arith.constant 1024 : i32
          %parallel_loop3A_133 = arith.addi %parallel_loop3A_132, %parallel_loop3A_114 : i32
          %parallel_loop3A_134 = vector.broadcast %parallel_loop3A_133 : i32 to vector<16xi32>
          %parallel_loop3A_135 = arith.addi %mul3A_3, %parallel_loop3A_134 : vector<16xi32>
          tpu.vector_store_idx %arg6[%parallel_loop3A_135], %parallel_loop3A_131 : memref<16384xf32, #tpu.memory_space<vmem>>[vector<16xi32>], vector<16xf32>,
          %parallel_loop3A_136 = arith.index_cast %parallel_loop3A_114 : i32 to index
          %parallel_loop3A_137 = arith.constant 48 : index
          %parallel_loop3A_138 = tpu.vector_load %arg4[%parallel_loop3A_136, %parallel_loop3A_137] {strides = array<i32>} : memref<32x512xf32, #tpu.memory_space<vmem>>, vector<16xf32>,
          %parallel_loop3A_139 = arith.constant 1536 : i32
          %parallel_loop3A_140 = arith.addi %parallel_loop3A_139, %parallel_loop3A_114 : i32
          %parallel_loop3A_141 = vector.broadcast %parallel_loop3A_140 : i32 to vector<16xi32>
          %parallel_loop3A_142 = arith.addi %mul3A_3, %parallel_loop3A_141 : vector<16xi32>
          tpu.vector_store_idx %arg6[%parallel_loop3A_142], %parallel_loop3A_138 : memref<16384xf32, #tpu.memory_space<vmem>>[vector<16xi32>], vector<16xf32>,
          %parallel_loop3A_143 = arith.index_cast %parallel_loop3A_114 : i32 to index
          %parallel_loop3A_144 = arith.constant 64 : index
          %parallel_loop3A_145 = tpu.vector_load %arg4[%parallel_loop3A_143, %parallel_loop3A_144] {strides = array<i32>} : memref<32x512xf32, #tpu.memory_space<vmem>>, vector<16xf32>,
          %parallel_loop3A_146 = arith.constant 2048 : i32
          %parallel_loop3A_147 = arith.addi %parallel_loop3A_146, %parallel_loop3A_114 : i32
          %parallel_loop3A_148 = vector.broadcast %parallel_loop3A_147 : i32 to vector<16xi32>
          %parallel_loop3A_149 = arith.addi %mul3A_3, %parallel_loop3A_148 : vector<16xi32>
          tpu.vector_store_idx %arg6[%parallel_loop3A_149], %parallel_loop3A_145 : memref<16384xf32, #tpu.memory_space<vmem>>[vector<16xi32>], vector<16xf32>,
          %parallel_loop3A_150 = arith.index_cast %parallel_loop3A_114 : i32 to index
          %parallel_loop3A_151 = arith.constant 80 : index
          %parallel_loop3A_152 = tpu.vector_load %arg4[%parallel_loop3A_150, %parallel_loop3A_151] {strides = array<i32>} : memref<32x512xf32, #tpu.memory_space<vmem>>, vector<16xf32>,
          %parallel_loop3A_153 = arith.constant 2560 : i32
          %parallel_loop3A_154 = arith.addi %parallel_loop3A_153, %parallel_loop3A_114 : i32
          %parallel_loop3A_155 = vector.broadcast %parallel_loop3A_154 : i32 to vector<16xi32>
          %parallel_loop3A_156 = arith.addi %mul3A_3, %parallel_loop3A_155 : vector<16xi32>
          tpu.vector_store_idx %arg6[%parallel_loop3A_156], %parallel_loop3A_152 : memref<16384xf32, #tpu.memory_space<vmem>>[vector<16xi32>], vector<16xf32>,
          %parallel_loop3A_157 = arith.index_cast %parallel_loop3A_114 : i32 to index
          %parallel_loop3A_158 = arith.constant 96 : index
          %parallel_loop3A_159 = tpu.vector_load %arg4[%parallel_loop3A_157, %parallel_loop3A_158] {strides = array<i32>} : memref<32x512xf32, #tpu.memory_space<vmem>>, vector<16xf32>,
          %parallel_loop3A_160 = arith.constant 3072 : i32
          %parallel_loop3A_161 = arith.addi %parallel_loop3A_160, %parallel_loop3A_114 : i32
          %parallel_loop3A_162 = vector.broadcast %parallel_loop3A_161 : i32 to vector<16xi32>
          %parallel_loop3A_163 = arith.addi %mul3A_3, %parallel_loop3A_162 : vector<16xi32>
          tpu.vector_store_idx %arg6[%parallel_loop3A_163], %parallel_loop3A_159 : memref<16384xf32, #tpu.memory_space<vmem>>[vector<16xi32>], vector<16xf32>,
          %parallel_loop3A_164 = arith.index_cast %parallel_loop3A_114 : i32 to index
          %parallel_loop3A_165 = arith.constant 112 : index
          %parallel_loop3A_166 = tpu.vector_load %arg4[%parallel_loop3A_164, %parallel_loop3A_165] {strides = array<i32>} : memref<32x512xf32, #tpu.memory_space<vmem>>, vector<16xf32>,
          %parallel_loop3A_167 = arith.constant 3584 : i32
          %parallel_loop3A_168 = arith.addi %parallel_loop3A_167, %parallel_loop3A_114 : i32
          %parallel_loop3A_169 = vector.broadcast %parallel_loop3A_168 : i32 to vector<16xi32>
          %parallel_loop3A_170 = arith.addi %mul3A_3, %parallel_loop3A_169 : vector<16xi32>
          tpu.vector_store_idx %arg6[%parallel_loop3A_170], %parallel_loop3A_166 : memref<16384xf32, #tpu.memory_space<vmem>>[vector<16xi32>], vector<16xf32>,
          %parallel_loop3A_171 = arith.index_cast %parallel_loop3A_114 : i32 to index
          %parallel_loop3A_172 = arith.constant 128 : index
          %parallel_loop3A_173 = tpu.vector_load %arg4[%parallel_loop3A_171, %parallel_loop3A_172] {strides = array<i32>} : memref<32x512xf32, #tpu.memory_space<vmem>>, vector<16xf32>,
          %parallel_loop3A_174 = arith.constant 4096 : i32
          %parallel_loop3A_175 = arith.addi %parallel_loop3A_174, %parallel_loop3A_114 : i32
          %parallel_loop3A_176 = vector.broadcast %parallel_loop3A_175 : i32 to vector<16xi32>
          %parallel_loop3A_177 = arith.addi %mul3A_3, %parallel_loop3A_176 : vector<16xi32>
          tpu.vector_store_idx %arg6[%parallel_loop3A_177], %parallel_loop3A_173 : memref<16384xf32, #tpu.memory_space<vmem>>[vector<16xi32>], vector<16xf32>,
          %parallel_loop3A_178 = arith.index_cast %parallel_loop3A_114 : i32 to index
          %parallel_loop3A_179 = arith.constant 144 : index
          %parallel_loop3A_180 = tpu.vector_load %arg4[%parallel_loop3A_178, %parallel_loop3A_179] {strides = array<i32>} : memref<32x512xf32, #tpu.memory_space<vmem>>, vector<16xf32>,
          %parallel_loop3A_181 = arith.constant 4608 : i32
          %parallel_loop3A_182 = arith.addi %parallel_loop3A_181, %parallel_loop3A_114 : i32
          %parallel_loop3A_183 = vector.broadcast %parallel_loop3A_182 : i32 to vector<16xi32>
          %parallel_loop3A_184 = arith.addi %mul3A_3, %parallel_loop3A_183 : vector<16xi32>
          tpu.vector_store_idx %arg6[%parallel_loop3A_184], %parallel_loop3A_180 : memref<16384xf32, #tpu.memory_space<vmem>>[vector<16xi32>], vector<16xf32>,
          %parallel_loop3A_185 = arith.index_cast %parallel_loop3A_114 : i32 to index
          %parallel_loop3A_186 = arith.constant 160 : index
          %parallel_loop3A_187 = tpu.vector_load %arg4[%parallel_loop3A_185, %parallel_loop3A_186] {strides = array<i32>} : memref<32x512xf32, #tpu.memory_space<vmem>>, vector<16xf32>,
          %parallel_loop3A_188 = arith.constant 5120 : i32
          %parallel_loop3A_189 = arith.addi %parallel_loop3A_188, %parallel_loop3A_114 : i32
          %parallel_loop3A_190 = vector.broadcast %parallel_loop3A_189 : i32 to vector<16xi32>
          %parallel_loop3A_191 = arith.addi %mul3A_3, %parallel_loop3A_190 : vector<16xi32>
          tpu.vector_store_idx %arg6[%parallel_loop3A_191], %parallel_loop3A_187 : memref<16384xf32, #tpu.memory_space<vmem>>[vector<16xi32>], vector<16xf32>,
          %parallel_loop3A_192 = arith.index_cast %parallel_loop3A_114 : i32 to index
          %parallel_loop3A_193 = arith.constant 176 : index
          %parallel_loop3A_194 = tpu.vector_load %arg4[%parallel_loop3A_192, %parallel_loop3A_193] {strides = array<i32>} : memref<32x512xf32, #tpu.memory_space<vmem>>, vector<16xf32>,
          %parallel_loop3A_195 = arith.constant 5632 : i32
          %parallel_loop3A_196 = arith.addi %parallel_loop3A_195, %parallel_loop3A_114 : i32
          %parallel_loop3A_197 = vector.broadcast %parallel_loop3A_196 : i32 to vector<16xi32>
          %parallel_loop3A_198 = arith.addi %mul3A_3, %parallel_loop3A_197 : vector<16xi32>
          tpu.vector_store_idx %arg6[%parallel_loop3A_198], %parallel_loop3A_194 : memref<16384xf32, #tpu.memory_space<vmem>>[vector<16xi32>], vector<16xf32>,
          %parallel_loop3A_199 = arith.index_cast %parallel_loop3A_114 : i32 to index
          %parallel_loop3A_200 = arith.constant 192 : index
          %parallel_loop3A_201 = tpu.vector_load %arg4[%parallel_loop3A_199, %parallel_loop3A_200] {strides = array<i32>} : memref<32x512xf32, #tpu.memory_space<vmem>>, vector<16xf32>,
          %parallel_loop3A_202 = arith.constant 6144 : i32
          %parallel_loop3A_203 = arith.addi %parallel_loop3A_202, %parallel_loop3A_114 : i32
          %parallel_loop3A_204 = vector.broadcast %parallel_loop3A_203 : i32 to vector<16xi32>
          %parallel_loop3A_205 = arith.addi %mul3A_3, %parallel_loop3A_204 : vector<16xi32>
          tpu.vector_store_idx %arg6[%parallel_loop3A_205], %parallel_loop3A_201 : memref<16384xf32, #tpu.memory_space<vmem>>[vector<16xi32>], vector<16xf32>,
          %parallel_loop3A_206 = arith.index_cast %parallel_loop3A_114 : i32 to index
          %parallel_loop3A_207 = arith.constant 208 : index
          %parallel_loop3A_208 = tpu.vector_load %arg4[%parallel_loop3A_206, %parallel_loop3A_207] {strides = array<i32>} : memref<32x512xf32, #tpu.memory_space<vmem>>, vector<16xf32>,
          %parallel_loop3A_209 = arith.constant 6656 : i32
          %parallel_loop3A_210 = arith.addi %parallel_loop3A_209, %parallel_loop3A_114 : i32
          %parallel_loop3A_211 = vector.broadcast %parallel_loop3A_210 : i32 to vector<16xi32>
          %parallel_loop3A_212 = arith.addi %mul3A_3, %parallel_loop3A_211 : vector<16xi32>
          tpu.vector_store_idx %arg6[%parallel_loop3A_212], %parallel_loop3A_208 : memref<16384xf32, #tpu.memory_space<vmem>>[vector<16xi32>], vector<16xf32>,
          %parallel_loop3A_213 = arith.index_cast %parallel_loop3A_114 : i32 to index
          %parallel_loop3A_214 = arith.constant 224 : index
          %parallel_loop3A_215 = tpu.vector_load %arg4[%parallel_loop3A_213, %parallel_loop3A_214] {strides = array<i32>} : memref<32x512xf32, #tpu.memory_space<vmem>>, vector<16xf32>,
          %parallel_loop3A_216 = arith.constant 7168 : i32
          %parallel_loop3A_217 = arith.addi %parallel_loop3A_216, %parallel_loop3A_114 : i32
          %parallel_loop3A_218 = vector.broadcast %parallel_loop3A_217 : i32 to vector<16xi32>
          %parallel_loop3A_219 = arith.addi %mul3A_3, %parallel_loop3A_218 : vector<16xi32>
          tpu.vector_store_idx %arg6[%parallel_loop3A_219], %parallel_loop3A_215 : memref<16384xf32, #tpu.memory_space<vmem>>[vector<16xi32>], vector<16xf32>,
          %parallel_loop3A_220 = arith.index_cast %parallel_loop3A_114 : i32 to index
          %parallel_loop3A_221 = arith.constant 240 : index
          %parallel_loop3A_222 = tpu.vector_load %arg4[%parallel_loop3A_220, %parallel_loop3A_221] {strides = array<i32>} : memref<32x512xf32, #tpu.memory_space<vmem>>, vector<16xf32>,
          %parallel_loop3A_223 = arith.constant 7680 : i32
          %parallel_loop3A_224 = arith.addi %parallel_loop3A_223, %parallel_loop3A_114 : i32
          %parallel_loop3A_225 = vector.broadcast %parallel_loop3A_224 : i32 to vector<16xi32>
          %parallel_loop3A_226 = arith.addi %mul3A_3, %parallel_loop3A_225 : vector<16xi32>
          tpu.vector_store_idx %arg6[%parallel_loop3A_226], %parallel_loop3A_222 : memref<16384xf32, #tpu.memory_space<vmem>>[vector<16xi32>], vector<16xf32>,
          %parallel_loop3A_227 = arith.index_cast %parallel_loop3A_114 : i32 to index
          %parallel_loop3A_228 = arith.constant 256 : index
          %parallel_loop3A_229 = tpu.vector_load %arg4[%parallel_loop3A_227, %parallel_loop3A_228] {strides = array<i32>} : memref<32x512xf32, #tpu.memory_space<vmem>>, vector<16xf32>,
          %parallel_loop3A_230 = arith.constant 8192 : i32
          %parallel_loop3A_231 = arith.addi %parallel_loop3A_230, %parallel_loop3A_114 : i32
          %parallel_loop3A_232 = vector.broadcast %parallel_loop3A_231 : i32 to vector<16xi32>
          %parallel_loop3A_233 = arith.addi %mul3A_3, %parallel_loop3A_232 : vector<16xi32>
          tpu.vector_store_idx %arg6[%parallel_loop3A_233], %parallel_loop3A_229 : memref<16384xf32, #tpu.memory_space<vmem>>[vector<16xi32>], vector<16xf32>,
          %parallel_loop3A_234 = arith.index_cast %parallel_loop3A_114 : i32 to index
          %parallel_loop3A_235 = arith.constant 272 : index
          %parallel_loop3A_236 = tpu.vector_load %arg4[%parallel_loop3A_234, %parallel_loop3A_235] {strides = array<i32>} : memref<32x512xf32, #tpu.memory_space<vmem>>, vector<16xf32>,
          %parallel_loop3A_237 = arith.constant 8704 : i32
          %parallel_loop3A_238 = arith.addi %parallel_loop3A_237, %parallel_loop3A_114 : i32
          %parallel_loop3A_239 = vector.broadcast %parallel_loop3A_238 : i32 to vector<16xi32>
          %parallel_loop3A_240 = arith.addi %mul3A_3, %parallel_loop3A_239 : vector<16xi32>
          tpu.vector_store_idx %arg6[%parallel_loop3A_240], %parallel_loop3A_236 : memref<16384xf32, #tpu.memory_space<vmem>>[vector<16xi32>], vector<16xf32>,
          %parallel_loop3A_241 = arith.index_cast %parallel_loop3A_114 : i32 to index
          %parallel_loop3A_242 = arith.constant 288 : index
          %parallel_loop3A_243 = tpu.vector_load %arg4[%parallel_loop3A_241, %parallel_loop3A_242] {strides = array<i32>} : memref<32x512xf32, #tpu.memory_space<vmem>>, vector<16xf32>,
          %parallel_loop3A_244 = arith.constant 9216 : i32
          %parallel_loop3A_245 = arith.addi %parallel_loop3A_244, %parallel_loop3A_114 : i32
          %parallel_loop3A_246 = vector.broadcast %parallel_loop3A_245 : i32 to vector<16xi32>
          %parallel_loop3A_247 = arith.addi %mul3A_3, %parallel_loop3A_246 : vector<16xi32>
          tpu.vector_store_idx %arg6[%parallel_loop3A_247], %parallel_loop3A_243 : memref<16384xf32, #tpu.memory_space<vmem>>[vector<16xi32>], vector<16xf32>,
          %parallel_loop3A_248 = arith.index_cast %parallel_loop3A_114 : i32 to index
          %parallel_loop3A_249 = arith.constant 304 : index
          %parallel_loop3A_250 = tpu.vector_load %arg4[%parallel_loop3A_248, %parallel_loop3A_249] {strides = array<i32>} : memref<32x512xf32, #tpu.memory_space<vmem>>, vector<16xf32>,
          %parallel_loop3A_251 = arith.constant 9728 : i32
          %parallel_loop3A_252 = arith.addi %parallel_loop3A_251, %parallel_loop3A_114 : i32
          %parallel_loop3A_253 = vector.broadcast %parallel_loop3A_252 : i32 to vector<16xi32>
          %parallel_loop3A_254 = arith.addi %mul3A_3, %parallel_loop3A_253 : vector<16xi32>
          tpu.vector_store_idx %arg6[%parallel_loop3A_254], %parallel_loop3A_250 : memref<16384xf32, #tpu.memory_space<vmem>>[vector<16xi32>], vector<16xf32>,
          %parallel_loop3A_255 = arith.index_cast %parallel_loop3A_114 : i32 to index
          %parallel_loop3A_256 = arith.constant 320 : index
          %parallel_loop3A_257 = tpu.vector_load %arg4[%parallel_loop3A_255, %parallel_loop3A_256] {strides = array<i32>} : memref<32x512xf32, #tpu.memory_space<vmem>>, vector<16xf32>,
          %parallel_loop3A_258 = arith.constant 10240 : i32
          %parallel_loop3A_259 = arith.addi %parallel_loop3A_258, %parallel_loop3A_114 : i32
          %parallel_loop3A_260 = vector.broadcast %parallel_loop3A_259 : i32 to vector<16xi32>
          %parallel_loop3A_261 = arith.addi %mul3A_3, %parallel_loop3A_260 : vector<16xi32>
          tpu.vector_store_idx %arg6[%parallel_loop3A_261], %parallel_loop3A_257 : memref<16384xf32, #tpu.memory_space<vmem>>[vector<16xi32>], vector<16xf32>,
          %parallel_loop3A_262 = arith.index_cast %parallel_loop3A_114 : i32 to index
          %parallel_loop3A_263 = arith.constant 336 : index
          %parallel_loop3A_264 = tpu.vector_load %arg4[%parallel_loop3A_262, %parallel_loop3A_263] {strides = array<i32>} : memref<32x512xf32, #tpu.memory_space<vmem>>, vector<16xf32>,
          %parallel_loop3A_265 = arith.constant 10752 : i32
          %parallel_loop3A_266 = arith.addi %parallel_loop3A_265, %parallel_loop3A_114 : i32
          %parallel_loop3A_267 = vector.broadcast %parallel_loop3A_266 : i32 to vector<16xi32>
          %parallel_loop3A_268 = arith.addi %mul3A_3, %parallel_loop3A_267 : vector<16xi32>
          tpu.vector_store_idx %arg6[%parallel_loop3A_268], %parallel_loop3A_264 : memref<16384xf32, #tpu.memory_space<vmem>>[vector<16xi32>], vector<16xf32>,
          %parallel_loop3A_269 = arith.index_cast %parallel_loop3A_114 : i32 to index
          %parallel_loop3A_270 = arith.constant 352 : index
          %parallel_loop3A_271 = tpu.vector_load %arg4[%parallel_loop3A_269, %parallel_loop3A_270] {strides = array<i32>} : memref<32x512xf32, #tpu.memory_space<vmem>>, vector<16xf32>,
          %parallel_loop3A_272 = arith.constant 11264 : i32
          %parallel_loop3A_273 = arith.addi %parallel_loop3A_272, %parallel_loop3A_114 : i32
          %parallel_loop3A_274 = vector.broadcast %parallel_loop3A_273 : i32 to vector<16xi32>
          %parallel_loop3A_275 = arith.addi %mul3A_3, %parallel_loop3A_274 : vector<16xi32>
          tpu.vector_store_idx %arg6[%parallel_loop3A_275], %parallel_loop3A_271 : memref<16384xf32, #tpu.memory_space<vmem>>[vector<16xi32>], vector<16xf32>,
          %parallel_loop3A_276 = arith.index_cast %parallel_loop3A_114 : i32 to index
          %parallel_loop3A_277 = arith.constant 368 : index
          %parallel_loop3A_278 = tpu.vector_load %arg4[%parallel_loop3A_276, %parallel_loop3A_277] {strides = array<i32>} : memref<32x512xf32, #tpu.memory_space<vmem>>, vector<16xf32>,
          %parallel_loop3A_279 = arith.constant 11776 : i32
          %parallel_loop3A_280 = arith.addi %parallel_loop3A_279, %parallel_loop3A_114 : i32
          %parallel_loop3A_281 = vector.broadcast %parallel_loop3A_280 : i32 to vector<16xi32>
          %parallel_loop3A_282 = arith.addi %mul3A_3, %parallel_loop3A_281 : vector<16xi32>
          tpu.vector_store_idx %arg6[%parallel_loop3A_282], %parallel_loop3A_278 : memref<16384xf32, #tpu.memory_space<vmem>>[vector<16xi32>], vector<16xf32>,
          %parallel_loop3A_283 = arith.index_cast %parallel_loop3A_114 : i32 to index
          %parallel_loop3A_284 = arith.constant 384 : index
          %parallel_loop3A_285 = tpu.vector_load %arg4[%parallel_loop3A_283, %parallel_loop3A_284] {strides = array<i32>} : memref<32x512xf32, #tpu.memory_space<vmem>>, vector<16xf32>,
          %parallel_loop3A_286 = arith.constant 12288 : i32
          %parallel_loop3A_287 = arith.addi %parallel_loop3A_286, %parallel_loop3A_114 : i32
          %parallel_loop3A_288 = vector.broadcast %parallel_loop3A_287 : i32 to vector<16xi32>
          %parallel_loop3A_289 = arith.addi %mul3A_3, %parallel_loop3A_288 : vector<16xi32>
          tpu.vector_store_idx %arg6[%parallel_loop3A_289], %parallel_loop3A_285 : memref<16384xf32, #tpu.memory_space<vmem>>[vector<16xi32>], vector<16xf32>,
          %parallel_loop3A_290 = arith.index_cast %parallel_loop3A_114 : i32 to index
          %parallel_loop3A_291 = arith.constant 400 : index
          %parallel_loop3A_292 = tpu.vector_load %arg4[%parallel_loop3A_290, %parallel_loop3A_291] {strides = array<i32>} : memref<32x512xf32, #tpu.memory_space<vmem>>, vector<16xf32>,
          %parallel_loop3A_293 = arith.constant 12800 : i32
          %parallel_loop3A_294 = arith.addi %parallel_loop3A_293, %parallel_loop3A_114 : i32
          %parallel_loop3A_295 = vector.broadcast %parallel_loop3A_294 : i32 to vector<16xi32>
          %parallel_loop3A_296 = arith.addi %mul3A_3, %parallel_loop3A_295 : vector<16xi32>
          tpu.vector_store_idx %arg6[%parallel_loop3A_296], %parallel_loop3A_292 : memref<16384xf32, #tpu.memory_space<vmem>>[vector<16xi32>], vector<16xf32>,
          %parallel_loop3A_297 = arith.index_cast %parallel_loop3A_114 : i32 to index
          %parallel_loop3A_298 = arith.constant 416 : index
          %parallel_loop3A_299 = tpu.vector_load %arg4[%parallel_loop3A_297, %parallel_loop3A_298] {strides = array<i32>} : memref<32x512xf32, #tpu.memory_space<vmem>>, vector<16xf32>,
          %parallel_loop3A_300 = arith.constant 13312 : i32
          %parallel_loop3A_301 = arith.addi %parallel_loop3A_300, %parallel_loop3A_114 : i32
          %parallel_loop3A_302 = vector.broadcast %parallel_loop3A_301 : i32 to vector<16xi32>
          %parallel_loop3A_303 = arith.addi %mul3A_3, %parallel_loop3A_302 : vector<16xi32>
          tpu.vector_store_idx %arg6[%parallel_loop3A_303], %parallel_loop3A_299 : memref<16384xf32, #tpu.memory_space<vmem>>[vector<16xi32>], vector<16xf32>,
          %parallel_loop3A_304 = arith.index_cast %parallel_loop3A_114 : i32 to index
          %parallel_loop3A_305 = arith.constant 432 : index
          %parallel_loop3A_306 = tpu.vector_load %arg4[%parallel_loop3A_304, %parallel_loop3A_305] {strides = array<i32>} : memref<32x512xf32, #tpu.memory_space<vmem>>, vector<16xf32>,
          %parallel_loop3A_307 = arith.constant 13824 : i32
          %parallel_loop3A_308 = arith.addi %parallel_loop3A_307, %parallel_loop3A_114 : i32
          %parallel_loop3A_309 = vector.broadcast %parallel_loop3A_308 : i32 to vector<16xi32>
          %parallel_loop3A_310 = arith.addi %mul3A_3, %parallel_loop3A_309 : vector<16xi32>
          tpu.vector_store_idx %arg6[%parallel_loop3A_310], %parallel_loop3A_306 : memref<16384xf32, #tpu.memory_space<vmem>>[vector<16xi32>], vector<16xf32>,
          %parallel_loop3A_311 = arith.index_cast %parallel_loop3A_114 : i32 to index
          %parallel_loop3A_312 = arith.constant 448 : index
          %parallel_loop3A_313 = tpu.vector_load %arg4[%parallel_loop3A_311, %parallel_loop3A_312] {strides = array<i32>} : memref<32x512xf32, #tpu.memory_space<vmem>>, vector<16xf32>,
          %parallel_loop3A_314 = arith.constant 14336 : i32
          %parallel_loop3A_315 = arith.addi %parallel_loop3A_314, %parallel_loop3A_114 : i32
          %parallel_loop3A_316 = vector.broadcast %parallel_loop3A_315 : i32 to vector<16xi32>
          %parallel_loop3A_317 = arith.addi %mul3A_3, %parallel_loop3A_316 : vector<16xi32>
          tpu.vector_store_idx %arg6[%parallel_loop3A_317], %parallel_loop3A_313 : memref<16384xf32, #tpu.memory_space<vmem>>[vector<16xi32>], vector<16xf32>,
          %parallel_loop3A_318 = arith.index_cast %parallel_loop3A_114 : i32 to index
          %parallel_loop3A_319 = arith.constant 464 : index
          %parallel_loop3A_320 = tpu.vector_load %arg4[%parallel_loop3A_318, %parallel_loop3A_319] {strides = array<i32>} : memref<32x512xf32, #tpu.memory_space<vmem>>, vector<16xf32>,
          %parallel_loop3A_321 = arith.constant 14848 : i32
          %parallel_loop3A_322 = arith.addi %parallel_loop3A_321, %parallel_loop3A_114 : i32
          %parallel_loop3A_323 = vector.broadcast %parallel_loop3A_322 : i32 to vector<16xi32>
          %parallel_loop3A_324 = arith.addi %mul3A_3, %parallel_loop3A_323 : vector<16xi32>
          tpu.vector_store_idx %arg6[%parallel_loop3A_324], %parallel_loop3A_320 : memref<16384xf32, #tpu.memory_space<vmem>>[vector<16xi32>], vector<16xf32>,
          %parallel_loop3A_325 = arith.index_cast %parallel_loop3A_114 : i32 to index
          %parallel_loop3A_326 = arith.constant 480 : index
          %parallel_loop3A_327 = tpu.vector_load %arg4[%parallel_loop3A_325, %parallel_loop3A_326] {strides = array<i32>} : memref<32x512xf32, #tpu.memory_space<vmem>>, vector<16xf32>,
          %parallel_loop3A_328 = arith.constant 15360 : i32
          %parallel_loop3A_329 = arith.addi %parallel_loop3A_328, %parallel_loop3A_114 : i32
          %parallel_loop3A_330 = vector.broadcast %parallel_loop3A_329 : i32 to vector<16xi32>
          %parallel_loop3A_331 = arith.addi %mul3A_3, %parallel_loop3A_330 : vector<16xi32>
          tpu.vector_store_idx %arg6[%parallel_loop3A_331], %parallel_loop3A_327 : memref<16384xf32, #tpu.memory_space<vmem>>[vector<16xi32>], vector<16xf32>,
          %parallel_loop3A_332 = arith.index_cast %parallel_loop3A_114 : i32 to index
          %parallel_loop3A_333 = arith.constant 496 : index
          %parallel_loop3A_334 = tpu.vector_load %arg4[%parallel_loop3A_332, %parallel_loop3A_333] {strides = array<i32>} : memref<32x512xf32, #tpu.memory_space<vmem>>, vector<16xf32>,
          %parallel_loop3A_335 = arith.constant 15872 : i32
          %parallel_loop3A_336 = arith.addi %parallel_loop3A_335, %parallel_loop3A_114 : i32
          %parallel_loop3A_337 = vector.broadcast %parallel_loop3A_336 : i32 to vector<16xi32>
          %parallel_loop3A_338 = arith.addi %mul3A_3, %parallel_loop3A_337 : vector<16xi32>
          tpu.vector_store_idx %arg6[%parallel_loop3A_338], %parallel_loop3A_334 : memref<16384xf32, #tpu.memory_space<vmem>>[vector<16xi32>], vector<16xf32>,
        } {sc.loop_unroll_factor = 4 : i64, sc.parallel_access}
        %mul3A_102 = arith.constant 32 : i32
        %mul3A_103 = arith.muli %add3A_44, %mul3A_102 : i32
        %add3A_104 = arith.addi %mul3A_103, %add3A : i32
        %mul3A_105 = arith.constant 512 : i32
        %mul3A_106 = arith.muli %add3A_104, %mul3A_105 : i32
        %multiple_of3A_107 = tpu.assume_multiple %mul3A_106, 512 : i32
        %mul3A_108 = arith.constant 32 : i32
        %mul3A_109 = arith.muli %multiple_of3A_107, %mul3A_108 : i32
        %dma_start3A = arith.constant 0 : i32
        %dma_start3A_110 = tpu.memref_slice %arg3[%mul3A_109] : memref<32000000xf32, #tpu.memory_space<hbm>> -> memref<16384xf32, #tpu.memory_space<hbm>>
        %dma_start3A_111 = tpu.memref_slice %arg11[%dma_start3A] : memref<2x!tpu.dma_semaphore, #tpu.memory_space<semaphore_mem>> -> memref<1x!tpu.dma_semaphore, #tpu.memory_space<semaphore_mem>>
        %dma_start3A_112 = tpu.memref_squeeze %dma_start3A_111 : memref<1x!tpu.dma_semaphore, #tpu.memory_space<semaphore_mem>> -> memref<!tpu.dma_semaphore, #tpu.memory_space<semaphore_mem>>
        %dma_start3A_113 = tpu.memref_slice %arg3[%mul3A_109] : memref<32000000xf32, #tpu.memory_space<hbm>> -> memref<16384xf32, #tpu.memory_space<hbm>>
        tpu.enqueue_dma source(%arg6 : memref<16384xf32, #tpu.memory_space<vmem>>) target(%dma_start3A_113 : memref<16384xf32, #tpu.memory_space<hbm>>) target_semaphore(%dma_start3A_112 : memref<!tpu.dma_semaphore, #tpu.memory_space<semaphore_mem>>)
      } else {
      }
      %add3A_63 = arith.constant 1 : i32
      %add3A_64 = arith.addi %add3A_42, %add3A_63 : i32
      %add3A_65 = arith.constant 1 : i32
      %add3A_66 = arith.addi %add3A_64, %add3A_65 : i32
      %mul3A_67 = arith.constant 32 : i32
      %mul3A_68 = arith.muli %add3A_66, %mul3A_67 : i32
      %add3A_69 = arith.addi %mul3A_68, %add3A : i32
      %lt3A_70 = arith.constant 1953 : i32
      %lt3A_71 = arith.cmpi slt, %add3A_69, %lt3A_70 : i32
      %convert_element_type3A_72 = arith.extui %lt3A_71 : i1 to i32
      %cond3A_73 = arith.constant 0 : i32
      %cond3A_74 = arith.cmpi ne, %convert_element_type3A_72, %cond3A_73 : i32
      scf.if %cond3A_74 {
        %add3A_83 = arith.constant 1 : i32
        %add3A_84 = arith.addi %add3A_64, %add3A_83 : i32
        %mul3A_85 = arith.constant 32 : i32
        %mul3A_86 = arith.muli %add3A_84, %mul3A_85 : i32
        %add3A_87 = arith.addi %mul3A_86, %add3A : i32
        %mul3A_88 = arith.constant 512 : i32
        %mul3A_89 = arith.muli %add3A_87, %mul3A_88 : i32
        %multiple_of3A_90 = tpu.assume_multiple %mul3A_89, 512 : i32
        %dma_start3A = arith.constant 0 : i32
        %dma_start3A_91 = arith.constant 0 : i32
        %dma_start3A_92 = tpu.memref_slice %arg2[%dma_start3A_91, %multiple_of3A_90] : memref<32x1000000xf32, #tpu.memory_space<hbm>> -> memref<32x512xf32, #tpu.memory_space<hbm>>
        %dma_start3A_93 = tpu.memref_slice %arg10[%dma_start3A] : memref<2x!tpu.dma_semaphore, #tpu.memory_space<semaphore_mem>> -> memref<1x!tpu.dma_semaphore, #tpu.memory_space<semaphore_mem>>
        %dma_start3A_94 = tpu.memref_squeeze %dma_start3A_93 : memref<1x!tpu.dma_semaphore, #tpu.memory_space<semaphore_mem>> -> memref<!tpu.dma_semaphore, #tpu.memory_space<semaphore_mem>>
        %dma_start3A_95 = arith.constant 0 : i32
        %dma_start3A_96 = tpu.memref_slice %arg2[%dma_start3A_95, %multiple_of3A_90] : memref<32x1000000xf32, #tpu.memory_space<hbm>> -> memref<32x512xf32, #tpu.memory_space<hbm>>
        tpu.enqueue_dma source(%dma_start3A_96 : memref<32x512xf32, #tpu.memory_space<hbm>>) target(%arg4 : memref<32x512xf32, #tpu.memory_space<vmem>>) target_semaphore(%dma_start3A_94 : memref<!tpu.dma_semaphore, #tpu.memory_space<semaphore_mem>>)
      } else {
      }
      %mul3A_75 = arith.constant 32 : i32
      %mul3A_76 = arith.muli %add3A_64, %mul3A_75 : i32
      %add3A_77 = arith.addi %mul3A_76, %add3A : i32
      %lt3A_78 = arith.constant 1953 : i32
      %lt3A_79 = arith.cmpi slt, %add3A_77, %lt3A_78 : i32
      %convert_element_type3A_80 = arith.extui %lt3A_79 : i1 to i32
      %cond3A_81 = arith.constant 0 : i32
      %cond3A_82 = arith.cmpi ne, %convert_element_type3A_80, %cond3A_81 : i32
      scf.if %cond3A_82 {
        %mul3A_83 = arith.constant 32 : i32
        %mul3A_84 = arith.muli %add3A_64, %mul3A_83 : i32
        %add3A_85 = arith.addi %mul3A_84, %add3A : i32
        %mul3A_86 = arith.constant 512 : i32
        %mul3A_87 = arith.muli %add3A_85, %mul3A_86 : i32
        %multiple_of3A_88 = tpu.assume_multiple %mul3A_87, 512 : i32
        %dma_wait3A_89 = arith.constant 1 : i32
        %dma_wait3A_90 = arith.constant 0 : i32
        %dma_wait3A_91 = tpu.memref_slice %arg2[%dma_wait3A_90, %multiple_of3A_88] : memref<32x1000000xf32, #tpu.memory_space<hbm>> -> memref<32x512xf32, #tpu.memory_space<hbm>>
        %dma_wait3A_92 = tpu.memref_slice %arg10[%dma_wait3A_89] : memref<2x!tpu.dma_semaphore, #tpu.memory_space<semaphore_mem>> -> memref<1x!tpu.dma_semaphore, #tpu.memory_space<semaphore_mem>>
        %dma_wait3A_93 = tpu.memref_squeeze %dma_wait3A_92 : memref<1x!tpu.dma_semaphore, #tpu.memory_space<semaphore_mem>> -> memref<!tpu.dma_semaphore, #tpu.memory_space<semaphore_mem>>
        %dma_wait3A_94 = arith.constant 0 : i32
        %dma_wait3A_95 = tpu.memref_slice %arg2[%dma_wait3A_94, %multiple_of3A_88] : memref<32x1000000xf32, #tpu.memory_space<hbm>> -> memref<32x512xf32, #tpu.memory_space<hbm>>
        tpu.wait_dma2 semaphore(%dma_wait3A_93 : memref<!tpu.dma_semaphore, #tpu.memory_space<semaphore_mem>>) src(%dma_wait3A_95 : memref<32x512xf32, #tpu.memory_space<hbm>>) dst(%arg5 : memref<32x512xf32, #tpu.memory_space<vmem>>)
        %ge3A = arith.constant 2 : i32
        %ge3A_96 = arith.cmpi sge, %add3A_64, %ge3A : i32
        %convert_element_type3A_97 = arith.extui %ge3A_96 : i1 to i32
        %cond3A_98 = arith.constant 0 : i32
        %cond3A_99 = arith.cmpi ne, %convert_element_type3A_97, %cond3A_98 : i32
        scf.if %cond3A_99 {
          %add3A_114 = arith.constant 0 : i32
          %add3A_115 = arith.addi %add3A_114, %add3A : i32
          %mul3A_116 = arith.constant 512 : i32
          %mul3A_117 = arith.muli %add3A_115, %mul3A_116 : i32
          %multiple_of3A_118 = tpu.assume_multiple %mul3A_117, 512 : i32
          %mul3A_119 = arith.constant 32 : i32
          %mul3A_120 = arith.muli %multiple_of3A_118, %mul3A_119 : i32
          %dma_wait3A_121 = arith.constant 1 : i32
          %dma_wait3A_122 = tpu.memref_slice %arg3[%mul3A_120] : memref<32000000xf32, #tpu.memory_space<hbm>> -> memref<16384xf32, #tpu.memory_space<hbm>>
          %dma_wait3A_123 = tpu.memref_slice %arg11[%dma_wait3A_121] : memref<2x!tpu.dma_semaphore, #tpu.memory_space<semaphore_mem>> -> memref<1x!tpu.dma_semaphore, #tpu.memory_space<semaphore_mem>>
          %dma_wait3A_124 = tpu.memref_squeeze %dma_wait3A_123 : memref<1x!tpu.dma_semaphore, #tpu.memory_space<semaphore_mem>> -> memref<!tpu.dma_semaphore, #tpu.memory_space<semaphore_mem>>
          %dma_wait3A_125 = tpu.memref_slice %arg3[%mul3A_120] : memref<32000000xf32, #tpu.memory_space<hbm>> -> memref<16384xf32, #tpu.memory_space<hbm>>
          tpu.wait_dma2 semaphore(%dma_wait3A_124 : memref<!tpu.dma_semaphore, #tpu.memory_space<semaphore_mem>>) src(%arg7 : memref<16384xf32, #tpu.memory_space<vmem>>) dst(%dma_wait3A_125 : memref<16384xf32, #tpu.memory_space<hbm>>)
        } else {
        }
        %parallel_loop3A = arith.constant 0 : i32
        %parallel_loop3A_100 = arith.constant 32 : i32
        %parallel_loop3A_101 = arith.constant 1 : i32
        scf.for %parallel_loop3A_114 = %parallel_loop3A to %parallel_loop3A_100 step %parallel_loop3A_101  : i32 {
          %parallel_loop3A_115 = arith.index_cast %parallel_loop3A_114 : i32 to index
          %parallel_loop3A_116 = arith.constant 0 : index
          %parallel_loop3A_117 = tpu.vector_load %arg5[%parallel_loop3A_115, %parallel_loop3A_116] {strides = array<i32>} : memref<32x512xf32, #tpu.memory_space<vmem>>, vector<16xf32>,
          %parallel_loop3A_118 = arith.constant 0 : i32
          %parallel_loop3A_119 = arith.addi %parallel_loop3A_118, %parallel_loop3A_114 : i32
          %parallel_loop3A_120 = vector.broadcast %parallel_loop3A_119 : i32 to vector<16xi32>
          %parallel_loop3A_121 = arith.addi %mul3A_3, %parallel_loop3A_120 : vector<16xi32>
          tpu.vector_store_idx %arg7[%parallel_loop3A_121], %parallel_loop3A_117 : memref<16384xf32, #tpu.memory_space<vmem>>[vector<16xi32>], vector<16xf32>,
          %parallel_loop3A_122 = arith.index_cast %parallel_loop3A_114 : i32 to index
          %parallel_loop3A_123 = arith.constant 16 : index
          %parallel_loop3A_124 = tpu.vector_load %arg5[%parallel_loop3A_122, %parallel_loop3A_123] {strides = array<i32>} : memref<32x512xf32, #tpu.memory_space<vmem>>, vector<16xf32>,
          %parallel_loop3A_125 = arith.constant 512 : i32
          %parallel_loop3A_126 = arith.addi %parallel_loop3A_125, %parallel_loop3A_114 : i32
          %parallel_loop3A_127 = vector.broadcast %parallel_loop3A_126 : i32 to vector<16xi32>
          %parallel_loop3A_128 = arith.addi %mul3A_3, %parallel_loop3A_127 : vector<16xi32>
          tpu.vector_store_idx %arg7[%parallel_loop3A_128], %parallel_loop3A_124 : memref<16384xf32, #tpu.memory_space<vmem>>[vector<16xi32>], vector<16xf32>,
          %parallel_loop3A_129 = arith.index_cast %parallel_loop3A_114 : i32 to index
          %parallel_loop3A_130 = arith.constant 32 : index
          %parallel_loop3A_131 = tpu.vector_load %arg5[%parallel_loop3A_129, %parallel_loop3A_130] {strides = array<i32>} : memref<32x512xf32, #tpu.memory_space<vmem>>, vector<16xf32>,
          %parallel_loop3A_132 = arith.constant 1024 : i32
          %parallel_loop3A_133 = arith.addi %parallel_loop3A_132, %parallel_loop3A_114 : i32
          %parallel_loop3A_134 = vector.broadcast %parallel_loop3A_133 : i32 to vector<16xi32>
          %parallel_loop3A_135 = arith.addi %mul3A_3, %parallel_loop3A_134 : vector<16xi32>
          tpu.vector_store_idx %arg7[%parallel_loop3A_135], %parallel_loop3A_131 : memref<16384xf32, #tpu.memory_space<vmem>>[vector<16xi32>], vector<16xf32>,
          %parallel_loop3A_136 = arith.index_cast %parallel_loop3A_114 : i32 to index
          %parallel_loop3A_137 = arith.constant 48 : index
          %parallel_loop3A_138 = tpu.vector_load %arg5[%parallel_loop3A_136, %parallel_loop3A_137] {strides = array<i32>} : memref<32x512xf32, #tpu.memory_space<vmem>>, vector<16xf32>,
          %parallel_loop3A_139 = arith.constant 1536 : i32
          %parallel_loop3A_140 = arith.addi %parallel_loop3A_139, %parallel_loop3A_114 : i32
          %parallel_loop3A_141 = vector.broadcast %parallel_loop3A_140 : i32 to vector<16xi32>
          %parallel_loop3A_142 = arith.addi %mul3A_3, %parallel_loop3A_141 : vector<16xi32>
          tpu.vector_store_idx %arg7[%parallel_loop3A_142], %parallel_loop3A_138 : memref<16384xf32, #tpu.memory_space<vmem>>[vector<16xi32>], vector<16xf32>,
          %parallel_loop3A_143 = arith.index_cast %parallel_loop3A_114 : i32 to index
          %parallel_loop3A_144 = arith.constant 64 : index
          %parallel_loop3A_145 = tpu.vector_load %arg5[%parallel_loop3A_143, %parallel_loop3A_144] {strides = array<i32>} : memref<32x512xf32, #tpu.memory_space<vmem>>, vector<16xf32>,
          %parallel_loop3A_146 = arith.constant 2048 : i32
          %parallel_loop3A_147 = arith.addi %parallel_loop3A_146, %parallel_loop3A_114 : i32
          %parallel_loop3A_148 = vector.broadcast %parallel_loop3A_147 : i32 to vector<16xi32>
          %parallel_loop3A_149 = arith.addi %mul3A_3, %parallel_loop3A_148 : vector<16xi32>
          tpu.vector_store_idx %arg7[%parallel_loop3A_149], %parallel_loop3A_145 : memref<16384xf32, #tpu.memory_space<vmem>>[vector<16xi32>], vector<16xf32>,
          %parallel_loop3A_150 = arith.index_cast %parallel_loop3A_114 : i32 to index
          %parallel_loop3A_151 = arith.constant 80 : index
          %parallel_loop3A_152 = tpu.vector_load %arg5[%parallel_loop3A_150, %parallel_loop3A_151] {strides = array<i32>} : memref<32x512xf32, #tpu.memory_space<vmem>>, vector<16xf32>,
          %parallel_loop3A_153 = arith.constant 2560 : i32
          %parallel_loop3A_154 = arith.addi %parallel_loop3A_153, %parallel_loop3A_114 : i32
          %parallel_loop3A_155 = vector.broadcast %parallel_loop3A_154 : i32 to vector<16xi32>
          %parallel_loop3A_156 = arith.addi %mul3A_3, %parallel_loop3A_155 : vector<16xi32>
          tpu.vector_store_idx %arg7[%parallel_loop3A_156], %parallel_loop3A_152 : memref<16384xf32, #tpu.memory_space<vmem>>[vector<16xi32>], vector<16xf32>,
          %parallel_loop3A_157 = arith.index_cast %parallel_loop3A_114 : i32 to index
          %parallel_loop3A_158 = arith.constant 96 : index
          %parallel_loop3A_159 = tpu.vector_load %arg5[%parallel_loop3A_157, %parallel_loop3A_158] {strides = array<i32>} : memref<32x512xf32, #tpu.memory_space<vmem>>, vector<16xf32>,
          %parallel_loop3A_160 = arith.constant 3072 : i32
          %parallel_loop3A_161 = arith.addi %parallel_loop3A_160, %parallel_loop3A_114 : i32
          %parallel_loop3A_162 = vector.broadcast %parallel_loop3A_161 : i32 to vector<16xi32>
          %parallel_loop3A_163 = arith.addi %mul3A_3, %parallel_loop3A_162 : vector<16xi32>
          tpu.vector_store_idx %arg7[%parallel_loop3A_163], %parallel_loop3A_159 : memref<16384xf32, #tpu.memory_space<vmem>>[vector<16xi32>], vector<16xf32>,
          %parallel_loop3A_164 = arith.index_cast %parallel_loop3A_114 : i32 to index
          %parallel_loop3A_165 = arith.constant 112 : index
          %parallel_loop3A_166 = tpu.vector_load %arg5[%parallel_loop3A_164, %parallel_loop3A_165] {strides = array<i32>} : memref<32x512xf32, #tpu.memory_space<vmem>>, vector<16xf32>,
          %parallel_loop3A_167 = arith.constant 3584 : i32
          %parallel_loop3A_168 = arith.addi %parallel_loop3A_167, %parallel_loop3A_114 : i32
          %parallel_loop3A_169 = vector.broadcast %parallel_loop3A_168 : i32 to vector<16xi32>
          %parallel_loop3A_170 = arith.addi %mul3A_3, %parallel_loop3A_169 : vector<16xi32>
          tpu.vector_store_idx %arg7[%parallel_loop3A_170], %parallel_loop3A_166 : memref<16384xf32, #tpu.memory_space<vmem>>[vector<16xi32>], vector<16xf32>,
          %parallel_loop3A_171 = arith.index_cast %parallel_loop3A_114 : i32 to index
          %parallel_loop3A_172 = arith.constant 128 : index
          %parallel_loop3A_173 = tpu.vector_load %arg5[%parallel_loop3A_171, %parallel_loop3A_172] {strides = array<i32>} : memref<32x512xf32, #tpu.memory_space<vmem>>, vector<16xf32>,
          %parallel_loop3A_174 = arith.constant 4096 : i32
          %parallel_loop3A_175 = arith.addi %parallel_loop3A_174, %parallel_loop3A_114 : i32
          %parallel_loop3A_176 = vector.broadcast %parallel_loop3A_175 : i32 to vector<16xi32>
          %parallel_loop3A_177 = arith.addi %mul3A_3, %parallel_loop3A_176 : vector<16xi32>
          tpu.vector_store_idx %arg7[%parallel_loop3A_177], %parallel_loop3A_173 : memref<16384xf32, #tpu.memory_space<vmem>>[vector<16xi32>], vector<16xf32>,
          %parallel_loop3A_178 = arith.index_cast %parallel_loop3A_114 : i32 to index
          %parallel_loop3A_179 = arith.constant 144 : index
          %parallel_loop3A_180 = tpu.vector_load %arg5[%parallel_loop3A_178, %parallel_loop3A_179] {strides = array<i32>} : memref<32x512xf32, #tpu.memory_space<vmem>>, vector<16xf32>,
          %parallel_loop3A_181 = arith.constant 4608 : i32
          %parallel_loop3A_182 = arith.addi %parallel_loop3A_181, %parallel_loop3A_114 : i32
          %parallel_loop3A_183 = vector.broadcast %parallel_loop3A_182 : i32 to vector<16xi32>
          %parallel_loop3A_184 = arith.addi %mul3A_3, %parallel_loop3A_183 : vector<16xi32>
          tpu.vector_store_idx %arg7[%parallel_loop3A_184], %parallel_loop3A_180 : memref<16384xf32, #tpu.memory_space<vmem>>[vector<16xi32>], vector<16xf32>,
          %parallel_loop3A_185 = arith.index_cast %parallel_loop3A_114 : i32 to index
          %parallel_loop3A_186 = arith.constant 160 : index
          %parallel_loop3A_187 = tpu.vector_load %arg5[%parallel_loop3A_185, %parallel_loop3A_186] {strides = array<i32>} : memref<32x512xf32, #tpu.memory_space<vmem>>, vector<16xf32>,
          %parallel_loop3A_188 = arith.constant 5120 : i32
          %parallel_loop3A_189 = arith.addi %parallel_loop3A_188, %parallel_loop3A_114 : i32
          %parallel_loop3A_190 = vector.broadcast %parallel_loop3A_189 : i32 to vector<16xi32>
          %parallel_loop3A_191 = arith.addi %mul3A_3, %parallel_loop3A_190 : vector<16xi32>
          tpu.vector_store_idx %arg7[%parallel_loop3A_191], %parallel_loop3A_187 : memref<16384xf32, #tpu.memory_space<vmem>>[vector<16xi32>], vector<16xf32>,
          %parallel_loop3A_192 = arith.index_cast %parallel_loop3A_114 : i32 to index
          %parallel_loop3A_193 = arith.constant 176 : index
          %parallel_loop3A_194 = tpu.vector_load %arg5[%parallel_loop3A_192, %parallel_loop3A_193] {strides = array<i32>} : memref<32x512xf32, #tpu.memory_space<vmem>>, vector<16xf32>,
          %parallel_loop3A_195 = arith.constant 5632 : i32
          %parallel_loop3A_196 = arith.addi %parallel_loop3A_195, %parallel_loop3A_114 : i32
          %parallel_loop3A_197 = vector.broadcast %parallel_loop3A_196 : i32 to vector<16xi32>
          %parallel_loop3A_198 = arith.addi %mul3A_3, %parallel_loop3A_197 : vector<16xi32>
          tpu.vector_store_idx %arg7[%parallel_loop3A_198], %parallel_loop3A_194 : memref<16384xf32, #tpu.memory_space<vmem>>[vector<16xi32>], vector<16xf32>,
          %parallel_loop3A_199 = arith.index_cast %parallel_loop3A_114 : i32 to index
          %parallel_loop3A_200 = arith.constant 192 : index
          %parallel_loop3A_201 = tpu.vector_load %arg5[%parallel_loop3A_199, %parallel_loop3A_200] {strides = array<i32>} : memref<32x512xf32, #tpu.memory_space<vmem>>, vector<16xf32>,
          %parallel_loop3A_202 = arith.constant 6144 : i32
          %parallel_loop3A_203 = arith.addi %parallel_loop3A_202, %parallel_loop3A_114 : i32
          %parallel_loop3A_204 = vector.broadcast %parallel_loop3A_203 : i32 to vector<16xi32>
          %parallel_loop3A_205 = arith.addi %mul3A_3, %parallel_loop3A_204 : vector<16xi32>
          tpu.vector_store_idx %arg7[%parallel_loop3A_205], %parallel_loop3A_201 : memref<16384xf32, #tpu.memory_space<vmem>>[vector<16xi32>], vector<16xf32>,
          %parallel_loop3A_206 = arith.index_cast %parallel_loop3A_114 : i32 to index
          %parallel_loop3A_207 = arith.constant 208 : index
          %parallel_loop3A_208 = tpu.vector_load %arg5[%parallel_loop3A_206, %parallel_loop3A_207] {strides = array<i32>} : memref<32x512xf32, #tpu.memory_space<vmem>>, vector<16xf32>,
          %parallel_loop3A_209 = arith.constant 6656 : i32
          %parallel_loop3A_210 = arith.addi %parallel_loop3A_209, %parallel_loop3A_114 : i32
          %parallel_loop3A_211 = vector.broadcast %parallel_loop3A_210 : i32 to vector<16xi32>
          %parallel_loop3A_212 = arith.addi %mul3A_3, %parallel_loop3A_211 : vector<16xi32>
          tpu.vector_store_idx %arg7[%parallel_loop3A_212], %parallel_loop3A_208 : memref<16384xf32, #tpu.memory_space<vmem>>[vector<16xi32>], vector<16xf32>,
          %parallel_loop3A_213 = arith.index_cast %parallel_loop3A_114 : i32 to index
          %parallel_loop3A_214 = arith.constant 224 : index
          %parallel_loop3A_215 = tpu.vector_load %arg5[%parallel_loop3A_213, %parallel_loop3A_214] {strides = array<i32>} : memref<32x512xf32, #tpu.memory_space<vmem>>, vector<16xf32>,
          %parallel_loop3A_216 = arith.constant 7168 : i32
          %parallel_loop3A_217 = arith.addi %parallel_loop3A_216, %parallel_loop3A_114 : i32
          %parallel_loop3A_218 = vector.broadcast %parallel_loop3A_217 : i32 to vector<16xi32>
          %parallel_loop3A_219 = arith.addi %mul3A_3, %parallel_loop3A_218 : vector<16xi32>
          tpu.vector_store_idx %arg7[%parallel_loop3A_219], %parallel_loop3A_215 : memref<16384xf32, #tpu.memory_space<vmem>>[vector<16xi32>], vector<16xf32>,
          %parallel_loop3A_220 = arith.index_cast %parallel_loop3A_114 : i32 to index
          %parallel_loop3A_221 = arith.constant 240 : index
          %parallel_loop3A_222 = tpu.vector_load %arg5[%parallel_loop3A_220, %parallel_loop3A_221] {strides = array<i32>} : memref<32x512xf32, #tpu.memory_space<vmem>>, vector<16xf32>,
          %parallel_loop3A_223 = arith.constant 7680 : i32
          %parallel_loop3A_224 = arith.addi %parallel_loop3A_223, %parallel_loop3A_114 : i32
          %parallel_loop3A_225 = vector.broadcast %parallel_loop3A_224 : i32 to vector<16xi32>
          %parallel_loop3A_226 = arith.addi %mul3A_3, %parallel_loop3A_225 : vector<16xi32>
          tpu.vector_store_idx %arg7[%parallel_loop3A_226], %parallel_loop3A_222 : memref<16384xf32, #tpu.memory_space<vmem>>[vector<16xi32>], vector<16xf32>,
          %parallel_loop3A_227 = arith.index_cast %parallel_loop3A_114 : i32 to index
          %parallel_loop3A_228 = arith.constant 256 : index
          %parallel_loop3A_229 = tpu.vector_load %arg5[%parallel_loop3A_227, %parallel_loop3A_228] {strides = array<i32>} : memref<32x512xf32, #tpu.memory_space<vmem>>, vector<16xf32>,
          %parallel_loop3A_230 = arith.constant 8192 : i32
          %parallel_loop3A_231 = arith.addi %parallel_loop3A_230, %parallel_loop3A_114 : i32
          %parallel_loop3A_232 = vector.broadcast %parallel_loop3A_231 : i32 to vector<16xi32>
          %parallel_loop3A_233 = arith.addi %mul3A_3, %parallel_loop3A_232 : vector<16xi32>
          tpu.vector_store_idx %arg7[%parallel_loop3A_233], %parallel_loop3A_229 : memref<16384xf32, #tpu.memory_space<vmem>>[vector<16xi32>], vector<16xf32>,
          %parallel_loop3A_234 = arith.index_cast %parallel_loop3A_114 : i32 to index
          %parallel_loop3A_235 = arith.constant 272 : index
          %parallel_loop3A_236 = tpu.vector_load %arg5[%parallel_loop3A_234, %parallel_loop3A_235] {strides = array<i32>} : memref<32x512xf32, #tpu.memory_space<vmem>>, vector<16xf32>,
          %parallel_loop3A_237 = arith.constant 8704 : i32
          %parallel_loop3A_238 = arith.addi %parallel_loop3A_237, %parallel_loop3A_114 : i32
          %parallel_loop3A_239 = vector.broadcast %parallel_loop3A_238 : i32 to vector<16xi32>
          %parallel_loop3A_240 = arith.addi %mul3A_3, %parallel_loop3A_239 : vector<16xi32>
          tpu.vector_store_idx %arg7[%parallel_loop3A_240], %parallel_loop3A_236 : memref<16384xf32, #tpu.memory_space<vmem>>[vector<16xi32>], vector<16xf32>,
          %parallel_loop3A_241 = arith.index_cast %parallel_loop3A_114 : i32 to index
          %parallel_loop3A_242 = arith.constant 288 : index
          %parallel_loop3A_243 = tpu.vector_load %arg5[%parallel_loop3A_241, %parallel_loop3A_242] {strides = array<i32>} : memref<32x512xf32, #tpu.memory_space<vmem>>, vector<16xf32>,
          %parallel_loop3A_244 = arith.constant 9216 : i32
          %parallel_loop3A_245 = arith.addi %parallel_loop3A_244, %parallel_loop3A_114 : i32
          %parallel_loop3A_246 = vector.broadcast %parallel_loop3A_245 : i32 to vector<16xi32>
          %parallel_loop3A_247 = arith.addi %mul3A_3, %parallel_loop3A_246 : vector<16xi32>
          tpu.vector_store_idx %arg7[%parallel_loop3A_247], %parallel_loop3A_243 : memref<16384xf32, #tpu.memory_space<vmem>>[vector<16xi32>], vector<16xf32>,
          %parallel_loop3A_248 = arith.index_cast %parallel_loop3A_114 : i32 to index
          %parallel_loop3A_249 = arith.constant 304 : index
          %parallel_loop3A_250 = tpu.vector_load %arg5[%parallel_loop3A_248, %parallel_loop3A_249] {strides = array<i32>} : memref<32x512xf32, #tpu.memory_space<vmem>>, vector<16xf32>,
          %parallel_loop3A_251 = arith.constant 9728 : i32
          %parallel_loop3A_252 = arith.addi %parallel_loop3A_251, %parallel_loop3A_114 : i32
          %parallel_loop3A_253 = vector.broadcast %parallel_loop3A_252 : i32 to vector<16xi32>
          %parallel_loop3A_254 = arith.addi %mul3A_3, %parallel_loop3A_253 : vector<16xi32>
          tpu.vector_store_idx %arg7[%parallel_loop3A_254], %parallel_loop3A_250 : memref<16384xf32, #tpu.memory_space<vmem>>[vector<16xi32>], vector<16xf32>,
          %parallel_loop3A_255 = arith.index_cast %parallel_loop3A_114 : i32 to index
          %parallel_loop3A_256 = arith.constant 320 : index
          %parallel_loop3A_257 = tpu.vector_load %arg5[%parallel_loop3A_255, %parallel_loop3A_256] {strides = array<i32>} : memref<32x512xf32, #tpu.memory_space<vmem>>, vector<16xf32>,
          %parallel_loop3A_258 = arith.constant 10240 : i32
          %parallel_loop3A_259 = arith.addi %parallel_loop3A_258, %parallel_loop3A_114 : i32
          %parallel_loop3A_260 = vector.broadcast %parallel_loop3A_259 : i32 to vector<16xi32>
          %parallel_loop3A_261 = arith.addi %mul3A_3, %parallel_loop3A_260 : vector<16xi32>
          tpu.vector_store_idx %arg7[%parallel_loop3A_261], %parallel_loop3A_257 : memref<16384xf32, #tpu.memory_space<vmem>>[vector<16xi32>], vector<16xf32>,
          %parallel_loop3A_262 = arith.index_cast %parallel_loop3A_114 : i32 to index
          %parallel_loop3A_263 = arith.constant 336 : index
          %parallel_loop3A_264 = tpu.vector_load %arg5[%parallel_loop3A_262, %parallel_loop3A_263] {strides = array<i32>} : memref<32x512xf32, #tpu.memory_space<vmem>>, vector<16xf32>,
          %parallel_loop3A_265 = arith.constant 10752 : i32
          %parallel_loop3A_266 = arith.addi %parallel_loop3A_265, %parallel_loop3A_114 : i32
          %parallel_loop3A_267 = vector.broadcast %parallel_loop3A_266 : i32 to vector<16xi32>
          %parallel_loop3A_268 = arith.addi %mul3A_3, %parallel_loop3A_267 : vector<16xi32>
          tpu.vector_store_idx %arg7[%parallel_loop3A_268], %parallel_loop3A_264 : memref<16384xf32, #tpu.memory_space<vmem>>[vector<16xi32>], vector<16xf32>,
          %parallel_loop3A_269 = arith.index_cast %parallel_loop3A_114 : i32 to index
          %parallel_loop3A_270 = arith.constant 352 : index
          %parallel_loop3A_271 = tpu.vector_load %arg5[%parallel_loop3A_269, %parallel_loop3A_270] {strides = array<i32>} : memref<32x512xf32, #tpu.memory_space<vmem>>, vector<16xf32>,
          %parallel_loop3A_272 = arith.constant 11264 : i32
          %parallel_loop3A_273 = arith.addi %parallel_loop3A_272, %parallel_loop3A_114 : i32
          %parallel_loop3A_274 = vector.broadcast %parallel_loop3A_273 : i32 to vector<16xi32>
          %parallel_loop3A_275 = arith.addi %mul3A_3, %parallel_loop3A_274 : vector<16xi32>
          tpu.vector_store_idx %arg7[%parallel_loop3A_275], %parallel_loop3A_271 : memref<16384xf32, #tpu.memory_space<vmem>>[vector<16xi32>], vector<16xf32>,
          %parallel_loop3A_276 = arith.index_cast %parallel_loop3A_114 : i32 to index
          %parallel_loop3A_277 = arith.constant 368 : index
          %parallel_loop3A_278 = tpu.vector_load %arg5[%parallel_loop3A_276, %parallel_loop3A_277] {strides = array<i32>} : memref<32x512xf32, #tpu.memory_space<vmem>>, vector<16xf32>,
          %parallel_loop3A_279 = arith.constant 11776 : i32
          %parallel_loop3A_280 = arith.addi %parallel_loop3A_279, %parallel_loop3A_114 : i32
          %parallel_loop3A_281 = vector.broadcast %parallel_loop3A_280 : i32 to vector<16xi32>
          %parallel_loop3A_282 = arith.addi %mul3A_3, %parallel_loop3A_281 : vector<16xi32>
          tpu.vector_store_idx %arg7[%parallel_loop3A_282], %parallel_loop3A_278 : memref<16384xf32, #tpu.memory_space<vmem>>[vector<16xi32>], vector<16xf32>,
          %parallel_loop3A_283 = arith.index_cast %parallel_loop3A_114 : i32 to index
          %parallel_loop3A_284 = arith.constant 384 : index
          %parallel_loop3A_285 = tpu.vector_load %arg5[%parallel_loop3A_283, %parallel_loop3A_284] {strides = array<i32>} : memref<32x512xf32, #tpu.memory_space<vmem>>, vector<16xf32>,
          %parallel_loop3A_286 = arith.constant 12288 : i32
          %parallel_loop3A_287 = arith.addi %parallel_loop3A_286, %parallel_loop3A_114 : i32
          %parallel_loop3A_288 = vector.broadcast %parallel_loop3A_287 : i32 to vector<16xi32>
          %parallel_loop3A_289 = arith.addi %mul3A_3, %parallel_loop3A_288 : vector<16xi32>
          tpu.vector_store_idx %arg7[%parallel_loop3A_289], %parallel_loop3A_285 : memref<16384xf32, #tpu.memory_space<vmem>>[vector<16xi32>], vector<16xf32>,
          %parallel_loop3A_290 = arith.index_cast %parallel_loop3A_114 : i32 to index
          %parallel_loop3A_291 = arith.constant 400 : index
          %parallel_loop3A_292 = tpu.vector_load %arg5[%parallel_loop3A_290, %parallel_loop3A_291] {strides = array<i32>} : memref<32x512xf32, #tpu.memory_space<vmem>>, vector<16xf32>,
          %parallel_loop3A_293 = arith.constant 12800 : i32
          %parallel_loop3A_294 = arith.addi %parallel_loop3A_293, %parallel_loop3A_114 : i32
          %parallel_loop3A_295 = vector.broadcast %parallel_loop3A_294 : i32 to vector<16xi32>
          %parallel_loop3A_296 = arith.addi %mul3A_3, %parallel_loop3A_295 : vector<16xi32>
          tpu.vector_store_idx %arg7[%parallel_loop3A_296], %parallel_loop3A_292 : memref<16384xf32, #tpu.memory_space<vmem>>[vector<16xi32>], vector<16xf32>,
          %parallel_loop3A_297 = arith.index_cast %parallel_loop3A_114 : i32 to index
          %parallel_loop3A_298 = arith.constant 416 : index
          %parallel_loop3A_299 = tpu.vector_load %arg5[%parallel_loop3A_297, %parallel_loop3A_298] {strides = array<i32>} : memref<32x512xf32, #tpu.memory_space<vmem>>, vector<16xf32>,
          %parallel_loop3A_300 = arith.constant 13312 : i32
          %parallel_loop3A_301 = arith.addi %parallel_loop3A_300, %parallel_loop3A_114 : i32
          %parallel_loop3A_302 = vector.broadcast %parallel_loop3A_301 : i32 to vector<16xi32>
          %parallel_loop3A_303 = arith.addi %mul3A_3, %parallel_loop3A_302 : vector<16xi32>
          tpu.vector_store_idx %arg7[%parallel_loop3A_303], %parallel_loop3A_299 : memref<16384xf32, #tpu.memory_space<vmem>>[vector<16xi32>], vector<16xf32>,
          %parallel_loop3A_304 = arith.index_cast %parallel_loop3A_114 : i32 to index
          %parallel_loop3A_305 = arith.constant 432 : index
          %parallel_loop3A_306 = tpu.vector_load %arg5[%parallel_loop3A_304, %parallel_loop3A_305] {strides = array<i32>} : memref<32x512xf32, #tpu.memory_space<vmem>>, vector<16xf32>,
          %parallel_loop3A_307 = arith.constant 13824 : i32
          %parallel_loop3A_308 = arith.addi %parallel_loop3A_307, %parallel_loop3A_114 : i32
          %parallel_loop3A_309 = vector.broadcast %parallel_loop3A_308 : i32 to vector<16xi32>
          %parallel_loop3A_310 = arith.addi %mul3A_3, %parallel_loop3A_309 : vector<16xi32>
          tpu.vector_store_idx %arg7[%parallel_loop3A_310], %parallel_loop3A_306 : memref<16384xf32, #tpu.memory_space<vmem>>[vector<16xi32>], vector<16xf32>,
          %parallel_loop3A_311 = arith.index_cast %parallel_loop3A_114 : i32 to index
          %parallel_loop3A_312 = arith.constant 448 : index
          %parallel_loop3A_313 = tpu.vector_load %arg5[%parallel_loop3A_311, %parallel_loop3A_312] {strides = array<i32>} : memref<32x512xf32, #tpu.memory_space<vmem>>, vector<16xf32>,
          %parallel_loop3A_314 = arith.constant 14336 : i32
          %parallel_loop3A_315 = arith.addi %parallel_loop3A_314, %parallel_loop3A_114 : i32
          %parallel_loop3A_316 = vector.broadcast %parallel_loop3A_315 : i32 to vector<16xi32>
          %parallel_loop3A_317 = arith.addi %mul3A_3, %parallel_loop3A_316 : vector<16xi32>
          tpu.vector_store_idx %arg7[%parallel_loop3A_317], %parallel_loop3A_313 : memref<16384xf32, #tpu.memory_space<vmem>>[vector<16xi32>], vector<16xf32>,
          %parallel_loop3A_318 = arith.index_cast %parallel_loop3A_114 : i32 to index
          %parallel_loop3A_319 = arith.constant 464 : index
          %parallel_loop3A_320 = tpu.vector_load %arg5[%parallel_loop3A_318, %parallel_loop3A_319] {strides = array<i32>} : memref<32x512xf32, #tpu.memory_space<vmem>>, vector<16xf32>,
          %parallel_loop3A_321 = arith.constant 14848 : i32
          %parallel_loop3A_322 = arith.addi %parallel_loop3A_321, %parallel_loop3A_114 : i32
          %parallel_loop3A_323 = vector.broadcast %parallel_loop3A_322 : i32 to vector<16xi32>
          %parallel_loop3A_324 = arith.addi %mul3A_3, %parallel_loop3A_323 : vector<16xi32>
          tpu.vector_store_idx %arg7[%parallel_loop3A_324], %parallel_loop3A_320 : memref<16384xf32, #tpu.memory_space<vmem>>[vector<16xi32>], vector<16xf32>,
          %parallel_loop3A_325 = arith.index_cast %parallel_loop3A_114 : i32 to index
          %parallel_loop3A_326 = arith.constant 480 : index
          %parallel_loop3A_327 = tpu.vector_load %arg5[%parallel_loop3A_325, %parallel_loop3A_326] {strides = array<i32>} : memref<32x512xf32, #tpu.memory_space<vmem>>, vector<16xf32>,
          %parallel_loop3A_328 = arith.constant 15360 : i32
          %parallel_loop3A_329 = arith.addi %parallel_loop3A_328, %parallel_loop3A_114 : i32
          %parallel_loop3A_330 = vector.broadcast %parallel_loop3A_329 : i32 to vector<16xi32>
          %parallel_loop3A_331 = arith.addi %mul3A_3, %parallel_loop3A_330 : vector<16xi32>
          tpu.vector_store_idx %arg7[%parallel_loop3A_331], %parallel_loop3A_327 : memref<16384xf32, #tpu.memory_space<vmem>>[vector<16xi32>], vector<16xf32>,
          %parallel_loop3A_332 = arith.index_cast %parallel_loop3A_114 : i32 to index
          %parallel_loop3A_333 = arith.constant 496 : index
          %parallel_loop3A_334 = tpu.vector_load %arg5[%parallel_loop3A_332, %parallel_loop3A_333] {strides = array<i32>} : memref<32x512xf32, #tpu.memory_space<vmem>>, vector<16xf32>,
          %parallel_loop3A_335 = arith.constant 15872 : i32
          %parallel_loop3A_336 = arith.addi %parallel_loop3A_335, %parallel_loop3A_114 : i32
          %parallel_loop3A_337 = vector.broadcast %parallel_loop3A_336 : i32 to vector<16xi32>
          %parallel_loop3A_338 = arith.addi %mul3A_3, %parallel_loop3A_337 : vector<16xi32>
          tpu.vector_store_idx %arg7[%parallel_loop3A_338], %parallel_loop3A_334 : memref<16384xf32, #tpu.memory_space<vmem>>[vector<16xi32>], vector<16xf32>,
        } {sc.loop_unroll_factor = 4 : i64, sc.parallel_access}
        %mul3A_102 = arith.constant 32 : i32
        %mul3A_103 = arith.muli %add3A_64, %mul3A_102 : i32
        %add3A_104 = arith.addi %mul3A_103, %add3A : i32
        %mul3A_105 = arith.constant 512 : i32
        %mul3A_106 = arith.muli %add3A_104, %mul3A_105 : i32
        %multiple_of3A_107 = tpu.assume_multiple %mul3A_106, 512 : i32
        %mul3A_108 = arith.constant 32 : i32
        %mul3A_109 = arith.muli %multiple_of3A_107, %mul3A_108 : i32
        %dma_start3A = arith.constant 1 : i32
        %dma_start3A_110 = tpu.memref_slice %arg3[%mul3A_109] : memref<32000000xf32, #tpu.memory_space<hbm>> -> memref<16384xf32, #tpu.memory_space<hbm>>
        %dma_start3A_111 = tpu.memref_slice %arg11[%dma_start3A] : memref<2x!tpu.dma_semaphore, #tpu.memory_space<semaphore_mem>> -> memref<1x!tpu.dma_semaphore, #tpu.memory_space<semaphore_mem>>
        %dma_start3A_112 = tpu.memref_squeeze %dma_start3A_111 : memref<1x!tpu.dma_semaphore, #tpu.memory_space<semaphore_mem>> -> memref<!tpu.dma_semaphore, #tpu.memory_space<semaphore_mem>>
        %dma_start3A_113 = tpu.memref_slice %arg3[%mul3A_109] : memref<32000000xf32, #tpu.memory_space<hbm>> -> memref<16384xf32, #tpu.memory_space<hbm>>
        tpu.enqueue_dma source(%arg7 : memref<16384xf32, #tpu.memory_space<vmem>>) target(%dma_start3A_113 : memref<16384xf32, #tpu.memory_space<hbm>>) target_semaphore(%dma_start3A_112 : memref<!tpu.dma_semaphore, #tpu.memory_space<semaphore_mem>>)
      } else {
      }
    }
    %scan3A_11 = arith.constant 31 : i32
    %add3A_12 = arith.constant 0 : i32
    %add3A_13 = arith.addi %add3A_12, %add3A : i32
    %mul3A_14 = arith.constant 512 : i32
    %mul3A_15 = arith.muli %add3A_13, %mul3A_14 : i32
    %multiple_of3A = tpu.assume_multiple %mul3A_15, 512 : i32
    %mul3A_16 = arith.constant 32 : i32
    %mul3A_17 = arith.muli %multiple_of3A, %mul3A_16 : i32
    %dma_wait3A = arith.constant 0 : i32
    %dma_wait3A_18 = tpu.memref_slice %arg3[%mul3A_17] : memref<32000000xf32, #tpu.memory_space<hbm>> -> memref<16384xf32, #tpu.memory_space<hbm>>
    %dma_wait3A_19 = tpu.memref_slice %arg11[%dma_wait3A] : memref<2x!tpu.dma_semaphore, #tpu.memory_space<semaphore_mem>> -> memref<1x!tpu.dma_semaphore, #tpu.memory_space<semaphore_mem>>
    %dma_wait3A_20 = tpu.memref_squeeze %dma_wait3A_19 : memref<1x!tpu.dma_semaphore, #tpu.memory_space<semaphore_mem>> -> memref<!tpu.dma_semaphore, #tpu.memory_space<semaphore_mem>>
    %dma_wait3A_21 = tpu.memref_slice %arg3[%mul3A_17] : memref<32000000xf32, #tpu.memory_space<hbm>> -> memref<16384xf32, #tpu.memory_space<hbm>>
    tpu.wait_dma2 semaphore(%dma_wait3A_20 : memref<!tpu.dma_semaphore, #tpu.memory_space<semaphore_mem>>) src(%arg6 : memref<16384xf32, #tpu.memory_space<vmem>>) dst(%dma_wait3A_21 : memref<16384xf32, #tpu.memory_space<hbm>>)
    %add3A_22 = arith.constant 0 : i32
    %add3A_23 = arith.addi %add3A_22, %add3A : i32
    %mul3A_24 = arith.constant 512 : i32
    %mul3A_25 = arith.muli %add3A_23, %mul3A_24 : i32
    %multiple_of3A_26 = tpu.assume_multiple %mul3A_25, 512 : i32
    %mul3A_27 = arith.constant 32 : i32
    %mul3A_28 = arith.muli %multiple_of3A_26, %mul3A_27 : i32
    %dma_wait3A_29 = arith.constant 1 : i32
    %dma_wait3A_30 = tpu.memref_slice %arg3[%mul3A_28] : memref<32000000xf32, #tpu.memory_space<hbm>> -> memref<16384xf32, #tpu.memory_space<hbm>>
    %dma_wait3A_31 = tpu.memref_slice %arg11[%dma_wait3A_29] : memref<2x!tpu.dma_semaphore, #tpu.memory_space<semaphore_mem>> -> memref<1x!tpu.dma_semaphore, #tpu.memory_space<semaphore_mem>>
    %dma_wait3A_32 = tpu.memref_squeeze %dma_wait3A_31 : memref<1x!tpu.dma_semaphore, #tpu.memory_space<semaphore_mem>> -> memref<!tpu.dma_semaphore, #tpu.memory_space<semaphore_mem>>
    %dma_wait3A_33 = tpu.memref_slice %arg3[%mul3A_28] : memref<32000000xf32, #tpu.memory_space<hbm>> -> memref<16384xf32, #tpu.memory_space<hbm>>
    tpu.wait_dma2 semaphore(%dma_wait3A_32 : memref<!tpu.dma_semaphore, #tpu.memory_space<semaphore_mem>>) src(%arg7 : memref<16384xf32, #tpu.memory_space<vmem>>) dst(%dma_wait3A_33 : memref<16384xf32, #tpu.memory_space<hbm>>)
    %eq3A = arith.constant 0 : i32
    %eq3A_34 = arith.cmpi eq, %add3A, %eq3A : i32
    %convert_element_type3A_35 = arith.extui %eq3A_34 : i1 to i32
    %cond3A_36 = arith.constant 0 : i32
    %cond3A_37 = arith.cmpi ne, %convert_element_type3A_35, %cond3A_36 : i32
    scf.if %cond3A_37 {
      "tpu.region"() ({
        %run_scoped3A = tpu.sem_alloc : memref<!tpu.dma_semaphore, #tpu.memory_space<semaphore_mem>>
        %dma_start3A = arith.constant 0 : i32
        %dma_start3A_40 = arith.constant 999936 : i32
        %dma_start3A_41 = tpu.memref_slice %arg2[%dma_start3A, %dma_start3A_40] : memref<32x1000000xf32, #tpu.memory_space<hbm>> -> memref<32x64xf32, #tpu.memory_space<hbm>>
        %dma_start3A_42 = arith.constant 0 : i32
        %dma_start3A_43 = arith.constant 999936 : i32
        %dma_start3A_44 = tpu.memref_slice %arg2[%dma_start3A_42, %dma_start3A_43] : memref<32x1000000xf32, #tpu.memory_space<hbm>> -> memref<32x64xf32, #tpu.memory_space<hbm>>
        tpu.enqueue_dma source(%dma_start3A_44 : memref<32x64xf32, #tpu.memory_space<hbm>>) target(%arg8 : memref<32x64xf32, #tpu.memory_space<vmem>>) target_semaphore(%run_scoped3A : memref<!tpu.dma_semaphore, #tpu.memory_space<semaphore_mem>>)
        %dma_wait3A_45 = arith.constant 0 : i32
        %dma_wait3A_46 = arith.constant 999936 : i32
        %dma_wait3A_47 = tpu.memref_slice %arg2[%dma_wait3A_45, %dma_wait3A_46] : memref<32x1000000xf32, #tpu.memory_space<hbm>> -> memref<32x64xf32, #tpu.memory_space<hbm>>
        %dma_wait3A_48 = arith.constant 0 : i32
        %dma_wait3A_49 = arith.constant 999936 : i32
        %dma_wait3A_50 = tpu.memref_slice %arg2[%dma_wait3A_48, %dma_wait3A_49] : memref<32x1000000xf32, #tpu.memory_space<hbm>> -> memref<32x64xf32, #tpu.memory_space<hbm>>
        tpu.wait_dma2 semaphore(%run_scoped3A : memref<!tpu.dma_semaphore, #tpu.memory_space<semaphore_mem>>) src(%dma_wait3A_50 : memref<32x64xf32, #tpu.memory_space<hbm>>) dst(%arg8 : memref<32x64xf32, #tpu.memory_space<vmem>>)
        tpu.yield
      }) : () -> ()
      %parallel_loop3A = arith.constant 0 : i32
      %parallel_loop3A_38 = arith.constant 32 : i32
      %parallel_loop3A_39 = arith.constant 1 : i32
      scf.for %parallel_loop3A_40 = %parallel_loop3A to %parallel_loop3A_38 step %parallel_loop3A_39  : i32 {
        %parallel_loop3A_41 = arith.index_cast %parallel_loop3A_40 : i32 to index
        %parallel_loop3A_42 = arith.constant 0 : index
        %parallel_loop3A_43 = tpu.vector_load %arg8[%parallel_loop3A_41, %parallel_loop3A_42] {strides = array<i32>} : memref<32x64xf32, #tpu.memory_space<vmem>>, vector<16xf32>,
        %parallel_loop3A_44 = arith.constant 0 : i32
        %parallel_loop3A_45 = arith.addi %parallel_loop3A_44, %parallel_loop3A_40 : i32
        %parallel_loop3A_46 = vector.broadcast %parallel_loop3A_45 : i32 to vector<16xi32>
        %parallel_loop3A_47 = arith.addi %mul3A_3, %parallel_loop3A_46 : vector<16xi32>
        tpu.vector_store_idx %arg9[%parallel_loop3A_47], %parallel_loop3A_43 : memref<2048xf32, #tpu.memory_space<vmem>>[vector<16xi32>], vector<16xf32>,
        %parallel_loop3A_48 = arith.index_cast %parallel_loop3A_40 : i32 to index
        %parallel_loop3A_49 = arith.constant 16 : index
        %parallel_loop3A_50 = tpu.vector_load %arg8[%parallel_loop3A_48, %parallel_loop3A_49] {strides = array<i32>} : memref<32x64xf32, #tpu.memory_space<vmem>>, vector<16xf32>,
        %parallel_loop3A_51 = arith.constant 512 : i32
        %parallel_loop3A_52 = arith.addi %parallel_loop3A_51, %parallel_loop3A_40 : i32
        %parallel_loop3A_53 = vector.broadcast %parallel_loop3A_52 : i32 to vector<16xi32>
        %parallel_loop3A_54 = arith.addi %mul3A_3, %parallel_loop3A_53 : vector<16xi32>
        tpu.vector_store_idx %arg9[%parallel_loop3A_54], %parallel_loop3A_50 : memref<2048xf32, #tpu.memory_space<vmem>>[vector<16xi32>], vector<16xf32>,
        %parallel_loop3A_55 = arith.index_cast %parallel_loop3A_40 : i32 to index
        %parallel_loop3A_56 = arith.constant 32 : index
        %parallel_loop3A_57 = tpu.vector_load %arg8[%parallel_loop3A_55, %parallel_loop3A_56] {strides = array<i32>} : memref<32x64xf32, #tpu.memory_space<vmem>>, vector<16xf32>,
        %parallel_loop3A_58 = arith.constant 1024 : i32
        %parallel_loop3A_59 = arith.addi %parallel_loop3A_58, %parallel_loop3A_40 : i32
        %parallel_loop3A_60 = vector.broadcast %parallel_loop3A_59 : i32 to vector<16xi32>
        %parallel_loop3A_61 = arith.addi %mul3A_3, %parallel_loop3A_60 : vector<16xi32>
        tpu.vector_store_idx %arg9[%parallel_loop3A_61], %parallel_loop3A_57 : memref<2048xf32, #tpu.memory_space<vmem>>[vector<16xi32>], vector<16xf32>,
        %parallel_loop3A_62 = arith.index_cast %parallel_loop3A_40 : i32 to index
        %parallel_loop3A_63 = arith.constant 48 : index
        %parallel_loop3A_64 = tpu.vector_load %arg8[%parallel_loop3A_62, %parallel_loop3A_63] {strides = array<i32>} : memref<32x64xf32, #tpu.memory_space<vmem>>, vector<16xf32>,
        %parallel_loop3A_65 = arith.constant 1536 : i32
        %parallel_loop3A_66 = arith.addi %parallel_loop3A_65, %parallel_loop3A_40 : i32
        %parallel_loop3A_67 = vector.broadcast %parallel_loop3A_66 : i32 to vector<16xi32>
        %parallel_loop3A_68 = arith.addi %mul3A_3, %parallel_loop3A_67 : vector<16xi32>
        tpu.vector_store_idx %arg9[%parallel_loop3A_68], %parallel_loop3A_64 : memref<2048xf32, #tpu.memory_space<vmem>>[vector<16xi32>], vector<16xf32>,
      } {sc.loop_unroll_factor = 4 : i64, sc.parallel_access}
      "tpu.region"() ({
        %run_scoped3A = tpu.sem_alloc : memref<!tpu.dma_semaphore, #tpu.memory_space<semaphore_mem>>
        %dma_start3A = arith.constant 31997952 : i32
        %dma_start3A_40 = tpu.memref_slice %arg3[%dma_start3A] : memref<32000000xf32, #tpu.memory_space<hbm>> -> memref<2048xf32, #tpu.memory_space<hbm>>
        %dma_start3A_41 = arith.constant 31997952 : i32
        %dma_start3A_42 = tpu.memref_slice %arg3[%dma_start3A_41] : memref<32000000xf32, #tpu.memory_space<hbm>> -> memref<2048xf32, #tpu.memory_space<hbm>>
        tpu.enqueue_dma source(%arg9 : memref<2048xf32, #tpu.memory_space<vmem>>) target(%dma_start3A_42 : memref<2048xf32, #tpu.memory_space<hbm>>) target_semaphore(%run_scoped3A : memref<!tpu.dma_semaphore, #tpu.memory_space<semaphore_mem>>)
        %dma_wait3A_43 = arith.constant 31997952 : i32
        %dma_wait3A_44 = tpu.memref_slice %arg3[%dma_wait3A_43] : memref<32000000xf32, #tpu.memory_space<hbm>> -> memref<2048xf32, #tpu.memory_space<hbm>>
        %dma_wait3A_45 = arith.constant 31997952 : i32
        %dma_wait3A_46 = tpu.memref_slice %arg3[%dma_wait3A_45] : memref<32000000xf32, #tpu.memory_space<hbm>> -> memref<2048xf32, #tpu.memory_space<hbm>>
        tpu.wait_dma2 semaphore(%run_scoped3A : memref<!tpu.dma_semaphore, #tpu.memory_space<semaphore_mem>>) src(%arg9 : memref<2048xf32, #tpu.memory_space<vmem>>) dst(%dma_wait3A_46 : memref<2048xf32, #tpu.memory_space<hbm>>)
        tpu.yield
      }) : () -> ()
    } else {
    }
    return
  }
}

</mosaic_0001>

<sc_bundles>
// kernel: _repack.3.cloned.1.call-start
scs
__scs_entry_jumppad:
0x0: {  	(pc) =	sbr.rel $0x88, $3  }
0x1: {  	(tag) =	ssettag $0x0;
	lr =	simm.s32 $0x1  }
0x2: {  	[smem:$0x3FA0] =	sst lr;
	_ =	strace $0xD0000000  }
0x3: {  	_ = 	snop  }
0x4: {  	_ = 	snop  }
0x5: {  	_ = 	snop  }
0x6: {  	_ = 	snop  }
0x7: {  	_ = 	snop  }
__scs_overlays_trampoline_lowered:
0x8: {  	[smem:$0x3FAF] =	sst s0  }
0x9: {  	[smem:$0x3FB0] =	sst s1  }
0xa: {  	[smem:$0x3FB1] =	sst s2  }
0xb: {  	[smem:$0x3FB2] =	sst s3  }
0xc: {  	[smem:$0x3FB3] =	sst s4  }
0xd: {  	[smem:$0x3FB4] =	sst s5  }
0xe: {  	[smem:$0x3FB5] =	sst s6  }
0xf: {  	[smem:$0x3FB6] =	sst s7  }
0x10: {  	[smem:$0x3FB7] =	sst s8  }
0x11: {  	[smem:$0x3FB8] =	sst s9;
	s0 =	simm.s32 @!p0 $0x0  }
0x12: {  	s1 =	sld [smem:$0x3F9E];
	s0 =	simm.s32 @p0 $0x1  }
0x13: {  	[smem:$0x3FB9] =	sst s0;
	s0 =	simm.s32 @!p1 $0x0  }
0x14: {  	s2 =	sld [smem:$0x3F9D];
	s0 =	simm.s32 @p1 $0x1  }
0x15: {  	[smem:$0x3FBA] =	sst s0;
	s0 =	simm.s32 @!p2 $0x0  }
0x16: {  	s3 =	sld [smem:$0x3FDB];
	s0 =	simm.s32 @p2 $0x1  }
0x17: {  	s4 =	simm.s32 $0x1BF5;
	[smem:$0x3FBC] =	sst s0  }
0x18: {  	s0 =	sld [smem:$0x3F9F];
	_ =	swait.ge [sflag:s4], $0x0  }
0x19: {  	s7 =	sld [smem:$0x3FA0]  }
0x1a: {  	s8 =	sadd.s32 $0xFFFFE003, lr  }
0x1b: {  	s9 =	sadd.s32 $0xFFFFFEF7, lr;
	s5 =	simm.s32 $0xFFFFFFFF;
	p2 =	slt.u32 s8, $0xFFFFF086  }
0x1c: {  	p1 =	slt.u32 s9, $0xF7A;
	s5 =	simm.s32 @!p2 $0x0  }
0x1d: {  	s5 =	simm.s32 @p1 $0x1;
	p0 =	seq.s32 s7, s2  }
0x1e: {  	s7 =	smul.u32 @!p0 $0xF7A, s2;
	p2 =	seq.s32 @!p0 s5, $0x0  }
0x1f: {  	s9 =	smul.u32 $0xF7A, s1;
	s8 =	simm.s32 @!p0 $0x1BF5;
	p2 =	por !p2, p0  }
0x20: {  	[sflag:s8] =	ssyncset.s32 @!p0 $0xFFFFF086;
	s6 =	sadd.s32 @!p0 s3, s7;
	s7 =	simm.s32 @!p0 $0x108  }
0x21: {  	s3 =	sadd.s32 s3, s9;
	s6 =	sadd.s32 @!p0 $0x88, s6;
	s7 =	simm.s32 @p2 $0x1082  }
0x22: {  	[simem:s7], [sflag:s8] =	dma.local @!p0 [hbm:s6], $0xF7A  }
0x23: {  	s9 =	sor.u32 $0xD0000000, s2;
	s6 =	simm.s32 $0x108;
	_ =	swait.ge @!p0 [sflag:s8], $0x0  }
0x24: {  	s3 =	sadd.s32 $0x88, s3;
	s6 =	simm.s32 @!p1 $0x1082;
	[sflag:s4] =	ssyncset.s32 $0xFFFFF086  }
0x25: {  	[simem:s6], [sflag:s4] =	dma.local [hbm:s3], $0xF7A  }
0x26: {  	[smem:$0x3FA0] =	sst s1;
	(tag) =	ssettag s2;
	_ =	strace s9  }
0x27: {  	s1 =	sld [smem:$0x3FB0]  }
0x28: {  	s2 =	sld [smem:$0x3FB1]  }
0x29: {  	s4 =	sld [smem:$0x3FB3]  }
0x2a: {  	p0 =	seq.s32 s5, $0x0;
	s5 =	sld [smem:$0x3FB4]  }
0x2b: {  	s6 =	sld [smem:$0x3FB5]  }
0x2c: {  	s7 =	sld [smem:$0x3FB6]  }
0x2d: {  	s3 =	simm.s32 $0x108;
	s8 =	sld [smem:$0x3FB7]  }
0x2e: {  	s3 =	simm.s32 @!p0 $0x1082;
	s9 =	sld [smem:$0x3FB8]  }
0x2f: {  	lr =	sadd.s32 s0, s3;
	s0 =	sld [smem:$0x3FAF]  }
0x30: {  	s3 =	sld [smem:$0x3FB2]  }
0x31: {  	[smem:$0x3FBB] =	sst s10  }
0x32: {  	s10 =	sld [smem:$0x3FB9];
	_ =	sdelay $0x3  }
0x33: {  	p0 =	seq.s32 s10, $0x1;
	s10 =	sld [smem:$0x3FBB];
	_ =	sdelay $0x3  }
0x34: {  	[smem:$0x3FBB] =	sst s10  }
0x35: {  	s10 =	sld [smem:$0x3FBA];
	_ =	sdelay $0x3  }
0x36: {  	p1 =	seq.s32 s10, $0x1;
	s10 =	sld [smem:$0x3FBB];
	_ =	sdelay $0x3  }
0x37: {  	[smem:$0x3FBB] =	sst s10  }
0x38: {  	s10 =	sld [smem:$0x3FBC]  }
0x39: {  	_ = 	snop;
	(pc) =	sbr.ind lr, $3  }
0x3a: {  	_ = 	snop  }
0x3b: {  	_ = 	snop  }
0x3c: {  	p2 =	seq.s32 s10, $0x1;
	s10 =	sld [smem:$0x3FBB]  }
0x3d: {  	_ =	shalt  }
0x3e: {  	_ =	shalt  }
0x3f: {  	_ =	shalt  }
0x40: {  	_ =	shalt  }
0x41: {  	_ =	shalt  }
0x42: {  	_ =	shalt  }
0x43: {  	_ =	shalt  }
0x44: {  	_ =	shalt  }
0x45: {  	_ =	shalt  }
0x46: {  	_ =	shalt  }
0x47: {  	_ =	shalt  }
0x48: {  	_ =	shalt  }
0x49: {  	_ =	shalt  }
0x4a: {  	_ =	shalt  }
0x4b: {  	_ =	shalt  }
0x4c: {  	_ =	shalt  }
0x4d: {  	_ =	shalt  }
0x4e: {  	_ =	shalt  }
0x4f: {  	_ =	shalt  }
0x50: {  	_ =	shalt  }
0x51: {  	_ =	shalt  }
0x52: {  	_ =	shalt  }
0x53: {  	_ =	shalt  }
0x54: {  	_ =	shalt  }
0x55: {  	_ =	shalt  }
0x56: {  	_ =	shalt  }
0x57: {  	_ =	shalt  }
0x58: {  	_ =	shalt  }
0x59: {  	_ =	shalt  }
0x5a: {  	_ =	shalt  }
0x5b: {  	_ =	shalt  }
0x5c: {  	_ =	shalt  }
0x5d: {  	_ =	shalt  }
0x5e: {  	_ =	shalt  }
0x5f: {  	_ =	shalt  }
0x60: {  	_ =	shalt  }
0x61: {  	_ =	shalt  }
0x62: {  	_ =	shalt  }
0x63: {  	_ =	shalt  }
0x64: {  	_ =	shalt  }
0x65: {  	_ =	shalt  }
0x66: {  	_ =	shalt  }
0x67: {  	_ =	shalt  }
0x68: {  	_ =	shalt  }
0x69: {  	_ =	shalt  }
0x6a: {  	_ =	shalt  }
0x6b: {  	_ =	shalt  }
0x6c: {  	_ =	shalt  }
0x6d: {  	_ =	shalt  }
0x6e: {  	_ =	shalt  }
0x6f: {  	_ =	shalt  }
0x70: {  	_ =	shalt  }
0x71: {  	_ =	shalt  }
0x72: {  	_ =	shalt  }
0x73: {  	_ =	shalt  }
0x74: {  	_ =	shalt  }
0x75: {  	_ =	shalt  }
0x76: {  	_ =	shalt  }
0x77: {  	_ =	shalt  }
0x78: {  	_ =	shalt  }
0x79: {  	_ =	shalt  }
0x7a: {  	_ =	shalt  }
0x7b: {  	_ =	shalt  }
0x7c: {  	_ =	shalt  }
0x7d: {  	_ =	shalt  }
0x7e: {  	_ =	shalt  }
0x7f: {  	_ =	shalt  }
0x80: {  	_ =	shalt  }
0x81: {  	_ =	shalt  }
0x82: {  	_ =	shalt  }
0x83: {  	_ =	shalt  }
0x84: {  	_ =	shalt  }
0x85: {  	_ =	shalt  }
0x86: {  	_ =	shalt  }
0x87: {  	_ =	shalt  }
.Lfunc_end0:
.L_simem_size_0:
called_computation_lowered:
.L_overlay_start_0:
0x88: {  	s2 =	sld [smem:$0x3FD9]  }
0x89: {  	s3 =	sld [smem:$0x3FFE];
	_ =	sdelay $0x1  }
0x8a: {  	s1 =	srdreg.scid  }
0x8b: {  	s0 =	sand.u32 $0x1, s1  }
0x8c: {  	s18 =	sshll.u32 s0, $0xA;
	s2 =	sadd.s32 s3, s2  }
0x8d: {  	s2 =	sadd.s32 s2, s18  }
0x8e: {  	[smem:$0x3FC7] =	sst s2  }
0x8f: {  	_ = 	snop  }
0x90: {  	s2 =	sld [smem:$0x3FC9]  }
0x91: {  	s19 =	sld [smem:$0x3FD0];
	(tm) =	ssettm $0x1  }
0x92: {  	s4 =	sld [smem:$0x3FFB];
	_ =	sdelay $0x3  }
0x93: {  	_ =	strace s4  }
0x94: {  	s4 =	sld [smem:$0x3FFC];
	_ =	sdelay $0x3  }
0x95: {  	_ =	strace s4  }
0x96: {  	s4 =	sld [smem:$0x3FFD];
	_ =	sdelay $0x3  }
0x97: {  	_ =	strace s4  }
0x98: {  	_ =	strace $0x8FFFFFFF  }
0x99: {  	s20 =	sld [smem:$0x3FDB];
	_ =	sdelay $0x1  }
0x9a: {  	s5 =	simm.s32 $_scs_section_size  }
0x9b: {  	s6 =	simm.s32 $_size__tile_overlayer_lowered;
	s7 =	simm.s32 $_tile_overlayer_lowered  }
0x9c: {  	s23 =	simm.s32 $0x1BFF;
	s22 =	sshll.u32 s7, $0x1;
	s4 =	sadd.s32 s5, s20  }
0x9d: {  	s8 =	simm.s32 $0x0;
	s21 =	sshll.u32 s6, $0x1;
	s6 =	sadd.s32 s22, s4  }
0x9e: {  	[timem:s8], [sflag:s23] =	dma.local [hbm:s6], s21  }
0x9f: {  	_ =	swait.ge [sflag:s23], s21  }
0xa0: {  	s5 =	ssub.s32 $0x0, s21;
	[sflag:s23] =	ssyncset.done $0x0  }
0xa1: {  	[sflag:s23] =	ssyncadd.s32 s5;
	_ =	sdelay $0x1  }
0xa2: {  	s24 =	simm.s32 $0x1B8B  }
0xa3: {  	_ =	swait.ge [sflag:s24], $0x1  }
0xa4: {  	[sflag:s24] =	ssyncset.done $0x0  }
0xa5: {  	s25 =	simm.s32 $0x1B8E;
	[sflag:s24] =	ssyncadd.s32 $0xFFFFFFFF  }
0xa6: {  	s26 =	simm.s32 $execute0_lowered;
	[smem:$0x3FD2] =	sst s25  }
0xa7: {  	s5 =	sshll.u32 s26, $0x1;
	_ =	strace $0x80000046;
	[dreg:$0x1] =	wrdreg $0xFFFFFFFF  }
0xa8: {  	s28 =	simm.s32 $_size_execute0_lowered;
	s4 =	sadd.s32 s4, s5;
	[dreg:$0x0] =	wrdreg $0x0  }
0xa9: {  	s5 =	sshll.u32 s28, $0x1;
	[dreg:$0x2] =	wrdreg s4  }
0xaa: {  	[dreg:$0x3] =	wrdreg s5  }
0xab: {  	[dreg:$0x4] =	wrdreg $0xC0  }
0xac: {  	_ =	task [dreg:s8], $0x5FFFF  }
0xad: {  	[dreg:$0x1] =	wrdreg $0xFFFFFFFF  }
0xae: {  	[dreg:$0x0] =	wrdreg $0x60  }
0xaf: {  	[dreg:$0x2] =	wrdreg s2  }
0xb0: {  	[dreg:$0x3] =	wrdreg s19  }
0xb1: {  	[dreg:$0x4] =	wrdreg $0x9  }
0xb2: {  	_ =	task.clear_ibuf [dreg:s8], $0x5FFFF;
	_ =	strace $0x90000046  }
0xb3: {  	s29 =	simm.s32 $0x9;
	_ =	strace $0x80000048  }
0xb4: {  	_ =	swait.ge [sflag:s29], $0x1  }
0xb5: {  	[sflag:s29] =	ssyncadd.s32 $0xFFFFFFFF  }
0xb6: {  	_ =	strace $0x90000048  }
0xb7: {  	_ =	sfence  }
0xb8: {  	s30 =	sld [smem:$0x0];
	_ =	sdelay $0x2  }
0xb9: {  	s31 =	sshll.u32 s1, $0xD;
	s1 =	sshrl.u32 s1, $0x2  }
0xba: {  	s3 =	sand.u32 $0x4000, s31;
	s1 =	sadd.s32 s1, s30  }
0xbb: {  	s0 =	sor.u32 s3, s0;
	s1 =	sshll.u32 s1, $0x11  }
0xbc: {  	s0 =	sor.u32 s1, s0  }
0xbd: {  	s0 =	sadd.s32 $0x8F2B, s0  }
0xbe: {  	[sflag:s0] =	ssyncadd.remote.s32 $0x1  }
0xbf: {  	_ =	sfence.sel $0xFFFF  }
0xc0: {  	[dreg:$0x0] =	wrdreg $0xFFFFFFFF;
	(pc) =	sbr.abs _section_cstart, $3  }
0xc1: {  	[dreg:$0x1] =	wrdreg $0xFFFFFFFF  }
0xc2: {  	_ =	task.clear_ibuf [dreg:s8], $0x2FFFF;
	_ =	strace $0x9FFFFFFF  }
0xc3: {  	(tm) =	ssettm $0x7FFFFFFF  }
tec
execute0_lowered:
.L_overlay_start_1:
0x0: {  	(tag) =	ssettag $0x1  }
0x1: {  	s3 =	rddreg [dreg:$0x0]  }
0x2: {  	s4 =	rddreg [dreg:$0x1]  }
0x3: {  	s0 =	srdreg.scid;
	s1 =	stileid.u32;
	s5 =	simm.s32 $0x0  }
0x4: {  	s0 =	sand.u32 $0x1, s0;
	s1 =	sshll.u32 s1, $0x1;
	[smem:$0x7FF] =	sst s5  }
0x5: {  	s29 =	sadd.s32 $0xF4200, s3;
	s31 =	sadd.s32 $0x3D0800, s4;
	s2 =	ssub.s32 $0x2, s0  }
0x6: {  	s6 =	sor.u32 s0, s1;
	_ =	strace $0x80000047;
	[smem:$0x7FA] =	sst s29  }
.Ltmp0:
0x7: {  	[smem:$0x7FB] =	sst s31;
	s26 =	sshrl.u32 s2, $0x1;
	(pc) =	sbr.rel .LBB2_1-.Ltmp0, $4  }
0x8: {  	s1 =	sshll.u32 s6, $0x9;
	s28 =	sor.u32 $0x40, s6;
	[smem:$0x7FD] =	sst s6  }
0x9: {  	v0 =	vlaneseq.u32;
	s0 =	ssub.s32 s2, s26;
	s1 =	sadd.s32 s3, s1;
	[smem:$0x7F9] =	sst s28  }
0xa: {  	s30 =	simm.s32 $0x8000;
	v0 =	vmul.u32 $0x20, v0;
	[smem:$0x7F8] =	sst s1;
	s0 =	smax.u32 s0, $0x1  }
0xb: {  	p0 =	sne.s32 s6, $0x0;
	s1 =	simm.s32 $0x0;
	[smem:$0x7FC] =	sst s0  }
.LBB2_9:
0xc: {  	s0 =	simm.s32 $0x3  }
0xd: {  	_ =	swait.ge [sflag:s0], $0x4000  }
.Ltmp1:
0xe: {  	[sflag:s0] =	ssyncset.done $0x0;
	(pc) =	sbr.rel @!p0 .LBB2_10-.Ltmp1, $4  }
0xf: {  	s31 =	simm.s32 $0x4;
	[sflag:s0] =	ssyncadd.s32 $0xFFFFC000  }
0x10: {  	_ =	swait.ge [sflag:s31], $0x4000  }
0x11: {  	[sflag:s31] =	ssyncset.done $0x0  }
0x12: {  	s7 =	simm.s32 $0x11000;
	s1 =	sld [smem:$0x7F7];
	[sflag:s31] =	ssyncadd.s32 $0xFFFFC000  }
.LBB2_13:
0x13: {  	s0 =	sld [smem:$0x7FC];
	_ =	sdelay $0x1  }
0x14: {  	s1 =	sadd.s32 $0x1, s1  }
0x15: {  	p1 =	sne.s32 s1, s0  }
.Ltmp2:
0x16: {  	_ = 	snop;
	(pc) =	sbr.rel @!p1 .LBB2_14-.Ltmp2, $1  }
0x17: {  	_ =	sdelay $0x3  }
.LBB2_1:
.Ltmp3:
0x18: {  	(pc) =	sbr.rel .LBB2_2-.Ltmp3, $4  }
0x19: {  	s31 =	sld [smem:$0x7F8]  }
0x1a: {  	[smem:$0x7F7] =	sst s1;
	s0 =	simm.s32 $0x0  }
0x1b: {  	s2 =	simm.s32 $0x1000;
	s3 =	simm.s32 $0x7A1400;
	s4 =	simm.s32 $0x0  }
0x1c: {  	[tilespmem:s0], [sflag:$0x1] =	stream.strided.gather [hbm4b:s31+s2], $0x4000, s3, s2, $0x38;
	[tilespmem:$0x11800] =	vst v63  }
.LBB2_8:
0x1d: {  	s4 =	sld [smem:$0x7E1];
	_ =	sdelay $0x2  }
0x1e: {  	s4 =	sadd.s32 $0x1, s4  }
0x1f: {  	p1 =	sne.s32 s4, $0x1F  }
.Ltmp4:
0x20: {  	_ = 	snop;
	(pc) =	sbr.rel @!p1 .LBB2_9-.Ltmp4, $1  }
0x21: {  	_ =	sdelay $0x3  }
.LBB2_2:
0x22: {  	s0 =	sld [smem:$0x7FD];
	_ =	sdelay $0x1  }
0x23: {  	s1 =	sshll.u32 s4, $0x6  }
0x24: {  	[smem:$0x7DE] =	sst s1;
	s0 =	sor.u32 s0, s1  }
0x25: {  	[smem:$0x7DF] =	sst s0;
	s0 =	sor.u32 $0x20, s0  }
0x26: {  	s13 =	simm.s32 $0x1;
	s1 =	rddreg [dreg:$0x0];
	p2 =	sgt.u32 s0, $0x7A0  }
0x27: {  	[smem:$0x7E0] =	sst s0;
	s0 =	sshll.u32 @!p2 s0, $0x9;
	s2 =	simm.s32 @!p2 $0x7A1400  }
0x28: {  	s3 =	simm.s32 @!p2 $0x4000;
	s0 =	sadd.s32 @!p2 s1, s0;
	s1 =	simm.s32 @!p2 $0x1000  }
0x29: {  	[tilespmem:s3], [sflag:$0x2] =	stream.strided.gather @!p2 [hbm4b:s0+s1], $0x4000, s2, s1, $0x38;
	[tilespmem:$0x11800] =	vst v63  }
0x2a: {  	p1 =	seq.s32 s4, $0x0;
	_ =	swait.ge [sflag:s13], $0x4000  }
0x2b: {  	s14 =	simm.s32 $0x100;
	s15 =	simm.s32 $0x2;
	[sflag:s13] =	ssyncset.done $0x0  }
0x2c: {  	s1 =	simm.s32 @!p1 $0x3;
	[smem:$0x7E1] =	sst s4;
	[sflag:s13] =	ssyncadd.s32 $0xFFFFC000  }
0x2d: {  	s16 =	simm.s32 $0x0;
	s0 =	simm.s32 $0x0;
	_ =	swait.ge @!p1 [sflag:s1], $0x4000  }
0x2e: {  	s2 =	sand.u32 $0x300, s14;
	s5 =	sand.u32 $0x3000, s0;
	[sflag:s1] =	ssyncset.done @!p1 $0x0  }
0x2f: {  	s17 =	sand.u32 $0x200, s16;
	s4 =	sor.u32 s2, s5;
	[sflag:s1] =	ssyncadd.s32 @!p1 $0xFFFFC000  }
0x30: {  	s18 =	simm.s32 $0x80;
	v2 =	vor.u32 s15, v0;
	s3 =	sor.u32 s17, s5;
	v1 =	vld [tilespmem:s4+$0x0]  }
0x31: {  	s19 =	sand.u32 $0x280, s18;
	v4 =	vor.u32 s0, v0;
	v3 =	vld [tilespmem:s3+$0x0]  }
0x32: {  	s6 =	simm.s32 $0x180;
	s7 =	simm.s32 $0x1;
	s2 =	sor.u32 s19, s5  }
0x33: {  	s20 =	sand.u32 $0x380, s6;
	v6 =	vor.u32 s7, v0;
	v5 =	vld [tilespmem:s2+$0x0]  }
0x34: {  	s22 =	simm.s32 $0x3;
	s1 =	sor.u32 s20, s5  }
0x35: {  	s21 =	simm.s32 $0x202;
	v8 =	vor.u32 s22, v0;
	v7 =	vld [tilespmem:s1+$0x0];
	[tilespmem:v2+s30+$0x0] =	vst.idx.msk $0xffff, v1  }
0x36: {  	s23 =	simm.s32 $0x200;
	v2 =	vor.u32 s21, v0;
	[tilespmem:v4+s30+$0x0] =	vst.idx.msk $0xffff, v3;
	v1 =	vld [tilespmem:s4+$0x10]  }
0x37: {  	v4 =	vor.u32 s23, v0;
	v3 =	vld [tilespmem:s3+$0x10]  }
0x38: {  	s24 =	simm.s32 $0x201;
	[tilespmem:v6+s30+$0x0] =	vst.idx.msk $0xffff, v5  }
0x39: {  	v6 =	vor.u32 s24, v0;
	v5 =	vld [tilespmem:s2+$0x10]  }
0x3a: {  	s26 =	simm.s32 $0x203;
	[tilespmem:v8+s30+$0x0] =	vst.idx.msk $0xffff, v7  }
0x3b: {  	s25 =	simm.s32 $0x402;
	v8 =	vor.u32 s26, v0;
	v7 =	vld [tilespmem:s1+$0x10];
	[tilespmem:v2+s30+$0x0] =	vst.idx.msk $0xffff, v1  }
0x3c: {  	s7 =	simm.s32 $0x400;
	v2 =	vor.u32 s25, v0;
	[tilespmem:v4+s30+$0x0] =	vst.idx.msk $0xffff, v3;
	v1 =	vld [tilespmem:s4+$0x20]  }
0x3d: {  	v4 =	vor.u32 s7, v0;
	v3 =	vld [tilespmem:s3+$0x20]  }
0x3e: {  	s8 =	simm.s32 $0x401;
	[tilespmem:v6+s30+$0x0] =	vst.idx.msk $0xffff, v5  }
0x3f: {  	v6 =	vor.u32 s8, v0;
	v5 =	vld [tilespmem:s2+$0x20]  }
0x40: {  	s10 =	simm.s32 $0x403;
	[tilespmem:v8+s30+$0x0] =	vst.idx.msk $0xffff, v7  }
0x41: {  	s9 =	simm.s32 $0x602;
	v8 =	vor.u32 s10, v0;
	v7 =	vld [tilespmem:s1+$0x20];
	[tilespmem:v2+s30+$0x0] =	vst.idx.msk $0xffff, v1  }
0x42: {  	s11 =	simm.s32 $0x600;
	v2 =	vor.u32 s9, v0;
	[tilespmem:v4+s30+$0x0] =	vst.idx.msk $0xffff, v3;
	v1 =	vld [tilespmem:s4+$0x30]  }
0x43: {  	v4 =	vor.u32 s11, v0;
	v3 =	vld [tilespmem:s3+$0x30]  }
0x44: {  	s12 =	simm.s32 $0x601;
	[tilespmem:v6+s30+$0x0] =	vst.idx.msk $0xffff, v5  }
0x45: {  	v6 =	vor.u32 s12, v0;
	v5 =	vld [tilespmem:s2+$0x30]  }
0x46: {  	s14 =	simm.s32 $0x603;
	[tilespmem:v8+s30+$0x0] =	vst.idx.msk $0xffff, v7  }
0x47: {  	s13 =	simm.s32 $0x802;
	v8 =	vor.u32 s14, v0;
	v7 =	vld [tilespmem:s1+$0x30];
	[tilespmem:v2+s30+$0x0] =	vst.idx.msk $0xffff, v1  }
0x48: {  	s15 =	simm.s32 $0x800;
	v2 =	vor.u32 s13, v0;
	[tilespmem:v4+s30+$0x0] =	vst.idx.msk $0xffff, v3;
	v1 =	vld [tilespmem:s4+$0x40]  }
0x49: {  	v4 =	vor.u32 s15, v0;
	v3 =	vld [tilespmem:s3+$0x40]  }
0x4a: {  	s16 =	simm.s32 $0x801;
	[tilespmem:v6+s30+$0x0] =	vst.idx.msk $0xffff, v5  }
0x4b: {  	v6 =	vor.u32 s16, v0;
	v5 =	vld [tilespmem:s2+$0x40]  }
0x4c: {  	s18 =	simm.s32 $0x803;
	[tilespmem:v8+s30+$0x0] =	vst.idx.msk $0xffff, v7  }
0x4d: {  	s17 =	simm.s32 $0xA02;
	v8 =	vor.u32 s18, v0;
	v7 =	vld [tilespmem:s1+$0x40];
	[tilespmem:v2+s30+$0x0] =	vst.idx.msk $0xffff, v1  }
0x4e: {  	s19 =	simm.s32 $0xA00;
	v2 =	vor.u32 s17, v0;
	[tilespmem:v4+s30+$0x0] =	vst.idx.msk $0xffff, v3;
	v1 =	vld [tilespmem:s4+$0x50]  }
0x4f: {  	v4 =	vor.u32 s19, v0;
	v3 =	vld [tilespmem:s3+$0x50]  }
0x50: {  	s20 =	simm.s32 $0xA01;
	[tilespmem:v6+s30+$0x0] =	vst.idx.msk $0xffff, v5  }
0x51: {  	v6 =	vor.u32 s20, v0;
	v5 =	vld [tilespmem:s2+$0x50]  }
0x52: {  	s22 =	simm.s32 $0xA03;
	[tilespmem:v8+s30+$0x0] =	vst.idx.msk $0xffff, v7  }
0x53: {  	s21 =	simm.s32 $0xC02;
	v8 =	vor.u32 s22, v0;
	v7 =	vld [tilespmem:s1+$0x50];
	[tilespmem:v2+s30+$0x0] =	vst.idx.msk $0xffff, v1  }
0x54: {  	s23 =	simm.s32 $0xC00;
	v2 =	vor.u32 s21, v0;
	[tilespmem:v4+s30+$0x0] =	vst.idx.msk $0xffff, v3;
	v1 =	vld [tilespmem:s4+$0x60]  }
0x55: {  	v4 =	vor.u32 s23, v0;
	v3 =	vld [tilespmem:s3+$0x60]  }
0x56: {  	s24 =	simm.s32 $0xC01;
	[tilespmem:v6+s30+$0x0] =	vst.idx.msk $0xffff, v5  }
0x57: {  	v6 =	vor.u32 s24, v0;
	v5 =	vld [tilespmem:s2+$0x60]  }
0x58: {  	s26 =	simm.s32 $0xC03;
	[tilespmem:v8+s30+$0x0] =	vst.idx.msk $0xffff, v7  }
0x59: {  	s25 =	simm.s32 $0xE02;
	v8 =	vor.u32 s26, v0;
	v7 =	vld [tilespmem:s1+$0x60];
	[tilespmem:v2+s30+$0x0] =	vst.idx.msk $0xffff, v1  }
0x5a: {  	s6 =	simm.s32 $0xE00;
	v2 =	vor.u32 s25, v0;
	[tilespmem:v4+s30+$0x0] =	vst.idx.msk $0xffff, v3;
	v1 =	vld [tilespmem:s4+$0x70]  }
0x5b: {  	v4 =	vor.u32 s6, v0;
	v3 =	vld [tilespmem:s3+$0x70]  }
0x5c: {  	s7 =	simm.s32 $0xE01;
	[tilespmem:v6+s30+$0x0] =	vst.idx.msk $0xffff, v5  }
0x5d: {  	v6 =	vor.u32 s7, v0;
	v5 =	vld [tilespmem:s2+$0x70]  }
0x5e: {  	s9 =	simm.s32 $0xE03;
	[tilespmem:v8+s30+$0x0] =	vst.idx.msk $0xffff, v7  }
0x5f: {  	s8 =	simm.s32 $0x1002;
	v8 =	vor.u32 s9, v0;
	v7 =	vld [tilespmem:s1+$0x70];
	[tilespmem:v2+s30+$0x0] =	vst.idx.msk $0xffff, v1  }
0x60: {  	s10 =	simm.s32 $0x1000;
	v2 =	vor.u32 s8, v0;
	[tilespmem:v4+s30+$0x0] =	vst.idx.msk $0xffff, v3;
	v1 =	vld [tilespmem:s4+$0x400]  }
0x61: {  	v4 =	vor.u32 s10, v0;
	v3 =	vld [tilespmem:s3+$0x400]  }
0x62: {  	s11 =	simm.s32 $0x1001;
	[tilespmem:v6+s30+$0x0] =	vst.idx.msk $0xffff, v5  }
0x63: {  	v6 =	vor.u32 s11, v0;
	v5 =	vld [tilespmem:s2+$0x400]  }
0x64: {  	s13 =	simm.s32 $0x1003;
	[tilespmem:v8+s30+$0x0] =	vst.idx.msk $0xffff, v7  }
0x65: {  	s12 =	simm.s32 $0x1202;
	v8 =	vor.u32 s13, v0;
	v7 =	vld [tilespmem:s1+$0x400];
	[tilespmem:v2+s30+$0x0] =	vst.idx.msk $0xffff, v1  }
0x66: {  	s14 =	simm.s32 $0x1200;
	v2 =	vor.u32 s12, v0;
	[tilespmem:v4+s30+$0x0] =	vst.idx.msk $0xffff, v3;
	v1 =	vld [tilespmem:s4+$0x410]  }
0x67: {  	v4 =	vor.u32 s14, v0;
	v3 =	vld [tilespmem:s3+$0x410]  }
0x68: {  	s15 =	simm.s32 $0x1201;
	[tilespmem:v6+s30+$0x0] =	vst.idx.msk $0xffff, v5  }
0x69: {  	v6 =	vor.u32 s15, v0;
	v5 =	vld [tilespmem:s2+$0x410]  }
0x6a: {  	s17 =	simm.s32 $0x1203;
	[tilespmem:v8+s30+$0x0] =	vst.idx.msk $0xffff, v7  }
0x6b: {  	s16 =	simm.s32 $0x1402;
	v8 =	vor.u32 s17, v0;
	v7 =	vld [tilespmem:s1+$0x410];
	[tilespmem:v2+s30+$0x0] =	vst.idx.msk $0xffff, v1  }
0x6c: {  	s18 =	simm.s32 $0x1400;
	v2 =	vor.u32 s16, v0;
	[tilespmem:v4+s30+$0x0] =	vst.idx.msk $0xffff, v3;
	v1 =	vld [tilespmem:s4+$0x420]  }
0x6d: {  	v4 =	vor.u32 s18, v0;
	v3 =	vld [tilespmem:s3+$0x420]  }
0x6e: {  	s19 =	simm.s32 $0x1401;
	[tilespmem:v6+s30+$0x0] =	vst.idx.msk $0xffff, v5  }
0x6f: {  	v6 =	vor.u32 s19, v0;
	v5 =	vld [tilespmem:s2+$0x420]  }
0x70: {  	s21 =	simm.s32 $0x1403;
	[tilespmem:v8+s30+$0x0] =	vst.idx.msk $0xffff, v7  }
0x71: {  	s20 =	simm.s32 $0x1602;
	v8 =	vor.u32 s21, v0;
	v7 =	vld [tilespmem:s1+$0x420];
	[tilespmem:v2+s30+$0x0] =	vst.idx.msk $0xffff, v1  }
0x72: {  	s22 =	simm.s32 $0x1600;
	v2 =	vor.u32 s20, v0;
	[tilespmem:v4+s30+$0x0] =	vst.idx.msk $0xffff, v3;
	v1 =	vld [tilespmem:s4+$0x430]  }
0x73: {  	v4 =	vor.u32 s22, v0;
	v3 =	vld [tilespmem:s3+$0x430]  }
0x74: {  	s23 =	simm.s32 $0x1601;
	[tilespmem:v6+s30+$0x0] =	vst.idx.msk $0xffff, v5  }
0x75: {  	v6 =	vor.u32 s23, v0;
	v5 =	vld [tilespmem:s2+$0x430]  }
0x76: {  	s25 =	simm.s32 $0x1603;
	[tilespmem:v8+s30+$0x0] =	vst.idx.msk $0xffff, v7  }
0x77: {  	s24 =	simm.s32 $0x1802;
	v8 =	vor.u32 s25, v0;
	v7 =	vld [tilespmem:s1+$0x430];
	[tilespmem:v2+s30+$0x0] =	vst.idx.msk $0xffff, v1  }
0x78: {  	s26 =	simm.s32 $0x1800;
	v2 =	vor.u32 s24, v0;
	[tilespmem:v4+s30+$0x0] =	vst.idx.msk $0xffff, v3;
	v1 =	vld [tilespmem:s4+$0x440]  }
0x79: {  	v4 =	vor.u32 s26, v0;
	v3 =	vld [tilespmem:s3+$0x440]  }
0x7a: {  	s6 =	simm.s32 $0x1801;
	[tilespmem:v6+s30+$0x0] =	vst.idx.msk $0xffff, v5  }
0x7b: {  	v6 =	vor.u32 s6, v0;
	v5 =	vld [tilespmem:s2+$0x440]  }
0x7c: {  	s8 =	simm.s32 $0x1803;
	[tilespmem:v8+s30+$0x0] =	vst.idx.msk $0xffff, v7  }
0x7d: {  	s7 =	simm.s32 $0x1A02;
	v8 =	vor.u32 s8, v0;
	v7 =	vld [tilespmem:s1+$0x440];
	[tilespmem:v2+s30+$0x0] =	vst.idx.msk $0xffff, v1  }
0x7e: {  	s9 =	simm.s32 $0x1A00;
	v2 =	vor.u32 s7, v0;
	[tilespmem:v4+s30+$0x0] =	vst.idx.msk $0xffff, v3;
	v1 =	vld [tilespmem:s4+$0x450]  }
0x7f: {  	v4 =	vor.u32 s9, v0;
	v3 =	vld [tilespmem:s3+$0x450]  }
0x80: {  	s10 =	simm.s32 $0x1A01;
	[tilespmem:v6+s30+$0x0] =	vst.idx.msk $0xffff, v5  }
0x81: {  	v6 =	vor.u32 s10, v0;
	v5 =	vld [tilespmem:s2+$0x450]  }
0x82: {  	s12 =	simm.s32 $0x1A03;
	[tilespmem:v8+s30+$0x0] =	vst.idx.msk $0xffff, v7  }
0x83: {  	s11 =	simm.s32 $0x1C02;
	v8 =	vor.u32 s12, v0;
	v7 =	vld [tilespmem:s1+$0x450];
	[tilespmem:v2+s30+$0x0] =	vst.idx.msk $0xffff, v1  }
0x84: {  	s13 =	simm.s32 $0x1C00;
	v2 =	vor.u32 s11, v0;
	[tilespmem:v4+s30+$0x0] =	vst.idx.msk $0xffff, v3;
	v1 =	vld [tilespmem:s4+$0x460]  }
0x85: {  	v4 =	vor.u32 s13, v0;
	v3 =	vld [tilespmem:s3+$0x460]  }
0x86: {  	s14 =	simm.s32 $0x1C01;
	[tilespmem:v6+s30+$0x0] =	vst.idx.msk $0xffff, v5  }
0x87: {  	v6 =	vor.u32 s14, v0;
	v5 =	vld [tilespmem:s2+$0x460]  }
0x88: {  	s16 =	simm.s32 $0x1C03;
	[tilespmem:v8+s30+$0x0] =	vst.idx.msk $0xffff, v7  }
0x89: {  	s15 =	simm.s32 $0x1E02;
	v8 =	vor.u32 s16, v0;
	v7 =	vld [tilespmem:s1+$0x460];
	[tilespmem:v2+s30+$0x0] =	vst.idx.msk $0xffff, v1  }
0x8a: {  	s17 =	sand.u32 $0x3, s0;
	s18 =	simm.s32 $0x1E00;
	v2 =	vor.u32 s15, v0;
	[tilespmem:v4+s30+$0x0] =	vst.idx.msk $0xffff, v3;
	v1 =	vld [tilespmem:s4+$0x470]  }
0x8b: {  	p3 =	por $0x0, $0x0;
	v4 =	vor.u32 s18, v0;
	s4 =	sshll.u32 s17, $0x8;
	v3 =	vld [tilespmem:s3+$0x470]  }
0x8c: {  	s20 =	simm.s32 $0x1E01;
	[tilespmem:v6+s30+$0x0] =	vst.idx.msk $0xffff, v5;
	s19 =	sadd.s32 $0x0, s4;
	s4 =	simm.s32 $0x1  }
0x8d: {  	s0 =	sand.u32 $0x7, s0;
	s22 =	simm.s32 $0x2002;
	v6 =	vor.u32 s20, v0;
	v5 =	vld [tilespmem:s2+$0x470];
	s4 =	simm.s32 @!p3 $0x0  }
0x8e: {  	s23 =	simm.s32 $0x1E03;
	[tilespmem:v8+s30+$0x0] =	vst.idx.msk $0xffff, v7;
	s7 =	sadd.s32 $0x100, s19;
	s4 =	sshll.u32 s4, $0x9  }
0x8f: {  	s24 =	sshll.u32 s0, $0x7;
	v8 =	vor.u32 s23, v0;
	v7 =	vld [tilespmem:s1+$0x470];
	s21 =	sor.u32 $0x800, s7;
	s0 =	sadd.s32 $0x0, s4;
	[tilespmem:v2+s30+$0x0] =	vst.idx.msk $0xffff, v1  }
0x90: {  	s26 =	simm.s32 $0x2000;
	s2 =	sadd.s32 $0x0, s24;
	v2 =	vor.u32 s22, v0;
	s25 =	sor.u32 $0x800, s0;
	[tilespmem:v4+s30+$0x0] =	vst.idx.msk $0xffff, v3;
	v1 =	vld [tilespmem:s21+$0x0]  }
0x91: {  	s1 =	sadd.s32 $0x80, s2;
	v4 =	vor.u32 s26, v0;
	v3 =	vld [tilespmem:s25+$0x0]  }
0x92: {  	s5 =	simm.s32 $0x2001;
	s4 =	sor.u32 $0x800, s1;
	[tilespmem:v6+s30+$0x0] =	vst.idx.msk $0xffff, v5  }
0x93: {  	s2 =	sadd.s32 $0x180, s2;
	v6 =	vor.u32 s5, v0;
	v5 =	vld [tilespmem:s4+$0x0]  }
0x94: {  	s10 =	simm.s32 $0x2003;
	s9 =	sor.u32 $0x800, s2;
	[tilespmem:v8+s30+$0x0] =	vst.idx.msk $0xffff, v7  }
0x95: {  	s8 =	simm.s32 $0x2202;
	s6 =	sor.u32 $0x810, s7;
	v8 =	vor.u32 s10, v0;
	v7 =	vld [tilespmem:s9+$0x0];
	[tilespmem:v2+s30+$0x0] =	vst.idx.msk $0xffff, v1  }
0x96: {  	s12 =	simm.s32 $0x2200;
	s11 =	sor.u32 $0x810, s0;
	v2 =	vor.u32 s8, v0;
	[tilespmem:v4+s30+$0x0] =	vst.idx.msk $0xffff, v3;
	v1 =	vld [tilespmem:s6+$0x0]  }
0x97: {  	v4 =	vor.u32 s12, v0;
	v3 =	vld [tilespmem:s11+$0x0]  }
0x98: {  	s14 =	simm.s32 $0x2201;
	s13 =	sor.u32 $0x810, s1;
	[tilespmem:v6+s30+$0x0] =	vst.idx.msk $0xffff, v5  }
0x99: {  	v6 =	vor.u32 s14, v0;
	v5 =	vld [tilespmem:s13+$0x0]  }
0x9a: {  	s18 =	simm.s32 $0x2203;
	s17 =	sor.u32 $0x810, s2;
	[tilespmem:v8+s30+$0x0] =	vst.idx.msk $0xffff, v7  }
0x9b: {  	s16 =	simm.s32 $0x2402;
	s15 =	sor.u32 $0x820, s7;
	v8 =	vor.u32 s18, v0;
	v7 =	vld [tilespmem:s17+$0x0];
	[tilespmem:v2+s30+$0x0] =	vst.idx.msk $0xffff, v1  }
0x9c: {  	s20 =	simm.s32 $0x2400;
	s19 =	sor.u32 $0x820, s0;
	v2 =	vor.u32 s16, v0;
	[tilespmem:v4+s30+$0x0] =	vst.idx.msk $0xffff, v3;
	v1 =	vld [tilespmem:s15+$0x0]  }
0x9d: {  	v4 =	vor.u32 s20, v0;
	v3 =	vld [tilespmem:s19+$0x0]  }
0x9e: {  	s22 =	simm.s32 $0x2401;
	s21 =	sor.u32 $0x820, s1;
	[tilespmem:v6+s30+$0x0] =	vst.idx.msk $0xffff, v5  }
0x9f: {  	v6 =	vor.u32 s22, v0;
	v5 =	vld [tilespmem:s21+$0x0]  }
0xa0: {  	s26 =	simm.s32 $0x2403;
	s25 =	sor.u32 $0x820, s2;
	[tilespmem:v8+s30+$0x0] =	vst.idx.msk $0xffff, v7  }
0xa1: {  	s24 =	simm.s32 $0x2602;
	s23 =	sor.u32 $0x830, s7;
	v8 =	vor.u32 s26, v0;
	v7 =	vld [tilespmem:s25+$0x0];
	[tilespmem:v2+s30+$0x0] =	vst.idx.msk $0xffff, v1  }
0xa2: {  	s5 =	sor.u32 $0x830, s0;
	s6 =	simm.s32 $0x2600;
	v2 =	vor.u32 s24, v0;
	[tilespmem:v4+s30+$0x0] =	vst.idx.msk $0xffff, v3;
	v1 =	vld [tilespmem:s23+$0x0]  }
0xa3: {  	v4 =	vor.u32 s6, v0;
	v3 =	vld [tilespmem:s5+$0x0]  }
0xa4: {  	s9 =	simm.s32 $0x2601;
	s8 =	sor.u32 $0x830, s1;
	[tilespmem:v6+s30+$0x0] =	vst.idx.msk $0xffff, v5  }
0xa5: {  	v6 =	vor.u32 s9, v0;
	v5 =	vld [tilespmem:s8+$0x0]  }
0xa6: {  	s12 =	sor.u32 $0x830, s2;
	s13 =	simm.s32 $0x2603;
	[tilespmem:v8+s30+$0x0] =	vst.idx.msk $0xffff, v7  }
0xa7: {  	s10 =	sor.u32 $0x840, s7;
	s11 =	simm.s32 $0x2802;
	v8 =	vor.u32 s13, v0;
	v7 =	vld [tilespmem:s12+$0x0];
	[tilespmem:v2+s30+$0x0] =	vst.idx.msk $0xffff, v1  }
0xa8: {  	s14 =	sor.u32 $0x840, s0;
	s15 =	simm.s32 $0x2800;
	v2 =	vor.u32 s11, v0;
	[tilespmem:v4+s30+$0x0] =	vst.idx.msk $0xffff, v3;
	v1 =	vld [tilespmem:s10+$0x0]  }
0xa9: {  	v4 =	vor.u32 s15, v0;
	v3 =	vld [tilespmem:s14+$0x0]  }
0xaa: {  	s29 =	simm.s32 $0x4;
	s16 =	sor.u32 $0x840, s1;
	s19 =	simm.s32 $0x2801;
	[tilespmem:v6+s30+$0x0] =	vst.idx.msk $0xffff, v5  }
0xab: {  	s17 =	sor.u32 $0x840, s2;
	s20 =	simm.s32 $0x800;
	s21 =	simm.s32 $0x300;
	v6 =	vor.u32 s19, v0;
	v5 =	vld [tilespmem:s16+$0x0]  }
0xac: {  	s22 =	sand.u32 $0x300, s21;
	[tilespmem:v8+s30+$0x0] =	vst.idx.msk $0xffff, v7;
	s11 =	sand.u32 $0x3000, s20;
	s10 =	simm.s32 $0x2803  }
0xad: {  	s24 =	simm.s32 $0x6;
	s23 =	simm.s32 $0x200;
	v7 =	vld [tilespmem:s17+$0x0];
	s5 =	sor.u32 s22, s11;
	v8 =	vor.u32 s10, v0;
	[tilespmem:v2+s30+$0x0] =	vst.idx.msk $0xffff, v1  }
0xae: {  	s9 =	sor.u32 $0x850, s7;
	s8 =	simm.s32 $0x2A02;
	s6 =	sand.u32 $0x200, s23;
	[tilespmem:v4+s30+$0x0] =	vst.idx.msk $0xffff, v3;
	v3 =	vld [tilespmem:s5+$0x0];
	v4 =	vor.u32 s24, v0  }
0xaf: {  	s18 =	sor.u32 $0x850, s0;
	s26 =	simm.s32 $0x280;
	s4 =	sor.u32 s6, s11;
	v2 =	vor.u32 s8, v0;
	v1 =	vld [tilespmem:s9+$0x0]  }
0xb0: {  	s25 =	simm.s32 $0x2A00;
	s12 =	simm.s32 $0x380;
	[tilespmem:v6+s30+$0x0] =	vst.idx.msk $0xffff, v5;
	v5 =	vld [tilespmem:s4+$0x0];
	v6 =	vor.u32 s29, v0;
	s9 =	sand.u32 $0x280, s26  }
0xb1: {  	v10 =	vor.u32 s25, v0;
	s10 =	simm.s32 $0x5;
	s8 =	sand.u32 $0x380, s12;
	v9 =	vld [tilespmem:s18+$0x0];
	s6 =	sor.u32 s9, s11  }
0xb2: {  	v12 =	vor.u32 s10, v0;
	s12 =	simm.s32 $0x7;
	s3 =	sor.u32 s8, s11;
	[tilespmem:v8+s30+$0x0] =	vst.idx.msk $0xffff, v7;
	v11 =	vld [tilespmem:s6+$0x0]  }
0xb3: {  	s15 =	simm.s32 $0x206;
	[tilespmem:v4+s30+$0x0] =	vst.idx.msk $0xffff, v3;
	v3 =	vld [tilespmem:s3+$0x0];
	v4 =	vor.u32 s12, v0  }
0xb4: {  	s13 =	sor.u32 $0x860, s7;
	s14 =	simm.s32 $0x2C02;
	v8 =	vor.u32 s15, v0;
	[tilespmem:v2+s30+$0x0] =	vst.idx.msk $0xffff, v1;
	v7 =	vld [tilespmem:s5+$0x10]  }
0xb5: {  	s16 =	sor.u32 $0x850, s1;
	s17 =	simm.s32 $0x2A01;
	[tilespmem:v6+s30+$0x0] =	vst.idx.msk $0xffff, v5;
	v2 =	vor.u32 s14, v0;
	v1 =	vld [tilespmem:s13+$0x0]  }
0xb6: {  	s18 =	simm.s32 $0x204;
	v5 =	vld [tilespmem:s16+$0x0];
	v6 =	vor.u32 s17, v0;
	[tilespmem:v10+s30+$0x0] =	vst.idx.msk $0xffff, v9  }
0xb7: {  	s19 =	simm.s32 $0x205;
	v9 =	vld [tilespmem:s4+$0x10];
	v10 =	vor.u32 s18, v0;
	[tilespmem:v12+s30+$0x0] =	vst.idx.msk $0xffff, v11  }
0xb8: {  	v48 =	vor.u32 s19, v0;
	s22 =	simm.s32 $0x207;
	v11 =	vld [tilespmem:s6+$0x10];
	[tilespmem:v4+s30+$0x0] =	vst.idx.msk $0xffff, v3  }
0xb9: {  	s23 =	simm.s32 $0x406;
	v4 =	vor.u32 s22, v0;
	[tilespmem:v8+s30+$0x0] =	vst.idx.msk $0xffff, v7;
	v3 =	vld [tilespmem:s3+$0x10]  }
0xba: {  	s21 =	simm.s32 $0x2E02;
	s20 =	sor.u32 $0x870, s7;
	v8 =	vor.u32 s23, v0;
	[tilespmem:v2+s30+$0x0] =	vst.idx.msk $0xffff, v1;
	v7 =	vld [tilespmem:s5+$0x20]  }
0xbb: {  	s25 =	simm.s32 $0x2A03;
	s24 =	sor.u32 $0x850, s2;
	[tilespmem:v6+s30+$0x0] =	vst.idx.msk $0xffff, v5;
	v2 =	vor.u32 s21, v0;
	v1 =	vld [tilespmem:s20+$0x0]  }
0xbc: {  	s26 =	simm.s32 $0x404;
	v5 =	vld [tilespmem:s24+$0x0];
	v6 =	vor.u32 s25, v0;
	[tilespmem:v10+s30+$0x0] =	vst.idx.msk $0xffff, v9  }
0xbd: {  	s11 =	simm.s32 $0x405;
	v10 =	vor.u32 s26, v0;
	v9 =	vld [tilespmem:s4+$0x20];
	[tilespmem:v48+s30+$0x0] =	vst.idx.msk $0xffff, v11  }
0xbe: {  	v49 =	vor.u32 s11, v0;
	s14 =	simm.s32 $0x407;
	v11 =	vld [tilespmem:s6+$0x20];
	[tilespmem:v4+s30+$0x0] =	vst.idx.msk $0xffff, v3  }
0xbf: {  	s15 =	simm.s32 $0x606;
	v4 =	vor.u32 s14, v0;
	[tilespmem:v8+s30+$0x0] =	vst.idx.msk $0xffff, v7;
	v3 =	vld [tilespmem:s3+$0x20]  }
0xc0: {  	s12 =	sor.u32 $0xC00, s7;
	s13 =	simm.s32 $0x3002;
	v8 =	vor.u32 s15, v0;
	[tilespmem:v2+s30+$0x0] =	vst.idx.msk $0xffff, v1;
	v7 =	vld [tilespmem:s5+$0x30]  }
0xc1: {  	s16 =	sor.u32 $0x860, s0;
	s17 =	simm.s32 $0x2C00;
	[tilespmem:v6+s30+$0x0] =	vst.idx.msk $0xffff, v5;
	v2 =	vor.u32 s13, v0;
	v1 =	vld [tilespmem:s12+$0x0]  }
0xc2: {  	s18 =	simm.s32 $0x604;
	v5 =	vld [tilespmem:s16+$0x0];
	v6 =	vor.u32 s17, v0;
	[tilespmem:v10+s30+$0x0] =	vst.idx.msk $0xffff, v9  }
0xc3: {  	s19 =	simm.s32 $0x605;
	v10 =	vor.u32 s18, v0;
	v9 =	vld [tilespmem:s4+$0x30];
	[tilespmem:v49+s30+$0x0] =	vst.idx.msk $0xffff, v11  }
0xc4: {  	v50 =	vor.u32 s19, v0;
	s22 =	simm.s32 $0x607;
	v11 =	vld [tilespmem:s6+$0x30];
	[tilespmem:v4+s30+$0x0] =	vst.idx.msk $0xffff, v3  }
0xc5: {  	s23 =	simm.s32 $0x806;
	v4 =	vor.u32 s22, v0;
	[tilespmem:v8+s30+$0x0] =	vst.idx.msk $0xffff, v7;
	v3 =	vld [tilespmem:s3+$0x30]  }
0xc6: {  	s21 =	simm.s32 $0x3202;
	s20 =	sor.u32 $0xC10, s7;
	v8 =	vor.u32 s23, v0;
	[tilespmem:v2+s30+$0x0] =	vst.idx.msk $0xffff, v1;
	v7 =	vld [tilespmem:s5+$0x40]  }
0xc7: {  	s24 =	sor.u32 $0x860, s1;
	s25 =	simm.s32 $0x2C01;
	[tilespmem:v6+s30+$0x0] =	vst.idx.msk $0xffff, v5;
	v2 =	vor.u32 s21, v0;
	v1 =	vld [tilespmem:s20+$0x0]  }
0xc8: {  	s26 =	simm.s32 $0x804;
	v5 =	vld [tilespmem:s24+$0x0];
	v6 =	vor.u32 s25, v0;
	[tilespmem:v10+s30+$0x0] =	vst.idx.msk $0xffff, v9  }
0xc9: {  	s11 =	simm.s32 $0x805;
	v10 =	vor.u32 s26, v0;
	v9 =	vld [tilespmem:s4+$0x40];
	[tilespmem:v50+s30+$0x0] =	vst.idx.msk $0xffff, v11  }
0xca: {  	v51 =	vor.u32 s11, v0;
	s14 =	simm.s32 $0x807;
	v11 =	vld [tilespmem:s6+$0x40];
	[tilespmem:v4+s30+$0x0] =	vst.idx.msk $0xffff, v3  }
0xcb: {  	s15 =	simm.s32 $0xA06;
	v4 =	vor.u32 s14, v0;
	[tilespmem:v8+s30+$0x0] =	vst.idx.msk $0xffff, v7;
	v3 =	vld [tilespmem:s3+$0x40]  }
0xcc: {  	s13 =	simm.s32 $0x3402;
	s12 =	sor.u32 $0xC20, s7;
	v8 =	vor.u32 s15, v0;
	[tilespmem:v2+s30+$0x0] =	vst.idx.msk $0xffff, v1;
	v7 =	vld [tilespmem:s5+$0x50]  }
0xcd: {  	s16 =	sor.u32 $0x860, s2;
	s17 =	simm.s32 $0x2C03;
	[tilespmem:v6+s30+$0x0] =	vst.idx.msk $0xffff, v5;
	v2 =	vor.u32 s13, v0;
	v1 =	vld [tilespmem:s12+$0x0]  }
0xce: {  	s18 =	simm.s32 $0xA04;
	v5 =	vld [tilespmem:s16+$0x0];
	v6 =	vor.u32 s17, v0;
	[tilespmem:v10+s30+$0x0] =	vst.idx.msk $0xffff, v9  }
0xcf: {  	s19 =	simm.s32 $0xA05;
	v10 =	vor.u32 s18, v0;
	v9 =	vld [tilespmem:s4+$0x50];
	[tilespmem:v51+s30+$0x0] =	vst.idx.msk $0xffff, v11  }
0xd0: {  	v52 =	vor.u32 s19, v0;
	s22 =	simm.s32 $0xA07;
	v11 =	vld [tilespmem:s6+$0x50];
	[tilespmem:v4+s30+$0x0] =	vst.idx.msk $0xffff, v3  }
0xd1: {  	s23 =	simm.s32 $0xC06;
	v4 =	vor.u32 s22, v0;
	[tilespmem:v8+s30+$0x0] =	vst.idx.msk $0xffff, v7;
	v3 =	vld [tilespmem:s3+$0x50]  }
0xd2: {  	s21 =	simm.s32 $0x3602;
	s20 =	sor.u32 $0xC30, s7;
	v8 =	vor.u32 s23, v0;
	[tilespmem:v2+s30+$0x0] =	vst.idx.msk $0xffff, v1;
	v7 =	vld [tilespmem:s5+$0x60]  }
0xd3: {  	s24 =	sor.u32 $0x870, s0;
	s25 =	simm.s32 $0x2E00;
	[tilespmem:v6+s30+$0x0] =	vst.idx.msk $0xffff, v5;
	v2 =	vor.u32 s21, v0;
	v1 =	vld [tilespmem:s20+$0x0]  }
0xd4: {  	s26 =	simm.s32 $0xC04;
	v5 =	vld [tilespmem:s24+$0x0];
	v6 =	vor.u32 s25, v0;
	[tilespmem:v10+s30+$0x0] =	vst.idx.msk $0xffff, v9  }
0xd5: {  	s10 =	simm.s32 $0xC05;
	v10 =	vor.u32 s26, v0;
	v9 =	vld [tilespmem:s4+$0x60];
	[tilespmem:v52+s30+$0x0] =	vst.idx.msk $0xffff, v11  }
0xd6: {  	v53 =	vor.u32 s10, v0;
	s13 =	simm.s32 $0xC07;
	v11 =	vld [tilespmem:s6+$0x60];
	[tilespmem:v4+s30+$0x0] =	vst.idx.msk $0xffff, v3  }
0xd7: {  	s14 =	simm.s32 $0xE06;
	v4 =	vor.u32 s13, v0;
	[tilespmem:v8+s30+$0x0] =	vst.idx.msk $0xffff, v7;
	v3 =	vld [tilespmem:s3+$0x60]  }
0xd8: {  	s11 =	sor.u32 $0xC40, s7;
	s12 =	simm.s32 $0x3802;
	v8 =	vor.u32 s14, v0;
	[tilespmem:v2+s30+$0x0] =	vst.idx.msk $0xffff, v1;
	v7 =	vld [tilespmem:s5+$0x70]  }
0xd9: {  	s16 =	simm.s32 $0x2E01;
	s15 =	sor.u32 $0x870, s1;
	[tilespmem:v6+s30+$0x0] =	vst.idx.msk $0xffff, v5;
	v2 =	vor.u32 s12, v0;
	v1 =	vld [tilespmem:s11+$0x0]  }
0xda: {  	s17 =	simm.s32 $0xE04;
	v5 =	vld [tilespmem:s15+$0x0];
	v6 =	vor.u32 s16, v0;
	[tilespmem:v10+s30+$0x0] =	vst.idx.msk $0xffff, v9  }
0xdb: {  	s18 =	simm.s32 $0xE05;
	v10 =	vor.u32 s17, v0;
	v9 =	vld [tilespmem:s4+$0x70];
	[tilespmem:v53+s30+$0x0] =	vst.idx.msk $0xffff, v11  }
0xdc: {  	v54 =	vor.u32 s18, v0;
	s21 =	simm.s32 $0xE07;
	v11 =	vld [tilespmem:s6+$0x70];
	[tilespmem:v4+s30+$0x0] =	vst.idx.msk $0xffff, v3  }
0xdd: {  	s22 =	simm.s32 $0x1006;
	v4 =	vor.u32 s21, v0;
	[tilespmem:v8+s30+$0x0] =	vst.idx.msk $0xffff, v7;
	v3 =	vld [tilespmem:s3+$0x70]  }
0xde: {  	s19 =	sor.u32 $0xC50, s7;
	s20 =	simm.s32 $0x3A02;
	v8 =	vor.u32 s22, v0;
	[tilespmem:v2+s30+$0x0] =	vst.idx.msk $0xffff, v1;
	v7 =	vld [tilespmem:s5+$0x400]  }
0xdf: {  	s24 =	simm.s32 $0x2E03;
	s23 =	sor.u32 $0x870, s2;
	[tilespmem:v6+s30+$0x0] =	vst.idx.msk $0xffff, v5;
	v2 =	vor.u32 s20, v0;
	v1 =	vld [tilespmem:s19+$0x0]  }
0xe0: {  	s25 =	simm.s32 $0x1004;
	v5 =	vld [tilespmem:s23+$0x0];
	v6 =	vor.u32 s24, v0;
	[tilespmem:v10+s30+$0x0] =	vst.idx.msk $0xffff, v9  }
0xe1: {  	s26 =	simm.s32 $0x1005;
	v10 =	vor.u32 s25, v0;
	v9 =	vld [tilespmem:s4+$0x400];
	[tilespmem:v54+s30+$0x0] =	vst.idx.msk $0xffff, v11  }
0xe2: {  	v55 =	vor.u32 s26, v0;
	s11 =	simm.s32 $0x1007;
	v11 =	vld [tilespmem:s6+$0x400];
	[tilespmem:v4+s30+$0x0] =	vst.idx.msk $0xffff, v3  }
0xe3: {  	s12 =	simm.s32 $0x1206;
	v4 =	vor.u32 s11, v0;
	[tilespmem:v8+s30+$0x0] =	vst.idx.msk $0xffff, v7;
	v3 =	vld [tilespmem:s3+$0x400]  }
0xe4: {  	s10 =	simm.s32 $0x3C02;
	s9 =	sor.u32 $0xC60, s7;
	v8 =	vor.u32 s12, v0;
	[tilespmem:v2+s30+$0x0] =	vst.idx.msk $0xffff, v1;
	v7 =	vld [tilespmem:s5+$0x410]  }
0xe5: {  	s13 =	sor.u32 $0xC00, s0;
	s14 =	simm.s32 $0x3000;
	[tilespmem:v6+s30+$0x0] =	vst.idx.msk $0xffff, v5;
	v2 =	vor.u32 s10, v0;
	v1 =	vld [tilespmem:s9+$0x0]  }
0xe6: {  	s15 =	simm.s32 $0x1204;
	v5 =	vld [tilespmem:s13+$0x0];
	v6 =	vor.u32 s14, v0;
	[tilespmem:v10+s30+$0x0] =	vst.idx.msk $0xffff, v9  }
0xe7: {  	s16 =	simm.s32 $0x1205;
	v10 =	vor.u32 s15, v0;
	v9 =	vld [tilespmem:s4+$0x410];
	[tilespmem:v55+s30+$0x0] =	vst.idx.msk $0xffff, v11  }
0xe8: {  	s18 =	simm.s32 $0x1207;
	v56 =	vor.u32 s16, v0;
	v11 =	vld [tilespmem:s6+$0x410];
	[tilespmem:v4+s30+$0x0] =	vst.idx.msk $0xffff, v3  }
0xe9: {  	s19 =	simm.s32 $0x1406;
	v4 =	vor.u32 s18, v0;
	[tilespmem:v8+s30+$0x0] =	vst.idx.msk $0xffff, v7;
	v3 =	vld [tilespmem:s3+$0x410]  }
0xea: {  	s7 =	sor.u32 $0xC70, s7;
	s17 =	simm.s32 $0x3E02;
	v8 =	vor.u32 s19, v0;
	[tilespmem:v2+s30+$0x0] =	vst.idx.msk $0xffff, v1;
	v7 =	vld [tilespmem:s5+$0x420]  }
0xeb: {  	s21 =	simm.s32 $0x3001;
	s20 =	sor.u32 $0xC00, s1;
	[tilespmem:v6+s30+$0x0] =	vst.idx.msk $0xffff, v5;
	v2 =	vor.u32 s17, v0;
	v1 =	vld [tilespmem:s7+$0x0]  }
0xec: {  	s22 =	simm.s32 $0x1404;
	v5 =	vld [tilespmem:s20+$0x0];
	v6 =	vor.u32 s21, v0;
	[tilespmem:v10+s30+$0x0] =	vst.idx.msk $0xffff, v9  }
0xed: {  	s23 =	simm.s32 $0x1405;
	v10 =	vor.u32 s22, v0;
	v9 =	vld [tilespmem:s4+$0x420];
	[tilespmem:v56+s30+$0x0] =	vst.idx.msk $0xffff, v11  }
0xee: {  	s26 =	simm.s32 $0x1407;
	v57 =	vor.u32 s23, v0;
	v11 =	vld [tilespmem:s6+$0x420];
	[tilespmem:v4+s30+$0x0] =	vst.idx.msk $0xffff, v3  }
0xef: {  	s24 =	sor.u32 $0xC00, s2;
	s25 =	simm.s32 $0x3003;
	v4 =	vor.u32 s26, v0;
	[tilespmem:v8+s30+$0x0] =	vst.idx.msk $0xffff, v7;
	v3 =	vld [tilespmem:s3+$0x420]  }
0xf0: {  	s8 =	simm.s32 $0x1606;
	[tilespmem:v2+s30+$0x0] =	vst.idx.msk $0xffff, v1;
	v1 =	vld [tilespmem:s24+$0x0];
	v2 =	vor.u32 s25, v0  }
0xf1: {  	s10 =	simm.s32 $0x3200;
	s9 =	sor.u32 $0xC10, s0;
	[tilespmem:v6+s30+$0x0] =	vst.idx.msk $0xffff, v5;
	v8 =	vor.u32 s8, v0;
	v7 =	vld [tilespmem:s5+$0x430]  }
0xf2: {  	s14 =	simm.s32 $0x1604;
	v6 =	vor.u32 s10, v0;
	v5 =	vld [tilespmem:s9+$0x0];
	[tilespmem:v10+s30+$0x0] =	vst.idx.msk $0xffff, v9  }
0xf3: {  	s13 =	simm.s32 $0x1605;
	v10 =	vor.u32 s14, v0;
	v9 =	vld [tilespmem:s4+$0x430];
	[tilespmem:v57+s30+$0x0] =	vst.idx.msk $0xffff, v11  }
0xf4: {  	v58 =	vor.u32 s13, v0;
	s11 =	sor.u32 $0xC10, s1;
	s17 =	simm.s32 $0x3201;
	v11 =	vld [tilespmem:s6+$0x430];
	[tilespmem:v4+s30+$0x0] =	vst.idx.msk $0xffff, v3  }
0xf5: {  	[tilespmem:v2+s30+$0x0] =	vst.idx.msk $0xffff, v1;
	v1 =	vld [tilespmem:s11+$0x0];
	v2 =	vor.u32 s17, v0  }
0xf6: {  	s19 =	simm.s32 $0x1607;
	[tilespmem:v8+s30+$0x0] =	vst.idx.msk $0xffff, v7;
	v3 =	vld [tilespmem:s3+$0x430]  }
0xf7: {  	s23 =	simm.s32 $0x1806;
	s15 =	sor.u32 $0xC10, s2;
	[tilespmem:v6+s30+$0x0] =	vst.idx.msk $0xffff, v5;
	v4 =	vor.u32 s19, v0;
	v7 =	vld [tilespmem:s5+$0x440]  }
0xf8: {  	s25 =	simm.s32 $0x3203;
	v8 =	vor.u32 s23, v0;
	[tilespmem:v10+s30+$0x0] =	vst.idx.msk $0xffff, v9;
	v5 =	vld [tilespmem:s15+$0x0]  }
0xf9: {  	s26 =	simm.s32 $0x1804;
	s14 =	sor.u32 $0xC20, s0;
	v6 =	vor.u32 s25, v0;
	v9 =	vld [tilespmem:s4+$0x440];
	[tilespmem:v58+s30+$0x0] =	vst.idx.msk $0xffff, v11  }
0xfa: {  	s9 =	simm.s32 $0x1805;
	v10 =	vor.u32 s26, v0;
	[tilespmem:v2+s30+$0x0] =	vst.idx.msk $0xffff, v1;
	v1 =	vld [tilespmem:s14+$0x0];
	s14 =	sor.u32 $0xC70, s2  }
0xfb: {  	s23 =	simm.s32 $0x3400;
	v11 =	vor.u32 s9, v0;
	v12 =	vld [tilespmem:s6+$0x440];
	[smem:$0x7F6] =	sst s14  }
0xfc: {  	p3 =	por !p3, !p3;
	s16 =	sor.u32 $0xC40, s0;
	v2 =	vor.u32 s23, v0;
	s23 =	simm.s32 $0x1807;
	[tilespmem:v4+s30+$0x0] =	vst.idx.msk $0xffff, v3  }
0xfd: {  	s13 =	sor.u32 $0xC50, s2;
	s20 =	sor.u32 $0xC40, s1;
	s21 =	sor.u32 $0xC30, s2;
	[tilespmem:v8+s30+$0x0] =	vst.idx.msk $0xffff, v7;
	v3 =	vor.u32 s23, v0;
	v4 =	vld [tilespmem:s3+$0x440]  }
0xfe: {  	s12 =	sor.u32 $0xC30, s0;
	s10 =	sor.u32 $0xC70, s0;
	s25 =	simm.s32 $0x1A06;
	[tilespmem:v6+s30+$0x0] =	vst.idx.msk $0xffff, v5  }
0xff: {  	s18 =	sor.u32 $0xC20, s2;
	s22 =	sor.u32 $0xC20, s1;
	s14 =	simm.s32 $0x3401;
	v7 =	vor.u32 s25, v0;
	[tilespmem:v10+s30+$0x0] =	vst.idx.msk $0xffff, v9;
	v8 =	vld [tilespmem:s5+$0x450]  }
0x100: {  	s7 =	sor.u32 $0xC60, s1;
	s8 =	sor.u32 $0xC70, s1;
	v5 =	vld [tilespmem:s22+$0x0];
	v6 =	vor.u32 s14, v0;
	s22 =	simm.s32 $0x1A04;
	[tilespmem:v11+s30+$0x0] =	vst.idx.msk $0xffff, v12  }
0x101: {  	s24 =	sor.u32 $0xC30, s1;
	s19 =	sor.u32 $0xC50, s0;
	s23 =	simm.s32 $0x1A05;
	v9 =	vor.u32 s22, v0;
	v10 =	vld [tilespmem:s4+$0x450];
	[tilespmem:v2+s30+$0x0] =	vst.idx.msk $0xffff, v1  }
0x102: {  	s17 =	sor.u32 $0xC50, s1;
	s25 =	simm.s32 $0x3403;
	s14 =	simm.s32 $0x2;
	v11 =	vor.u32 s23, v0;
	v12 =	vld [tilespmem:s6+$0x450];
	[tilespmem:v3+s30+$0x0] =	vst.idx.msk $0xffff, v4  }
0x103: {  	s11 =	sor.u32 $0xC40, s2;
	s1 =	simm.s32 $0x1;
	v1 =	vld [tilespmem:s18+$0x0];
	v2 =	vor.u32 s25, v0;
	[smem:$0x7E2] =	sst s14  }
0x104: {  	s26 =	sand.u32 $0x7, s29;
	s15 =	sor.u32 $0xC60, s2;
	s1 =	simm.s32 @!p3 $0x0;
	[tilespmem:v7+s30+$0x0] =	vst.idx.msk $0xffff, v8  }
0x105: {  	s9 =	sor.u32 $0xC60, s0;
	s0 =	sshll.u32 s26, $0x7;
	s23 =	simm.s32 $0x1A07;
	v4 =	vld [tilespmem:s3+$0x450];
	[tilespmem:v6+s30+$0x0] =	vst.idx.msk $0xffff, v5  }
0x106: {  	s1 =	sshll.u32 s1, $0x9;
	s26 =	simm.s32 $0x2;
	s2 =	sadd.s32 $0x800, s0;
	v3 =	vor.u32 s23, v0;
	v5 =	vld [tilespmem:s12+$0x0];
	[tilespmem:v9+s30+$0x0] =	vst.idx.msk $0xffff, v10  }
0x107: {  	s0 =	sadd.s32 $0x800, s1;
	s1 =	sadd.s32 $0x80, s2;
	s14 =	simm.s32 $0x3600;
	[tilespmem:v11+s30+$0x0] =	vst.idx.msk $0xffff, v12;
	v8 =	vld [tilespmem:s5+$0x460]  }
0x108: {  	s22 =	sand.u32 $0x3, s26;
	s26 =	simm.s32 $0x1C06;
	v6 =	vor.u32 s14, v0;
	[tilespmem:v2+s30+$0x0] =	vst.idx.msk $0xffff, v1;
	s14 =	sor.u32 $0x850, s1;
	v10 =	vld [tilespmem:s4+$0x460]  }
0x109: {  	v7 =	vor.u32 s26, v0;
	v12 =	vld [tilespmem:s6+$0x460];
	[smem:$0x7E3] =	sst s14;
	s14 =	sor.u32 $0x860, s1  }
0x10a: {  	[smem:$0x7E4] =	sst s14  }
0x10b: {  	v1 =	vld [tilespmem:s24+$0x0];
	s24 =	sor.u32 $0x870, s1;
	[tilespmem:v3+s30+$0x0] =	vst.idx.msk $0xffff, v4  }
0x10c: {  	[smem:$0x7E5] =	sst s24;
	s24 =	sor.u32 $0xC00, s1  }
0x10d: {  	[smem:$0x7E6] =	sst s24  }
0x10e: {  	s28 =	simm.s32 $0x1C05;
	s18 =	simm.s32 $0x1C04;
	s24 =	sor.u32 $0xC10, s1;
	[tilespmem:v7+s30+$0x0] =	vst.idx.msk $0xffff, v8  }
0x10f: {  	s25 =	sshll.u32 s22, $0x8;
	v9 =	vor.u32 s18, v0;
	v4 =	vld [tilespmem:s3+$0x460];
	[dreg:$0x1a] =	wrdreg s24;
	s24 =	sor.u32 $0xC20, s1  }
0x110: {  	s22 =	sor.u32 $0x810, s1;
	s14 =	simm.s32 $0x1C07;
	[dreg:$0x16] =	wrdreg s24  }
0x111: {  	s23 =	sadd.s32 $0x180, s2;
	v3 =	vor.u32 s14, v0;
	s14 =	simm.s32 $0x1E06;
	s24 =	sor.u32 $0xC30, s1;
	[tilespmem:v6+s30+$0x0] =	vst.idx.msk $0xffff, v5  }
0x112: {  	s2 =	sor.u32 $0x820, s1;
	v8 =	vor.u32 s14, v0;
	s14 =	sor.u32 $0xC40, s1;
	v7 =	vld [tilespmem:s5+$0x470];
	[dreg:$0xf] =	wrdreg s24  }
0x113: {  	s26 =	sadd.s32 $0x800, s25;
	v11 =	vor.u32 s28, v0;
	s28 =	simm.s32 $0x3601;
	[dreg:$0xb] =	wrdreg s14  }
0x114: {  	s25 =	sor.u32 $0x800, s1;
	s18 =	sor.u32 $0x830, s1;
	v2 =	vor.u32 s28, v0;
	s14 =	sor.u32 $0xC50, s1;
	[tilespmem:v9+s30+$0x0] =	vst.idx.msk $0xffff, v10  }
0x115: {  	s12 =	sor.u32 $0x840, s1;
	v5 =	vld [tilespmem:s21+$0x0];
	s21 =	sor.u32 $0xC60, s1;
	[dreg:$0x8] =	wrdreg s14  }
0x116: {  	s24 =	simm.s32 $0x3603;
	s1 =	sor.u32 $0xC70, s1;
	[dreg:$0x5] =	wrdreg s21  }
0x117: {  	v6 =	vor.u32 s24, v0;
	v9 =	vld [tilespmem:s4+$0x470];
	[dreg:$0x3] =	wrdreg s1  }
0x118: {  	s24 =	simm.s32 $0x1E04;
	[tilespmem:v11+s30+$0x0] =	vst.idx.msk $0xffff, v12  }
0x119: {  	v10 =	vor.u32 s24, v0;
	[tilespmem:v2+s30+$0x0] =	vst.idx.msk $0xffff, v1  }
0x11a: {  	v1 =	vld [tilespmem:s16+$0x0];
	[tilespmem:v3+s30+$0x0] =	vst.idx.msk $0xffff, v4  }
0x11b: {  	s5 =	simm.s32 $0x1E05;
	s1 =	sadd.s32 $0x100, s26;
	s26 =	simm.s32 $0x1E07;
	[tilespmem:v8+s30+$0x0] =	vst.idx.msk $0xffff, v7;
	v11 =	vld [tilespmem:s6+$0x470]  }
0x11c: {  	v59 =	vor.u32 s5, v0;
	v4 =	vor.u32 s26, v0;
	s4 =	sor.u32 $0x800, s1;
	s26 =	sor.u32 $0x850, s23;
	v3 =	vld [tilespmem:s3+$0x470];
	[tilespmem:v6+s30+$0x0] =	vst.idx.msk $0xffff, v5  }
0x11d: {  	v7 =	vld [tilespmem:s4+$0x0];
	[smem:$0x7E7] =	sst s26  }
0x11e: {  	s14 =	simm.s32 $0x3800;
	v5 =	vld [tilespmem:s20+$0x0];
	[tilespmem:v10+s30+$0x0] =	vst.idx.msk $0xffff, v9;
	s20 =	sor.u32 $0x860, s23  }
0x11f: {  	v2 =	vor.u32 s14, v0;
	s26 =	sor.u32 $0x870, s23;
	[smem:$0x7E8] =	sst s20  }
0x120: {  	[smem:$0x7E9] =	sst s26  }
0x121: {  	s21 =	sor.u32 $0x800, s0;
	s14 =	simm.s32 $0x2006;
	s20 =	sor.u32 $0xC00, s23;
	[tilespmem:v59+s30+$0x0] =	vst.idx.msk $0xffff, v11  }
0x122: {  	v8 =	vor.u32 s14, v0;
	s14 =	simm.s32 $0x3801;
	v9 =	vld [tilespmem:s21+$0x0];
	s21 =	sor.u32 $0xC10, s23;
	[smem:$0x7EA] =	sst s20  }
0x123: {  	v6 =	vor.u32 s14, v0;
	s14 =	simm.s32 $0x2004;
	[smem:$0x7EB] =	sst s21  }
0x124: {  	v10 =	vor.u32 s14, v0;
	s14 =	sor.u32 $0xC20, s23;
	[tilespmem:v2+s30+$0x0] =	vst.idx.msk $0xffff, v1  }
0x125: {  	s20 =	sor.u32 $0xC30, s23;
	v11 =	vld [tilespmem:s25+$0x0];
	[dreg:$0x1c] =	wrdreg s14  }
0x126: {  	[dreg:$0x17] =	wrdreg s20  }
0x127: {  	s26 =	simm.s32 $0x2005;
	s25 =	sor.u32 $0xC40, s23;
	[tilespmem:v4+s30+$0x0] =	vst.idx.msk $0xffff, v3  }
0x128: {  	v60 =	vor.u32 s26, v0;
	s26 =	sor.u32 $0xC50, s23;
	v1 =	vld [tilespmem:s11+$0x0];
	[dreg:$0x10] =	wrdreg s25  }
0x129: {  	[dreg:$0xc] =	wrdreg s26  }
0x12a: {  	s24 =	sor.u32 $0x800, s23;
	s21 =	simm.s32 $0x3803;
	s14 =	sor.u32 $0xC60, s23;
	[tilespmem:v8+s30+$0x0] =	vst.idx.msk $0xffff, v7  }
0x12b: {  	s20 =	sor.u32 $0x810, s1;
	v3 =	vld [tilespmem:s24+$0x0];
	s24 =	sor.u32 $0xC70, s23;
	[dreg:$0x9] =	wrdreg s14  }
0x12c: {  	v2 =	vor.u32 s21, v0;
	v7 =	vld [tilespmem:s20+$0x0];
	[dreg:$0x6] =	wrdreg s24  }
0x12d: {  	[tilespmem:v6+s30+$0x0] =	vst.idx.msk $0xffff, v5  }
0x12e: {  	s11 =	simm.s32 $0x2007;
	[tilespmem:v10+s30+$0x0] =	vst.idx.msk $0xffff, v9  }
0x12f: {  	s5 =	sor.u32 $0x820, s23;
	v4 =	vor.u32 s11, v0;
	s25 =	sor.u32 $0x810, s0;
	s20 =	sor.u32 $0x850, s0;
	v5 =	vld [tilespmem:s19+$0x0];
	[tilespmem:v60+s30+$0x0] =	vst.idx.msk $0xffff, v11  }
0x130: {  	s16 =	sor.u32 $0x830, s23;
	s6 =	sor.u32 $0x810, s23;
	v9 =	vld [tilespmem:s25+$0x0];
	[smem:$0x7EC] =	sst s20  }
0x131: {  	s4 =	sor.u32 $0x840, s23;
	s21 =	simm.s32 $0x2206;
	s23 =	sor.u32 $0x860, s0;
	[tilespmem:v2+s30+$0x0] =	vst.idx.msk $0xffff, v1  }
0x132: {  	v8 =	vor.u32 s21, v0;
	s24 =	sor.u32 $0x870, s0;
	v11 =	vld [tilespmem:s22+$0x0];
	[smem:$0x7ED] =	sst s23  }
0x133: {  	s26 =	simm.s32 $0x3A00;
	[smem:$0x7EE] =	sst s24  }
0x134: {  	v6 =	vor.u32 s26, v0;
	s26 =	sor.u32 $0xC00, s0;
	[tilespmem:v4+s30+$0x0] =	vst.idx.msk $0xffff, v3  }
0x135: {  	v1 =	vld [tilespmem:s17+$0x0];
	s17 =	sor.u32 $0xC10, s0;
	[smem:$0x7EF] =	sst s26  }
0x136: {  	s21 =	simm.s32 $0x2205;
	s14 =	simm.s32 $0x2204;
	[smem:$0x7F0] =	sst s17  }
0x137: {  	v61 =	vor.u32 s21, v0;
	s21 =	sor.u32 $0xC20, s0;
	v10 =	vor.u32 s14, v0;
	[tilespmem:v8+s30+$0x0] =	vst.idx.msk $0xffff, v7  }
0x138: {  	v3 =	vld [tilespmem:s6+$0x0];
	[smem:$0x7F1] =	sst s21  }
0x139: {  	s25 =	simm.s32 $0x3A01;
	s22 =	sor.u32 $0x820, s1;
	s24 =	sor.u32 $0xC30, s0;
	[tilespmem:v6+s30+$0x0] =	vst.idx.msk $0xffff, v5  }
0x13a: {  	v2 =	vor.u32 s25, v0;
	s25 =	sor.u32 $0xC40, s0;
	v7 =	vld [tilespmem:s22+$0x0];
	[smem:$0x7F2] =	sst s24  }
0x13b: {  	s3 =	sor.u32 $0x830, s0;
	s11 =	sor.u32 $0x840, s0;
	[dreg:$0x1b] =	wrdreg s25  }
0x13c: {  	s19 =	sor.u32 $0x820, s0;
	s14 =	sor.u32 $0xC50, s0;
	s20 =	simm.s32 $0x2207;
	[tilespmem:v10+s30+$0x0] =	vst.idx.msk $0xffff, v9  }
0x13d: {  	s23 =	simm.s32 $0x2406;
	v4 =	vor.u32 s20, v0;
	s17 =	sor.u32 $0xC60, s0;
	v5 =	vld [tilespmem:s13+$0x0];
	[dreg:$0x18] =	wrdreg s14  }
0x13e: {  	s26 =	simm.s32 $0x3A03;
	s0 =	sor.u32 $0xC70, s0;
	v8 =	vor.u32 s23, v0;
	[dreg:$0x11] =	wrdreg s17  }
0x13f: {  	s20 =	simm.s32 $0x2404;
	v6 =	vor.u32 s26, v0;
	v9 =	vld [tilespmem:s19+$0x0];
	[dreg:$0xd] =	wrdreg s0  }
0x140: {  	s22 =	simm.s32 $0x3C00;
	v10 =	vor.u32 s20, v0;
	[tilespmem:v61+s30+$0x0] =	vst.idx.msk $0xffff, v11  }
0x141: {  	s21 =	simm.s32 $0x2405;
	[tilespmem:v2+s30+$0x0] =	vst.idx.msk $0xffff, v1;
	v1 =	vld [tilespmem:s9+$0x0];
	v2 =	vor.u32 s22, v0  }
0x142: {  	s31 =	simm.s32 $0x9;
	v62 =	vor.u32 s21, v0;
	[tilespmem:v4+s30+$0x0] =	vst.idx.msk $0xffff, v3;
	v11 =	vld [tilespmem:s2+$0x0]  }
0x143: {  	p3 =	por !p3, !p3;
	s28 =	sor.u32 $0x850, s1;
	s23 =	simm.s32 $0x2407;
	[tilespmem:v8+s30+$0x0] =	vst.idx.msk $0xffff, v7  }
0x144: {  	s6 =	simm.s32 $0x2A04;
	s26 =	simm.s32 $0x2606;
	s25 =	sor.u32 $0x830, s1;
	v3 =	vld [tilespmem:s5+$0x0];
	[tilespmem:v6+s30+$0x0] =	vst.idx.msk $0xffff, v5  }
0x145: {  	s21 =	simm.s32 $0x2C04;
	s20 =	simm.s32 $0x8;
	s13 =	simm.s32 $0x3C03;
	v4 =	vor.u32 s23, v0;
	v7 =	vld [tilespmem:s25+$0x0];
	[tilespmem:v10+s30+$0x0] =	vst.idx.msk $0xffff, v9  }
0x146: {  	s24 =	sand.u32 $0x7, s20;
	s17 =	simm.s32 $0x3E01;
	v8 =	vor.u32 s26, v0;
	s9 =	simm.s32 $0x3C01;
	v5 =	vld [tilespmem:s7+$0x0];
	[tilespmem:v2+s30+$0x0] =	vst.idx.msk $0xffff, v1  }
0x147: {  	s14 =	simm.s32 $0x2604;
	s0 =	sshll.u32 s24, $0x7;
	s19 =	simm.s32 $0x2605;
	v6 =	vor.u32 s9, v0;
	v9 =	vld [tilespmem:s3+$0x0];
	[tilespmem:v62+s30+$0x0] =	vst.idx.msk $0xffff, v11  }
0x148: {  	s24 =	sor.u32 $0x840, s1;
	s22 =	simm.s32 $0x2A07;
	v11 =	vld [tilespmem:s18+$0x0];
	[smem:$0x7F3] =	sst s21  }
0x149: {  	v63 =	vor.u32 s19, v0;
	s23 =	simm.s32 $0x2607;
	s19 =	simm.s32 $0x608;
	v10 =	vor.u32 s14, v0;
	[smem:$0x7F4] =	sst s22  }
0x14a: {  	s26 =	simm.s32 $0x60B;
	s2 =	simm.s32 $0x1;
	s5 =	simm.s32 $0x3E00;
	[tilespmem:v4+s30+$0x0] =	vst.idx.msk $0xffff, v3  }
0x14b: {  	v14 =	vor.u32 s23, v0;
	s25 =	simm.s32 $0x2806;
	s23 =	simm.s32 $0x609;
	s2 =	simm.s32 @!p3 $0x0;
	v2 =	vor.u32 s13, v0;
	v1 =	vld [tilespmem:s15+$0x0];
	[tilespmem:v8+s30+$0x0] =	vst.idx.msk $0xffff, v7  }
0x14c: {  	s7 =	simm.s32 $0x2804;
	v16 =	vor.u32 s25, v0;
	s25 =	simm.s32 $0x2A06;
	s2 =	sshll.u32 s2, $0x9;
	[tilespmem:v6+s30+$0x0] =	vst.idx.msk $0xffff, v5;
	v13 =	vld [tilespmem:s16+$0x0]  }
0x14d: {  	s14 =	simm.s32 $0x2A05;
	s3 =	simm.s32 $0x3E03;
	v15 =	vld [tilespmem:s24+$0x0];
	[smem:$0x7F5] =	sst s26  }
0x14e: {  	s13 =	simm.s32 $0x1000;
	s21 =	simm.s32 $0x2805;
	s18 =	simm.s32 $0x408;
	v5 =	vld [tilespmem:s10+$0x0];
	[tilespmem:v10+s30+$0x0] =	vst.idx.msk $0xffff, v9  }
0x14f: {  	s22 =	simm.s32 $0x40B;
	s15 =	simm.s32 $0x409;
	v6 =	vor.u32 s21, v0;
	s21 =	simm.s32 $0xC;
	v4 =	vld [tilespmem:s8+$0x0];
	[tilespmem:v63+s30+$0x0] =	vst.idx.msk $0xffff, v11  }
0x150: {  	s16 =	simm.s32 $0x2807;
	s26 =	simm.s32 $0x209;
	s24 =	simm.s32 $0x20B;
	v9 =	vor.u32 s5, v0;
	v7 =	vld [tilespmem:s11+$0x0];
	[tilespmem:v2+s30+$0x0] =	vst.idx.msk $0xffff, v1  }
0x151: {  	s5 =	simm.s32 $0xB;
	v10 =	vor.u32 s7, v0;
	s10 =	simm.s32 $0x580;
	s7 =	simm.s32 $0x500;
	v3 =	vld [tilespmem:s12+$0x0];
	[tilespmem:v14+s30+$0x0] =	vst.idx.msk $0xffff, v13  }
0x152: {  	v8 =	vor.u32 s17, v0;
	s11 =	simm.s32 $0x208;
	v2 =	vor.u32 s16, v0;
	s12 =	simm.s32 $0x8;
	v1 =	vld [tilespmem:s4+$0x0];
	s16 =	sld [smem:$0x7F6];
	[tilespmem:v16+s30+$0x0] =	vst.idx.msk $0xffff, v15  }
.LBB2_3:
0x153: {  	s8 =	sand.u32 $0x3000, s13;
	s4 =	sand.u32 $0x300, s7  }
0x154: {  	v11 =	vld [tilespmem:s28+$0x0];
	s17 =	sadd.s32 $0xFFFFFE80, s10;
	s28 =	smov.u32 s10;
	s10 =	simm.s32 $0x8000  }
0x155: {  	v12 =	vor.u32 s25, v0;
	[tilespmem:v9+s30+$0x0] =	vst.idx.msk $0xffff, v5;
	s25 =	sadd.s32 $0x2, s20;
	s0 =	sadd.s32 s13, s0;
	s30 =	sor.u32 s4, s8  }
0x156: {  	v5 =	vld [tilespmem:s16+$0x0];
	[tilespmem:v10+s10+$0x0] =	vst.idx.msk $0xffff, v7;
	s9 =	sand.u32 $0x200, s17;
	s16 =	sadd.s32 $0xFFFFFF00, s28;
	v10 =	vor.u32 s25, v0;
	s25 =	smov.u32 s12  }
0x157: {  	s17 =	sand.u32 $0x380, s28;
	s4 =	sor.u32 s9, s8;
	s7 =	sand.u32 $0x280, s16  }
0x158: {  	v7 =	vor.u32 s3, v0;
	s3 =	sor.u32 s17, s8;
	s9 =	sld [smem:$0x7EC];
	s17 =	sadd.s32 $0x80, s0  }
0x159: {  	s16 =	sadd.s32 s2, s13;
	s2 =	sor.u32 s7, s8;
	s12 =	sor.u32 $0x800, s17  }
0x15a: {  	s7 =	sadd.s32 $0x2C02, s29;
	s8 =	sor.u32 $0x810, s16;
	[smem:$0x7CB] =	sst s12  }
0x15b: {  	[tilespmem:v6+s10+$0x0] =	vst.idx.msk $0xffff, v3;
	s12 =	sadd.s32 $0x180, s0;
	[smem:$0x7CE] =	sst s8;
	v3 =	vld [tilespmem:s9+$0x0];
	s9 =	sor.u32 $0x800, s16  }
0x15c: {  	v44 =	vor.u32 s7, v0;
	s7 =	sor.u32 $0x800, s12;
	[smem:$0x7CA] =	sst s9  }
0x15d: {  	v9 =	vld [tilespmem:s30+$0x0];
	[tilespmem:v2+s10+$0x0] =	vst.idx.msk $0xffff, v1;
	s8 =	sor.u32 $0x820, s12;
	[smem:$0x7CD] =	sst s7  }
0x15e: {  	[tilespmem:v8+s10+$0x0] =	vst.idx.msk $0xffff, v4;
	s9 =	sor.u32 $0x810, s17;
	[smem:$0x7D5] =	sst s8  }
0x15f: {  	[tilespmem:v7+s10+$0x0] =	vst.idx.msk $0xffff, v5;
	v7 =	vor.u32 s5, v0;
	s5 =	sor.u32 $0x810, s12;
	[smem:$0x7CF] =	sst s9  }
0x160: {  	v6 =	vor.u32 s6, v0;
	s6 =	sor.u32 $0x860, s1;
	v4 =	vld [tilespmem:s4+$0x0];
	[tilespmem:v12+s10+$0x0] =	vst.idx.msk $0xffff, v11;
	s7 =	sor.u32 $0x830, s17;
	[smem:$0x7D1] =	sst s5  }
0x161: {  	v8 =	vor.u32 s20, v0;
	v11 =	vld [tilespmem:s6+$0x0];
	s6 =	sadd.s32 $0x202, s20;
	s9 =	sor.u32 $0x820, s17;
	[smem:$0x7D8] =	sst s7  }
0x162: {  	[tilespmem:v10+s10+$0x0] =	vst.idx.msk $0xffff, v9;
	v10 =	vor.u32 s6, v0;
	s6 =	sor.u32 $0x820, s16;
	[smem:$0x7D4] =	sst s9  }
0x163: {  	v5 =	vld [tilespmem:s3+$0x0];
	[smem:$0x7D3] =	sst s6  }
0x164: {  	v2 =	vor.u32 s31, v0;
	v1 =	vld [tilespmem:s2+$0x0];
	s5 =	sor.u32 $0x840, s17;
	s9 =	sld [smem:$0x7E3]  }
0x165: {  	[smem:$0x7DB] =	sst s5;
	s6 =	sor.u32 $0x830, s12;
	[tilespmem:v6+s10+$0x0] =	vst.idx.msk $0xffff, v3  }
0x166: {  	[smem:$0x7D9] =	sst s6;
	[tilespmem:v8+s10+$0x0] =	vst.idx.msk $0xffff, v4;
	v4 =	vor.u32 s14, v0;
	s14 =	sor.u32 $0x830, s16  }
0x167: {  	v3 =	vld [tilespmem:s9+$0x0];
	s9 =	sadd.s32 $0x2E02, s29;
	[smem:$0x7D7] =	sst s14  }
0x168: {  	s14 =	sor.u32 $0x850, s17;
	[tilespmem:v7+s10+$0x0] =	vst.idx.msk $0xffff, v5;
	v7 =	vor.u32 s9, v0;
	s9 =	sld [smem:$0x7E7]  }
0x169: {  	v9 =	vld [tilespmem:s30+$0x10];
	[tilespmem:v2+s10+$0x0] =	vst.idx.msk $0xffff, v1;
	[smem:$0x7E3] =	sst s14  }
0x16a: {  	s8 =	sor.u32 $0x870, s1;
	s6 =	sor.u32 $0xC00, s17;
	[tilespmem:v44+s10+$0x0] =	vst.idx.msk $0xffff, v11;
	v1 =	vld [tilespmem:s2+$0x10];
	s14 =	sld [smem:$0x7F4]  }
0x16b: {  	[smem:$0x7BF] =	sst s6;
	v8 =	vor.u32 s11, v0;
	s11 =	sor.u32 $0x840, s16;
	v5 =	vld [tilespmem:s8+$0x0]  }
0x16c: {  	[smem:$0x7DA] =	sst s11;
	[tilespmem:v4+s10+$0x0] =	vst.idx.msk $0xffff, v3;
	v3 =	vld [tilespmem:s9+$0x0];
	s9 =	sor.u32 $0xC10, s12  }
0x16d: {  	v4 =	vor.u32 s14, v0;
	s14 =	sor.u32 $0xC10, s16;
	[smem:$0x7C2] =	sst s9  }
0x16e: {  	v6 =	vld [tilespmem:s4+$0x10];
	[smem:$0x7C0] =	sst s14;
	s14 =	sor.u32 $0xC20, s17  }
0x16f: {  	v2 =	vor.u32 s26, v0;
	[tilespmem:v10+s10+$0x0] =	vst.idx.msk $0xffff, v9;
	s9 =	sadd.s32 $0x3002, s29;
	[smem:$0x7C4] =	sst s14;
	s14 =	sor.u32 $0xC20, s12  }
0x170: {  	v11 =	vld [tilespmem:s30+$0x20];
	[tilespmem:v7+s10+$0x0] =	vst.idx.msk $0xffff, v5;
	v7 =	vor.u32 s9, v0;
	s9 =	sor.u32 $0xC20, s16;
	[smem:$0x7C5] =	sst s14  }
0x171: {  	s5 =	sadd.s32 $0x402, s20;
	v9 =	vld [tilespmem:s3+$0x10];
	v10 =	vor.u32 s24, v0;
	[smem:$0x7C3] =	sst s9;
	s14 =	sor.u32 $0xC30, s17  }
0x172: {  	v45 =	vor.u32 s5, v0;
	s9 =	sor.u32 $0xC40, s16;
	[smem:$0x7C6] =	sst s14  }
0x173: {  	[tilespmem:v8+s10+$0x0] =	vst.idx.msk $0xffff, v6;
	[smem:$0x7C8] =	sst s9  }
0x174: {  	v8 =	vor.u32 s18, v0;
	[tilespmem:v2+s10+$0x0] =	vst.idx.msk $0xffff, v1;
	v2 =	vor.u32 s15, v0;
	s15 =	sor.u32 $0xC00, s1;
	v6 =	vld [tilespmem:s4+$0x20];
	s14 =	sor.u32 $0xC40, s17;
	s9 =	sld [smem:$0x7ED]  }
0x175: {  	s7 =	sor.u32 $0x840, s12;
	v5 =	vld [tilespmem:s15+$0x0];
	[smem:$0x7C9] =	sst s14;
	s14 =	sor.u32 $0xC50, s17  }
0x176: {  	s6 =	sor.u32 $0xC00, s16;
	[tilespmem:v10+s10+$0x0] =	vst.idx.msk $0xffff, v9;
	s15 =	sadd.s32 $0x602, s20;
	[smem:$0x7D0] =	sst s14  }
0x177: {  	s26 =	sor.u32 $0x850, s16;
	[tilespmem:v45+s10+$0x0] =	vst.idx.msk $0xffff, v11;
	v46 =	vor.u32 s15, v0;
	s15 =	sor.u32 $0xC30, s12;
	s14 =	sld [smem:$0x7F3]  }
0x178: {  	s8 =	sor.u32 $0x860, s16;
	v9 =	vld [tilespmem:s3+$0x20];
	[smem:$0x7C7] =	sst s15;
	s15 =	sor.u32 $0xC40, s12;
	[tilespmem:v4+s10+$0x0] =	vst.idx.msk $0xffff, v3  }
0x179: {  	s11 =	sor.u32 $0x870, s16;
	v10 =	vor.u32 s22, v0;
	s22 =	sor.u32 $0xC30, s16;
	v11 =	vld [tilespmem:s30+$0x30];
	[smem:$0x7CC] =	sst s15;
	[tilespmem:v8+s10+$0x0] =	vst.idx.msk $0xffff, v6  }
0x17a: {  	s15 =	sor.u32 $0xC50, s12;
	v8 =	vor.u32 s19, v0;
	s19 =	sor.u32 $0xC50, s16;
	[tilespmem:v7+s10+$0x0] =	vst.idx.msk $0xffff, v5;
	v3 =	vld [tilespmem:s9+$0x0];
	v4 =	vor.u32 s14, v0;
	s14 =	sor.u32 $0xC10, s1  }
0x17b: {  	s9 =	sor.u32 $0xC60, s16;
	v5 =	vld [tilespmem:s14+$0x0];
	s14 =	sor.u32 $0xC70, s16;
	s16 =	sld [smem:$0x7F5]  }
0x17c: {  	[smem:$0x7D2] =	sst s15;
	s15 =	smov.u32 s13;
	s13 =	sadd.s32 $0x3202, s29  }
0x17d: {  	[smem:$0x7DD] =	sst s7;
	s7 =	sor.u32 $0x850, s12;
	v7 =	vor.u32 s13, v0;
	s13 =	sadd.s32 $0x802, s20  }
0x17e: {  	[tilespmem:v10+s10+$0x0] =	vst.idx.msk $0xffff, v9;
	v47 =	vor.u32 s13, v0;
	s13 =	rddreg [dreg:$0x5];
	v10 =	vor.u32 s16, v0;
	s16 =	smov.u32 s7  }
0x17f: {  	v1 =	vld [tilespmem:s2+$0x20];
	[smem:$0x7E7] =	sst s16;
	s16 =	smov.u32 s8  }
0x180: {  	[smem:$0x7ED] =	sst s16;
	s16 =	smov.u32 s13  }
0x181: {  	[smem:$0x7D6] =	sst s16  }
0x182: {  	s31 =	sor.u32 $0x860, s17;
	s0 =	sor.u32 $0xC60, s17;
	s16 =	sld [smem:$0x7E4]  }
0x183: {  	s5 =	sor.u32 $0x860, s12;
	[smem:$0x7EC] =	sst s26;
	s18 =	sor.u32 $0xC10, s17  }
0x184: {  	s26 =	sor.u32 $0x870, s12;
	[smem:$0x7C1] =	sst s18;
	[tilespmem:v2+s10+$0x0] =	vst.idx.msk $0xffff, v1;
	v6 =	vld [tilespmem:s4+$0x30];
	s13 =	smov.u32 s31  }
0x185: {  	s24 =	sor.u32 $0x870, s17;
	[tilespmem:v4+s10+$0x0] =	vst.idx.msk $0xffff, v3;
	[smem:$0x7E4] =	sst s13;
	v3 =	vld [tilespmem:s16+$0x0];
	s16 =	smov.u32 s0  }
0x186: {  	s18 =	sor.u32 $0xC00, s12;
	v2 =	vor.u32 s23, v0;
	s23 =	sor.u32 $0xC60, s12;
	v1 =	vld [tilespmem:s2+$0x30];
	[dreg:$0x5] =	wrdreg s16  }
0x187: {  	s17 =	sor.u32 $0xC70, s17;
	[tilespmem:v46+s10+$0x0] =	vst.idx.msk $0xffff, v11;
	s0 =	smov.u32 s23;
	s16 =	rddreg [dreg:$0x9]  }
0x188: {  	v11 =	vld [tilespmem:s30+$0x40];
	s7 =	sadd.s32 $0x2C01, s29;
	s8 =	sadd.s32 $0x800, s20;
	[dreg:$0x9] =	wrdreg s0  }
0x189: {  	v9 =	vld [tilespmem:s3+$0x30];
	[tilespmem:v8+s10+$0x0] =	vst.idx.msk $0xffff, v6;
	v8 =	vor.u32 s8, v0;
	s8 =	sor.u32 $0xC20, s1;
	s23 =	sadd.s32 $0x3402, s29;
	s0 =	rddreg [dreg:$0x3]  }
0x18a: {  	[tilespmem:v7+s10+$0x0] =	vst.idx.msk $0xffff, v5;
	v6 =	vld [tilespmem:s4+$0x40];
	v7 =	vor.u32 s23, v0;
	s23 =	smov.u32 s9;
	s31 =	smov.u32 s16;
	s16 =	rddreg [dreg:$0x11]  }
0x18b: {  	s12 =	sor.u32 $0xC70, s12;
	v4 =	vor.u32 s7, v0;
	s13 =	sadd.s32 $0x801, s20;
	v5 =	vld [tilespmem:s8+$0x0];
	[tilespmem:v2+s10+$0x0] =	vst.idx.msk $0xffff, v1;
	[dreg:$0x11] =	wrdreg s23  }
0x18c: {  	v2 =	vor.u32 s13, v0;
	v1 =	vld [tilespmem:s2+$0x40];
	s8 =	smov.u32 s0;
	s0 =	smov.u32 s12;
	s12 =	sld [smem:$0x7E8]  }
0x18d: {  	s7 =	smov.u32 s14;
	[tilespmem:v47+s10+$0x0] =	vst.idx.msk $0xffff, v11;
	s9 =	sadd.s32 $0xA02, s20;
	[smem:$0x7DC] =	sst s8  }
0x18e: {  	v11 =	vld [tilespmem:s30+$0x50];
	[tilespmem:v10+s10+$0x0] =	vst.idx.msk $0xffff, v9;
	v48 =	vor.u32 s9, v0;
	s13 =	smov.u32 s16;
	s16 =	sadd.s32 $0x803, s20;
	s8 =	rddreg [dreg:$0xd]  }
0x18f: {  	v9 =	vld [tilespmem:s3+$0x40];
	s23 =	sadd.s32 $0x2C03, s29;
	[tilespmem:v8+s10+$0x0] =	vst.idx.msk $0xffff, v6;
	s9 =	sadd.s32 $0xA00, s20;
	[dreg:$0xd] =	wrdreg s7;
	v10 =	vor.u32 s16, v0  }
0x190: {  	v6 =	vld [tilespmem:s4+$0x50];
	v8 =	vor.u32 s9, v0;
	s16 =	smov.u32 s17;
	s17 =	rddreg [dreg:$0x6];
	[tilespmem:v4+s10+$0x0] =	vst.idx.msk $0xffff, v3;
	v4 =	vor.u32 s23, v0;
	s23 =	smov.u32 s5  }
0x191: {  	s9 =	sadd.s32 $0xA01, s20;
	v3 =	vld [tilespmem:s12+$0x0];
	[smem:$0x7E8] =	sst s23;
	[tilespmem:v2+s10+$0x0] =	vst.idx.msk $0xffff, v1;
	s23 =	smov.u32 s29  }
0x192: {  	s12 =	sor.u32 $0xC30, s1;
	s29 =	smov.u32 s20;
	v2 =	vor.u32 s9, v0;
	[tilespmem:v7+s10+$0x0] =	vst.idx.msk $0xffff, v5;
	v1 =	vld [tilespmem:s2+$0x50];
	s14 =	sadd.s32 $0x3602, s23  }
0x193: {  	v5 =	vld [tilespmem:s12+$0x0];
	[tilespmem:v48+s10+$0x0] =	vst.idx.msk $0xffff, v11;
	s7 =	sadd.s32 $0xC02, s29;
	s12 =	sld [smem:$0x7EE];
	v7 =	vor.u32 s14, v0  }
0x194: {  	[dreg:$0x3] =	wrdreg s16;
	s5 =	sadd.s32 $0xA03, s29;
	v11 =	vld [tilespmem:s30+$0x60];
	v49 =	vor.u32 s7, v0;
	[tilespmem:v10+s10+$0x0] =	vst.idx.msk $0xffff, v9  }
0x195: {  	s16 =	smov.u32 s17;
	s17 =	smov.u32 s8;
	s8 =	sadd.s32 $0x2E00, s23;
	[tilespmem:v8+s10+$0x0] =	vst.idx.msk $0xffff, v6;
	v10 =	vor.u32 s5, v0;
	v9 =	vld [tilespmem:s3+$0x50]  }
0x196: {  	s9 =	sadd.s32 $0xC00, s29;
	[tilespmem:v4+s10+$0x0] =	vst.idx.msk $0xffff, v3;
	v3 =	vld [tilespmem:s12+$0x0];
	v4 =	vor.u32 s8, v0  }
0x197: {  	v8 =	vor.u32 s9, v0;
	v6 =	vld [tilespmem:s4+$0x60];
	[tilespmem:v2+s10+$0x0] =	vst.idx.msk $0xffff, v1  }
0x198: {  	s7 =	sor.u32 $0xC40, s1;
	s5 =	sadd.s32 $0xC01, s29;
	v1 =	vld [tilespmem:s2+$0x60];
	[tilespmem:v7+s10+$0x0] =	vst.idx.msk $0xffff, v5  }
0x199: {  	s8 =	sadd.s32 $0x3802, s23;
	v2 =	vor.u32 s5, v0;
	v5 =	vld [tilespmem:s7+$0x0];
	[tilespmem:v49+s10+$0x0] =	vst.idx.msk $0xffff, v11  }
0x19a: {  	s14 =	smov.u32 s11;
	s11 =	sadd.s32 $0xE02, s29;
	v7 =	vor.u32 s8, v0;
	[tilespmem:v10+s10+$0x0] =	vst.idx.msk $0xffff, v9  }
0x19b: {  	s9 =	sadd.s32 $0xC03, s29;
	v50 =	vor.u32 s11, v0;
	s8 =	sld [smem:$0x7E5];
	v11 =	vld [tilespmem:s30+$0x70];
	[tilespmem:v4+s10+$0x0] =	vst.idx.msk $0xffff, v3  }
0x19c: {  	[smem:$0x7EE] =	sst s14;
	s14 =	sadd.s32 $0xE00, s29;
	v10 =	vor.u32 s9, v0;
	v9 =	vld [tilespmem:s3+$0x60];
	[tilespmem:v8+s10+$0x0] =	vst.idx.msk $0xffff, v6  }
0x19d: {  	s12 =	sadd.s32 $0x2E01, s23;
	v8 =	vor.u32 s14, v0;
	v6 =	vld [tilespmem:s4+$0x70]  }
0x19e: {  	s11 =	sadd.s32 $0xE01, s29;
	v4 =	vor.u32 s12, v0;
	v3 =	vld [tilespmem:s8+$0x0];
	[tilespmem:v2+s10+$0x0] =	vst.idx.msk $0xffff, v1  }
0x19f: {  	s9 =	smov.u32 s24;
	s12 =	sor.u32 $0xC50, s1;
	s14 =	sadd.s32 $0x3A02, s23;
	v2 =	vor.u32 s11, v0;
	v1 =	vld [tilespmem:s2+$0x70];
	[tilespmem:v7+s10+$0x0] =	vst.idx.msk $0xffff, v5  }
0x1a0: {  	s5 =	sadd.s32 $0x1002, s29;
	[smem:$0x7E5] =	sst s9;
	v7 =	vor.u32 s14, v0;
	v5 =	vld [tilespmem:s12+$0x0];
	[tilespmem:v50+s10+$0x0] =	vst.idx.msk $0xffff, v11  }
0x1a1: {  	v51 =	vor.u32 s5, v0;
	s24 =	sadd.s32 $0xE03, s29;
	s9 =	sld [smem:$0x7E9];
	[tilespmem:v10+s10+$0x0] =	vst.idx.msk $0xffff, v9;
	v11 =	vld [tilespmem:s30+$0x400]  }
0x1a2: {  	s8 =	sadd.s32 $0x1000, s29;
	v10 =	vor.u32 s24, v0;
	v9 =	vld [tilespmem:s3+$0x70];
	[tilespmem:v8+s10+$0x0] =	vst.idx.msk $0xffff, v6  }
0x1a3: {  	s7 =	sadd.s32 $0x2E03, s23;
	[tilespmem:v4+s10+$0x0] =	vst.idx.msk $0xffff, v3;
	v8 =	vor.u32 s8, v0;
	v6 =	vld [tilespmem:s4+$0x400]  }
0x1a4: {  	s12 =	sadd.s32 $0x1001, s29;
	v4 =	vor.u32 s7, v0;
	v3 =	vld [tilespmem:s9+$0x0];
	[tilespmem:v2+s10+$0x0] =	vst.idx.msk $0xffff, v1  }
0x1a5: {  	s14 =	sor.u32 $0xC60, s1;
	s24 =	sadd.s32 $0x3C02, s23;
	v2 =	vor.u32 s12, v0;
	v1 =	vld [tilespmem:s2+$0x400];
	[tilespmem:v7+s10+$0x0] =	vst.idx.msk $0xffff, v5  }
0x1a6: {  	s5 =	sadd.s32 $0x1202, s29;
	s9 =	sld [smem:$0x7EF];
	v7 =	vor.u32 s24, v0;
	v5 =	vld [tilespmem:s14+$0x0];
	[tilespmem:v51+s10+$0x0] =	vst.idx.msk $0xffff, v11  }
0x1a7: {  	v52 =	vor.u32 s5, v0;
	s11 =	smov.u32 s26;
	s26 =	sadd.s32 $0x1003, s29;
	[tilespmem:v10+s10+$0x0] =	vst.idx.msk $0xffff, v9;
	v11 =	vld [tilespmem:s30+$0x410]  }
0x1a8: {  	[dreg:$0x6] =	wrdreg s0;
	s7 =	sadd.s32 $0x3000, s23;
	v10 =	vor.u32 s26, v0;
	v9 =	vld [tilespmem:s3+$0x400];
	[tilespmem:v8+s10+$0x0] =	vst.idx.msk $0xffff, v6  }
0x1a9: {  	s0 =	sld [smem:$0x7C1];
	s8 =	sadd.s32 $0x1200, s29;
	[tilespmem:v4+s10+$0x0] =	vst.idx.msk $0xffff, v3;
	v4 =	vor.u32 s7, v0;
	v3 =	vld [tilespmem:s9+$0x0]  }
0x1aa: {  	[smem:$0x7E9] =	sst s11;
	s12 =	sadd.s32 $0x1201, s29;
	v8 =	vor.u32 s8, v0;
	v6 =	vld [tilespmem:s4+$0x410];
	[tilespmem:v2+s10+$0x0] =	vst.idx.msk $0xffff, v1  }
0x1ab: {  	s24 =	sadd.s32 $0x3E02, s23;
	s14 =	sor.u32 $0xC70, s1;
	s9 =	sld [smem:$0x7BF];
	v2 =	vor.u32 s12, v0;
	v1 =	vld [tilespmem:s2+$0x410];
	[tilespmem:v7+s10+$0x0] =	vst.idx.msk $0xffff, v5  }
0x1ac: {  	s5 =	sadd.s32 $0x1402, s29;
	s11 =	smov.u32 s6;
	s8 =	sld [smem:$0x7E6];
	v7 =	vor.u32 s24, v0;
	v5 =	vld [tilespmem:s14+$0x0];
	[tilespmem:v52+s10+$0x0] =	vst.idx.msk $0xffff, v11  }
0x1ad: {  	v53 =	vor.u32 s5, v0;
	[smem:$0x7EF] =	sst s11;
	s26 =	sadd.s32 $0x1203, s29;
	[tilespmem:v10+s10+$0x0] =	vst.idx.msk $0xffff, v9;
	v11 =	vld [tilespmem:s30+$0x420]  }
0x1ae: {  	s11 =	smov.u32 s9;
	s9 =	sld [smem:$0x7F0];
	v10 =	vor.u32 s26, v0;
	v9 =	vld [tilespmem:s3+$0x410];
	[tilespmem:v4+s10+$0x0] =	vst.idx.msk $0xffff, v3  }
0x1af: {  	s7 =	sadd.s32 $0x1400, s29;
	[smem:$0x7E6] =	sst s11;
	v3 =	vld [tilespmem:s8+$0x0];
	[tilespmem:v8+s10+$0x0] =	vst.idx.msk $0xffff, v6  }
0x1b0: {  	s6 =	sadd.s32 $0x3001, s23;
	s26 =	sld [smem:$0x7EA];
	v8 =	vor.u32 s7, v0;
	v6 =	vld [tilespmem:s4+$0x420];
	[tilespmem:v2+s10+$0x0] =	vst.idx.msk $0xffff, v1  }
0x1b1: {  	s5 =	smov.u32 s18;
	s12 =	sadd.s32 $0x1401, s29;
	s11 =	sld [smem:$0x7C0];
	v4 =	vor.u32 s6, v0;
	[tilespmem:v7+s10+$0x0] =	vst.idx.msk $0xffff, v5  }
0x1b2: {  	[smem:$0x7EA] =	sst s5;
	s6 =	sadd.s32 $0x1602, s29;
	v2 =	vor.u32 s12, v0;
	v1 =	vld [tilespmem:s2+$0x420];
	[tilespmem:v53+s10+$0x0] =	vst.idx.msk $0xffff, v11  }
0x1b3: {  	s14 =	sadd.s32 $0x3003, s23;
	s5 =	sld [smem:$0x7CA];
	v54 =	vor.u32 s6, v0;
	[tilespmem:v10+s10+$0x0] =	vst.idx.msk $0xffff, v9;
	v11 =	vld [tilespmem:s30+$0x430]  }
0x1b4: {  	s24 =	sadd.s32 $0x1403, s29;
	s12 =	smov.u32 s11;
	s11 =	sld [smem:$0x7EB];
	v7 =	vor.u32 s14, v0;
	v5 =	vld [tilespmem:s26+$0x0]  }
0x1b5: {  	s7 =	sadd.s32 $0x3200, s23;
	[smem:$0x7F0] =	sst s12;
	v10 =	vor.u32 s24, v0;
	v9 =	vld [tilespmem:s3+$0x420];
	[tilespmem:v8+s10+$0x0] =	vst.idx.msk $0xffff, v6  }
0x1b6: {  	s8 =	sadd.s32 $0x1600, s29;
	s12 =	sld [smem:$0x7C2];
	[tilespmem:v4+s10+$0x0] =	vst.idx.msk $0xffff, v3;
	v4 =	vor.u32 s7, v0;
	v3 =	vld [tilespmem:s9+$0x0]  }
0x1b7: {  	s6 =	smov.u32 s0;
	s14 =	sadd.s32 $0x1601, s29;
	s26 =	rddreg [dreg:$0x1a];
	v8 =	vor.u32 s8, v0;
	v6 =	vld [tilespmem:s4+$0x430];
	[tilespmem:v2+s10+$0x0] =	vst.idx.msk $0xffff, v1  }
0x1b8: {  	s18 =	sadd.s32 $0x3201, s23;
	s7 =	sadd.s32 $0x1802, s29;
	[dreg:$0x1a] =	wrdreg s6;
	v2 =	vor.u32 s14, v0;
	v1 =	vld [tilespmem:s2+$0x430];
	[tilespmem:v54+s10+$0x0] =	vst.idx.msk $0xffff, v11  }
0x1b9: {  	v55 =	vor.u32 s7, v0;
	s7 =	sld [smem:$0x7C3];
	[tilespmem:v7+s10+$0x0] =	vst.idx.msk $0xffff, v5;
	v5 =	vld [tilespmem:s26+$0x0];
	v7 =	vor.u32 s18, v0  }
0x1ba: {  	s24 =	sadd.s32 $0x1603, s29;
	s6 =	sld [smem:$0x7F1];
	s14 =	smov.u32 s12;
	v11 =	vld [tilespmem:s30+$0x440];
	[tilespmem:v10+s10+$0x0] =	vst.idx.msk $0xffff, v9  }
0x1bb: {  	s8 =	sadd.s32 $0x3203, s23;
	[smem:$0x7EB] =	sst s14;
	v10 =	vor.u32 s24, v0;
	v9 =	vld [tilespmem:s3+$0x430];
	[tilespmem:v4+s10+$0x0] =	vst.idx.msk $0xffff, v3  }
0x1bc: {  	s9 =	sadd.s32 $0x1800, s29;
	s14 =	rddreg [dreg:$0x16];
	v3 =	vld [tilespmem:s11+$0x0];
	v4 =	vor.u32 s8, v0;
	s8 =	smov.u32 s7;
	[tilespmem:v8+s10+$0x0] =	vst.idx.msk $0xffff, v6  }
0x1bd: {  	s18 =	sadd.s32 $0x1801, s29;
	v8 =	vor.u32 s9, v0;
	[tilespmem:v2+s10+$0x0] =	vst.idx.msk $0xffff, v1;
	[smem:$0x7F1] =	sst s8;
	v6 =	vld [tilespmem:s4+$0x440]  }
0x1be: {  	s24 =	sadd.s32 $0x3400, s23;
	v2 =	vor.u32 s18, v0;
	s18 =	sld [smem:$0x7C4];
	v1 =	vld [tilespmem:s2+$0x440];
	[tilespmem:v7+s10+$0x0] =	vst.idx.msk $0xffff, v5  }
0x1bf: {  	s9 =	sadd.s32 $0x1A02, s29;
	s8 =	sld [smem:$0x7C5];
	v5 =	vld [tilespmem:s6+$0x0];
	v7 =	vor.u32 s24, v0;
	[tilespmem:v55+s10+$0x0] =	vst.idx.msk $0xffff, v11  }
0x1c0: {  	s26 =	sadd.s32 $0x1803, s29;
	s7 =	rddreg [dreg:$0x1c];
	v56 =	vor.u32 s9, v0;
	v11 =	vld [tilespmem:s30+$0x450];
	[tilespmem:v10+s10+$0x0] =	vst.idx.msk $0xffff, v9  }
0x1c1: {  	s11 =	sadd.s32 $0x3401, s23;
	s24 =	smov.u32 s18;
	s18 =	sld [smem:$0x7F2];
	v10 =	vor.u32 s26, v0;
	v9 =	vld [tilespmem:s3+$0x440];
	[tilespmem:v4+s10+$0x0] =	vst.idx.msk $0xffff, v3  }
0x1c2: {  	s12 =	sadd.s32 $0x1A00, s29;
	s9 =	smov.u32 s8;
	s8 =	sld [smem:$0x7C6];
	v3 =	vld [tilespmem:s14+$0x0];
	v4 =	vor.u32 s11, v0;
	[tilespmem:v8+s10+$0x0] =	vst.idx.msk $0xffff, v6  }
0x1c3: {  	[dreg:$0x16] =	wrdreg s24;
	s26 =	sadd.s32 $0x1A01, s29;
	v8 =	vor.u32 s12, v0;
	[tilespmem:v2+s10+$0x0] =	vst.idx.msk $0xffff, v1;
	v6 =	vld [tilespmem:s4+$0x450]  }
0x1c4: {  	[dreg:$0x1c] =	wrdreg s9;
	v2 =	vor.u32 s26, v0;
	v1 =	vld [tilespmem:s2+$0x450];
	[tilespmem:v7+s10+$0x0] =	vst.idx.msk $0xffff, v5  }
0x1c5: {  	s24 =	smov.u32 s22;
	s22 =	rddreg [dreg:$0x17];
	s11 =	sadd.s32 $0x1C02, s29;
	[tilespmem:v56+s10+$0x0] =	vst.idx.msk $0xffff, v11  }
0x1c6: {  	s1 =	sadd.s32 $0x3403, s23;
	[smem:$0x7F2] =	sst s24;
	v57 =	vor.u32 s11, v0;
	v11 =	vld [tilespmem:s30+$0x460];
	[tilespmem:v10+s10+$0x0] =	vst.idx.msk $0xffff, v9  }
0x1c7: {  	s6 =	sadd.s32 $0x1A03, s29;
	s24 =	sld [smem:$0x7C7];
	s11 =	sadd.s32 $0x1E02, s29;
	v7 =	vor.u32 s1, v0;
	[tilespmem:v4+s10+$0x0] =	vst.idx.msk $0xffff, v3;
	v5 =	vld [tilespmem:s7+$0x0]  }
0x1c8: {  	s12 =	sadd.s32 $0x3600, s23;
	v58 =	vor.u32 s11, v0;
	s11 =	sld [smem:$0x7C8];
	v10 =	vor.u32 s6, v0;
	v9 =	vld [tilespmem:s3+$0x450];
	[tilespmem:v8+s10+$0x0] =	vst.idx.msk $0xffff, v6  }
0x1c9: {  	s14 =	sadd.s32 $0x1C00, s29;
	s26 =	sadd.s32 $0x1C01, s29;
	v4 =	vor.u32 s12, v0;
	s7 =	rddreg [dreg:$0xf];
	[tilespmem:v2+s10+$0x0] =	vst.idx.msk $0xffff, v1;
	v3 =	vld [tilespmem:s18+$0x0]  }
0x1ca: {  	s9 =	smov.u32 s8;
	v8 =	vor.u32 s14, v0;
	v2 =	vor.u32 s26, v0;
	s14 =	sld [smem:$0x7E2];
	v1 =	vld [tilespmem:s2+$0x460]  }
0x1cb: {  	[dreg:$0xf] =	wrdreg s9;
	s26 =	smov.u32 s24;
	v6 =	vld [tilespmem:s4+$0x460];
	[tilespmem:v57+s10+$0x0] =	vst.idx.msk $0xffff, v11  }
0x1cc: {  	s1 =	sadd.s32 $0x3601, s23;
	[dreg:$0x17] =	wrdreg s26;
	[tilespmem:v7+s10+$0x0] =	vst.idx.msk $0xffff, v5  }
0x1cd: {  	s26 =	rddreg [dreg:$0xb];
	v11 =	vld [tilespmem:s30+$0x470];
	s30 =	simm.s32 $0x8000;
	v7 =	vor.u32 s1, v0;
	s1 =	sadd.s32 $0x2, s14;
	[tilespmem:v10+s10+$0x0] =	vst.idx.msk $0xffff, v9  }
0x1ce: {  	s6 =	sadd.s32 $0x1C03, s29;
	s12 =	sadd.s32 $0x3603, s23;
	v5 =	vld [tilespmem:s7+$0x0];
	[smem:$0x7E2] =	sst s1;
	[tilespmem:v4+s30+$0x0] =	vst.idx.msk $0xffff, v3  }
0x1cf: {  	s7 =	sadd.s32 $0x1E01, s29;
	v10 =	vor.u32 s6, v0;
	s1 =	sand.u32 $0x3, s1;
	s10 =	rddreg [dreg:$0x1b];
	v9 =	vld [tilespmem:s3+$0x460];
	[tilespmem:v2+s30+$0x0] =	vst.idx.msk $0xffff, v1  }
0x1d0: {  	s18 =	sadd.s32 $0x1E00, s29;
	v3 =	vld [tilespmem:s22+$0x0];
	s6 =	sshll.u32 s1, $0x8;
	v2 =	vor.u32 s7, v0;
	s7 =	sld [smem:$0x7CB];
	[tilespmem:v8+s30+$0x0] =	vst.idx.msk $0xffff, v6  }
0x1d1: {  	v4 =	vor.u32 s12, v0;
	s12 =	smov.u32 s11;
	s11 =	sld [smem:$0x7CC];
	v8 =	vor.u32 s18, v0;
	s0 =	sadd.s32 s15, s6;
	v6 =	vld [tilespmem:s4+$0x470]  }
0x1d2: {  	v1 =	vld [tilespmem:s2+$0x470];
	[dreg:$0x1b] =	wrdreg s12;
	s1 =	sadd.s32 $0x100, s0;
	[tilespmem:v58+s30+$0x0] =	vst.idx.msk $0xffff, v11  }
0x1d3: {  	s18 =	sadd.s32 $0x2002, s29;
	s0 =	sld [smem:$0x7C9];
	[tilespmem:v7+s30+$0x0] =	vst.idx.msk $0xffff, v5;
	v5 =	vld [tilespmem:s10+$0x0];
	s14 =	sor.u32 $0x800, s1  }
0x1d4: {  	s9 =	sadd.s32 $0x1E03, s29;
	v59 =	vor.u32 s18, v0;
	s10 =	rddreg [dreg:$0x10];
	v11 =	vld [tilespmem:s14+$0x0];
	[tilespmem:v10+s30+$0x0] =	vst.idx.msk $0xffff, v9  }
0x1d5: {  	s8 =	sadd.s32 $0x3800, s23;
	s12 =	smov.u32 s11;
	s11 =	rddreg [dreg:$0x8];
	v10 =	vor.u32 s9, v0;
	v9 =	vld [tilespmem:s3+$0x470]  }
0x1d6: {  	s24 =	sadd.s32 $0x2000, s29;
	v7 =	vor.u32 s8, v0;
	[dreg:$0x10] =	wrdreg s12;
	[tilespmem:v8+s30+$0x0] =	vst.idx.msk $0xffff, v6  }
0x1d7: {  	s22 =	sadd.s32 $0x3801, s23;
	s12 =	sld [smem:$0x7D0];
	s4 =	smov.u32 s0;
	[tilespmem:v4+s30+$0x0] =	vst.idx.msk $0xffff, v3;
	v8 =	vor.u32 s24, v0;
	v6 =	vld [tilespmem:s5+$0x0]  }
0x1d8: {  	s6 =	sadd.s32 $0x2001, s29;
	v3 =	vld [tilespmem:s26+$0x0];
	v4 =	vor.u32 s22, v0;
	[dreg:$0xb] =	wrdreg s4;
	[tilespmem:v2+s30+$0x0] =	vst.idx.msk $0xffff, v1  }
0x1d9: {  	s18 =	sadd.s32 $0x2202, s29;
	s14 =	sor.u32 $0x810, s1;
	v2 =	vor.u32 s6, v0;
	s22 =	sld [smem:$0x7CD];
	v1 =	vld [tilespmem:s7+$0x0];
	[tilespmem:v59+s30+$0x0] =	vst.idx.msk $0xffff, v11  }
0x1da: {  	p4 =	slt.u32 s21, $0x1C;
	s8 =	sadd.s32 $0x3803, s23;
	v60 =	vor.u32 s18, v0;
	s4 =	rddreg [dreg:$0x18];
	v11 =	vld [tilespmem:s14+$0x0];
	[tilespmem:v10+s30+$0x0] =	vst.idx.msk $0xffff, v9  }
0x1db: {  	p3 =	por !p3, !p3;
	s9 =	sadd.s32 $0x2003, s29;
	s6 =	sld [smem:$0x7CE];
	[tilespmem:v7+s30+$0x0] =	vst.idx.msk $0xffff, v5;
	v7 =	vor.u32 s8, v0;
	v5 =	vld [tilespmem:s10+$0x0]  }
0x1dc: {  	s24 =	sadd.s32 $0x3A00, s23;
	s5 =	smov.u32 s19;
	s8 =	sld [smem:$0x7CF];
	v10 =	vor.u32 s9, v0;
	v9 =	vld [tilespmem:s22+$0x0];
	[tilespmem:v8+s30+$0x0] =	vst.idx.msk $0xffff, v6  }
0x1dd: {  	s2 =	simm.s32 $0x1;
	s26 =	sadd.s32 $0x2200, s29;
	[dreg:$0x18] =	wrdreg s5;
	[tilespmem:v4+s30+$0x0] =	vst.idx.msk $0xffff, v3;
	v4 =	vor.u32 s24, v0;
	v3 =	vld [tilespmem:s4+$0x0]  }
0x1de: {  	s20 =	smov.u32 s21;
	s2 =	simm.s32 @!p3 $0x0;
	s5 =	sld [smem:$0x7D2];
	[tilespmem:v2+s30+$0x0] =	vst.idx.msk $0xffff, v1;
	v8 =	vor.u32 s26, v0;
	v6 =	vld [tilespmem:s6+$0x0]  }
0x1df: {  	s7 =	sadd.s32 $0x2201, s29;
	s14 =	smov.u32 s12;
	s22 =	sld [smem:$0x7D1];
	[tilespmem:v60+s30+$0x0] =	vst.idx.msk $0xffff, v11  }
0x1e0: {  	s12 =	sadd.s32 $0x4, s25;
	s9 =	sadd.s32 $0x3A01, s23;
	[dreg:$0x8] =	wrdreg s14;
	v2 =	vor.u32 s7, v0;
	v1 =	vld [tilespmem:s8+$0x0];
	[tilespmem:v7+s30+$0x0] =	vst.idx.msk $0xffff, v5  }
0x1e1: {  	s25 =	sadd.s32 $0x2C00, s29;
	s10 =	sadd.s32 $0x2203, s29;
	s7 =	sld [smem:$0x7D3];
	v5 =	vld [tilespmem:s11+$0x0];
	v7 =	vor.u32 s9, v0;
	[tilespmem:v10+s30+$0x0] =	vst.idx.msk $0xffff, v9  }
0x1e2: {  	s18 =	sor.u32 $0x820, s1;
	s19 =	sadd.s32 $0x2402, s29;
	[smem:$0x7F3] =	sst s25;
	v10 =	vor.u32 s10, v0;
	v9 =	vld [tilespmem:s22+$0x0];
	[tilespmem:v4+s30+$0x0] =	vst.idx.msk $0xffff, v3  }
0x1e3: {  	s2 =	sshll.u32 s2, $0x9;
	v61 =	vor.u32 s19, v0;
	s26 =	sadd.s32 $0x2400, s29;
	v11 =	vld [tilespmem:s18+$0x0];
	s9 =	sld [smem:$0x7D4];
	[tilespmem:v8+s30+$0x0] =	vst.idx.msk $0xffff, v6  }
0x1e4: {  	s0 =	sadd.s32 $0x3E00, s23;
	s24 =	sadd.s32 $0x3A03, s23;
	s4 =	rddreg [dreg:$0xc];
	v8 =	vor.u32 s26, v0;
	v6 =	vld [tilespmem:s7+$0x0]  }
0x1e5: {  	s25 =	sadd.s32 $0x2802, s29;
	s8 =	sadd.s32 $0x2401, s29;
	s18 =	sld [smem:$0x7D5];
	[tilespmem:v2+s30+$0x0] =	vst.idx.msk $0xffff, v1;
	v3 =	vld [tilespmem:s4+$0x0];
	v4 =	vor.u32 s24, v0  }
0x1e6: {  	s14 =	sor.u32 $0x830, s1;
	v16 =	vor.u32 s25, v0;
	s25 =	sld [smem:$0x7DB];
	v2 =	vor.u32 s8, v0;
	s10 =	sadd.s32 $0x3C00, s23;
	v1 =	vld [tilespmem:s9+$0x0];
	[tilespmem:v7+s30+$0x0] =	vst.idx.msk $0xffff, v5  }
0x1e7: {  	s6 =	smov.u32 s5;
	s11 =	sadd.s32 $0x2403, s29;
	s9 =	sld [smem:$0x7D7];
	v5 =	vld [tilespmem:s13+$0x0];
	v7 =	vor.u32 s10, v0;
	[tilespmem:v10+s30+$0x0] =	vst.idx.msk $0xffff, v9  }
0x1e8: {  	s26 =	sld [smem:$0x7D6];
	[tilespmem:v61+s30+$0x0] =	vst.idx.msk $0xffff, v11;
	s13 =	smov.u32 s15;
	s15 =	sadd.s32 $0x2602, s29;
	v10 =	vor.u32 s11, v0;
	v9 =	vld [tilespmem:s18+$0x0]  }
0x1e9: {  	s3 =	sadd.s32 $0x3E03, s23;
	[dreg:$0xc] =	wrdreg s6;
	s24 =	sadd.s32 $0x2600, s29;
	v11 =	vld [tilespmem:s14+$0x0];
	v62 =	vor.u32 s15, v0;
	[tilespmem:v8+s30+$0x0] =	vst.idx.msk $0xffff, v6  }
0x1ea: {  	s19 =	sadd.s32 $0x3C01, s23;
	s5 =	sadd.s32 $0x3, s21;
	s15 =	sld [smem:$0x7D8];
	[tilespmem:v4+s30+$0x0] =	vst.idx.msk $0xffff, v3;
	v8 =	vor.u32 s24, v0;
	v6 =	vld [tilespmem:s9+$0x0]  }
0x1eb: {  	s6 =	sadd.s32 $0x2A00, s29;
	s8 =	sadd.s32 $0x2801, s29;
	s4 =	sadd.s32 $0x3E01, s23;
	v3 =	vld [tilespmem:s26+$0x0];
	[tilespmem:v2+s30+$0x0] =	vst.idx.msk $0xffff, v1  }
0x1ec: {  	s22 =	sadd.s32 $0x3C03, s23;
	s23 =	sadd.s32 $0x601, s21;
	s26 =	sld [smem:$0x7D9];
	[tilespmem:v7+s30+$0x0] =	vst.idx.msk $0xffff, v5  }
0x1ed: {  	v14 =	vor.u32 s22, v0;
	s22 =	sadd.s32 $0x603, s21;
	s7 =	sadd.s32 $0x2800, s29;
	s10 =	sadd.s32 $0x2601, s29;
	v4 =	vor.u32 s19, v0;
	v1 =	vld [tilespmem:s15+$0x0];
	[tilespmem:v10+s30+$0x0] =	vst.idx.msk $0xffff, v9  }
0x1ee: {  	[smem:$0x7F5] =	sst s22;
	s22 =	sadd.s32 $0x403, s21;
	s11 =	sadd.s32 $0x2A03, s29;
	v2 =	vor.u32 s10, v0;
	[tilespmem:v62+s30+$0x0] =	vst.idx.msk $0xffff, v11;
	v13 =	vld [tilespmem:s31+$0x0]  }
0x1ef: {  	s14 =	sadd.s32 $0x2A01, s29;
	[smem:$0x7F4] =	sst s11;
	s18 =	sadd.s32 $0x2603, s29;
	v11 =	vld [tilespmem:s26+$0x0];
	[tilespmem:v8+s30+$0x0] =	vst.idx.msk $0xffff, v6  }
0x1f0: {  	s13 =	sadd.s32 $0x800, s13;
	s24 =	sor.u32 $0x840, s1;
	v63 =	vor.u32 s18, v0;
	v5 =	vld [tilespmem:s17+$0x0];
	s17 =	sld [smem:$0x7DA]  }
0x1f1: {  	s19 =	sadd.s32 $0x600, s21;
	s11 =	sadd.s32 $0x200, s21;
	s10 =	sand.u32 $0x7, s12;
	v15 =	vld [tilespmem:s24+$0x0]  }
.Ltmp5:
0x1f2: {  	s18 =	sadd.s32 $0x400, s21;
	[tilespmem:v4+s30+$0x0] =	vst.idx.msk $0xffff, v3;
	v6 =	vor.u32 s8, v0;
	s8 =	sld [smem:$0x7DC];
	(pc) =	sbr.rel @p4 .LBB2_3-.Ltmp5, $4  }
0x1f3: {  	s15 =	sadd.s32 $0x401, s21;
	s9 =	sadd.s32 $0x2803, s29;
	[tilespmem:v2+s30+$0x0] =	vst.idx.msk $0xffff, v1;
	v7 =	vld [tilespmem:s17+$0x0];
	s17 =	sld [smem:$0x7DD]  }
0x1f4: {  	s24 =	sadd.s32 $0x203, s21;
	v9 =	vor.u32 s0, v0;
	s0 =	sshll.u32 s10, $0x7;
	s10 =	sadd.s32 $0x200, s28;
	v3 =	vld [tilespmem:s25+$0x0];
	[tilespmem:v14+s30+$0x0] =	vst.idx.msk $0xffff, v13  }
0x1f5: {  	v10 =	vor.u32 s7, v0;
	s28 =	sor.u32 $0x850, s1;
	s26 =	sadd.s32 $0x201, s21;
	s31 =	sadd.s32 $0x1, s21;
	v4 =	vld [tilespmem:s8+$0x0];
	[tilespmem:v63+s30+$0x0] =	vst.idx.msk $0xffff, v11  }
0x1f6: {  	s7 =	sadd.s32 $0xFFFFFF80, s10;
	s21 =	sadd.s32 $0x4, s21;
	v2 =	vor.u32 s9, v0;
	s25 =	sadd.s32 $0x2A02, s29;
	v8 =	vor.u32 s4, v0;
	[tilespmem:v16+s30+$0x0] =	vst.idx.msk $0xffff, v15;
	v1 =	vld [tilespmem:s17+$0x0]  }
0x1f7: {  	s4 =	sand.u32 $0x300, s7  }
0x1f8: {  	s7 =	sand.u32 $0x3000, s13;
	s8 =	sadd.s32 $0xFFFFFE80, s10;
	s9 =	sadd.s32 $0xFFFFFF00, s10  }
0x1f9: {  	s17 =	sor.u32 s4, s7;
	s4 =	sand.u32 $0x200, s8;
	s8 =	sadd.s32 $0x2, s20  }
0x1fa: {  	s9 =	sand.u32 $0x280, s9;
	v11 =	vor.u32 s8, v0;
	v12 =	vld [tilespmem:s17+$0x0];
	s12 =	sor.u32 s4, s7  }
0x1fb: {  	s21 =	sand.u32 $0x380, s10;
	v14 =	vor.u32 s20, v0;
	s10 =	sor.u32 s9, s7;
	v13 =	vld [tilespmem:s12+$0x0]  }
0x1fc: {  	v15 =	vor.u32 s31, v0;
	s4 =	sor.u32 s21, s7;
	v16 =	vld [tilespmem:s10+$0x0]  }
0x1fd: {  	v17 =	vor.u32 s5, v0;
	v18 =	vld [tilespmem:s4+$0x0];
	_ =	sdelay $0x1  }
0x1fe: {  	s9 =	sadd.s32 $0x202, s20;
	[tilespmem:v11+s30+$0x0] =	vst.idx.msk $0xffff, v12  }
0x1ff: {  	v24 =	vor.u32 s9, v0;
	v12 =	vld [tilespmem:s17+$0x10];
	[tilespmem:v14+s30+$0x0] =	vst.idx.msk $0xffff, v13  }
0x200: {  	v25 =	vor.u32 s11, v0;
	[tilespmem:v15+s30+$0x0] =	vst.idx.msk $0xffff, v16;
	v14 =	vld [tilespmem:s12+$0x10]  }
0x201: {  	v26 =	vor.u32 s26, v0;
	[tilespmem:v17+s30+$0x0] =	vst.idx.msk $0xffff, v18;
	v16 =	vld [tilespmem:s10+$0x10]  }
0x202: {  	v27 =	vor.u32 s24, v0;
	v18 =	vld [tilespmem:s4+$0x10];
	_ =	sdelay $0x1  }
0x203: {  	s21 =	sadd.s32 $0x402, s20;
	[tilespmem:v24+s30+$0x0] =	vst.idx.msk $0xffff, v12  }
0x204: {  	v28 =	vor.u32 s21, v0;
	v12 =	vld [tilespmem:s17+$0x20];
	[tilespmem:v25+s30+$0x0] =	vst.idx.msk $0xffff, v14  }
0x205: {  	v29 =	vor.u32 s18, v0;
	[tilespmem:v26+s30+$0x0] =	vst.idx.msk $0xffff, v16;
	v14 =	vld [tilespmem:s12+$0x20]  }
0x206: {  	v30 =	vor.u32 s15, v0;
	[tilespmem:v27+s30+$0x0] =	vst.idx.msk $0xffff, v18;
	v16 =	vld [tilespmem:s10+$0x20]  }
0x207: {  	v31 =	vor.u32 s22, v0;
	v18 =	vld [tilespmem:s4+$0x20];
	_ =	sdelay $0x1  }
0x208: {  	[tilespmem:v28+s30+$0x0] =	vst.idx.msk $0xffff, v12  }
0x209: {  	[tilespmem:v29+s30+$0x0] =	vst.idx.msk $0xffff, v14  }
0x20a: {  	[tilespmem:v30+s30+$0x0] =	vst.idx.msk $0xffff, v16  }
0x20b: {  	s22 =	sadd.s32 $0x602, s20;
	[tilespmem:v31+s30+$0x0] =	vst.idx.msk $0xffff, v18  }
0x20c: {  	v34 =	vor.u32 s23, v0;
	v32 =	vor.u32 s22, v0;
	v12 =	vld [tilespmem:s17+$0x30];
	s23 =	sld [smem:$0x7F5]  }
0x20d: {  	v33 =	vor.u32 s19, v0;
	v14 =	vld [tilespmem:s12+$0x30]  }
0x20e: {  	v16 =	vld [tilespmem:s10+$0x30]  }
0x20f: {  	v18 =	vld [tilespmem:s4+$0x30];
	v35 =	vor.u32 s23, v0;
	_ =	sdelay $0x1  }
0x210: {  	s24 =	sadd.s32 $0x802, s20;
	[tilespmem:v32+s30+$0x0] =	vst.idx.msk $0xffff, v12  }
0x211: {  	s26 =	sadd.s32 $0x800, s20;
	v36 =	vor.u32 s24, v0;
	v12 =	vld [tilespmem:s17+$0x40];
	[tilespmem:v33+s30+$0x0] =	vst.idx.msk $0xffff, v14  }
0x212: {  	s31 =	sadd.s32 $0x801, s20;
	v37 =	vor.u32 s26, v0;
	[tilespmem:v34+s30+$0x0] =	vst.idx.msk $0xffff, v16;
	v14 =	vld [tilespmem:s12+$0x40]  }
0x213: {  	v38 =	vor.u32 s31, v0;
	s7 =	sadd.s32 $0x803, s20;
	v16 =	vld [tilespmem:s10+$0x40];
	[tilespmem:v35+s30+$0x0] =	vst.idx.msk $0xffff, v18  }
0x214: {  	v39 =	vor.u32 s7, v0;
	v18 =	vld [tilespmem:s4+$0x40];
	_ =	sdelay $0x1  }
0x215: {  	s8 =	sadd.s32 $0xA02, s20;
	[tilespmem:v36+s30+$0x0] =	vst.idx.msk $0xffff, v12  }
0x216: {  	v40 =	vor.u32 s8, v0;
	s9 =	sadd.s32 $0xA00, s20;
	v12 =	vld [tilespmem:s17+$0x50];
	[tilespmem:v37+s30+$0x0] =	vst.idx.msk $0xffff, v14  }
0x217: {  	s11 =	sadd.s32 $0xA01, s20;
	v41 =	vor.u32 s9, v0;
	[tilespmem:v38+s30+$0x0] =	vst.idx.msk $0xffff, v16;
	v14 =	vld [tilespmem:s12+$0x50]  }
0x218: {  	s15 =	sadd.s32 $0xA03, s20;
	v42 =	vor.u32 s11, v0;
	v16 =	vld [tilespmem:s10+$0x50];
	[tilespmem:v39+s30+$0x0] =	vst.idx.msk $0xffff, v18  }
0x219: {  	v43 =	vor.u32 s15, v0;
	v18 =	vld [tilespmem:s4+$0x50];
	_ =	sdelay $0x1  }
0x21a: {  	s18 =	sadd.s32 $0xC02, s20;
	[tilespmem:v40+s30+$0x0] =	vst.idx.msk $0xffff, v12  }
0x21b: {  	s19 =	sadd.s32 $0xC00, s20;
	v44 =	vor.u32 s18, v0;
	v12 =	vld [tilespmem:s17+$0x60];
	[tilespmem:v41+s30+$0x0] =	vst.idx.msk $0xffff, v14  }
0x21c: {  	v45 =	vor.u32 s19, v0;
	s21 =	sadd.s32 $0xC01, s20;
	[tilespmem:v42+s30+$0x0] =	vst.idx.msk $0xffff, v16;
	v14 =	vld [tilespmem:s12+$0x60]  }
0x21d: {  	s22 =	sadd.s32 $0xC03, s20;
	v46 =	vor.u32 s21, v0;
	v16 =	vld [tilespmem:s10+$0x60];
	[tilespmem:v43+s30+$0x0] =	vst.idx.msk $0xffff, v18  }
0x21e: {  	v47 =	vor.u32 s22, v0;
	[tilespmem:v9+s30+$0x0] =	vst.idx.msk $0xffff, v5;
	v18 =	vld [tilespmem:s4+$0x60]  }
0x21f: {  	[tilespmem:v10+s30+$0x0] =	vst.idx.msk $0xffff, v7  }
0x220: {  	s23 =	sadd.s32 $0xE02, s20;
	[tilespmem:v44+s30+$0x0] =	vst.idx.msk $0xffff, v12  }
0x221: {  	s24 =	sadd.s32 $0xE00, s20;
	v48 =	vor.u32 s23, v0;
	[tilespmem:v45+s30+$0x0] =	vst.idx.msk $0xffff, v14;
	v12 =	vld [tilespmem:s17+$0x70]  }
0x222: {  	s26 =	sadd.s32 $0xE01, s20;
	v49 =	vor.u32 s24, v0;
	[tilespmem:v46+s30+$0x0] =	vst.idx.msk $0xffff, v16;
	v14 =	vld [tilespmem:s12+$0x70]  }
0x223: {  	s31 =	sadd.s32 $0xE03, s20;
	v50 =	vor.u32 s26, v0;
	v16 =	vld [tilespmem:s10+$0x70];
	[tilespmem:v47+s30+$0x0] =	vst.idx.msk $0xffff, v18  }
0x224: {  	v51 =	vor.u32 s31, v0;
	[tilespmem:v6+s30+$0x0] =	vst.idx.msk $0xffff, v3;
	v52 =	vld [tilespmem:s4+$0x70]  }
0x225: {  	[tilespmem:v8+s30+$0x0] =	vst.idx.msk $0xffff, v4  }
0x226: {  	v60 =	vld [tilespmem:s28+$0x0];
	v61 =	vor.u32 s25, v0;
	s7 =	sadd.s32 $0x1002, s20;
	[tilespmem:v48+s30+$0x0] =	vst.idx.msk $0xffff, v12  }
0x227: {  	s8 =	sadd.s32 $0x1000, s20;
	v53 =	vor.u32 s7, v0;
	[tilespmem:v49+s30+$0x0] =	vst.idx.msk $0xffff, v14;
	v54 =	vld [tilespmem:s17+$0x400]  }
0x228: {  	v55 =	vor.u32 s8, v0;
	s9 =	sadd.s32 $0x1001, s20;
	[tilespmem:v50+s30+$0x0] =	vst.idx.msk $0xffff, v16;
	v56 =	vld [tilespmem:s12+$0x400]  }
0x229: {  	s11 =	sadd.s32 $0x1003, s20;
	v57 =	vor.u32 s9, v0;
	v58 =	vld [tilespmem:s10+$0x400];
	[tilespmem:v51+s30+$0x0] =	vst.idx.msk $0xffff, v52  }
0x22a: {  	v59 =	vor.u32 s11, v0;
	[tilespmem:v2+s30+$0x0] =	vst.idx.msk $0xffff, v1;
	v3 =	vld [tilespmem:s4+$0x400]  }
0x22b: {  	[tilespmem:v61+s30+$0x0] =	vst.idx.msk $0xffff, v60  }
0x22c: {  	[tilespmem:v53+s30+$0x0] =	vst.idx.msk $0xffff, v54  }
0x22d: {  	[tilespmem:v55+s30+$0x0] =	vst.idx.msk $0xffff, v56  }
0x22e: {  	v19 =	vor.u32 s3, v0;
	s15 =	sadd.s32 $0x1202, s20;
	v2 =	vld [tilespmem:s16+$0x0];
	[tilespmem:v57+s30+$0x0] =	vst.idx.msk $0xffff, v58  }
0x22f: {  	s18 =	sadd.s32 $0x1200, s20;
	v62 =	vor.u32 s15, v0;
	v63 =	vld [tilespmem:s17+$0x410];
	[tilespmem:v59+s30+$0x0] =	vst.idx.msk $0xffff, v3  }
0x230: {  	s19 =	sadd.s32 $0x1201, s20;
	v16 =	vor.u32 s18, v0;
	v10 =	vld [tilespmem:s12+$0x410];
	s22 =	sld [smem:$0x7EC]  }
0x231: {  	s21 =	sadd.s32 $0x1203, s20;
	v17 =	vor.u32 s19, v0;
	v18 =	vld [tilespmem:s10+$0x410]  }
0x232: {  	v3 =	vor.u32 s21, v0;
	v1 =	vld [tilespmem:s4+$0x410]  }
0x233: {  	v21 =	vor.u32 s6, v0;
	[tilespmem:v19+s30+$0x0] =	vst.idx.msk $0xffff, v2;
	v20 =	vld [tilespmem:s22+$0x0]  }
0x234: {  	[tilespmem:v62+s30+$0x0] =	vst.idx.msk $0xffff, v63  }
0x235: {  	[tilespmem:v16+s30+$0x0] =	vst.idx.msk $0xffff, v10  }
0x236: {  	s23 =	sadd.s32 $0x1402, s20;
	[tilespmem:v17+s30+$0x0] =	vst.idx.msk $0xffff, v18  }
0x237: {  	s24 =	sadd.s32 $0x1400, s20;
	v22 =	vor.u32 s23, v0;
	v8 =	vld [tilespmem:s17+$0x420];
	[tilespmem:v3+s30+$0x0] =	vst.idx.msk $0xffff, v1  }
0x238: {  	s25 =	sadd.s32 $0x1401, s20;
	v23 =	vor.u32 s24, v0;
	v10 =	vld [tilespmem:s12+$0x420];
	[tilespmem:v21+s30+$0x0] =	vst.idx.msk $0xffff, v20  }
0x239: {  	s28 =	sor.u32 $0x860, s1;
	s31 =	sadd.s32 $0x2C02, s29;
	v24 =	vor.u32 s25, v0;
	v11 =	vld [tilespmem:s10+$0x420];
	s6 =	sld [smem:$0x7E3]  }
0x23a: {  	s26 =	sadd.s32 $0x1403, s20;
	v25 =	vor.u32 s31, v0;
	v3 =	vld [tilespmem:s28+$0x0]  }
0x23b: {  	v1 =	vor.u32 s26, v0;
	v2 =	vld [tilespmem:s4+$0x420]  }
0x23c: {  	v27 =	vor.u32 s14, v0;
	[tilespmem:v22+s30+$0x0] =	vst.idx.msk $0xffff, v8;
	v26 =	vld [tilespmem:s6+$0x0]  }
0x23d: {  	[tilespmem:v23+s30+$0x0] =	vst.idx.msk $0xffff, v10  }
0x23e: {  	[tilespmem:v24+s30+$0x0] =	vst.idx.msk $0xffff, v11  }
0x23f: {  	[tilespmem:v25+s30+$0x0] =	vst.idx.msk $0xffff, v3  }
0x240: {  	s7 =	sadd.s32 $0x1602, s20;
	[tilespmem:v1+s30+$0x0] =	vst.idx.msk $0xffff, v2  }
0x241: {  	s8 =	sadd.s32 $0x1600, s20;
	v28 =	vor.u32 s7, v0;
	v8 =	vld [tilespmem:s17+$0x430];
	[tilespmem:v27+s30+$0x0] =	vst.idx.msk $0xffff, v26  }
0x242: {  	s9 =	sadd.s32 $0x1601, s20;
	v29 =	vor.u32 s8, v0;
	v10 =	vld [tilespmem:s12+$0x430];
	s16 =	sld [smem:$0x7E7]  }
0x243: {  	s11 =	sadd.s32 $0x1603, s20;
	v30 =	vor.u32 s9, v0;
	v11 =	vld [tilespmem:s10+$0x430];
	s18 =	sld [smem:$0x7F4]  }
0x244: {  	s15 =	sadd.s32 $0x2E02, s29;
	s14 =	sor.u32 $0x870, s1;
	v1 =	vor.u32 s11, v0;
	v2 =	vld [tilespmem:s4+$0x430]  }
0x245: {  	v31 =	vor.u32 s15, v0;
	v3 =	vld [tilespmem:s14+$0x0]  }
0x246: {  	[tilespmem:v28+s30+$0x0] =	vst.idx.msk $0xffff, v8;
	v32 =	vld [tilespmem:s16+$0x0];
	v33 =	vor.u32 s18, v0  }
0x247: {  	[tilespmem:v29+s30+$0x0] =	vst.idx.msk $0xffff, v10  }
0x248: {  	[tilespmem:v30+s30+$0x0] =	vst.idx.msk $0xffff, v11  }
0x249: {  	[tilespmem:v1+s30+$0x0] =	vst.idx.msk $0xffff, v2  }
0x24a: {  	s19 =	sadd.s32 $0x1802, s20;
	[tilespmem:v31+s30+$0x0] =	vst.idx.msk $0xffff, v3  }
0x24b: {  	v34 =	vor.u32 s19, v0;
	s21 =	sadd.s32 $0x1800, s20;
	v8 =	vld [tilespmem:s17+$0x440];
	[tilespmem:v33+s30+$0x0] =	vst.idx.msk $0xffff, v32  }
0x24c: {  	v35 =	vor.u32 s21, v0;
	s22 =	sadd.s32 $0x1801, s20;
	v10 =	vld [tilespmem:s12+$0x440];
	s26 =	sld [smem:$0x7ED]  }
0x24d: {  	s23 =	sadd.s32 $0x1803, s20;
	v36 =	vor.u32 s22, v0;
	v11 =	vld [tilespmem:s10+$0x440];
	s28 =	sld [smem:$0x7F3]  }
0x24e: {  	s24 =	sor.u32 $0xC00, s1;
	s25 =	sadd.s32 $0x3002, s29;
	v1 =	vor.u32 s23, v0;
	v2 =	vld [tilespmem:s4+$0x440]  }
0x24f: {  	v37 =	vor.u32 s25, v0;
	v3 =	vld [tilespmem:s24+$0x0]  }
0x250: {  	[tilespmem:v34+s30+$0x0] =	vst.idx.msk $0xffff, v8;
	v38 =	vld [tilespmem:s26+$0x0];
	v39 =	vor.u32 s28, v0  }
0x251: {  	[tilespmem:v35+s30+$0x0] =	vst.idx.msk $0xffff, v10  }
0x252: {  	[tilespmem:v36+s30+$0x0] =	vst.idx.msk $0xffff, v11  }
0x253: {  	s31 =	sadd.s32 $0x1A02, s20;
	[tilespmem:v1+s30+$0x0] =	vst.idx.msk $0xffff, v2  }
0x254: {  	s5 =	sadd.s32 $0x1A00, s20;
	v40 =	vor.u32 s31, v0;
	[tilespmem:v37+s30+$0x0] =	vst.idx.msk $0xffff, v3;
	v8 =	vld [tilespmem:s17+$0x450]  }
0x255: {  	v41 =	vor.u32 s5, v0;
	s6 =	sadd.s32 $0x1A01, s20;
	v10 =	vld [tilespmem:s12+$0x450];
	[tilespmem:v39+s30+$0x0] =	vst.idx.msk $0xffff, v38  }
0x256: {  	s7 =	sadd.s32 $0x1A03, s20;
	v42 =	vor.u32 s6, v0;
	v11 =	vld [tilespmem:s10+$0x450];
	s14 =	sld [smem:$0x7E4]  }
0x257: {  	s8 =	sor.u32 $0xC10, s1;
	s9 =	sadd.s32 $0x3202, s29;
	v1 =	vor.u32 s7, v0;
	v2 =	vld [tilespmem:s4+$0x450]  }
0x258: {  	v43 =	vor.u32 s9, v0;
	s11 =	sadd.s32 $0x2C01, s29;
	v3 =	vld [tilespmem:s8+$0x0]  }
0x259: {  	v45 =	vor.u32 s11, v0;
	[tilespmem:v40+s30+$0x0] =	vst.idx.msk $0xffff, v8;
	v44 =	vld [tilespmem:s14+$0x0]  }
0x25a: {  	[tilespmem:v41+s30+$0x0] =	vst.idx.msk $0xffff, v10  }
0x25b: {  	[tilespmem:v42+s30+$0x0] =	vst.idx.msk $0xffff, v11  }
0x25c: {  	s15 =	sadd.s32 $0x1C02, s20;
	[tilespmem:v1+s30+$0x0] =	vst.idx.msk $0xffff, v2  }
0x25d: {  	v46 =	vor.u32 s15, v0;
	s16 =	sadd.s32 $0x1C00, s20;
	[tilespmem:v43+s30+$0x0] =	vst.idx.msk $0xffff, v3;
	v8 =	vld [tilespmem:s17+$0x460]  }
0x25e: {  	s18 =	sadd.s32 $0x1C01, s20;
	v47 =	vor.u32 s16, v0;
	v10 =	vld [tilespmem:s12+$0x460];
	[tilespmem:v45+s30+$0x0] =	vst.idx.msk $0xffff, v44  }
0x25f: {  	s19 =	sadd.s32 $0x1C03, s20;
	v48 =	vor.u32 s18, v0;
	v11 =	vld [tilespmem:s10+$0x460];
	s24 =	sld [smem:$0x7E8]  }
0x260: {  	s21 =	sor.u32 $0xC20, s1;
	s22 =	sadd.s32 $0x3402, s29;
	v1 =	vor.u32 s19, v0;
	v2 =	vld [tilespmem:s4+$0x460]  }
0x261: {  	v49 =	vor.u32 s22, v0;
	s23 =	sadd.s32 $0x2C03, s29;
	v3 =	vld [tilespmem:s21+$0x0]  }
0x262: {  	v51 =	vor.u32 s23, v0;
	[tilespmem:v46+s30+$0x0] =	vst.idx.msk $0xffff, v8;
	v50 =	vld [tilespmem:s24+$0x0]  }
0x263: {  	s26 =	sld [smem:$0x7E2];
	[tilespmem:v47+s30+$0x0] =	vst.idx.msk $0xffff, v10  }
0x264: {  	[tilespmem:v48+s30+$0x0] =	vst.idx.msk $0xffff, v11  }
0x265: {  	s25 =	sadd.s32 $0x1E02, s20;
	[tilespmem:v1+s30+$0x0] =	vst.idx.msk $0xffff, v2  }
0x266: {  	v52 =	vor.u32 s25, v0;
	s28 =	sadd.s32 $0x1E00, s20;
	v7 =	vld [tilespmem:s17+$0x470];
	[tilespmem:v49+s30+$0x0] =	vst.idx.msk $0xffff, v3  }
0x267: {  	s31 =	sadd.s32 $0x1E01, s20;
	v53 =	vor.u32 s28, v0;
	v9 =	vld [tilespmem:s12+$0x470];
	[tilespmem:v51+s30+$0x0] =	vst.idx.msk $0xffff, v50  }
0x268: {  	v54 =	vor.u32 s31, v0;
	s6 =	sadd.s32 $0x1E03, s20;
	v5 =	vld [tilespmem:s10+$0x470];
	s11 =	sld [smem:$0x7EE]  }
0x269: {  	s7 =	sor.u32 $0xC30, s1;
	s8 =	sadd.s32 $0x3602, s29;
	v2 =	vor.u32 s6, v0;
	v1 =	vld [tilespmem:s4+$0x470];
	s3 =	sadd.s32 $0x2, s26  }
0x26a: {  	v55 =	vor.u32 s8, v0;
	v3 =	vld [tilespmem:s7+$0x0];
	s10 =	sadd.s32 $0x2E00, s29;
	s3 =	sand.u32 $0x3, s3  }
0x26b: {  	v57 =	vor.u32 s10, v0;
	s3 =	sshll.u32 s3, $0x8;
	[tilespmem:v52+s30+$0x0] =	vst.idx.msk $0xffff, v7;
	v56 =	vld [tilespmem:s11+$0x0]  }
0x26c: {  	s3 =	sadd.s32 s13, s3;
	[tilespmem:v53+s30+$0x0] =	vst.idx.msk $0xffff, v9  }
0x26d: {  	s9 =	sadd.s32 s13, s0;
	s3 =	sadd.s32 $0x100, s3;
	[tilespmem:v54+s30+$0x0] =	vst.idx.msk $0xffff, v5  }
0x26e: {  	s0 =	sadd.s32 s2, s13;
	s13 =	sadd.s32 $0x2002, s20;
	s12 =	sor.u32 $0x800, s3;
	[tilespmem:v2+s30+$0x0] =	vst.idx.msk $0xffff, v1  }
0x26f: {  	s15 =	sadd.s32 $0x2000, s20;
	s14 =	sor.u32 $0x800, s0;
	s4 =	sadd.s32 $0x80, s9;
	v58 =	vor.u32 s13, v0;
	[tilespmem:v55+s30+$0x0] =	vst.idx.msk $0xffff, v3;
	v7 =	vld [tilespmem:s12+$0x0]  }
0x270: {  	s2 =	sadd.s32 $0x180, s9;
	v59 =	vor.u32 s15, v0;
	s17 =	sadd.s32 $0x2001, s20;
	s16 =	sor.u32 $0x800, s4;
	v9 =	vld [tilespmem:s14+$0x0];
	[tilespmem:v57+s30+$0x0] =	vst.idx.msk $0xffff, v56  }
0x271: {  	s18 =	sor.u32 $0x800, s2;
	s19 =	sadd.s32 $0x2003, s20;
	v60 =	vor.u32 s17, v0;
	v5 =	vld [tilespmem:s16+$0x0];
	s24 =	sld [smem:$0x7E5]  }
0x272: {  	s22 =	sadd.s32 $0x3802, s29;
	s21 =	sor.u32 $0xC40, s1;
	v2 =	vor.u32 s19, v0;
	v1 =	vld [tilespmem:s18+$0x0]  }
0x273: {  	v61 =	vor.u32 s22, v0;
	s23 =	sadd.s32 $0x2E01, s29;
	v3 =	vld [tilespmem:s21+$0x0]  }
0x274: {  	v63 =	vor.u32 s23, v0;
	[tilespmem:v58+s30+$0x0] =	vst.idx.msk $0xffff, v7;
	v62 =	vld [tilespmem:s24+$0x0]  }
0x275: {  	[tilespmem:v59+s30+$0x0] =	vst.idx.msk $0xffff, v9  }
0x276: {  	[tilespmem:v60+s30+$0x0] =	vst.idx.msk $0xffff, v5  }
0x277: {  	s26 =	sadd.s32 $0x2202, s20;
	s25 =	sor.u32 $0x810, s3;
	[tilespmem:v2+s30+$0x0] =	vst.idx.msk $0xffff, v1  }
0x278: {  	s31 =	sadd.s32 $0x2200, s20;
	s28 =	sor.u32 $0x810, s0;
	v16 =	vor.u32 s26, v0;
	[tilespmem:v61+s30+$0x0] =	vst.idx.msk $0xffff, v3;
	v7 =	vld [tilespmem:s25+$0x0]  }
0x279: {  	v17 =	vor.u32 s31, v0;
	s7 =	sadd.s32 $0x2201, s20;
	s6 =	sor.u32 $0x810, s4;
	v9 =	vld [tilespmem:s28+$0x0];
	[tilespmem:v63+s30+$0x0] =	vst.idx.msk $0xffff, v62  }
0x27a: {  	s8 =	sor.u32 $0x810, s2;
	s9 =	sadd.s32 $0x2203, s20;
	v18 =	vor.u32 s7, v0;
	v5 =	vld [tilespmem:s6+$0x0];
	s13 =	sld [smem:$0x7E9]  }
0x27b: {  	s10 =	sor.u32 $0xC50, s1;
	s11 =	sadd.s32 $0x3A02, s29;
	v2 =	vor.u32 s9, v0;
	v1 =	vld [tilespmem:s8+$0x0]  }
0x27c: {  	s12 =	sadd.s32 $0x2E03, s29;
	v19 =	vor.u32 s11, v0;
	v3 =	vld [tilespmem:s10+$0x0]  }
0x27d: {  	v21 =	vor.u32 s12, v0;
	[tilespmem:v16+s30+$0x0] =	vst.idx.msk $0xffff, v7;
	v20 =	vld [tilespmem:s13+$0x0]  }
0x27e: {  	[tilespmem:v17+s30+$0x0] =	vst.idx.msk $0xffff, v9  }
0x27f: {  	[tilespmem:v18+s30+$0x0] =	vst.idx.msk $0xffff, v5  }
0x280: {  	s15 =	sadd.s32 $0x2402, s20;
	s14 =	sor.u32 $0x820, s3;
	[tilespmem:v2+s30+$0x0] =	vst.idx.msk $0xffff, v1  }
0x281: {  	v22 =	vor.u32 s15, v0;
	s17 =	sadd.s32 $0x2400, s20;
	s16 =	sor.u32 $0x820, s0;
	[tilespmem:v19+s30+$0x0] =	vst.idx.msk $0xffff, v3;
	v7 =	vld [tilespmem:s14+$0x0]  }
0x282: {  	v23 =	vor.u32 s17, v0;
	s19 =	sadd.s32 $0x2401, s20;
	s18 =	sor.u32 $0x820, s4;
	v9 =	vld [tilespmem:s16+$0x0];
	[tilespmem:v21+s30+$0x0] =	vst.idx.msk $0xffff, v20  }
0x283: {  	s22 =	sadd.s32 $0x2403, s20;
	v24 =	vor.u32 s19, v0;
	s21 =	sor.u32 $0x820, s2;
	v5 =	vld [tilespmem:s18+$0x0];
	s26 =	sld [smem:$0x7EF]  }
0x284: {  	s23 =	sor.u32 $0xC60, s1;
	s24 =	sadd.s32 $0x3C02, s29;
	v2 =	vor.u32 s22, v0;
	v1 =	vld [tilespmem:s21+$0x0]  }
0x285: {  	s25 =	sadd.s32 $0x3000, s29;
	v25 =	vor.u32 s24, v0;
	v3 =	vld [tilespmem:s23+$0x0]  }
0x286: {  	v27 =	vor.u32 s25, v0;
	[tilespmem:v22+s30+$0x0] =	vst.idx.msk $0xffff, v7;
	v26 =	vld [tilespmem:s26+$0x0]  }
0x287: {  	[tilespmem:v23+s30+$0x0] =	vst.idx.msk $0xffff, v9  }
0x288: {  	[tilespmem:v24+s30+$0x0] =	vst.idx.msk $0xffff, v5  }
0x289: {  	s31 =	sadd.s32 $0x2602, s20;
	s28 =	sor.u32 $0x830, s3;
	[tilespmem:v2+s30+$0x0] =	vst.idx.msk $0xffff, v1  }
0x28a: {  	v28 =	vor.u32 s31, v0;
	s7 =	sadd.s32 $0x2600, s20;
	s6 =	sor.u32 $0x830, s0;
	[tilespmem:v25+s30+$0x0] =	vst.idx.msk $0xffff, v3;
	v7 =	vld [tilespmem:s28+$0x0]  }
0x28b: {  	v29 =	vor.u32 s7, v0;
	s9 =	sadd.s32 $0x2601, s20;
	s8 =	sor.u32 $0x830, s4;
	v9 =	vld [tilespmem:s6+$0x0];
	[tilespmem:v27+s30+$0x0] =	vst.idx.msk $0xffff, v26  }
0x28c: {  	s11 =	sadd.s32 $0x2603, s20;
	v30 =	vor.u32 s9, v0;
	s10 =	sor.u32 $0x830, s2;
	v5 =	vld [tilespmem:s8+$0x0];
	s15 =	sld [smem:$0x7E6]  }
0x28d: {  	s12 =	sor.u32 $0xC70, s1;
	s13 =	sadd.s32 $0x3E02, s29;
	v2 =	vor.u32 s11, v0;
	v1 =	vld [tilespmem:s10+$0x0]  }
0x28e: {  	s14 =	sadd.s32 $0x3001, s29;
	v31 =	vor.u32 s13, v0;
	v3 =	vld [tilespmem:s12+$0x0]  }
0x28f: {  	v33 =	vor.u32 s14, v0;
	[tilespmem:v28+s30+$0x0] =	vst.idx.msk $0xffff, v7;
	v32 =	vld [tilespmem:s15+$0x0]  }
0x290: {  	[tilespmem:v29+s30+$0x0] =	vst.idx.msk $0xffff, v9  }
0x291: {  	[tilespmem:v30+s30+$0x0] =	vst.idx.msk $0xffff, v5  }
0x292: {  	s17 =	sadd.s32 $0x2802, s20;
	s16 =	sor.u32 $0x840, s3;
	[tilespmem:v2+s30+$0x0] =	vst.idx.msk $0xffff, v1  }
0x293: {  	v34 =	vor.u32 s17, v0;
	s19 =	sadd.s32 $0x2800, s20;
	s18 =	sor.u32 $0x840, s0;
	[tilespmem:v31+s30+$0x0] =	vst.idx.msk $0xffff, v3;
	v7 =	vld [tilespmem:s16+$0x0]  }
0x294: {  	v35 =	vor.u32 s19, v0;
	s22 =	sadd.s32 $0x2801, s20;
	s21 =	sor.u32 $0x840, s4;
	v9 =	vld [tilespmem:s18+$0x0];
	s26 =	sld [smem:$0x7EA];
	[tilespmem:v33+s30+$0x0] =	vst.idx.msk $0xffff, v32  }
0x295: {  	s24 =	sadd.s32 $0x2803, s20;
	v36 =	vor.u32 s22, v0;
	s23 =	sor.u32 $0x840, s2;
	v5 =	vld [tilespmem:s21+$0x0];
	s31 =	sld [smem:$0x7F0]  }
0x296: {  	s25 =	sadd.s32 $0x3003, s29;
	v2 =	vor.u32 s24, v0;
	v1 =	vld [tilespmem:s23+$0x0]  }
0x297: {  	v37 =	vor.u32 s25, v0;
	s28 =	sadd.s32 $0x3200, s29;
	v3 =	vld [tilespmem:s26+$0x0]  }
0x298: {  	v39 =	vor.u32 s28, v0;
	[tilespmem:v34+s30+$0x0] =	vst.idx.msk $0xffff, v7;
	v38 =	vld [tilespmem:s31+$0x0]  }
0x299: {  	s7 =	sor.u32 $0x850, s3;
	s6 =	sadd.s32 $0x2A02, s20;
	[tilespmem:v35+s30+$0x0] =	vst.idx.msk $0xffff, v9  }
0x29a: {  	s9 =	sadd.s32 $0x2A00, s20;
	s8 =	sor.u32 $0x850, s0;
	v40 =	vor.u32 s6, v0;
	[tilespmem:v36+s30+$0x0] =	vst.idx.msk $0xffff, v5;
	v7 =	vld [tilespmem:s7+$0x0]  }
0x29b: {  	v41 =	vor.u32 s9, v0;
	s11 =	sadd.s32 $0x2A01, s20;
	s10 =	sor.u32 $0x850, s4;
	[tilespmem:v2+s30+$0x0] =	vst.idx.msk $0xffff, v1;
	v9 =	vld [tilespmem:s8+$0x0]  }
0x29c: {  	s13 =	sadd.s32 $0x2A03, s20;
	v42 =	vor.u32 s11, v0;
	s12 =	sor.u32 $0x850, s2;
	[tilespmem:v37+s30+$0x0] =	vst.idx.msk $0xffff, v3;
	v5 =	vld [tilespmem:s10+$0x0]  }
0x29d: {  	s14 =	sadd.s32 $0x3201, s29;
	v2 =	vor.u32 s13, v0;
	v1 =	vld [tilespmem:s12+$0x0];
	s15 =	rddreg [dreg:$0x1a];
	[tilespmem:v39+s30+$0x0] =	vst.idx.msk $0xffff, v38  }
0x29e: {  	v43 =	vor.u32 s14, v0;
	v3 =	vld [tilespmem:s15+$0x0];
	s17 =	sld [smem:$0x7EB]  }
0x29f: {  	[tilespmem:v40+s30+$0x0] =	vst.idx.msk $0xffff, v7  }
0x2a0: {  	s16 =	sadd.s32 $0x3203, s29;
	[tilespmem:v41+s30+$0x0] =	vst.idx.msk $0xffff, v9  }
0x2a1: {  	v45 =	vor.u32 s16, v0;
	[tilespmem:v42+s30+$0x0] =	vst.idx.msk $0xffff, v5;
	v44 =	vld [tilespmem:s17+$0x0]  }
0x2a2: {  	s19 =	sadd.s32 $0x2C02, s20;
	s18 =	sor.u32 $0x860, s3;
	[tilespmem:v2+s30+$0x0] =	vst.idx.msk $0xffff, v1  }
0x2a3: {  	v46 =	vor.u32 s19, v0;
	s22 =	sadd.s32 $0x2C00, s20;
	s21 =	sor.u32 $0x860, s0;
	[tilespmem:v43+s30+$0x0] =	vst.idx.msk $0xffff, v3;
	v7 =	vld [tilespmem:s18+$0x0]  }
0x2a4: {  	v47 =	vor.u32 s22, v0;
	s24 =	sadd.s32 $0x2C01, s20;
	s23 =	sor.u32 $0x860, s4;
	v9 =	vld [tilespmem:s21+$0x0];
	s31 =	sld [smem:$0x7F1]  }
0x2a5: {  	s25 =	sor.u32 $0x860, s2;
	v48 =	vor.u32 s24, v0;
	s26 =	sadd.s32 $0x2C03, s20;
	v5 =	vld [tilespmem:s23+$0x0]  }
0x2a6: {  	s28 =	sadd.s32 $0x3400, s29;
	v2 =	vor.u32 s26, v0;
	v1 =	vld [tilespmem:s25+$0x0];
	[tilespmem:v45+s30+$0x0] =	vst.idx.msk $0xffff, v44  }
0x2a7: {  	s6 =	sadd.s32 $0x3401, s29;
	v49 =	vor.u32 s28, v0;
	v3 =	vld [tilespmem:s31+$0x0];
	s7 =	rddreg [dreg:$0x16]  }
0x2a8: {  	v51 =	vor.u32 s6, v0;
	[tilespmem:v46+s30+$0x0] =	vst.idx.msk $0xffff, v7;
	v50 =	vld [tilespmem:s7+$0x0]  }
0x2a9: {  	[tilespmem:v47+s30+$0x0] =	vst.idx.msk $0xffff, v9  }
0x2aa: {  	[tilespmem:v48+s30+$0x0] =	vst.idx.msk $0xffff, v5  }
0x2ab: {  	s9 =	sadd.s32 $0x2E02, s20;
	s8 =	sor.u32 $0x870, s3;
	[tilespmem:v2+s30+$0x0] =	vst.idx.msk $0xffff, v1  }
0x2ac: {  	v52 =	vor.u32 s9, v0;
	s11 =	sadd.s32 $0x2E00, s20;
	s10 =	sor.u32 $0x870, s0;
	[tilespmem:v49+s30+$0x0] =	vst.idx.msk $0xffff, v3;
	v7 =	vld [tilespmem:s8+$0x0]  }
0x2ad: {  	v53 =	vor.u32 s11, v0;
	s13 =	sadd.s32 $0x2E01, s20;
	s12 =	sor.u32 $0x870, s4;
	v9 =	vld [tilespmem:s10+$0x0];
	s17 =	rddreg [dreg:$0x1c];
	[tilespmem:v51+s30+$0x0] =	vst.idx.msk $0xffff, v50  }
0x2ae: {  	s14 =	sor.u32 $0x870, s2;
	s15 =	sadd.s32 $0x2E03, s20;
	v1 =	vor.u32 s13, v0;
	v54 =	vld [tilespmem:s12+$0x0];
	s19 =	sld [smem:$0x7F2]  }
0x2af: {  	s16 =	sadd.s32 $0x3403, s29;
	v3 =	vor.u32 s15, v0;
	v2 =	vld [tilespmem:s14+$0x0]  }
0x2b0: {  	v56 =	vor.u32 s16, v0;
	s18 =	sadd.s32 $0x3600, s29;
	v55 =	vld [tilespmem:s17+$0x0]  }
0x2b1: {  	v58 =	vor.u32 s18, v0;
	[tilespmem:v52+s30+$0x0] =	vst.idx.msk $0xffff, v7;
	v57 =	vld [tilespmem:s19+$0x0]  }
0x2b2: {  	s22 =	sadd.s32 $0x3002, s20;
	s21 =	sor.u32 $0xC00, s3;
	[tilespmem:v53+s30+$0x0] =	vst.idx.msk $0xffff, v9  }
0x2b3: {  	v59 =	vor.u32 s22, v0;
	s24 =	sadd.s32 $0x3000, s20;
	s23 =	sor.u32 $0xC00, s0;
	[tilespmem:v1+s30+$0x0] =	vst.idx.msk $0xffff, v54;
	v7 =	vld [tilespmem:s21+$0x0]  }
0x2b4: {  	s26 =	sadd.s32 $0x3001, s20;
	s25 =	sor.u32 $0xC00, s4;
	v1 =	vor.u32 s24, v0;
	[tilespmem:v3+s30+$0x0] =	vst.idx.msk $0xffff, v2;
	v5 =	vld [tilespmem:s23+$0x0]  }
0x2b5: {  	s28 =	sor.u32 $0xC00, s2;
	s31 =	sadd.s32 $0x3003, s20;
	v2 =	vor.u32 s26, v0;
	[tilespmem:v56+s30+$0x0] =	vst.idx.msk $0xffff, v55;
	v60 =	vld [tilespmem:s25+$0x0]  }
0x2b6: {  	s6 =	sadd.s32 $0x3601, s29;
	v61 =	vor.u32 s31, v0;
	v3 =	vld [tilespmem:s28+$0x0];
	s7 =	rddreg [dreg:$0xf];
	[tilespmem:v58+s30+$0x0] =	vst.idx.msk $0xffff, v57  }
0x2b7: {  	v63 =	vor.u32 s6, v0;
	s8 =	sadd.s32 $0x3603, s29;
	v62 =	vld [tilespmem:s7+$0x0];
	s9 =	rddreg [dreg:$0x17]  }
0x2b8: {  	v17 =	vor.u32 s8, v0;
	[tilespmem:v59+s30+$0x0] =	vst.idx.msk $0xffff, v7;
	v16 =	vld [tilespmem:s9+$0x0]  }
0x2b9: {  	s11 =	sadd.s32 $0x3202, s20;
	s10 =	sor.u32 $0xC10, s3;
	[tilespmem:v1+s30+$0x0] =	vst.idx.msk $0xffff, v5  }
0x2ba: {  	v18 =	vor.u32 s11, v0;
	s13 =	sadd.s32 $0x3200, s20;
	s12 =	sor.u32 $0xC10, s0;
	[tilespmem:v2+s30+$0x0] =	vst.idx.msk $0xffff, v60;
	v7 =	vld [tilespmem:s10+$0x0]  }
0x2bb: {  	s15 =	sadd.s32 $0x3201, s20;
	s14 =	sor.u32 $0xC10, s4;
	v2 =	vor.u32 s13, v0;
	[tilespmem:v61+s30+$0x0] =	vst.idx.msk $0xffff, v3;
	v1 =	vld [tilespmem:s12+$0x0]  }
0x2bc: {  	s16 =	sor.u32 $0xC10, s2;
	s17 =	sadd.s32 $0x3203, s20;
	v3 =	vor.u32 s15, v0;
	[tilespmem:v63+s30+$0x0] =	vst.idx.msk $0xffff, v62;
	v19 =	vld [tilespmem:s14+$0x0]  }
0x2bd: {  	s18 =	sadd.s32 $0x3800, s29;
	v21 =	vor.u32 s17, v0;
	v20 =	vld [tilespmem:s16+$0x0];
	s19 =	rddreg [dreg:$0x1b];
	[tilespmem:v17+s30+$0x0] =	vst.idx.msk $0xffff, v16  }
0x2be: {  	v23 =	vor.u32 s18, v0;
	s21 =	sadd.s32 $0x3801, s29;
	v22 =	vld [tilespmem:s19+$0x0];
	s22 =	rddreg [dreg:$0xb]  }
0x2bf: {  	v25 =	vor.u32 s21, v0;
	[tilespmem:v18+s30+$0x0] =	vst.idx.msk $0xffff, v7;
	v24 =	vld [tilespmem:s22+$0x0]  }
0x2c0: {  	s24 =	sadd.s32 $0x3402, s20;
	s23 =	sor.u32 $0xC20, s3;
	[tilespmem:v2+s30+$0x0] =	vst.idx.msk $0xffff, v1  }
0x2c1: {  	s26 =	sadd.s32 $0x3400, s20;
	s25 =	sor.u32 $0xC20, s0;
	v26 =	vor.u32 s24, v0;
	[tilespmem:v3+s30+$0x0] =	vst.idx.msk $0xffff, v19;
	v7 =	vld [tilespmem:s23+$0x0]  }
0x2c2: {  	s31 =	sadd.s32 $0x3401, s20;
	s28 =	sor.u32 $0xC20, s4;
	v2 =	vor.u32 s26, v0;
	[tilespmem:v21+s30+$0x0] =	vst.idx.msk $0xffff, v20;
	v1 =	vld [tilespmem:s25+$0x0]  }
0x2c3: {  	s6 =	sor.u32 $0xC20, s2;
	v27 =	vor.u32 s31, v0;
	s7 =	sadd.s32 $0x3403, s20;
	[tilespmem:v23+s30+$0x0] =	vst.idx.msk $0xffff, v22;
	v3 =	vld [tilespmem:s28+$0x0]  }
0x2c4: {  	s8 =	sadd.s32 $0x3803, s29;
	v28 =	vor.u32 s7, v0;
	v9 =	vld [tilespmem:s6+$0x0];
	s9 =	rddreg [dreg:$0x10];
	[tilespmem:v25+s30+$0x0] =	vst.idx.msk $0xffff, v24  }
0x2c5: {  	v30 =	vor.u32 s8, v0;
	s10 =	sadd.s32 $0x3A00, s29;
	v29 =	vld [tilespmem:s9+$0x0];
	s11 =	rddreg [dreg:$0x18]  }
0x2c6: {  	v32 =	vor.u32 s10, v0;
	[tilespmem:v26+s30+$0x0] =	vst.idx.msk $0xffff, v7;
	v31 =	vld [tilespmem:s11+$0x0]  }
0x2c7: {  	s13 =	sadd.s32 $0x3602, s20;
	s12 =	sor.u32 $0xC30, s3;
	[tilespmem:v2+s30+$0x0] =	vst.idx.msk $0xffff, v1  }
0x2c8: {  	s15 =	sadd.s32 $0x3600, s20;
	s14 =	sor.u32 $0xC30, s0;
	v33 =	vor.u32 s13, v0;
	[tilespmem:v27+s30+$0x0] =	vst.idx.msk $0xffff, v3;
	v7 =	vld [tilespmem:s12+$0x0]  }
0x2c9: {  	s17 =	sadd.s32 $0x3601, s20;
	s16 =	sor.u32 $0xC30, s4;
	v2 =	vor.u32 s15, v0;
	[tilespmem:v28+s30+$0x0] =	vst.idx.msk $0xffff, v9;
	v1 =	vld [tilespmem:s14+$0x0]  }
0x2ca: {  	s18 =	sor.u32 $0xC30, s2;
	v34 =	vor.u32 s17, v0;
	s19 =	sadd.s32 $0x3603, s20;
	[tilespmem:v30+s30+$0x0] =	vst.idx.msk $0xffff, v29;
	v3 =	vld [tilespmem:s16+$0x0]  }
0x2cb: {  	s21 =	sadd.s32 $0x3A01, s29;
	v35 =	vor.u32 s19, v0;
	v9 =	vld [tilespmem:s18+$0x0];
	s22 =	rddreg [dreg:$0x8];
	[tilespmem:v32+s30+$0x0] =	vst.idx.msk $0xffff, v31  }
0x2cc: {  	v37 =	vor.u32 s21, v0;
	s23 =	sadd.s32 $0x3A03, s29;
	v36 =	vld [tilespmem:s22+$0x0];
	s24 =	rddreg [dreg:$0xc]  }
0x2cd: {  	v39 =	vor.u32 s23, v0;
	[tilespmem:v33+s30+$0x0] =	vst.idx.msk $0xffff, v7;
	v38 =	vld [tilespmem:s24+$0x0]  }
0x2ce: {  	s26 =	sadd.s32 $0x3802, s20;
	s25 =	sor.u32 $0xC40, s3;
	[tilespmem:v2+s30+$0x0] =	vst.idx.msk $0xffff, v1  }
0x2cf: {  	s31 =	sadd.s32 $0x3800, s20;
	s28 =	sor.u32 $0xC40, s0;
	v40 =	vor.u32 s26, v0;
	[tilespmem:v34+s30+$0x0] =	vst.idx.msk $0xffff, v3;
	v7 =	vld [tilespmem:s25+$0x0]  }
0x2d0: {  	s7 =	sadd.s32 $0x3801, s20;
	s6 =	sor.u32 $0xC40, s4;
	v2 =	vor.u32 s31, v0;
	[tilespmem:v35+s30+$0x0] =	vst.idx.msk $0xffff, v9;
	v1 =	vld [tilespmem:s28+$0x0]  }
0x2d1: {  	s8 =	sor.u32 $0xC40, s2;
	v41 =	vor.u32 s7, v0;
	s9 =	sadd.s32 $0x3803, s20;
	[tilespmem:v37+s30+$0x0] =	vst.idx.msk $0xffff, v36;
	v3 =	vld [tilespmem:s6+$0x0]  }
0x2d2: {  	s10 =	sadd.s32 $0x3C00, s29;
	v42 =	vor.u32 s9, v0;
	v9 =	vld [tilespmem:s8+$0x0];
	s11 =	rddreg [dreg:$0x11];
	[tilespmem:v39+s30+$0x0] =	vst.idx.msk $0xffff, v38  }
0x2d3: {  	v44 =	vor.u32 s10, v0;
	s12 =	sadd.s32 $0x3C01, s29;
	v43 =	vld [tilespmem:s11+$0x0];
	s13 =	rddreg [dreg:$0x5]  }
0x2d4: {  	v46 =	vor.u32 s12, v0;
	[tilespmem:v40+s30+$0x0] =	vst.idx.msk $0xffff, v7;
	v45 =	vld [tilespmem:s13+$0x0]  }
0x2d5: {  	s15 =	sadd.s32 $0x3A02, s20;
	s14 =	sor.u32 $0xC50, s3;
	[tilespmem:v2+s30+$0x0] =	vst.idx.msk $0xffff, v1  }
0x2d6: {  	s17 =	sadd.s32 $0x3A00, s20;
	s16 =	sor.u32 $0xC50, s0;
	v47 =	vor.u32 s15, v0;
	[tilespmem:v41+s30+$0x0] =	vst.idx.msk $0xffff, v3;
	v7 =	vld [tilespmem:s14+$0x0]  }
0x2d7: {  	s19 =	sadd.s32 $0x3A01, s20;
	s18 =	sor.u32 $0xC50, s4;
	v2 =	vor.u32 s17, v0;
	[tilespmem:v42+s30+$0x0] =	vst.idx.msk $0xffff, v9;
	v1 =	vld [tilespmem:s16+$0x0]  }
0x2d8: {  	s21 =	sor.u32 $0xC50, s2;
	v48 =	vor.u32 s19, v0;
	s22 =	sadd.s32 $0x3A03, s20;
	[tilespmem:v44+s30+$0x0] =	vst.idx.msk $0xffff, v43;
	v3 =	vld [tilespmem:s18+$0x0]  }
0x2d9: {  	s23 =	sadd.s32 $0x3C03, s29;
	v49 =	vor.u32 s22, v0;
	v9 =	vld [tilespmem:s21+$0x0];
	s24 =	rddreg [dreg:$0x9];
	[tilespmem:v46+s30+$0x0] =	vst.idx.msk $0xffff, v45  }
0x2da: {  	v51 =	vor.u32 s23, v0;
	s25 =	sadd.s32 $0x3E00, s29;
	v50 =	vld [tilespmem:s24+$0x0];
	s26 =	rddreg [dreg:$0xd]  }
0x2db: {  	v53 =	vor.u32 s25, v0;
	[tilespmem:v47+s30+$0x0] =	vst.idx.msk $0xffff, v7;
	v52 =	vld [tilespmem:s26+$0x0]  }
0x2dc: {  	s31 =	sadd.s32 $0x3C02, s20;
	s28 =	sor.u32 $0xC60, s3;
	[tilespmem:v2+s30+$0x0] =	vst.idx.msk $0xffff, v1  }
0x2dd: {  	s7 =	sadd.s32 $0x3C00, s20;
	s6 =	sor.u32 $0xC60, s0;
	v54 =	vor.u32 s31, v0;
	[tilespmem:v48+s30+$0x0] =	vst.idx.msk $0xffff, v3;
	v7 =	vld [tilespmem:s28+$0x0]  }
0x2de: {  	s9 =	sadd.s32 $0x3C01, s20;
	s8 =	sor.u32 $0xC60, s4;
	v2 =	vor.u32 s7, v0;
	[tilespmem:v49+s30+$0x0] =	vst.idx.msk $0xffff, v9;
	v1 =	vld [tilespmem:s6+$0x0]  }
0x2df: {  	s10 =	sor.u32 $0xC60, s2;
	v55 =	vor.u32 s9, v0;
	s11 =	sadd.s32 $0x3C03, s20;
	[tilespmem:v51+s30+$0x0] =	vst.idx.msk $0xffff, v50;
	v3 =	vld [tilespmem:s8+$0x0]  }
0x2e0: {  	s12 =	sadd.s32 $0x3E01, s29;
	v56 =	vor.u32 s11, v0;
	v9 =	vld [tilespmem:s10+$0x0];
	s13 =	rddreg [dreg:$0x3];
	[tilespmem:v53+s30+$0x0] =	vst.idx.msk $0xffff, v52  }
0x2e1: {  	v58 =	vor.u32 s12, v0;
	s14 =	sadd.s32 $0x3E03, s29;
	v57 =	vld [tilespmem:s13+$0x0];
	s15 =	rddreg [dreg:$0x6]  }
0x2e2: {  	s17 =	sadd.s32 $0x3E02, s20;
	s16 =	sor.u32 $0xC70, s3;
	v60 =	vor.u32 s14, v0;
	[tilespmem:v54+s30+$0x0] =	vst.idx.msk $0xffff, v7;
	v59 =	vld [tilespmem:s15+$0x0]  }
0x2e3: {  	s0 =	sor.u32 $0xC70, s0;
	v61 =	vor.u32 s17, v0;
	s18 =	sadd.s32 $0x3E00, s20;
	[tilespmem:v2+s30+$0x0] =	vst.idx.msk $0xffff, v1;
	v7 =	vld [tilespmem:s16+$0x0]  }
0x2e4: {  	s19 =	sor.u32 $0xC70, s4;
	s21 =	sadd.s32 $0x3E01, s20;
	v2 =	vor.u32 s18, v0;
	[tilespmem:v55+s30+$0x0] =	vst.idx.msk $0xffff, v3;
	v1 =	vld [tilespmem:s0+$0x0]  }
0x2e5: {  	v62 =	vor.u32 s21, v0;
	[tilespmem:v56+s30+$0x0] =	vst.idx.msk $0xffff, v9;
	v3 =	vld [tilespmem:s19+$0x0]  }
0x2e6: {  	s23 =	sadd.s32 $0x3E03, s20;
	s22 =	sor.u32 $0xC70, s2;
	[tilespmem:v58+s30+$0x0] =	vst.idx.msk $0xffff, v57  }
0x2e7: {  	v63 =	vor.u32 s23, v0;
	v9 =	vld [tilespmem:s22+$0x0];
	[tilespmem:v60+s30+$0x0] =	vst.idx.msk $0xffff, v59  }
0x2e8: {  	[tilespmem:v61+s30+$0x0] =	vst.idx.msk $0xffff, v7  }
0x2e9: {  	[tilespmem:v2+s30+$0x0] =	vst.idx.msk $0xffff, v1  }
0x2ea: {  	[tilespmem:v62+s30+$0x0] =	vst.idx.msk $0xffff, v3  }
0x2eb: {  	s24 =	sld [smem:$0x7DF]  }
0x2ec: {  	s25 =	rddreg [dreg:$0x1];
	[tilespmem:v63+s30+$0x0] =	vst.idx.msk $0xffff, v9  }
0x2ed: {  	s28 =	sld [smem:$0x7F9]  }
0x2ee: {  	s31 =	sld [smem:$0x7DE];
	s0 =	sshll.u32 s24, $0xB  }
0x2ef: {  	s26 =	simm.s32 $0x0;
	s0 =	sadd.s32 s25, s0  }
0x2f0: {  	[hbm4b:s0+s26] =	stream.linear.scatter [tilespmem:s30], [sflag:$0x3], $0x4000, $0x38;
	[tilespmem:$0x11800] =	vst v63  }
.Ltmp6:
0x2f1: {  	s0 =	sadd.s32 s28, s31;
	(pc) =	sbr.rel @p2 .LBB2_8-.Ltmp6, $4  }
0x2f2: {  	s1 =	rddreg [dreg:$0x0];
	p3 =	sgt.u32 s0, $0x7A0  }
0x2f3: {  	s29 =	simm.s32 $0xC000;
	s0 =	sshll.u32 @!p3 s0, $0x9;
	s2 =	simm.s32 @!p3 $0x7A1400  }
0x2f4: {  	s3 =	simm.s32 @!p3 $0x0;
	s0 =	sadd.s32 @!p3 s1, s0;
	s1 =	simm.s32 @!p3 $0x1000  }
0x2f5: {  	[tilespmem:s3], [sflag:$0x1] =	stream.strided.gather @!p3 [hbm4b:s0+s1], $0x4000, s2, s1, $0x38;
	[tilespmem:$0x11800] =	vst v63  }
0x2f6: {  	s0 =	simm.s32 $0x2  }
0x2f7: {  	_ =	swait.ge [sflag:s0], $0x4000  }
0x2f8: {  	s1 =	simm.s32 $0x0;
	s2 =	simm.s32 $0x180;
	[sflag:s0] =	ssyncset.done $0x0  }
0x2f9: {  	s17 =	simm.s32 $0x3;
	[sflag:s0] =	ssyncadd.s32 $0xFFFFC000;
	s0 =	simm.s32 @!p1 $0x4  }
0x2fa: {  	s20 =	simm.s32 $0x80;
	s3 =	sand.u32 $0x3000, s1;
	_ =	swait.ge @!p1 [sflag:s0], $0x4000  }
0x2fb: {  	s2 =	sand.u32 $0x380, s2;
	s3 =	sor.u32 $0x4000, s3;
	[sflag:s0] =	ssyncset.done @!p1 $0x0  }
0x2fc: {  	s21 =	sand.u32 $0x280, s20;
	s5 =	sor.u32 s2, s3;
	[sflag:s0] =	ssyncadd.s32 @!p1 $0xFFFFC000  }
0x2fd: {  	s18 =	simm.s32 $0x0;
	s6 =	simm.s32 $0x1;
	v2 =	vor.u32 s17, v0;
	s2 =	sor.u32 s21, s3;
	v1 =	vld [tilespmem:s5+$0x0]  }
0x2fe: {  	s19 =	sand.u32 $0x200, s18;
	v6 =	vor.u32 s6, v0;
	v5 =	vld [tilespmem:s2+$0x0]  }
0x2ff: {  	s7 =	simm.s32 $0x100;
	s4 =	sor.u32 s19, s3  }
0x300: {  	v4 =	vor.u32 s1, v0;
	s7 =	sand.u32 $0x300, s7;
	v3 =	vld [tilespmem:s4+$0x0]  }
0x301: {  	s3 =	sor.u32 s7, s3;
	s0 =	simm.s32 $0x2  }
0x302: {  	s22 =	simm.s32 $0x203;
	v7 =	vld [tilespmem:s3+$0x0];
	v8 =	vor.u32 s0, v0;
	[tilespmem:v2+s29+$0x0] =	vst.idx.msk $0xffff, v1  }
0x303: {  	s24 =	simm.s32 $0x201;
	v2 =	vor.u32 s22, v0;
	[tilespmem:v6+s29+$0x0] =	vst.idx.msk $0xffff, v5;
	v1 =	vld [tilespmem:s5+$0x10]  }
0x304: {  	v6 =	vor.u32 s24, v0;
	v5 =	vld [tilespmem:s2+$0x10]  }
0x305: {  	s23 =	simm.s32 $0x200;
	[tilespmem:v4+s29+$0x0] =	vst.idx.msk $0xffff, v3  }
0x306: {  	v4 =	vor.u32 s23, v0;
	v3 =	vld [tilespmem:s4+$0x10]  }
0x307: {  	s26 =	simm.s32 $0x202;
	[tilespmem:v8+s29+$0x0] =	vst.idx.msk $0xffff, v7  }
0x308: {  	s25 =	simm.s32 $0x403;
	v8 =	vor.u32 s26, v0;
	v7 =	vld [tilespmem:s3+$0x10];
	[tilespmem:v2+s29+$0x0] =	vst.idx.msk $0xffff, v1  }
0x309: {  	s8 =	simm.s32 $0x401;
	v2 =	vor.u32 s25, v0;
	[tilespmem:v6+s29+$0x0] =	vst.idx.msk $0xffff, v5;
	v1 =	vld [tilespmem:s5+$0x20]  }
0x30a: {  	v6 =	vor.u32 s8, v0;
	v5 =	vld [tilespmem:s2+$0x20]  }
0x30b: {  	s7 =	simm.s32 $0x400;
	[tilespmem:v4+s29+$0x0] =	vst.idx.msk $0xffff, v3  }
0x30c: {  	v4 =	vor.u32 s7, v0;
	v3 =	vld [tilespmem:s4+$0x20]  }
0x30d: {  	s10 =	simm.s32 $0x402;
	[tilespmem:v8+s29+$0x0] =	vst.idx.msk $0xffff, v7  }
0x30e: {  	s9 =	simm.s32 $0x603;
	v8 =	vor.u32 s10, v0;
	v7 =	vld [tilespmem:s3+$0x20];
	[tilespmem:v2+s29+$0x0] =	vst.idx.msk $0xffff, v1  }
0x30f: {  	s12 =	simm.s32 $0x601;
	v2 =	vor.u32 s9, v0;
	[tilespmem:v6+s29+$0x0] =	vst.idx.msk $0xffff, v5;
	v1 =	vld [tilespmem:s5+$0x30]  }
0x310: {  	v6 =	vor.u32 s12, v0;
	v5 =	vld [tilespmem:s2+$0x30]  }
0x311: {  	s11 =	simm.s32 $0x600;
	[tilespmem:v4+s29+$0x0] =	vst.idx.msk $0xffff, v3  }
0x312: {  	v4 =	vor.u32 s11, v0;
	v3 =	vld [tilespmem:s4+$0x30]  }
0x313: {  	s14 =	simm.s32 $0x602;
	[tilespmem:v8+s29+$0x0] =	vst.idx.msk $0xffff, v7  }
0x314: {  	s13 =	simm.s32 $0x803;
	v8 =	vor.u32 s14, v0;
	v7 =	vld [tilespmem:s3+$0x30];
	[tilespmem:v2+s29+$0x0] =	vst.idx.msk $0xffff, v1  }
0x315: {  	s16 =	simm.s32 $0x801;
	v2 =	vor.u32 s13, v0;
	[tilespmem:v6+s29+$0x0] =	vst.idx.msk $0xffff, v5;
	v1 =	vld [tilespmem:s5+$0x40]  }
0x316: {  	v6 =	vor.u32 s16, v0;
	v5 =	vld [tilespmem:s2+$0x40]  }
0x317: {  	s15 =	simm.s32 $0x800;
	[tilespmem:v4+s29+$0x0] =	vst.idx.msk $0xffff, v3  }
0x318: {  	v4 =	vor.u32 s15, v0;
	v3 =	vld [tilespmem:s4+$0x40]  }
0x319: {  	s18 =	simm.s32 $0x802;
	[tilespmem:v8+s29+$0x0] =	vst.idx.msk $0xffff, v7  }
0x31a: {  	s17 =	simm.s32 $0xA03;
	v8 =	vor.u32 s18, v0;
	v7 =	vld [tilespmem:s3+$0x40];
	[tilespmem:v2+s29+$0x0] =	vst.idx.msk $0xffff, v1  }
0x31b: {  	s20 =	simm.s32 $0xA01;
	v2 =	vor.u32 s17, v0;
	[tilespmem:v6+s29+$0x0] =	vst.idx.msk $0xffff, v5;
	v1 =	vld [tilespmem:s5+$0x50]  }
0x31c: {  	v6 =	vor.u32 s20, v0;
	v5 =	vld [tilespmem:s2+$0x50]  }
0x31d: {  	s19 =	simm.s32 $0xA00;
	[tilespmem:v4+s29+$0x0] =	vst.idx.msk $0xffff, v3  }
0x31e: {  	v4 =	vor.u32 s19, v0;
	v3 =	vld [tilespmem:s4+$0x50]  }
0x31f: {  	s22 =	simm.s32 $0xA02;
	[tilespmem:v8+s29+$0x0] =	vst.idx.msk $0xffff, v7  }
0x320: {  	s21 =	simm.s32 $0xC03;
	v8 =	vor.u32 s22, v0;
	v7 =	vld [tilespmem:s3+$0x50];
	[tilespmem:v2+s29+$0x0] =	vst.idx.msk $0xffff, v1  }
0x321: {  	s24 =	simm.s32 $0xC01;
	v2 =	vor.u32 s21, v0;
	[tilespmem:v6+s29+$0x0] =	vst.idx.msk $0xffff, v5;
	v1 =	vld [tilespmem:s5+$0x60]  }
0x322: {  	v6 =	vor.u32 s24, v0;
	v5 =	vld [tilespmem:s2+$0x60]  }
0x323: {  	s23 =	simm.s32 $0xC00;
	[tilespmem:v4+s29+$0x0] =	vst.idx.msk $0xffff, v3  }
0x324: {  	v4 =	vor.u32 s23, v0;
	v3 =	vld [tilespmem:s4+$0x60]  }
0x325: {  	s26 =	simm.s32 $0xC02;
	[tilespmem:v8+s29+$0x0] =	vst.idx.msk $0xffff, v7  }
0x326: {  	s25 =	simm.s32 $0xE03;
	v8 =	vor.u32 s26, v0;
	v7 =	vld [tilespmem:s3+$0x60];
	[tilespmem:v2+s29+$0x0] =	vst.idx.msk $0xffff, v1  }
0x327: {  	s8 =	simm.s32 $0xE01;
	v2 =	vor.u32 s25, v0;
	[tilespmem:v6+s29+$0x0] =	vst.idx.msk $0xffff, v5;
	v1 =	vld [tilespmem:s5+$0x70]  }
0x328: {  	v6 =	vor.u32 s8, v0;
	v5 =	vld [tilespmem:s2+$0x70]  }
0x329: {  	s7 =	simm.s32 $0xE00;
	[tilespmem:v4+s29+$0x0] =	vst.idx.msk $0xffff, v3  }
0x32a: {  	v4 =	vor.u32 s7, v0;
	v3 =	vld [tilespmem:s4+$0x70]  }
0x32b: {  	s10 =	simm.s32 $0xE02;
	[tilespmem:v8+s29+$0x0] =	vst.idx.msk $0xffff, v7  }
0x32c: {  	s9 =	simm.s32 $0x1003;
	v8 =	vor.u32 s10, v0;
	v7 =	vld [tilespmem:s3+$0x70];
	[tilespmem:v2+s29+$0x0] =	vst.idx.msk $0xffff, v1  }
0x32d: {  	s12 =	simm.s32 $0x1001;
	v2 =	vor.u32 s9, v0;
	[tilespmem:v6+s29+$0x0] =	vst.idx.msk $0xffff, v5;
	v1 =	vld [tilespmem:s5+$0x400]  }
0x32e: {  	v6 =	vor.u32 s12, v0;
	v5 =	vld [tilespmem:s2+$0x400]  }
0x32f: {  	s11 =	simm.s32 $0x1000;
	[tilespmem:v4+s29+$0x0] =	vst.idx.msk $0xffff, v3  }
0x330: {  	v4 =	vor.u32 s11, v0;
	v3 =	vld [tilespmem:s4+$0x400]  }
0x331: {  	s14 =	simm.s32 $0x1002;
	[tilespmem:v8+s29+$0x0] =	vst.idx.msk $0xffff, v7  }
0x332: {  	s13 =	simm.s32 $0x1203;
	v8 =	vor.u32 s14, v0;
	v7 =	vld [tilespmem:s3+$0x400];
	[tilespmem:v2+s29+$0x0] =	vst.idx.msk $0xffff, v1  }
0x333: {  	s16 =	simm.s32 $0x1201;
	v2 =	vor.u32 s13, v0;
	[tilespmem:v6+s29+$0x0] =	vst.idx.msk $0xffff, v5;
	v1 =	vld [tilespmem:s5+$0x410]  }
0x334: {  	v6 =	vor.u32 s16, v0;
	v5 =	vld [tilespmem:s2+$0x410]  }
0x335: {  	s15 =	simm.s32 $0x1200;
	[tilespmem:v4+s29+$0x0] =	vst.idx.msk $0xffff, v3  }
0x336: {  	v4 =	vor.u32 s15, v0;
	v3 =	vld [tilespmem:s4+$0x410]  }
0x337: {  	s18 =	simm.s32 $0x1202;
	[tilespmem:v8+s29+$0x0] =	vst.idx.msk $0xffff, v7  }
0x338: {  	s17 =	simm.s32 $0x1403;
	v8 =	vor.u32 s18, v0;
	v7 =	vld [tilespmem:s3+$0x410];
	[tilespmem:v2+s29+$0x0] =	vst.idx.msk $0xffff, v1  }
0x339: {  	s20 =	simm.s32 $0x1401;
	v2 =	vor.u32 s17, v0;
	[tilespmem:v6+s29+$0x0] =	vst.idx.msk $0xffff, v5;
	v1 =	vld [tilespmem:s5+$0x420]  }
0x33a: {  	v6 =	vor.u32 s20, v0;
	v5 =	vld [tilespmem:s2+$0x420]  }
0x33b: {  	s19 =	simm.s32 $0x1400;
	[tilespmem:v4+s29+$0x0] =	vst.idx.msk $0xffff, v3  }
0x33c: {  	v4 =	vor.u32 s19, v0;
	v3 =	vld [tilespmem:s4+$0x420]  }
0x33d: {  	s22 =	simm.s32 $0x1402;
	[tilespmem:v8+s29+$0x0] =	vst.idx.msk $0xffff, v7  }
0x33e: {  	s21 =	simm.s32 $0x1603;
	v8 =	vor.u32 s22, v0;
	v7 =	vld [tilespmem:s3+$0x420];
	[tilespmem:v2+s29+$0x0] =	vst.idx.msk $0xffff, v1  }
0x33f: {  	s24 =	simm.s32 $0x1601;
	v2 =	vor.u32 s21, v0;
	[tilespmem:v6+s29+$0x0] =	vst.idx.msk $0xffff, v5;
	v1 =	vld [tilespmem:s5+$0x430]  }
0x340: {  	v6 =	vor.u32 s24, v0;
	v5 =	vld [tilespmem:s2+$0x430]  }
0x341: {  	s23 =	simm.s32 $0x1600;
	[tilespmem:v4+s29+$0x0] =	vst.idx.msk $0xffff, v3  }
0x342: {  	v4 =	vor.u32 s23, v0;
	v3 =	vld [tilespmem:s4+$0x430]  }
0x343: {  	s26 =	simm.s32 $0x1602;
	[tilespmem:v8+s29+$0x0] =	vst.idx.msk $0xffff, v7  }
0x344: {  	s25 =	simm.s32 $0x1803;
	v8 =	vor.u32 s26, v0;
	v7 =	vld [tilespmem:s3+$0x430];
	[tilespmem:v2+s29+$0x0] =	vst.idx.msk $0xffff, v1  }
0x345: {  	s9 =	simm.s32 $0x1801;
	v2 =	vor.u32 s25, v0;
	[tilespmem:v6+s29+$0x0] =	vst.idx.msk $0xffff, v5;
	v1 =	vld [tilespmem:s5+$0x440]  }
0x346: {  	v6 =	vor.u32 s9, v0;
	v5 =	vld [tilespmem:s2+$0x440]  }
0x347: {  	s8 =	simm.s32 $0x1800;
	[tilespmem:v4+s29+$0x0] =	vst.idx.msk $0xffff, v3  }
0x348: {  	v4 =	vor.u32 s8, v0;
	v3 =	vld [tilespmem:s4+$0x440]  }
0x349: {  	s11 =	simm.s32 $0x1802;
	[tilespmem:v8+s29+$0x0] =	vst.idx.msk $0xffff, v7  }
0x34a: {  	s10 =	simm.s32 $0x1A03;
	v8 =	vor.u32 s11, v0;
	v7 =	vld [tilespmem:s3+$0x440];
	[tilespmem:v2+s29+$0x0] =	vst.idx.msk $0xffff, v1  }
0x34b: {  	s13 =	simm.s32 $0x1A01;
	v2 =	vor.u32 s10, v0;
	[tilespmem:v6+s29+$0x0] =	vst.idx.msk $0xffff, v5;
	v1 =	vld [tilespmem:s5+$0x450]  }
0x34c: {  	v6 =	vor.u32 s13, v0;
	v5 =	vld [tilespmem:s2+$0x450]  }
0x34d: {  	s12 =	simm.s32 $0x1A00;
	[tilespmem:v4+s29+$0x0] =	vst.idx.msk $0xffff, v3  }
0x34e: {  	v4 =	vor.u32 s12, v0;
	v3 =	vld [tilespmem:s4+$0x450]  }
0x34f: {  	s15 =	simm.s32 $0x1A02;
	[tilespmem:v8+s29+$0x0] =	vst.idx.msk $0xffff, v7  }
0x350: {  	s14 =	simm.s32 $0x1C03;
	v8 =	vor.u32 s15, v0;
	v7 =	vld [tilespmem:s3+$0x450];
	[tilespmem:v2+s29+$0x0] =	vst.idx.msk $0xffff, v1  }
0x351: {  	s17 =	simm.s32 $0x1C01;
	v2 =	vor.u32 s14, v0;
	[tilespmem:v6+s29+$0x0] =	vst.idx.msk $0xffff, v5;
	v1 =	vld [tilespmem:s5+$0x460]  }
0x352: {  	v6 =	vor.u32 s17, v0;
	v5 =	vld [tilespmem:s2+$0x460]  }
0x353: {  	s16 =	simm.s32 $0x1C00;
	[tilespmem:v4+s29+$0x0] =	vst.idx.msk $0xffff, v3  }
0x354: {  	v4 =	vor.u32 s16, v0;
	v3 =	vld [tilespmem:s4+$0x460]  }
0x355: {  	s19 =	simm.s32 $0x1C02;
	[tilespmem:v8+s29+$0x0] =	vst.idx.msk $0xffff, v7  }
0x356: {  	s18 =	simm.s32 $0x1E03;
	v8 =	vor.u32 s19, v0;
	v7 =	vld [tilespmem:s3+$0x460];
	[tilespmem:v2+s29+$0x0] =	vst.idx.msk $0xffff, v1  }
0x357: {  	s23 =	simm.s32 $0x1E01;
	v2 =	vor.u32 s18, v0;
	[tilespmem:v6+s29+$0x0] =	vst.idx.msk $0xffff, v5;
	v1 =	vld [tilespmem:s5+$0x470]  }
0x358: {  	p1 =	por $0x0, $0x0;
	s20 =	sand.u32 $0x7, s1;
	v6 =	vor.u32 s23, v0;
	v5 =	vld [tilespmem:s2+$0x470]  }
0x359: {  	s1 =	sand.u32 $0x3, s1;
	s21 =	simm.s32 $0x1E00;
	[tilespmem:v4+s29+$0x0] =	vst.idx.msk $0xffff, v3;
	s5 =	sshll.u32 s20, $0x7  }
0x35a: {  	s26 =	simm.s32 $0x1E02;
	s25 =	simm.s32 $0x2003;
	v4 =	vor.u32 s21, v0;
	v3 =	vld [tilespmem:s4+$0x470];
	s22 =	sadd.s32 $0x0, s5  }
0x35b: {  	s11 =	sshll.u32 s1, $0x8;
	[tilespmem:v8+s29+$0x0] =	vst.idx.msk $0xffff, v7;
	s5 =	simm.s32 $0x1;
	s8 =	sadd.s32 $0x180, s22  }
0x35c: {  	v8 =	vor.u32 s26, v0;
	v7 =	vld [tilespmem:s3+$0x470];
	s5 =	simm.s32 @!p1 $0x0;
	s1 =	sadd.s32 $0x80, s22;
	s24 =	sor.u32 $0x800, s8;
	[tilespmem:v2+s29+$0x0] =	vst.idx.msk $0xffff, v1  }
0x35d: {  	s13 =	simm.s32 $0x2001;
	s5 =	sshll.u32 s5, $0x9;
	s14 =	sor.u32 $0x800, s1;
	v2 =	vor.u32 s25, v0;
	[tilespmem:v6+s29+$0x0] =	vst.idx.msk $0xffff, v5;
	v1 =	vld [tilespmem:s24+$0x4000]  }
0x35e: {  	s2 =	sadd.s32 $0x0, s5;
	v6 =	vor.u32 s13, v0;
	v5 =	vld [tilespmem:s14+$0x4000]  }
0x35f: {  	s10 =	simm.s32 $0x2000;
	s12 =	sadd.s32 $0x0, s11;
	s9 =	sor.u32 $0x800, s2;
	[tilespmem:v4+s29+$0x0] =	vst.idx.msk $0xffff, v3  }
0x360: {  	s3 =	sadd.s32 $0x100, s12;
	v4 =	vor.u32 s10, v0;
	v3 =	vld [tilespmem:s9+$0x4000]  }
0x361: {  	s18 =	simm.s32 $0x2002;
	s17 =	sor.u32 $0x800, s3;
	[tilespmem:v8+s29+$0x0] =	vst.idx.msk $0xffff, v7  }
0x362: {  	s16 =	simm.s32 $0x2203;
	s15 =	sor.u32 $0x810, s8;
	v8 =	vor.u32 s18, v0;
	v7 =	vld [tilespmem:s17+$0x4000];
	[tilespmem:v2+s29+$0x0] =	vst.idx.msk $0xffff, v1  }
0x363: {  	s22 =	simm.s32 $0x2201;
	s21 =	sor.u32 $0x810, s1;
	v2 =	vor.u32 s16, v0;
	[tilespmem:v6+s29+$0x0] =	vst.idx.msk $0xffff, v5;
	v1 =	vld [tilespmem:s15+$0x4000]  }
0x364: {  	v6 =	vor.u32 s22, v0;
	v5 =	vld [tilespmem:s21+$0x4000]  }
0x365: {  	s20 =	simm.s32 $0x2200;
	s19 =	sor.u32 $0x810, s2;
	[tilespmem:v4+s29+$0x0] =	vst.idx.msk $0xffff, v3  }
0x366: {  	v4 =	vor.u32 s20, v0;
	v3 =	vld [tilespmem:s19+$0x4000]  }
0x367: {  	s26 =	simm.s32 $0x2202;
	s25 =	sor.u32 $0x810, s3;
	[tilespmem:v8+s29+$0x0] =	vst.idx.msk $0xffff, v7  }
0x368: {  	s23 =	sor.u32 $0x820, s8;
	s24 =	simm.s32 $0x2403;
	v8 =	vor.u32 s26, v0;
	v7 =	vld [tilespmem:s25+$0x4000];
	[tilespmem:v2+s29+$0x0] =	vst.idx.msk $0xffff, v1  }
0x369: {  	s7 =	sor.u32 $0x820, s1;
	s9 =	simm.s32 $0x2401;
	v2 =	vor.u32 s24, v0;
	[tilespmem:v6+s29+$0x0] =	vst.idx.msk $0xffff, v5;
	v1 =	vld [tilespmem:s23+$0x4000]  }
0x36a: {  	v6 =	vor.u32 s9, v0;
	v5 =	vld [tilespmem:s7+$0x4000]  }
0x36b: {  	s6 =	simm.s32 $0x2400;
	s5 =	sor.u32 $0x820, s2;
	[tilespmem:v4+s29+$0x0] =	vst.idx.msk $0xffff, v3  }
0x36c: {  	v4 =	vor.u32 s6, v0;
	v3 =	vld [tilespmem:s5+$0x4000]  }
0x36d: {  	s12 =	sor.u32 $0x820, s3;
	s13 =	simm.s32 $0x2402;
	[tilespmem:v8+s29+$0x0] =	vst.idx.msk $0xffff, v7  }
0x36e: {  	s11 =	simm.s32 $0x2603;
	s10 =	sor.u32 $0x830, s8;
	v8 =	vor.u32 s13, v0;
	v7 =	vld [tilespmem:s12+$0x4000];
	[tilespmem:v2+s29+$0x0] =	vst.idx.msk $0xffff, v1  }
0x36f: {  	s17 =	simm.s32 $0x2601;
	s16 =	sor.u32 $0x830, s1;
	v2 =	vor.u32 s11, v0;
	[tilespmem:v6+s29+$0x0] =	vst.idx.msk $0xffff, v5;
	v1 =	vld [tilespmem:s10+$0x4000]  }
0x370: {  	v6 =	vor.u32 s17, v0;
	v5 =	vld [tilespmem:s16+$0x4000]  }
0x371: {  	s14 =	sor.u32 $0x830, s2;
	s15 =	simm.s32 $0x2600;
	[tilespmem:v4+s29+$0x0] =	vst.idx.msk $0xffff, v3  }
0x372: {  	v4 =	vor.u32 s15, v0;
	v3 =	vld [tilespmem:s14+$0x4000]  }
0x373: {  	s20 =	sor.u32 $0x830, s3;
	s21 =	simm.s32 $0x2602;
	[tilespmem:v8+s29+$0x0] =	vst.idx.msk $0xffff, v7  }
0x374: {  	s18 =	sor.u32 $0x840, s8;
	s19 =	simm.s32 $0x2803;
	v8 =	vor.u32 s21, v0;
	v7 =	vld [tilespmem:s20+$0x4000];
	[tilespmem:v2+s29+$0x0] =	vst.idx.msk $0xffff, v1  }
0x375: {  	s9 =	sor.u32 $0x840, s1;
	s11 =	simm.s32 $0x2801;
	v2 =	vor.u32 s19, v0;
	[tilespmem:v6+s29+$0x0] =	vst.idx.msk $0xffff, v5;
	v1 =	vld [tilespmem:s18+$0x4000]  }
0x376: {  	s22 =	sor.u32 $0x840, s2;
	v6 =	vor.u32 s11, v0;
	v5 =	vld [tilespmem:s9+$0x4000]  }
0x377: {  	s26 =	simm.s32 $0x4;
	s23 =	simm.s32 $0x2800;
	s10 =	simm.s32 $0x800;
	[tilespmem:v4+s29+$0x0] =	vst.idx.msk $0xffff, v3  }
0x378: {  	s24 =	sor.u32 $0x840, s3;
	s16 =	simm.s32 $0x200;
	s14 =	sand.u32 $0x3000, s10;
	v4 =	vor.u32 s23, v0;
	v3 =	vld [tilespmem:s22+$0x4000]  }
0x379: {  	s5 =	sand.u32 $0x200, s16;
	s11 =	simm.s32 $0x2802;
	[tilespmem:v8+s29+$0x0] =	vst.idx.msk $0xffff, v7;
	s9 =	sor.u32 $0x4000, s14  }
0x37a: {  	s13 =	simm.s32 $0x380;
	s12 =	simm.s32 $0x2A03;
	v7 =	vld [tilespmem:s24+$0x4000];
	v8 =	vor.u32 s11, v0;
	s5 =	sor.u32 s5, s9;
	[tilespmem:v2+s29+$0x0] =	vst.idx.msk $0xffff, v1  }
0x37b: {  	s4 =	sand.u32 $0x380, s13;
	s15 =	sor.u32 $0x850, s8;
	s19 =	simm.s32 $0x280;
	[tilespmem:v6+s29+$0x0] =	vst.idx.msk $0xffff, v5;
	v5 =	vld [tilespmem:s5+$0x0];
	v6 =	vor.u32 s26, v0  }
0x37c: {  	s17 =	simm.s32 $0x7;
	s20 =	sand.u32 $0x280, s19;
	s6 =	sor.u32 s4, s9;
	v2 =	vor.u32 s12, v0;
	v1 =	vld [tilespmem:s15+$0x4000]  }
0x37d: {  	s21 =	simm.s32 $0x5;
	s22 =	simm.s32 $0x300;
	s7 =	sor.u32 s20, s9;
	[tilespmem:v4+s29+$0x0] =	vst.idx.msk $0xffff, v3;
	v3 =	vld [tilespmem:s6+$0x0];
	v4 =	vor.u32 s17, v0  }
0x37e: {  	s25 =	sor.u32 $0x850, s2;
	v12 =	vor.u32 s21, v0;
	s18 =	simm.s32 $0x2A00;
	s23 =	sand.u32 $0x300, s22;
	v11 =	vld [tilespmem:s7+$0x0]  }
0x37f: {  	v10 =	vor.u32 s18, v0;
	s4 =	sor.u32 s23, s9;
	s12 =	simm.s32 $0x6;
	[tilespmem:v8+s29+$0x0] =	vst.idx.msk $0xffff, v7;
	v9 =	vld [tilespmem:s25+$0x4000]  }
0x380: {  	s14 =	sor.u32 $0x850, s1;
	v7 =	vld [tilespmem:s4+$0x0];
	v8 =	vor.u32 s12, v0;
	s15 =	simm.s32 $0x2A01;
	[tilespmem:v6+s29+$0x0] =	vst.idx.msk $0xffff, v5  }
0x381: {  	s24 =	sor.u32 $0x860, s8;
	s25 =	simm.s32 $0x2C03;
	v5 =	vld [tilespmem:s14+$0x4000];
	v6 =	vor.u32 s15, v0;
	[tilespmem:v2+s29+$0x0] =	vst.idx.msk $0xffff, v1  }
0x382: {  	s13 =	simm.s32 $0x207;
	[tilespmem:v4+s29+$0x0] =	vst.idx.msk $0xffff, v3;
	v2 =	vor.u32 s25, v0;
	v1 =	vld [tilespmem:s24+$0x4000]  }
0x383: {  	s17 =	simm.s32 $0x205;
	[tilespmem:v12+s29+$0x0] =	vst.idx.msk $0xffff, v11;
	v4 =	vor.u32 s13, v0;
	v3 =	vld [tilespmem:s6+$0x10]  }
0x384: {  	s16 =	simm.s32 $0x204;
	v46 =	vor.u32 s17, v0;
	v11 =	vld [tilespmem:s7+$0x10];
	[tilespmem:v10+s29+$0x0] =	vst.idx.msk $0xffff, v9  }
0x385: {  	s20 =	simm.s32 $0x206;
	v9 =	vld [tilespmem:s5+$0x10];
	v10 =	vor.u32 s16, v0;
	[tilespmem:v8+s29+$0x0] =	vst.idx.msk $0xffff, v7  }
0x386: {  	s22 =	sor.u32 $0x850, s3;
	s23 =	simm.s32 $0x2A02;
	v8 =	vor.u32 s20, v0;
	v7 =	vld [tilespmem:s4+$0x10];
	[tilespmem:v6+s29+$0x0] =	vst.idx.msk $0xffff, v5  }
0x387: {  	s19 =	simm.s32 $0x2E03;
	s18 =	sor.u32 $0x870, s8;
	v5 =	vld [tilespmem:s22+$0x4000];
	v6 =	vor.u32 s23, v0;
	[tilespmem:v2+s29+$0x0] =	vst.idx.msk $0xffff, v1  }
0x388: {  	s21 =	simm.s32 $0x407;
	[tilespmem:v4+s29+$0x0] =	vst.idx.msk $0xffff, v3;
	v2 =	vor.u32 s19, v0;
	v1 =	vld [tilespmem:s18+$0x4000]  }
0x389: {  	s25 =	simm.s32 $0x405;
	[tilespmem:v46+s29+$0x0] =	vst.idx.msk $0xffff, v11;
	v4 =	vor.u32 s21, v0;
	v3 =	vld [tilespmem:s6+$0x20]  }
0x38a: {  	s24 =	simm.s32 $0x404;
	v47 =	vor.u32 s25, v0;
	v11 =	vld [tilespmem:s7+$0x20];
	[tilespmem:v10+s29+$0x0] =	vst.idx.msk $0xffff, v9  }
0x38b: {  	s13 =	simm.s32 $0x406;
	v10 =	vor.u32 s24, v0;
	v9 =	vld [tilespmem:s5+$0x20];
	[tilespmem:v8+s29+$0x0] =	vst.idx.msk $0xffff, v7  }
0x38c: {  	s15 =	sor.u32 $0x860, s2;
	s16 =	simm.s32 $0x2C00;
	v8 =	vor.u32 s13, v0;
	v7 =	vld [tilespmem:s4+$0x20];
	[tilespmem:v6+s29+$0x0] =	vst.idx.msk $0xffff, v5  }
0x38d: {  	s11 =	sor.u32 $0xC00, s8;
	s12 =	simm.s32 $0x3003;
	v5 =	vld [tilespmem:s15+$0x4000];
	v6 =	vor.u32 s16, v0;
	[tilespmem:v2+s29+$0x0] =	vst.idx.msk $0xffff, v1  }
0x38e: {  	s14 =	simm.s32 $0x607;
	[tilespmem:v4+s29+$0x0] =	vst.idx.msk $0xffff, v3;
	v2 =	vor.u32 s12, v0;
	v1 =	vld [tilespmem:s11+$0x4000]  }
0x38f: {  	s18 =	simm.s32 $0x605;
	[tilespmem:v47+s29+$0x0] =	vst.idx.msk $0xffff, v11;
	v4 =	vor.u32 s14, v0;
	v3 =	vld [tilespmem:s6+$0x30]  }
0x390: {  	s17 =	simm.s32 $0x604;
	v48 =	vor.u32 s18, v0;
	v11 =	vld [tilespmem:s7+$0x30];
	[tilespmem:v10+s29+$0x0] =	vst.idx.msk $0xffff, v9  }
0x391: {  	s21 =	simm.s32 $0x606;
	v10 =	vor.u32 s17, v0;
	v9 =	vld [tilespmem:s5+$0x30];
	[tilespmem:v8+s29+$0x0] =	vst.idx.msk $0xffff, v7  }
0x392: {  	s23 =	sor.u32 $0x860, s1;
	s24 =	simm.s32 $0x2C01;
	v8 =	vor.u32 s21, v0;
	v7 =	vld [tilespmem:s4+$0x30];
	[tilespmem:v6+s29+$0x0] =	vst.idx.msk $0xffff, v5  }
0x393: {  	s20 =	simm.s32 $0x3203;
	s19 =	sor.u32 $0xC10, s8;
	v5 =	vld [tilespmem:s23+$0x4000];
	v6 =	vor.u32 s24, v0;
	[tilespmem:v2+s29+$0x0] =	vst.idx.msk $0xffff, v1  }
0x394: {  	s22 =	simm.s32 $0x807;
	[tilespmem:v4+s29+$0x0] =	vst.idx.msk $0xffff, v3;
	v2 =	vor.u32 s20, v0;
	v1 =	vld [tilespmem:s19+$0x4000]  }
0x395: {  	s10 =	simm.s32 $0x805;
	[tilespmem:v48+s29+$0x0] =	vst.idx.msk $0xffff, v11;
	v4 =	vor.u32 s22, v0;
	v3 =	vld [tilespmem:s6+$0x40]  }
0x396: {  	v49 =	vor.u32 s10, v0;
	s25 =	simm.s32 $0x804;
	v11 =	vld [tilespmem:s7+$0x40];
	[tilespmem:v10+s29+$0x0] =	vst.idx.msk $0xffff, v9  }
0x397: {  	s13 =	simm.s32 $0x806;
	v10 =	vor.u32 s25, v0;
	v9 =	vld [tilespmem:s5+$0x40];
	[tilespmem:v8+s29+$0x0] =	vst.idx.msk $0xffff, v7  }
0x398: {  	s15 =	sor.u32 $0x860, s3;
	s16 =	simm.s32 $0x2C02;
	v8 =	vor.u32 s13, v0;
	v7 =	vld [tilespmem:s4+$0x40];
	[tilespmem:v6+s29+$0x0] =	vst.idx.msk $0xffff, v5  }
0x399: {  	s12 =	simm.s32 $0x3403;
	s11 =	sor.u32 $0xC20, s8;
	v5 =	vld [tilespmem:s15+$0x4000];
	v6 =	vor.u32 s16, v0;
	[tilespmem:v2+s29+$0x0] =	vst.idx.msk $0xffff, v1  }
0x39a: {  	s14 =	simm.s32 $0xA07;
	[tilespmem:v4+s29+$0x0] =	vst.idx.msk $0xffff, v3;
	v2 =	vor.u32 s12, v0;
	v1 =	vld [tilespmem:s11+$0x4000]  }
0x39b: {  	s18 =	simm.s32 $0xA05;
	[tilespmem:v49+s29+$0x0] =	vst.idx.msk $0xffff, v11;
	v4 =	vor.u32 s14, v0;
	v3 =	vld [tilespmem:s6+$0x50]  }
0x39c: {  	v50 =	vor.u32 s18, v0;
	s17 =	simm.s32 $0xA04;
	v11 =	vld [tilespmem:s7+$0x50];
	[tilespmem:v10+s29+$0x0] =	vst.idx.msk $0xffff, v9  }
0x39d: {  	s23 =	sor.u32 $0x870, s2;
	s24 =	simm.s32 $0x2E00;
	v10 =	vor.u32 s17, v0;
	v9 =	vld [tilespmem:s5+$0x50];
	[tilespmem:v8+s29+$0x0] =	vst.idx.msk $0xffff, v7  }
0x39e: {  	s21 =	simm.s32 $0xA06;
	[tilespmem:v6+s29+$0x0] =	vst.idx.msk $0xffff, v5;
	v5 =	vld [tilespmem:s23+$0x4000];
	v6 =	vor.u32 s24, v0  }
0x39f: {  	s20 =	simm.s32 $0x3603;
	s19 =	sor.u32 $0xC30, s8;
	v8 =	vor.u32 s21, v0;
	v7 =	vld [tilespmem:s4+$0x50];
	[tilespmem:v2+s29+$0x0] =	vst.idx.msk $0xffff, v1  }
0x3a0: {  	s22 =	simm.s32 $0xC07;
	[tilespmem:v4+s29+$0x0] =	vst.idx.msk $0xffff, v3;
	v2 =	vor.u32 s20, v0;
	v1 =	vld [tilespmem:s19+$0x4000]  }
0x3a1: {  	s12 =	simm.s32 $0xC05;
	[tilespmem:v50+s29+$0x0] =	vst.idx.msk $0xffff, v11;
	v4 =	vor.u32 s22, v0;
	v3 =	vld [tilespmem:s6+$0x60]  }
0x3a2: {  	s25 =	simm.s32 $0xC04;
	v51 =	vor.u32 s12, v0;
	v11 =	vld [tilespmem:s7+$0x60];
	[tilespmem:v10+s29+$0x0] =	vst.idx.msk $0xffff, v9  }
0x3a3: {  	s18 =	simm.s32 $0x2E01;
	s17 =	sor.u32 $0x870, s1;
	v10 =	vor.u32 s25, v0;
	[tilespmem:v6+s29+$0x0] =	vst.idx.msk $0xffff, v5;
	v9 =	vld [tilespmem:s5+$0x60]  }
0x3a4: {  	s15 =	simm.s32 $0xC06;
	v5 =	vld [tilespmem:s17+$0x4000];
	v6 =	vor.u32 s18, v0;
	[tilespmem:v8+s29+$0x0] =	vst.idx.msk $0xffff, v7  }
0x3a5: {  	s13 =	sor.u32 $0xC40, s8;
	s14 =	simm.s32 $0x3803;
	v8 =	vor.u32 s15, v0;
	v7 =	vld [tilespmem:s4+$0x60];
	[tilespmem:v2+s29+$0x0] =	vst.idx.msk $0xffff, v1  }
0x3a6: {  	s16 =	simm.s32 $0xE07;
	[tilespmem:v4+s29+$0x0] =	vst.idx.msk $0xffff, v3;
	v2 =	vor.u32 s14, v0;
	v1 =	vld [tilespmem:s13+$0x4000]  }
0x3a7: {  	s20 =	simm.s32 $0xE05;
	[tilespmem:v51+s29+$0x0] =	vst.idx.msk $0xffff, v11;
	v4 =	vor.u32 s16, v0;
	v3 =	vld [tilespmem:s6+$0x70]  }
0x3a8: {  	s19 =	simm.s32 $0xE04;
	v52 =	vor.u32 s20, v0;
	v11 =	vld [tilespmem:s7+$0x70];
	[tilespmem:v10+s29+$0x0] =	vst.idx.msk $0xffff, v9  }
0x3a9: {  	s11 =	simm.s32 $0x2E02;
	s25 =	sor.u32 $0x870, s3;
	[tilespmem:v6+s29+$0x0] =	vst.idx.msk $0xffff, v5;
	v10 =	vor.u32 s19, v0;
	v9 =	vld [tilespmem:s5+$0x70]  }
0x3aa: {  	s23 =	simm.s32 $0xE06;
	v5 =	vld [tilespmem:s25+$0x4000];
	v6 =	vor.u32 s11, v0;
	[tilespmem:v8+s29+$0x0] =	vst.idx.msk $0xffff, v7  }
0x3ab: {  	s21 =	sor.u32 $0xC50, s8;
	s22 =	simm.s32 $0x3A03;
	v8 =	vor.u32 s23, v0;
	v7 =	vld [tilespmem:s4+$0x70];
	[tilespmem:v2+s29+$0x0] =	vst.idx.msk $0xffff, v1  }
0x3ac: {  	s24 =	simm.s32 $0x1007;
	[tilespmem:v4+s29+$0x0] =	vst.idx.msk $0xffff, v3;
	v2 =	vor.u32 s22, v0;
	v1 =	vld [tilespmem:s21+$0x4000]  }
0x3ad: {  	s13 =	simm.s32 $0x1005;
	[tilespmem:v52+s29+$0x0] =	vst.idx.msk $0xffff, v11;
	v4 =	vor.u32 s24, v0;
	v3 =	vld [tilespmem:s6+$0x400]  }
0x3ae: {  	s12 =	simm.s32 $0x1004;
	v53 =	vor.u32 s13, v0;
	v11 =	vld [tilespmem:s7+$0x400];
	[tilespmem:v10+s29+$0x0] =	vst.idx.msk $0xffff, v9  }
0x3af: {  	s18 =	sor.u32 $0xC00, s2;
	s19 =	simm.s32 $0x3000;
	[tilespmem:v6+s29+$0x0] =	vst.idx.msk $0xffff, v5;
	v10 =	vor.u32 s12, v0;
	v9 =	vld [tilespmem:s5+$0x400]  }
0x3b0: {  	s16 =	simm.s32 $0x1006;
	v5 =	vld [tilespmem:s18+$0x4000];
	v6 =	vor.u32 s19, v0;
	[tilespmem:v8+s29+$0x0] =	vst.idx.msk $0xffff, v7  }
0x3b1: {  	s15 =	simm.s32 $0x3C03;
	s14 =	sor.u32 $0xC60, s8;
	v8 =	vor.u32 s16, v0;
	v7 =	vld [tilespmem:s4+$0x400];
	[tilespmem:v2+s29+$0x0] =	vst.idx.msk $0xffff, v1  }
0x3b2: {  	s17 =	simm.s32 $0x1207;
	[tilespmem:v4+s29+$0x0] =	vst.idx.msk $0xffff, v3;
	v2 =	vor.u32 s15, v0;
	v1 =	vld [tilespmem:s14+$0x4000]  }
0x3b3: {  	s21 =	simm.s32 $0x1205;
	[tilespmem:v53+s29+$0x0] =	vst.idx.msk $0xffff, v11;
	v4 =	vor.u32 s17, v0;
	v3 =	vld [tilespmem:s6+$0x410]  }
0x3b4: {  	s20 =	simm.s32 $0x1204;
	v54 =	vor.u32 s21, v0;
	v11 =	vld [tilespmem:s7+$0x410];
	[tilespmem:v10+s29+$0x0] =	vst.idx.msk $0xffff, v9  }
0x3b5: {  	s10 =	simm.s32 $0x3001;
	s25 =	sor.u32 $0xC00, s1;
	[tilespmem:v6+s29+$0x0] =	vst.idx.msk $0xffff, v5;
	v10 =	vor.u32 s20, v0;
	v9 =	vld [tilespmem:s5+$0x410]  }
0x3b6: {  	s23 =	simm.s32 $0x1206;
	v5 =	vld [tilespmem:s25+$0x4000];
	v6 =	vor.u32 s10, v0;
	[tilespmem:v8+s29+$0x0] =	vst.idx.msk $0xffff, v7  }
0x3b7: {  	s8 =	sor.u32 $0xC70, s8;
	s22 =	simm.s32 $0x3E03;
	v8 =	vor.u32 s23, v0;
	v7 =	vld [tilespmem:s4+$0x410];
	[tilespmem:v2+s29+$0x0] =	vst.idx.msk $0xffff, v1  }
0x3b8: {  	s24 =	simm.s32 $0x1407;
	[tilespmem:v4+s29+$0x0] =	vst.idx.msk $0xffff, v3;
	v2 =	vor.u32 s22, v0;
	v1 =	vld [tilespmem:s8+$0x4000]  }
0x3b9: {  	s12 =	simm.s32 $0x1405;
	[tilespmem:v54+s29+$0x0] =	vst.idx.msk $0xffff, v11;
	v4 =	vor.u32 s24, v0;
	v3 =	vld [tilespmem:s6+$0x420]  }
0x3ba: {  	s11 =	simm.s32 $0x1404;
	v55 =	vor.u32 s12, v0;
	v11 =	vld [tilespmem:s7+$0x420];
	[tilespmem:v10+s29+$0x0] =	vst.idx.msk $0xffff, v9  }
0x3bb: {  	s18 =	simm.s32 $0x3200;
	s17 =	sor.u32 $0xC10, s2;
	[tilespmem:v6+s29+$0x0] =	vst.idx.msk $0xffff, v5;
	v10 =	vor.u32 s11, v0;
	v9 =	vld [tilespmem:s5+$0x420]  }
0x3bc: {  	s13 =	sor.u32 $0xC00, s3;
	s14 =	simm.s32 $0x3002;
	v5 =	vld [tilespmem:s17+$0x4000];
	v6 =	vor.u32 s18, v0;
	[tilespmem:v8+s29+$0x0] =	vst.idx.msk $0xffff, v7  }
0x3bd: {  	s15 =	simm.s32 $0x1406;
	[tilespmem:v2+s29+$0x0] =	vst.idx.msk $0xffff, v1;
	v1 =	vld [tilespmem:s13+$0x4000];
	v2 =	vor.u32 s14, v0  }
0x3be: {  	s16 =	simm.s32 $0x1607;
	v8 =	vor.u32 s15, v0;
	v7 =	vld [tilespmem:s4+$0x420];
	[tilespmem:v4+s29+$0x0] =	vst.idx.msk $0xffff, v3  }
0x3bf: {  	s20 =	simm.s32 $0x1605;
	[tilespmem:v55+s29+$0x0] =	vst.idx.msk $0xffff, v11;
	v4 =	vor.u32 s16, v0;
	v3 =	vld [tilespmem:s6+$0x430]  }
0x3c0: {  	s19 =	simm.s32 $0x1604;
	v56 =	vor.u32 s20, v0;
	v11 =	vld [tilespmem:s7+$0x430];
	[tilespmem:v10+s29+$0x0] =	vst.idx.msk $0xffff, v9  }
0x3c1: {  	s21 =	sor.u32 $0xC10, s1;
	s22 =	simm.s32 $0x3201;
	[tilespmem:v6+s29+$0x0] =	vst.idx.msk $0xffff, v5;
	v10 =	vor.u32 s19, v0;
	v9 =	vld [tilespmem:s5+$0x430]  }
0x3c2: {  	[tilespmem:v2+s29+$0x0] =	vst.idx.msk $0xffff, v1;
	v1 =	vld [tilespmem:s21+$0x4000];
	v2 =	vor.u32 s22, v0  }
0x3c3: {  	s25 =	simm.s32 $0x1606;
	[tilespmem:v8+s29+$0x0] =	vst.idx.msk $0xffff, v7  }
0x3c4: {  	s10 =	sor.u32 $0xC50, s3;
	v8 =	vor.u32 s25, v0;
	s13 =	simm.s32 $0x1807;
	v7 =	vld [tilespmem:s4+$0x430];
	[tilespmem:v4+s29+$0x0] =	vst.idx.msk $0xffff, v3  }
0x3c5: {  	s23 =	sor.u32 $0xC10, s3;
	s17 =	sor.u32 $0xC20, s3;
	s14 =	simm.s32 $0x3202;
	[tilespmem:v56+s29+$0x0] =	vst.idx.msk $0xffff, v11;
	v4 =	vor.u32 s13, v0;
	v3 =	vld [tilespmem:s6+$0x440]  }
0x3c6: {  	s18 =	simm.s32 $0x1804;
	s15 =	sor.u32 $0xC40, s3;
	v6 =	vor.u32 s14, v0;
	s14 =	simm.s32 $0x1805;
	[tilespmem:v10+s29+$0x0] =	vst.idx.msk $0xffff, v9;
	v5 =	vld [tilespmem:s23+$0x4000]  }
0x3c7: {  	s21 =	sor.u32 $0xC30, s3;
	s13 =	sor.u32 $0xC60, s3;
	v10 =	vor.u32 s18, v0;
	s3 =	sor.u32 $0xC70, s3;
	v9 =	vld [tilespmem:s5+$0x440];
	[tilespmem:v2+s29+$0x0] =	vst.idx.msk $0xffff, v1  }
0x3c8: {  	s24 =	sor.u32 $0xC20, s2;
	s19 =	simm.s32 $0x3400;
	v57 =	vor.u32 s14, v0;
	v11 =	vld [tilespmem:s7+$0x440];
	[smem:$0x7AB] =	sst s3  }
0x3c9: {  	s20 =	simm.s32 $0x1806;
	v2 =	vor.u32 s19, v0;
	[tilespmem:v8+s29+$0x0] =	vst.idx.msk $0xffff, v7;
	v1 =	vld [tilespmem:s24+$0x4000]  }
0x3ca: {  	s14 =	sor.u32 $0xC20, s1;
	s18 =	simm.s32 $0x3401;
	v8 =	vor.u32 s20, v0;
	[tilespmem:v4+s29+$0x0] =	vst.idx.msk $0xffff, v3;
	v7 =	vld [tilespmem:s4+$0x440]  }
0x3cb: {  	s23 =	simm.s32 $0x1A07;
	[tilespmem:v6+s29+$0x0] =	vst.idx.msk $0xffff, v5;
	v5 =	vld [tilespmem:s14+$0x4000];
	v6 =	vor.u32 s18, v0  }
0x3cc: {  	p1 =	por !p1, !p1;
	s25 =	simm.s32 $0x1A04;
	v4 =	vor.u32 s23, v0;
	[tilespmem:v10+s29+$0x0] =	vst.idx.msk $0xffff, v9;
	v3 =	vld [tilespmem:s6+$0x450]  }
0x3cd: {  	s9 =	sor.u32 $0xC70, s2;
	s12 =	sor.u32 $0xC70, s1;
	v10 =	vor.u32 s25, v0;
	[tilespmem:v57+s29+$0x0] =	vst.idx.msk $0xffff, v11;
	s20 =	simm.s32 $0x1A05;
	v9 =	vld [tilespmem:s5+$0x450]  }
0x3ce: {  	s11 =	sor.u32 $0xC50, s2;
	s8 =	sor.u32 $0xC60, s2;
	s23 =	simm.s32 $0x3402;
	v11 =	vld [tilespmem:s7+$0x450];
	v58 =	vor.u32 s20, v0;
	[tilespmem:v2+s29+$0x0] =	vst.idx.msk $0xffff, v1  }
0x3cf: {  	s16 =	sor.u32 $0xC40, s2;
	s22 =	sor.u32 $0xC30, s2;
	s20 =	simm.s32 $0x1A06;
	v1 =	vld [tilespmem:s17+$0x4000];
	v2 =	vor.u32 s23, v0;
	[tilespmem:v8+s29+$0x0] =	vst.idx.msk $0xffff, v7  }
0x3d0: {  	s2 =	sor.u32 $0xC60, s1;
	s19 =	sor.u32 $0xC40, s1;
	s3 =	sor.u32 $0xC50, s1;
	[tilespmem:v6+s29+$0x0] =	vst.idx.msk $0xffff, v5;
	v8 =	vor.u32 s20, v0;
	v7 =	vld [tilespmem:s4+$0x450]  }
0x3d1: {  	s24 =	sor.u32 $0xC30, s1;
	s14 =	simm.s32 $0x1;
	s25 =	simm.s32 $0x1C07;
	[tilespmem:v4+s29+$0x0] =	vst.idx.msk $0xffff, v3  }
0x3d2: {  	s1 =	simm.s32 $0x3600;
	s14 =	simm.s32 @!p1 $0x0;
	v4 =	vor.u32 s25, v0;
	[tilespmem:v10+s29+$0x0] =	vst.idx.msk $0xffff, v9;
	v5 =	vld [tilespmem:s22+$0x4000];
	s25 =	sand.u32 $0x7, s26  }
0x3d3: {  	s14 =	sshll.u32 s14, $0x9;
	v6 =	vor.u32 s1, v0;
	[tilespmem:v58+s29+$0x0] =	vst.idx.msk $0xffff, v11;
	v3 =	vld [tilespmem:s6+$0x460];
	s1 =	sshll.u32 s25, $0x7;
	s25 =	simm.s32 $0x1C05  }
0x3d4: {  	s14 =	sadd.s32 $0x800, s14;
	v10 =	vld [tilespmem:s5+$0x460];
	v11 =	vor.u32 s25, v0;
	s25 =	simm.s32 $0x3601;
	[tilespmem:v2+s29+$0x0] =	vst.idx.msk $0xffff, v1  }
0x3d5: {  	v12 =	vld [tilespmem:s7+$0x460];
	v2 =	vor.u32 s25, v0;
	s25 =	sor.u32 $0x850, s14;
	[tilespmem:v8+s29+$0x0] =	vst.idx.msk $0xffff, v7  }
0x3d6: {  	v1 =	vld [tilespmem:s24+$0x4000];
	[smem:$0x7AC] =	sst s25;
	s25 =	sor.u32 $0x860, s14  }
0x3d7: {  	[smem:$0x7AD] =	sst s25;
	s25 =	simm.s32 $0x1C06  }
0x3d8: {  	s0 =	sand.u32 $0x3, s0;
	s22 =	simm.s32 $0x1C04;
	v7 =	vor.u32 s25, v0;
	[tilespmem:v4+s29+$0x0] =	vst.idx.msk $0xffff, v3;
	s25 =	sor.u32 $0x870, s14  }
0x3d9: {  	s0 =	sshll.u32 s0, $0x8;
	v9 =	vor.u32 s22, v0;
	v8 =	vld [tilespmem:s4+$0x460];
	[smem:$0x7AE] =	sst s25;
	s25 =	sor.u32 $0xC00, s14  }
0x3da: {  	s0 =	sadd.s32 $0x800, s0;
	[smem:$0x7AF] =	sst s25;
	s25 =	simm.s32 $0x1E07  }
0x3db: {  	s18 =	sadd.s32 $0x100, s0;
	v4 =	vor.u32 s25, v0;
	[tilespmem:v6+s29+$0x0] =	vst.idx.msk $0xffff, v5;
	s25 =	sor.u32 $0xC10, s14  }
0x3dc: {  	s0 =	sor.u32 $0x830, s14;
	s24 =	sor.u32 $0xC20, s14;
	v3 =	vld [tilespmem:s6+$0x470];
	[dreg:$0x1f] =	wrdreg s25  }
0x3dd: {  	s31 =	sor.u32 $0xC50, s14;
	s23 =	sor.u32 $0x800, s14;
	[dreg:$0x19] =	wrdreg s24  }
0x3de: {  	s17 =	sor.u32 $0x820, s14;
	s20 =	sor.u32 $0x810, s14;
	v5 =	vld [tilespmem:s21+$0x4000];
	[tilespmem:v9+s29+$0x0] =	vst.idx.msk $0xffff, v10;
	s21 =	sor.u32 $0xC30, s14  }
0x3df: {  	s22 =	sadd.s32 $0x800, s1;
	s24 =	sor.u32 $0xC40, s14;
	[dreg:$0x13] =	wrdreg s21  }
0x3e0: {  	s1 =	sor.u32 $0x840, s14;
	s25 =	simm.s32 $0x3602;
	[dreg:$0x14] =	wrdreg s24  }
0x3e1: {  	v6 =	vor.u32 s25, v0;
	s25 =	simm.s32 $0x1E04;
	s24 =	sor.u32 $0xC60, s14;
	s14 =	sor.u32 $0xC70, s14;
	v9 =	vld [tilespmem:s5+$0x470];
	[tilespmem:v11+s29+$0x0] =	vst.idx.msk $0xffff, v12  }
0x3e2: {  	v10 =	vor.u32 s25, v0;
	v11 =	vld [tilespmem:s7+$0x470];
	[dreg:$0x4] =	wrdreg s14  }
0x3e3: {  	s6 =	simm.s32 $0x1E05;
	[tilespmem:v2+s29+$0x0] =	vst.idx.msk $0xffff, v1  }
0x3e4: {  	v59 =	vor.u32 s6, v0;
	[tilespmem:v7+s29+$0x0] =	vst.idx.msk $0xffff, v8  }
0x3e5: {  	s30 =	sadd.s32 $0x180, s22;
	s21 =	simm.s32 $0x3800;
	v1 =	vld [tilespmem:s16+$0x4000];
	[tilespmem:v4+s29+$0x0] =	vst.idx.msk $0xffff, v3  }
0x3e6: {  	s25 =	simm.s32 $0x1E06;
	s7 =	sor.u32 $0x800, s30;
	v2 =	vor.u32 s21, v0;
	v7 =	vld [tilespmem:s4+$0x470];
	[tilespmem:v6+s29+$0x0] =	vst.idx.msk $0xffff, v5  }
0x3e7: {  	v8 =	vor.u32 s25, v0;
	s25 =	sor.u32 $0x850, s18;
	v3 =	vld [tilespmem:s7+$0x4000];
	[tilespmem:v10+s29+$0x0] =	vst.idx.msk $0xffff, v9  }
0x3e8: {  	s21 =	simm.s32 $0x3801;
	v5 =	vld [tilespmem:s19+$0x4000];
	[smem:$0x7B0] =	sst s25  }
0x3e9: {  	v6 =	vor.u32 s21, v0;
	s21 =	sor.u32 $0x860, s18;
	[tilespmem:v59+s29+$0x0] =	vst.idx.msk $0xffff, v11  }
0x3ea: {  	s5 =	sadd.s32 $0x80, s22;
	s16 =	simm.s32 $0x2007;
	v9 =	vld [tilespmem:s23+$0x4000];
	[smem:$0x7B1] =	sst s21  }
0x3eb: {  	s25 =	sor.u32 $0x800, s5;
	s23 =	simm.s32 $0x2005;
	s21 =	sor.u32 $0x870, s18;
	[tilespmem:v2+s29+$0x0] =	vst.idx.msk $0xffff, v1  }
0x3ec: {  	v4 =	vor.u32 s16, v0;
	v60 =	vor.u32 s23, v0;
	s23 =	sor.u32 $0xC00, s18;
	v11 =	vld [tilespmem:s25+$0x4000];
	[smem:$0x7B2] =	sst s21  }
0x3ed: {  	s19 =	simm.s32 $0x2004;
	[smem:$0x7B3] =	sst s23  }
0x3ee: {  	v10 =	vor.u32 s19, v0;
	s19 =	sor.u32 $0xC10, s18;
	[tilespmem:v8+s29+$0x0] =	vst.idx.msk $0xffff, v7  }
0x3ef: {  	s21 =	sor.u32 $0xC20, s18;
	v1 =	vld [tilespmem:s15+$0x4000];
	[smem:$0x7B4] =	sst s19  }
0x3f0: {  	s25 =	simm.s32 $0x3802;
	[dreg:$0x1d] =	wrdreg s21  }
0x3f1: {  	s14 =	sor.u32 $0x800, s18;
	v2 =	vor.u32 s25, v0;
	s25 =	sor.u32 $0xC30, s18;
	[tilespmem:v4+s29+$0x0] =	vst.idx.msk $0xffff, v3  }
0x3f2: {  	v7 =	vld [tilespmem:s14+$0x4000];
	[smem:$0x7B5] =	sst s25  }
0x3f3: {  	s15 =	sor.u32 $0x810, s30;
	s19 =	sor.u32 $0xC40, s18;
	[tilespmem:v6+s29+$0x0] =	vst.idx.msk $0xffff, v5  }
0x3f4: {  	s21 =	sor.u32 $0xC50, s18;
	v3 =	vld [tilespmem:s15+$0x4000];
	[dreg:$0x12] =	wrdreg s19  }
0x3f5: {  	s23 =	simm.s32 $0x2006;
	s25 =	sor.u32 $0xC60, s18;
	[dreg:$0xe] =	wrdreg s21  }
0x3f6: {  	v8 =	vor.u32 s23, v0;
	s14 =	sor.u32 $0xC70, s18;
	v5 =	vld [tilespmem:s11+$0x4000];
	[dreg:$0xa] =	wrdreg s25  }
0x3f7: {  	s16 =	simm.s32 $0x2207;
	[dreg:$0x7] =	wrdreg s14  }
0x3f8: {  	v4 =	vor.u32 s16, v0;
	[tilespmem:v10+s29+$0x0] =	vst.idx.msk $0xffff, v9  }
0x3f9: {  	s23 =	simm.s32 $0x3A00;
	[tilespmem:v60+s29+$0x0] =	vst.idx.msk $0xffff, v11  }
0x3fa: {  	v6 =	vor.u32 s23, v0;
	[tilespmem:v2+s29+$0x0] =	vst.idx.msk $0xffff, v1;
	v1 =	vld [tilespmem:s3+$0x4000]  }
0x3fb: {  	s16 =	sor.u32 $0x810, s5;
	[tilespmem:v8+s29+$0x0] =	vst.idx.msk $0xffff, v7;
	v9 =	vld [tilespmem:s20+$0x4000];
	s20 =	sor.u32 $0x860, s5  }
0x3fc: {  	s6 =	sor.u32 $0x840, s18;
	s15 =	simm.s32 $0x2204;
	v11 =	vld [tilespmem:s16+$0x4000];
	[smem:$0x7B6] =	sst s20  }
0x3fd: {  	s22 =	sor.u32 $0x810, s18;
	s4 =	sor.u32 $0x820, s18;
	s25 =	sor.u32 $0x870, s5;
	v10 =	vor.u32 s15, v0;
	[tilespmem:v4+s29+$0x0] =	vst.idx.msk $0xffff, v3  }
0x3fe: {  	s7 =	sor.u32 $0x830, s18;
	s19 =	simm.s32 $0x3A01;
	v7 =	vld [tilespmem:s22+$0x4000];
	[smem:$0x7B7] =	sst s25  }
0x3ff: {  	s18 =	simm.s32 $0x2205;
	s11 =	sor.u32 $0x820, s30;
	v2 =	vor.u32 s19, v0;
	s19 =	sor.u32 $0xC00, s5;
	[tilespmem:v6+s29+$0x0] =	vst.idx.msk $0xffff, v5  }
0x400: {  	v61 =	vor.u32 s18, v0;
	s20 =	sor.u32 $0xC10, s5;
	v3 =	vld [tilespmem:s11+$0x4000];
	[smem:$0x7B8] =	sst s19  }
0x401: {  	s23 =	simm.s32 $0x2206;
	[smem:$0x7B9] =	sst s20  }
0x402: {  	v8 =	vor.u32 s23, v0;
	s23 =	sor.u32 $0xC20, s5;
	[tilespmem:v10+s29+$0x0] =	vst.idx.msk $0xffff, v9  }
0x403: {  	s25 =	sor.u32 $0xC30, s5;
	v5 =	vld [tilespmem:s10+$0x4000];
	[smem:$0x7BA] =	sst s23  }
0x404: {  	[smem:$0x7BB] =	sst s25  }
0x405: {  	s18 =	simm.s32 $0x2407;
	s11 =	sor.u32 $0xC40, s5;
	[tilespmem:v61+s29+$0x0] =	vst.idx.msk $0xffff, v11  }
0x406: {  	s14 =	sor.u32 $0x820, s5;
	v9 =	vld [tilespmem:s17+$0x4000];
	s17 =	sor.u32 $0xC50, s5;
	[dreg:$0x1e] =	wrdreg s11  }
0x407: {  	v4 =	vor.u32 s18, v0;
	s22 =	simm.s32 $0x3A02;
	s19 =	sor.u32 $0xC60, s5;
	[dreg:$0x15] =	wrdreg s17  }
0x408: {  	v6 =	vor.u32 s22, v0;
	s20 =	sor.u32 $0xC70, s5;
	s10 =	simm.s32 $0x2404;
	v11 =	vld [tilespmem:s14+$0x4000];
	[smem:$0x7BC] =	sst s19  }
0x409: {  	s18 =	simm.s32 $0x2405;
	v10 =	vor.u32 s10, v0;
	[smem:$0x7BD] =	sst s20  }
0x40a: {  	s28 =	simm.s32 $0x408;
	v62 =	vor.u32 s18, v0;
	s22 =	simm.s32 $0x3C00;
	[tilespmem:v2+s29+$0x0] =	vst.idx.msk $0xffff, v1  }
0x40b: {  	p1 =	por !p1, !p1;
	s21 =	sor.u32 $0x850, s5;
	s23 =	simm.s32 $0x2406;
	v1 =	vld [tilespmem:s8+$0x4000];
	v2 =	vor.u32 s22, v0;
	[tilespmem:v8+s29+$0x0] =	vst.idx.msk $0xffff, v7  }
0x40c: {  	s15 =	sor.u32 $0x830, s5;
	s25 =	sor.u32 $0x830, s30;
	s10 =	simm.s32 $0x2607;
	v8 =	vor.u32 s23, v0;
	[tilespmem:v4+s29+$0x0] =	vst.idx.msk $0xffff, v3;
	v7 =	vld [tilespmem:s4+$0x4000]  }
0x40d: {  	s3 =	simm.s32 $0x3E00;
	s16 =	sor.u32 $0x840, s5;
	s14 =	simm.s32 $0x3C01;
	v4 =	vor.u32 s10, v0;
	[tilespmem:v6+s29+$0x0] =	vst.idx.msk $0xffff, v5;
	v3 =	vld [tilespmem:s25+$0x4000]  }
0x40e: {  	s18 =	simm.s32 $0x2604;
	s5 =	simm.s32 $0x3E02;
	s11 =	simm.s32 $0x4;
	v6 =	vor.u32 s14, v0;
	v5 =	vld [tilespmem:s2+$0x4000];
	[tilespmem:v10+s29+$0x0] =	vst.idx.msk $0xffff, v9  }
0x40f: {  	s17 =	sand.u32 $0x3, s11;
	s19 =	simm.s32 $0x2605;
	s20 =	simm.s32 $0x3C02;
	v10 =	vor.u32 s18, v0;
	v9 =	vld [tilespmem:s0+$0x4000];
	[tilespmem:v62+s29+$0x0] =	vst.idx.msk $0xffff, v11  }
0x410: {  	s8 =	simm.s32 $0x1;
	v63 =	vor.u32 s19, v0;
	s14 =	simm.s32 $0x3E01;
	s22 =	simm.s32 $0x2606;
	v11 =	vld [tilespmem:s15+$0x4000];
	[tilespmem:v2+s29+$0x0] =	vst.idx.msk $0xffff, v1  }
0x411: {  	s23 =	sor.u32 $0x840, s30;
	s10 =	simm.s32 $0x2804;
	s19 =	simm.s32 $0x20A;
	v1 =	vld [tilespmem:s13+$0x4000];
	v2 =	vor.u32 s20, v0;
	[tilespmem:v8+s29+$0x0] =	vst.idx.msk $0xffff, v7  }
0x412: {  	s8 =	simm.s32 @!p1 $0x0;
	s4 =	sshll.u32 s17, $0x8;
	v13 =	vor.u32 s22, v0;
	s25 =	simm.s32 $0x2807;
	[tilespmem:v4+s29+$0x0] =	vst.idx.msk $0xffff, v3;
	v8 =	vld [tilespmem:s7+$0x4000]  }
0x413: {  	s17 =	simm.s32 $0x2806;
	s22 =	simm.s32 $0x209;
	s2 =	sshll.u32 s8, $0x9;
	v15 =	vor.u32 s25, v0;
	[tilespmem:v6+s29+$0x0] =	vst.idx.msk $0xffff, v5;
	v14 =	vld [tilespmem:s23+$0x4000]  }
0x414: {  	s8 =	simm.s32 $0x8;
	s18 =	simm.s32 $0x2A05;
	s25 =	simm.s32 $0x40A;
	[tilespmem:v10+s29+$0x0] =	vst.idx.msk $0xffff, v9  }
0x415: {  	s0 =	simm.s32 $0x2A04;
	s15 =	simm.s32 $0x2A06;
	s13 =	simm.s32 $0x2805;
	v5 =	vld [tilespmem:s9+$0x4000];
	[tilespmem:v63+s29+$0x0] =	vst.idx.msk $0xffff, v11  }
0x416: {  	s20 =	simm.s32 $0x409;
	v6 =	vor.u32 s13, v0;
	s13 =	sor.u32 $0x850, s30;
	s23 =	simm.s32 $0x208;
	v4 =	vld [tilespmem:s12+$0x4000];
	[tilespmem:v2+s29+$0x0] =	vst.idx.msk $0xffff, v1  }
0x417: {  	s12 =	simm.s32 $0x580;
	v9 =	vor.u32 s3, v0;
	s3 =	simm.s32 $0xA;
	v7 =	vld [tilespmem:s1+$0x4000];
	s1 =	simm.s32 $0x1000;
	[tilespmem:v13+s29+$0x0] =	vst.idx.msk $0xffff, v8  }
0x418: {  	v10 =	vor.u32 s10, v0;
	s10 =	simm.s32 $0x2A07;
	s7 =	sand.u32 $0x3000, s1;
	v3 =	vld [tilespmem:s16+$0x4000];
	v8 =	vor.u32 s14, v0;
	[tilespmem:v15+s29+$0x0] =	vst.idx.msk $0xffff, v14;
	s14 =	simm.s32 $0x4  }
0x419: {  	v2 =	vor.u32 s17, v0;
	s17 =	simm.s32 $0xC;
	s16 =	simm.s32 $0x9;
	v1 =	vld [tilespmem:s6+$0x4000];
	[smem:$0x7BE] =	sst s14  }
.LBB2_6:
0x41a: {  	[smem:$0x79C] =	sst s31  }
0x41b: {  	[smem:$0x7A2] =	sst s24;
	s6 =	sor.u32 $0x4000, s7  }
0x41c: {  	s14 =	sand.u32 $0x380, s12;
	v11 =	vld [tilespmem:s13+$0x4000];
	v12 =	vor.u32 s10, v0;
	s24 =	sadd.s32 $0xFFFFFE80, s12;
	s9 =	sld [smem:$0x7AB]  }
0x41d: {  	s13 =	sadd.s32 $0x3, s8;
	s31 =	sor.u32 s14, s6;
	s14 =	sand.u32 $0x200, s24  }
0x41e: {  	v46 =	vor.u32 s25, v0;
	s25 =	rddreg [dreg:$0xa];
	s24 =	sadd.s32 $0xFFFFFF00, s12;
	s7 =	sor.u32 s14, s6;
	[tilespmem:v9+s29+$0x0] =	vst.idx.msk $0xffff, v5  }
0x41f: {  	s10 =	sand.u32 $0x280, s24;
	s24 =	sld [smem:$0x7AC];
	v5 =	vld [tilespmem:s9+$0x4000];
	s9 =	sadd.s32 $0xFFFFFF80, s12;
	[tilespmem:v6+s29+$0x0] =	vst.idx.msk $0xffff, v3  }
0x420: {  	v6 =	vor.u32 s0, v0;
	s0 =	sadd.s32 s2, s1;
	[tilespmem:v10+s29+$0x0] =	vst.idx.msk $0xffff, v7;
	s14 =	sand.u32 $0x300, s9;
	s9 =	sadd.s32 s1, s4  }
0x421: {  	v9 =	vld [tilespmem:s31+$0x0];
	v7 =	vor.u32 s5, v0;
	v10 =	vor.u32 s13, v0;
	s13 =	sor.u32 s10, s6;
	[tilespmem:v12+s29+$0x0] =	vst.idx.msk $0xffff, v11;
	s10 =	sor.u32 $0x860, s30;
	s5 =	sor.u32 $0x820, s0  }
0x422: {  	[tilespmem:v2+s29+$0x0] =	vst.idx.msk $0xffff, v1;
	v2 =	vor.u32 s16, v0;
	s16 =	sadd.s32 $0x100, s9;
	v11 =	vld [tilespmem:s10+$0x4000];
	s10 =	sor.u32 $0x800, s0;
	[smem:$0x7A1] =	sst s5  }
0x423: {  	v3 =	vld [tilespmem:s24+$0x4000];
	s24 =	sor.u32 s14, s6;
	s6 =	sor.u32 $0x800, s16;
	[smem:$0x797] =	sst s10  }
0x424: {  	[tilespmem:v8+s29+$0x0] =	vst.idx.msk $0xffff, v4;
	v8 =	vor.u32 s8, v0;
	v4 =	vld [tilespmem:s7+$0x0];
	s14 =	sadd.s32 $0x2C03, s26;
	s9 =	sor.u32 $0x810, s16;
	[smem:$0x798] =	sst s6  }
0x425: {  	v1 =	vld [tilespmem:s13+$0x0];
	v44 =	vor.u32 s14, v0;
	s14 =	sor.u32 $0x810, s0;
	[smem:$0x79F] =	sst s9  }
0x426: {  	s10 =	sor.u32 $0x830, s0;
	[smem:$0x79E] =	sst s14;
	[tilespmem:v7+s29+$0x0] =	vst.idx.msk $0xffff, v5  }
0x427: {  	s4 =	sadd.s32 $0x203, s8;
	s6 =	sor.u32 $0x820, s16;
	[smem:$0x7A5] =	sst s10;
	v7 =	vor.u32 s3, v0;
	[tilespmem:v10+s29+$0x0] =	vst.idx.msk $0xffff, v9;
	v5 =	vld [tilespmem:s24+$0x0]  }
0x428: {  	v45 =	vor.u32 s19, v0;
	s19 =	sor.u32 $0xC10, s0;
	s9 =	sor.u32 $0x830, s16;
	[smem:$0x7A4] =	sst s6;
	v10 =	vor.u32 s4, v0;
	v9 =	vld [tilespmem:s31+$0x10];
	[tilespmem:v6+s29+$0x0] =	vst.idx.msk $0xffff, v3  }
0x429: {  	s5 =	sor.u32 $0x870, s30;
	s14 =	sor.u32 $0x840, s0;
	[smem:$0x7A6] =	sst s9;
	v3 =	vld [tilespmem:s21+$0x4000];
	[tilespmem:v8+s29+$0x0] =	vst.idx.msk $0xffff, v4;
	v4 =	vor.u32 s18, v0  }
0x42a: {  	[smem:$0x7A8] =	sst s14;
	s9 =	simm.s32 $0xC000;
	s3 =	sor.u32 $0x840, s16;
	[tilespmem:v2+s29+$0x0] =	vst.idx.msk $0xffff, v1  }
0x42b: {  	s14 =	sadd.s32 $0x2E03, s26;
	s4 =	sor.u32 $0x850, s0;
	[smem:$0x7AA] =	sst s3;
	v8 =	vor.u32 s23, v0;
	[tilespmem:v44+s9+$0x0] =	vst.idx.msk $0xffff, v11;
	v6 =	vld [tilespmem:s7+$0x10]  }
0x42c: {  	s6 =	sor.u32 $0x860, s0;
	[smem:$0x7AC] =	sst s4;
	v2 =	vor.u32 s22, v0;
	v1 =	vld [tilespmem:s13+$0x10];
	[tilespmem:v7+s9+$0x0] =	vst.idx.msk $0xffff, v5;
	v7 =	vor.u32 s14, v0;
	s14 =	sadd.s32 $0x403, s8  }
0x42d: {  	s21 =	sor.u32 $0xC30, s0;
	s29 =	sor.u32 $0x850, s16;
	v5 =	vld [tilespmem:s5+$0x4000];
	[tilespmem:v10+s9+$0x0] =	vst.idx.msk $0xffff, v9;
	v10 =	vor.u32 s14, v0;
	s14 =	sor.u32 $0xC30, s16  }
0x42e: {  	s18 =	sor.u32 $0x870, s0;
	[tilespmem:v4+s9+$0x0] =	vst.idx.msk $0xffff, v3;
	v4 =	vor.u32 s15, v0;
	s15 =	sor.u32 $0xC40, s0;
	[smem:$0x799] =	sst s14  }
0x42f: {  	s23 =	sor.u32 $0xC00, s0;
	v11 =	vld [tilespmem:s24+$0x10];
	s14 =	sor.u32 $0xC40, s16;
	[smem:$0x79B] =	sst s15  }
0x430: {  	s5 =	sor.u32 $0xC20, s0;
	v9 =	vld [tilespmem:s31+$0x20];
	[tilespmem:v8+s9+$0x0] =	vst.idx.msk $0xffff, v6;
	s15 =	sor.u32 $0xC50, s0;
	[smem:$0x79A] =	sst s14  }
0x431: {  	v8 =	vor.u32 s28, v0;
	[tilespmem:v2+s9+$0x0] =	vst.idx.msk $0xffff, v1;
	v2 =	vor.u32 s20, v0;
	s20 =	sadd.s32 $0x3003, s26;
	s28 =	sor.u32 $0xC60, s0;
	s14 =	sld [smem:$0x7B0]  }
0x432: {  	s0 =	sor.u32 $0xC70, s0;
	[smem:$0x79D] =	sst s15;
	s15 =	sor.u32 $0xC50, s16  }
0x433: {  	v6 =	vld [tilespmem:s7+$0x20];
	[smem:$0x7A0] =	sst s15;
	s15 =	sor.u32 $0xC00, s30;
	[tilespmem:v7+s9+$0x0] =	vst.idx.msk $0xffff, v5;
	v7 =	vor.u32 s20, v0;
	s20 =	smov.u32 s29  }
0x434: {  	v3 =	vld [tilespmem:s14+$0x4000];
	s14 =	sor.u32 $0xC60, s16;
	[tilespmem:v45+s9+$0x0] =	vst.idx.msk $0xffff, v11;
	[smem:$0x7B0] =	sst s20;
	s20 =	smov.u32 s25  }
0x435: {  	v5 =	vld [tilespmem:s15+$0x4000];
	[tilespmem:v10+s9+$0x0] =	vst.idx.msk $0xffff, v9;
	s9 =	smov.u32 s0;
	s25 =	smov.u32 s14;
	s14 =	rddreg [dreg:$0x4]  }
0x436: {  	s2 =	sor.u32 $0xC00, s16;
	[dreg:$0x4] =	wrdreg s9  }
0x437: {  	s10 =	sor.u32 $0x870, s16;
	[dreg:$0xa] =	wrdreg s25;
	s25 =	smov.u32 s14  }
0x438: {  	s3 =	sor.u32 $0x860, s16;
	v1 =	vld [tilespmem:s13+$0x20];
	s29 =	simm.s32 $0xC000;
	[smem:$0x7A7] =	sst s25  }
0x439: {  	s15 =	sadd.s32 $0x603, s8;
	s14 =	sadd.s32 $0x600, s8;
	s25 =	sld [smem:$0x7AD]  }
0x43a: {  	s4 =	sor.u32 $0xC10, s16;
	v11 =	vld [tilespmem:s24+$0x20];
	v10 =	vor.u32 s15, v0;
	s15 =	sadd.s32 $0x2C00, s26;
	[tilespmem:v8+s29+$0x0] =	vst.idx.msk $0xffff, v6;
	v8 =	vor.u32 s14, v0;
	s14 =	rddreg [dreg:$0x7]  }
0x43b: {  	s22 =	sor.u32 $0xC20, s16;
	v9 =	vld [tilespmem:s31+$0x30];
	s9 =	sld [smem:$0x7BD];
	[tilespmem:v4+s29+$0x0] =	vst.idx.msk $0xffff, v3;
	v4 =	vor.u32 s15, v0;
	s15 =	smov.u32 s14  }
0x43c: {  	s16 =	sor.u32 $0xC70, s16;
	s0 =	sadd.s32 $0x601, s8;
	v3 =	vld [tilespmem:s25+$0x4000];
	[smem:$0x7AB] =	sst s15  }
0x43d: {  	[tilespmem:v2+s29+$0x0] =	vst.idx.msk $0xffff, v1;
	v6 =	vld [tilespmem:s7+$0x30];
	s14 =	sadd.s32 $0x3203, s26;
	s25 =	smov.u32 s6;
	s15 =	sld [smem:$0x7BC]  }
0x43e: {  	[tilespmem:v7+s29+$0x0] =	vst.idx.msk $0xffff, v5;
	[smem:$0x7AD] =	sst s25;
	s25 =	smov.u32 s16;
	s16 =	sadd.s32 $0x602, s8  }
0x43f: {  	v2 =	vor.u32 s0, v0;
	v1 =	vld [tilespmem:s13+$0x30];
	s6 =	sor.u32 $0xC10, s30;
	[tilespmem:v46+s29+$0x0] =	vst.idx.msk $0xffff, v11;
	[dreg:$0x7] =	wrdreg s25;
	v47 =	vor.u32 s16, v0;
	s16 =	sadd.s32 $0x803, s8  }
0x440: {  	v7 =	vor.u32 s14, v0;
	v5 =	vld [tilespmem:s6+$0x4000];
	[tilespmem:v10+s29+$0x0] =	vst.idx.msk $0xffff, v9;
	s25 =	smov.u32 s15;
	s15 =	smov.u32 s9;
	v10 =	vor.u32 s16, v0;
	s16 =	sld [smem:$0x7B6]  }
0x441: {  	v11 =	vld [tilespmem:s24+$0x30];
	[smem:$0x7A9] =	sst s15;
	s15 =	smov.u32 s26;
	s26 =	smov.u32 s8;
	[tilespmem:v4+s29+$0x0] =	vst.idx.msk $0xffff, v3  }
0x442: {  	v9 =	vld [tilespmem:s31+$0x40];
	s14 =	sadd.s32 $0x800, s26;
	[tilespmem:v8+s29+$0x0] =	vst.idx.msk $0xffff, v6  }
0x443: {  	s6 =	sadd.s32 $0x2C01, s15;
	v8 =	vor.u32 s14, v0;
	v6 =	vld [tilespmem:s7+$0x40]  }
0x444: {  	s9 =	sadd.s32 $0x801, s26;
	v3 =	vld [tilespmem:s16+$0x4000];
	v4 =	vor.u32 s6, v0;
	[tilespmem:v2+s29+$0x0] =	vst.idx.msk $0xffff, v1  }
0x445: {  	v2 =	vor.u32 s9, v0;
	[tilespmem:v7+s29+$0x0] =	vst.idx.msk $0xffff, v5;
	s14 =	sor.u32 $0xC20, s30;
	s16 =	sadd.s32 $0x3403, s15;
	v1 =	vld [tilespmem:s13+$0x40]  }
0x446: {  	s9 =	sadd.s32 $0x802, s26;
	[tilespmem:v47+s29+$0x0] =	vst.idx.msk $0xffff, v11;
	v5 =	vld [tilespmem:s14+$0x4000];
	v7 =	vor.u32 s16, v0;
	s14 =	sadd.s32 $0xA03, s26  }
0x447: {  	v48 =	vor.u32 s9, v0;
	v11 =	vld [tilespmem:s24+$0x40];
	[tilespmem:v10+s29+$0x0] =	vst.idx.msk $0xffff, v9;
	v10 =	vor.u32 s14, v0;
	s14 =	sld [smem:$0x7B1]  }
0x448: {  	s6 =	sadd.s32 $0xA00, s26;
	v9 =	vld [tilespmem:s31+$0x50];
	[tilespmem:v8+s29+$0x0] =	vst.idx.msk $0xffff, v6  }
0x449: {  	s16 =	sadd.s32 $0x2C02, s15;
	[tilespmem:v4+s29+$0x0] =	vst.idx.msk $0xffff, v3;
	v8 =	vor.u32 s6, v0;
	v6 =	vld [tilespmem:s7+$0x50]  }
0x44a: {  	s9 =	sor.u32 $0xC30, s30;
	v3 =	vld [tilespmem:s14+$0x4000];
	v4 =	vor.u32 s16, v0;
	s16 =	smov.u32 s3;
	[tilespmem:v2+s29+$0x0] =	vst.idx.msk $0xffff, v1;
	s6 =	sadd.s32 $0xA01, s26  }
0x44b: {  	s14 =	sadd.s32 $0x3603, s15;
	[smem:$0x7B1] =	sst s16;
	[tilespmem:v7+s29+$0x0] =	vst.idx.msk $0xffff, v5;
	s16 =	sadd.s32 $0xA02, s26;
	v1 =	vld [tilespmem:s13+$0x50];
	v2 =	vor.u32 s6, v0  }
0x44c: {  	v7 =	vor.u32 s14, v0;
	[tilespmem:v48+s29+$0x0] =	vst.idx.msk $0xffff, v11;
	v5 =	vld [tilespmem:s9+$0x4000];
	v49 =	vor.u32 s16, v0;
	s16 =	sld [smem:$0x7AE]  }
0x44d: {  	s6 =	sadd.s32 $0xC03, s26;
	v11 =	vld [tilespmem:s24+$0x50];
	[tilespmem:v10+s29+$0x0] =	vst.idx.msk $0xffff, v9  }
0x44e: {  	s9 =	sadd.s32 $0x2E00, s15;
	v10 =	vor.u32 s6, v0;
	v9 =	vld [tilespmem:s31+$0x60];
	[tilespmem:v8+s29+$0x0] =	vst.idx.msk $0xffff, v6  }
0x44f: {  	s14 =	sadd.s32 $0xC00, s26;
	[tilespmem:v4+s29+$0x0] =	vst.idx.msk $0xffff, v3;
	v4 =	vor.u32 s9, v0;
	v3 =	vld [tilespmem:s16+$0x4000]  }
0x450: {  	s6 =	smov.u32 s18;
	s9 =	sadd.s32 $0xC01, s26;
	v8 =	vor.u32 s14, v0;
	[tilespmem:v2+s29+$0x0] =	vst.idx.msk $0xffff, v1;
	v6 =	vld [tilespmem:s7+$0x60]  }
0x451: {  	s18 =	sadd.s32 $0xC02, s26;
	v2 =	vor.u32 s9, v0;
	[tilespmem:v7+s29+$0x0] =	vst.idx.msk $0xffff, v5;
	s14 =	sor.u32 $0xC40, s30;
	v1 =	vld [tilespmem:s13+$0x60];
	s16 =	sadd.s32 $0x3803, s15  }
0x452: {  	v50 =	vor.u32 s18, v0;
	s18 =	sld [smem:$0x7B7];
	[tilespmem:v49+s29+$0x0] =	vst.idx.msk $0xffff, v11;
	v5 =	vld [tilespmem:s14+$0x4000];
	v7 =	vor.u32 s16, v0  }
0x453: {  	s9 =	sadd.s32 $0xE03, s26;
	v11 =	vld [tilespmem:s24+$0x60];
	[tilespmem:v10+s29+$0x0] =	vst.idx.msk $0xffff, v9  }
0x454: {  	s14 =	sadd.s32 $0x2E01, s15;
	v10 =	vor.u32 s9, v0;
	v9 =	vld [tilespmem:s31+$0x70];
	[tilespmem:v4+s29+$0x0] =	vst.idx.msk $0xffff, v3  }
0x455: {  	s16 =	sadd.s32 $0xE00, s26;
	v3 =	vld [tilespmem:s18+$0x4000];
	v4 =	vor.u32 s14, v0;
	[tilespmem:v8+s29+$0x0] =	vst.idx.msk $0xffff, v6  }
0x456: {  	s9 =	sadd.s32 $0xE01, s26;
	[tilespmem:v2+s29+$0x0] =	vst.idx.msk $0xffff, v1;
	v8 =	vor.u32 s16, v0;
	v6 =	vld [tilespmem:s7+$0x70]  }
0x457: {  	v2 =	vor.u32 s9, v0;
	s14 =	sor.u32 $0xC50, s30;
	s18 =	sadd.s32 $0xE02, s26;
	v1 =	vld [tilespmem:s13+$0x70];
	[tilespmem:v7+s29+$0x0] =	vst.idx.msk $0xffff, v5;
	s16 =	sadd.s32 $0x3A03, s15  }
0x458: {  	[tilespmem:v50+s29+$0x0] =	vst.idx.msk $0xffff, v11;
	v51 =	vor.u32 s18, v0;
	s18 =	sld [smem:$0x7B2];
	v5 =	vld [tilespmem:s14+$0x4000];
	v7 =	vor.u32 s16, v0  }
0x459: {  	s9 =	sadd.s32 $0x1003, s26;
	v11 =	vld [tilespmem:s24+$0x70];
	[tilespmem:v10+s29+$0x0] =	vst.idx.msk $0xffff, v9  }
0x45a: {  	v10 =	vor.u32 s9, v0;
	s14 =	sadd.s32 $0x2E02, s15;
	v9 =	vld [tilespmem:s31+$0x400];
	[tilespmem:v4+s29+$0x0] =	vst.idx.msk $0xffff, v3  }
0x45b: {  	s16 =	sadd.s32 $0x1000, s26;
	v3 =	vld [tilespmem:s18+$0x4000];
	v4 =	vor.u32 s14, v0;
	[tilespmem:v8+s29+$0x0] =	vst.idx.msk $0xffff, v6  }
0x45c: {  	s9 =	smov.u32 s10;
	s10 =	sadd.s32 $0x1001, s26;
	[tilespmem:v2+s29+$0x0] =	vst.idx.msk $0xffff, v1;
	v8 =	vor.u32 s16, v0;
	v6 =	vld [tilespmem:s7+$0x400]  }
0x45d: {  	s14 =	sor.u32 $0xC60, s30;
	v2 =	vor.u32 s10, v0;
	v1 =	vld [tilespmem:s13+$0x400];
	[tilespmem:v7+s29+$0x0] =	vst.idx.msk $0xffff, v5;
	s16 =	sadd.s32 $0x3C03, s15  }
0x45e: {  	[smem:$0x7B2] =	sst s9;
	[tilespmem:v51+s29+$0x0] =	vst.idx.msk $0xffff, v11;
	v5 =	vld [tilespmem:s14+$0x4000];
	v7 =	vor.u32 s16, v0  }
0x45f: {  	s9 =	sadd.s32 $0x1203, s26;
	v11 =	vld [tilespmem:s24+$0x400];
	[tilespmem:v10+s29+$0x0] =	vst.idx.msk $0xffff, v9;
	s16 =	sld [smem:$0x7AF]  }
0x460: {  	s18 =	sadd.s32 $0x1002, s26;
	v10 =	vor.u32 s9, v0;
	v9 =	vld [tilespmem:s31+$0x410];
	[tilespmem:v4+s29+$0x0] =	vst.idx.msk $0xffff, v3  }
0x461: {  	v52 =	vor.u32 s18, v0;
	s10 =	sadd.s32 $0x3000, s15;
	[tilespmem:v8+s29+$0x0] =	vst.idx.msk $0xffff, v6  }
0x462: {  	[smem:$0x7AE] =	sst s6;
	s6 =	sadd.s32 $0x1201, s26;
	v4 =	vor.u32 s10, v0;
	[tilespmem:v2+s29+$0x0] =	vst.idx.msk $0xffff, v1;
	v3 =	vld [tilespmem:s16+$0x4000]  }
0x463: {  	s9 =	sor.u32 $0xC70, s30;
	s10 =	sadd.s32 $0x3E03, s15;
	v2 =	vor.u32 s6, v0;
	v1 =	vld [tilespmem:s13+$0x410];
	[tilespmem:v7+s29+$0x0] =	vst.idx.msk $0xffff, v5  }
0x464: {  	s14 =	sadd.s32 $0x1200, s26;
	v7 =	vor.u32 s10, v0;
	v5 =	vld [tilespmem:s9+$0x4000]  }
0x465: {  	v8 =	vor.u32 s14, v0;
	v6 =	vld [tilespmem:s7+$0x410];
	[tilespmem:v10+s29+$0x0] =	vst.idx.msk $0xffff, v9;
	s16 =	sadd.s32 $0x1403, s26;
	s9 =	sld [smem:$0x7B8]  }
0x466: {  	[tilespmem:v52+s29+$0x0] =	vst.idx.msk $0xffff, v11;
	v9 =	vld [tilespmem:s31+$0x420];
	v10 =	vor.u32 s16, v0  }
0x467: {  	s18 =	smov.u32 s23;
	s14 =	sadd.s32 $0x1202, s26;
	v11 =	vld [tilespmem:s24+$0x410];
	[tilespmem:v4+s29+$0x0] =	vst.idx.msk $0xffff, v3  }
0x468: {  	[smem:$0x7AF] =	sst s18;
	s18 =	sadd.s32 $0x3001, s15;
	v53 =	vor.u32 s14, v0;
	v3 =	vld [tilespmem:s9+$0x4000];
	[tilespmem:v2+s29+$0x0] =	vst.idx.msk $0xffff, v1  }
0x469: {  	s10 =	sadd.s32 $0x1401, s26;
	v4 =	vor.u32 s18, v0;
	[tilespmem:v7+s29+$0x0] =	vst.idx.msk $0xffff, v5  }
0x46a: {  	s23 =	sadd.s32 $0x1400, s26;
	v2 =	vor.u32 s10, v0;
	[tilespmem:v8+s29+$0x0] =	vst.idx.msk $0xffff, v6;
	v1 =	vld [tilespmem:s13+$0x420]  }
0x46b: {  	s3 =	sadd.s32 $0x1603, s26;
	s18 =	sld [smem:$0x7B3];
	v8 =	vor.u32 s23, v0;
	[tilespmem:v10+s29+$0x0] =	vst.idx.msk $0xffff, v9;
	v6 =	vld [tilespmem:s7+$0x420]  }
0x46c: {  	v10 =	vor.u32 s3, v0;
	v9 =	vld [tilespmem:s31+$0x430]  }
0x46d: {  	s14 =	sadd.s32 $0x3002, s15;
	[tilespmem:v53+s29+$0x0] =	vst.idx.msk $0xffff, v11  }
0x46e: {  	s16 =	sadd.s32 $0x1402, s26;
	v7 =	vor.u32 s14, v0;
	v5 =	vld [tilespmem:s18+$0x4000];
	[tilespmem:v4+s29+$0x0] =	vst.idx.msk $0xffff, v3  }
0x46f: {  	v54 =	vor.u32 s16, v0;
	s16 =	sadd.s32 $0x1601, s26;
	s10 =	rddreg [dreg:$0x1f];
	s23 =	smov.u32 s2;
	v11 =	vld [tilespmem:s24+$0x420];
	[tilespmem:v2+s29+$0x0] =	vst.idx.msk $0xffff, v1  }
0x470: {  	s6 =	sadd.s32 $0x3200, s15;
	[smem:$0x7B3] =	sst s23;
	v2 =	vor.u32 s16, v0;
	[tilespmem:v8+s29+$0x0] =	vst.idx.msk $0xffff, v6;
	v1 =	vld [tilespmem:s13+$0x430]  }
0x471: {  	s3 =	sadd.s32 $0x1803, s26;
	s23 =	sld [smem:$0x7B9];
	v4 =	vor.u32 s6, v0;
	[tilespmem:v10+s29+$0x0] =	vst.idx.msk $0xffff, v9;
	v3 =	vld [tilespmem:s10+$0x4000]  }
0x472: {  	s9 =	sadd.s32 $0x1600, s26;
	v10 =	vor.u32 s3, v0;
	v9 =	vld [tilespmem:s31+$0x440]  }
0x473: {  	s18 =	sadd.s32 $0x3201, s15;
	v8 =	vor.u32 s9, v0;
	v6 =	vld [tilespmem:s7+$0x430];
	[tilespmem:v7+s29+$0x0] =	vst.idx.msk $0xffff, v5;
	s10 =	sld [smem:$0x7B4]  }
0x474: {  	s14 =	smov.u32 s19;
	s19 =	sadd.s32 $0x1602, s26;
	v5 =	vld [tilespmem:s23+$0x4000];
	v7 =	vor.u32 s18, v0;
	[tilespmem:v54+s29+$0x0] =	vst.idx.msk $0xffff, v11  }
0x475: {  	v55 =	vor.u32 s19, v0;
	s6 =	sadd.s32 $0x3202, s15;
	v11 =	vld [tilespmem:s24+$0x430];
	[tilespmem:v2+s29+$0x0] =	vst.idx.msk $0xffff, v1  }
0x476: {  	[dreg:$0x1f] =	wrdreg s14;
	s14 =	smov.u32 s4;
	s16 =	sadd.s32 $0x1801, s26;
	[tilespmem:v4+s29+$0x0] =	vst.idx.msk $0xffff, v3;
	v3 =	vld [tilespmem:s10+$0x4000];
	v4 =	vor.u32 s6, v0  }
0x477: {  	[smem:$0x7B4] =	sst s14;
	v2 =	vor.u32 s16, v0;
	v1 =	vld [tilespmem:s13+$0x440];
	[tilespmem:v10+s29+$0x0] =	vst.idx.msk $0xffff, v9;
	s6 =	sadd.s32 $0x1A03, s26  }
0x478: {  	s9 =	sadd.s32 $0x1800, s26;
	s23 =	rddreg [dreg:$0x19];
	[tilespmem:v8+s29+$0x0] =	vst.idx.msk $0xffff, v6;
	v9 =	vld [tilespmem:s31+$0x450];
	v10 =	vor.u32 s6, v0  }
0x479: {  	s18 =	sadd.s32 $0x3400, s15;
	s14 =	sld [smem:$0x7BA];
	[tilespmem:v7+s29+$0x0] =	vst.idx.msk $0xffff, v5;
	v8 =	vor.u32 s9, v0;
	v6 =	vld [tilespmem:s7+$0x440]  }
0x47a: {  	s19 =	sadd.s32 $0x1802, s26;
	v7 =	vor.u32 s18, v0;
	[tilespmem:v55+s29+$0x0] =	vst.idx.msk $0xffff, v11;
	v5 =	vld [tilespmem:s23+$0x4000]  }
0x47b: {  	v56 =	vor.u32 s19, v0;
	s9 =	sadd.s32 $0x3401, s15;
	v11 =	vld [tilespmem:s24+$0x440];
	[tilespmem:v4+s29+$0x0] =	vst.idx.msk $0xffff, v3  }
0x47c: {  	s19 =	sadd.s32 $0x1A02, s26;
	s16 =	sadd.s32 $0x1A01, s26;
	v3 =	vld [tilespmem:s14+$0x4000];
	v4 =	vor.u32 s9, v0;
	[tilespmem:v2+s29+$0x0] =	vst.idx.msk $0xffff, v1  }
0x47d: {  	s4 =	smov.u32 s5;
	s5 =	sadd.s32 $0x1C03, s26;
	v57 =	vor.u32 s19, v0;
	s19 =	sadd.s32 $0x1C02, s26;
	v2 =	vor.u32 s16, v0;
	v1 =	vld [tilespmem:s13+$0x450];
	[tilespmem:v10+s29+$0x0] =	vst.idx.msk $0xffff, v9  }
0x47e: {  	[smem:$0x7A3] =	sst s28;
	v58 =	vor.u32 s19, v0;
	s19 =	sadd.s32 $0x1E02, s26;
	v10 =	vor.u32 s5, v0;
	[tilespmem:v8+s29+$0x0] =	vst.idx.msk $0xffff, v6;
	v9 =	vld [tilespmem:s31+$0x460]  }
0x47f: {  	v59 =	vor.u32 s19, v0;
	s19 =	sld [smem:$0x797];
	s10 =	sadd.s32 $0x1A00, s26;
	v6 =	vld [tilespmem:s7+$0x450];
	[tilespmem:v7+s29+$0x0] =	vst.idx.msk $0xffff, v5  }
0x480: {  	s18 =	sadd.s32 $0x3402, s15;
	s6 =	sadd.s32 $0x3600, s15;
	s23 =	rddreg [dreg:$0x1d];
	v8 =	vor.u32 s10, v0;
	[tilespmem:v56+s29+$0x0] =	vst.idx.msk $0xffff, v11  }
0x481: {  	v7 =	vor.u32 s18, v0;
	v5 =	vld [tilespmem:s23+$0x4000];
	[tilespmem:v4+s29+$0x0] =	vst.idx.msk $0xffff, v3;
	v4 =	vor.u32 s6, v0;
	s6 =	sld [smem:$0x7BE]  }
0x482: {  	[dreg:$0x19] =	wrdreg s4;
	s4 =	smov.u32 s22;
	s16 =	sadd.s32 $0x1C01, s26;
	v11 =	vld [tilespmem:s24+$0x450];
	[tilespmem:v2+s29+$0x0] =	vst.idx.msk $0xffff, v1  }
0x483: {  	s22 =	sadd.s32 $0x1E03, s26;
	[dreg:$0x1d] =	wrdreg s4;
	s9 =	sadd.s32 $0x1C00, s26;
	v2 =	vor.u32 s16, v0;
	v1 =	vld [tilespmem:s13+$0x460];
	[tilespmem:v10+s29+$0x0] =	vst.idx.msk $0xffff, v9  }
0x484: {  	s14 =	smov.u32 s21;
	s21 =	sld [smem:$0x7BB];
	v10 =	vor.u32 s22, v0;
	v9 =	vld [tilespmem:s31+$0x470];
	s2 =	sadd.s32 $0x4, s6  }
0x485: {  	s10 =	rddreg [dreg:$0x13];
	[tilespmem:v8+s29+$0x0] =	vst.idx.msk $0xffff, v6;
	v8 =	vor.u32 s9, v0;
	s9 =	sand.u32 $0x7, s2  }
0x486: {  	[dreg:$0x13] =	wrdreg s14;
	v3 =	vld [tilespmem:s10+$0x4000];
	[tilespmem:v7+s29+$0x0] =	vst.idx.msk $0xffff, v5;
	s16 =	sshll.u32 s9, $0x7  }
0x487: {  	s14 =	sld [smem:$0x7B5];
	s18 =	sadd.s32 $0x3601, s15;
	v5 =	vld [tilespmem:s21+$0x4000];
	[tilespmem:v57+s29+$0x0] =	vst.idx.msk $0xffff, v11;
	s0 =	sadd.s32 s1, s16  }
0x488: {  	v7 =	vor.u32 s18, v0;
	[smem:$0x7BE] =	sst s2;
	v11 =	vld [tilespmem:s24+$0x460];
	[tilespmem:v2+s29+$0x0] =	vst.idx.msk $0xffff, v1;
	s30 =	sadd.s32 $0x180, s0  }
0x489: {  	s21 =	rddreg [dreg:$0x14];
	v1 =	vld [tilespmem:s13+$0x470];
	s13 =	sadd.s32 $0x80, s0;
	[tilespmem:v10+s29+$0x0] =	vst.idx.msk $0xffff, v9;
	s22 =	sor.u32 $0x800, s30  }
0x48a: {  	s16 =	rddreg [dreg:$0x1e];
	v9 =	vld [tilespmem:s22+$0x4000];
	s22 =	sor.u32 $0x870, s13  }
0x48b: {  	s5 =	sadd.s32 $0x3602, s15;
	v6 =	vld [tilespmem:s7+$0x460];
	s9 =	sor.u32 $0xC40, s13;
	[smem:$0x7B7] =	sst s22  }
0x48c: {  	s23 =	sadd.s32 $0x3800, s15;
	s18 =	sadd.s32 $0x1E01, s26;
	[tilespmem:v4+s29+$0x0] =	vst.idx.msk $0xffff, v3;
	v3 =	vld [tilespmem:s14+$0x4000];
	v4 =	vor.u32 s5, v0;
	[dreg:$0x1e] =	wrdreg s9  }
0x48d: {  	v2 =	vor.u32 s18, v0;
	[tilespmem:v7+s29+$0x0] =	vst.idx.msk $0xffff, v5;
	v7 =	vor.u32 s23, v0;
	s23 =	sadd.s32 $0x2003, s26;
	s22 =	sld [smem:$0x798]  }
0x48e: {  	v10 =	vor.u32 s23, v0;
	s23 =	sor.u32 $0xC00, s13;
	s9 =	sld [smem:$0x79D];
	[tilespmem:v58+s29+$0x0] =	vst.idx.msk $0xffff, v11  }
0x48f: {  	[smem:$0x7B8] =	sst s23;
	v11 =	vld [tilespmem:s24+$0x470];
	s24 =	sor.u32 $0x860, s13  }
0x490: {  	s6 =	sadd.s32 $0x2001, s26;
	s10 =	sadd.s32 $0x1E00, s26;
	[tilespmem:v8+s29+$0x0] =	vst.idx.msk $0xffff, v6;
	[smem:$0x7B6] =	sst s24  }
0x491: {  	v6 =	vld [tilespmem:s7+$0x470];
	s24 =	sor.u32 $0xC10, s13;
	s31 =	smov.u32 s9;
	s9 =	rddreg [dreg:$0xe];
	[tilespmem:v4+s29+$0x0] =	vst.idx.msk $0xffff, v3  }
0x492: {  	v8 =	vor.u32 s10, v0;
	v3 =	vld [tilespmem:s16+$0x4000];
	[tilespmem:v2+s29+$0x0] =	vst.idx.msk $0xffff, v1;
	[smem:$0x7B9] =	sst s24;
	v2 =	vor.u32 s6, v0;
	s6 =	sor.u32 $0xC30, s13  }
0x493: {  	s16 =	sor.u32 $0xC70, s13;
	[smem:$0x7BB] =	sst s6  }
0x494: {  	s4 =	sadd.s32 $0x3801, s15;
	s2 =	sadd.s32 $0x3802, s15;
	v5 =	vld [tilespmem:s21+$0x4000];
	[smem:$0x7BD] =	sst s16  }
0x495: {  	s14 =	sor.u32 $0x800, s13;
	s24 =	sadd.s32 $0x2203, s26;
	s6 =	sld [smem:$0x799]  }
0x496: {  	s5 =	sadd.s32 $0x2000, s26;
	v1 =	vld [tilespmem:s14+$0x4000];
	s14 =	sor.u32 $0xC60, s13;
	[tilespmem:v10+s29+$0x0] =	vst.idx.msk $0xffff, v9;
	v10 =	vor.u32 s24, v0;
	s24 =	sld [smem:$0x79C]  }
0x497: {  	s18 =	sor.u32 $0x810, s13;
	s0 =	sor.u32 $0x820, s13;
	v4 =	vor.u32 s4, v0;
	[tilespmem:v8+s29+$0x0] =	vst.idx.msk $0xffff, v6;
	[smem:$0x7BC] =	sst s14  }
0x498: {  	s3 =	sor.u32 $0x830, s13;
	s10 =	sadd.s32 $0x2002, s26;
	v6 =	vld [tilespmem:s19+$0x4000];
	[tilespmem:v59+s29+$0x0] =	vst.idx.msk $0xffff, v11;
	s19 =	rddreg [dreg:$0x12]  }
0x499: {  	s7 =	sor.u32 $0x840, s13;
	s21 =	sor.u32 $0x850, s13;
	v8 =	vor.u32 s5, v0;
	[tilespmem:v7+s29+$0x0] =	vst.idx.msk $0xffff, v5;
	v5 =	vld [tilespmem:s19+$0x4000];
	s19 =	sld [smem:$0x79B]  }
0x49a: {  	v60 =	vor.u32 s10, v0;
	s23 =	sor.u32 $0x810, s30;
	s14 =	sld [smem:$0x79A];
	v7 =	vor.u32 s2, v0;
	s10 =	smov.u32 s6  }
0x49b: {  	s4 =	sor.u32 $0xC50, s13;
	s5 =	sor.u32 $0xC20, s13;
	v11 =	vld [tilespmem:s22+$0x4000];
	[smem:$0x7B5] =	sst s10  }
0x49c: {  	v9 =	vld [tilespmem:s23+$0x4000];
	s13 =	sadd.s32 $0x3A00, s15;
	[tilespmem:v4+s29+$0x0] =	vst.idx.msk $0xffff, v3;
	s10 =	sld [smem:$0x79E];
	s22 =	smov.u32 s19  }
0x49d: {  	p2 =	slt.u32 s17, $0x1C;
	v4 =	vor.u32 s13, v0;
	s13 =	sadd.s32 $0x2201, s26;
	[tilespmem:v2+s29+$0x0] =	vst.idx.msk $0xffff, v1;
	[dreg:$0x14] =	wrdreg s22  }
0x49e: {  	s11 =	sadd.s32 $0x2, s11;
	p1 =	por !p1, !p1;
	v2 =	vor.u32 s13, v0;
	v1 =	vld [tilespmem:s18+$0x4000];
	[tilespmem:v8+s29+$0x0] =	vst.idx.msk $0xffff, v6;
	s22 =	sld [smem:$0x79F]  }
0x49f: {  	s23 =	sadd.s32 $0x2200, s26;
	[smem:$0x7BA] =	sst s5;
	s16 =	smov.u32 s14;
	v3 =	vld [tilespmem:s24+$0x4000];
	[tilespmem:v7+s29+$0x0] =	vst.idx.msk $0xffff, v5  }
0x4a0: {  	s12 =	sadd.s32 $0x200, s12;
	[dreg:$0x12] =	wrdreg s16;
	s16 =	sadd.s32 $0x2202, s26;
	v8 =	vor.u32 s23, v0;
	v6 =	vld [tilespmem:s10+$0x4000];
	[tilespmem:v60+s29+$0x0] =	vst.idx.msk $0xffff, v11  }
0x4a1: {  	s18 =	rddreg [dreg:$0x15];
	v61 =	vor.u32 s16, v0;
	[tilespmem:v10+s29+$0x0] =	vst.idx.msk $0xffff, v9;
	s23 =	sor.u32 $0x820, s30;
	s24 =	sadd.s32 $0x2403, s26;
	v11 =	vld [tilespmem:s22+$0x4000]  }
0x4a2: {  	s28 =	sadd.s32 $0x400, s17;
	s14 =	sadd.s32 $0x3A01, s15;
	v9 =	vld [tilespmem:s23+$0x4000];
	s10 =	sld [smem:$0x7A0];
	v10 =	vor.u32 s24, v0  }
0x4a3: {  	s19 =	smov.u32 s4;
	s4 =	sadd.s32 $0x3A02, s15;
	v5 =	vld [tilespmem:s18+$0x4000];
	v7 =	vor.u32 s14, v0;
	s14 =	sld [smem:$0x7A1];
	[tilespmem:v2+s29+$0x0] =	vst.idx.msk $0xffff, v1  }
0x4a4: {  	s8 =	smov.u32 s17;
	s16 =	sadd.s32 $0x2401, s26;
	[tilespmem:v4+s29+$0x0] =	vst.idx.msk $0xffff, v3;
	v3 =	vld [tilespmem:s9+$0x4000];
	v4 =	vor.u32 s4, v0;
	s4 =	sld [smem:$0x7A4]  }
0x4a5: {  	s1 =	sadd.s32 $0x800, s1;
	s6 =	sadd.s32 $0x2400, s26;
	[dreg:$0x15] =	wrdreg s19;
	v2 =	vor.u32 s16, v0;
	v1 =	vld [tilespmem:s0+$0x4000];
	[tilespmem:v8+s29+$0x0] =	vst.idx.msk $0xffff, v6  }
0x4a6: {  	s5 =	sor.u32 $0x830, s30;
	s19 =	sadd.s32 $0x2402, s26;
	s22 =	sld [smem:$0x7A2];
	v8 =	vor.u32 s6, v0;
	v6 =	vld [tilespmem:s14+$0x4000];
	[tilespmem:v61+s29+$0x0] =	vst.idx.msk $0xffff, v11  }
0x4a7: {  	s23 =	sld [smem:$0x7A3];
	v62 =	vor.u32 s19, v0;
	s13 =	smov.u32 s10;
	[tilespmem:v10+s29+$0x0] =	vst.idx.msk $0xffff, v9;
	s6 =	sadd.s32 $0x2603, s26;
	v11 =	vld [tilespmem:s4+$0x4000]  }
0x4a8: {  	s2 =	sadd.s32 $0x2800, s26;
	s18 =	sadd.s32 $0x3C00, s15;
	[dreg:$0xe] =	wrdreg s13;
	[tilespmem:v7+s29+$0x0] =	vst.idx.msk $0xffff, v5;
	v9 =	vld [tilespmem:s5+$0x4000];
	v10 =	vor.u32 s6, v0  }
0x4a9: {  	s19 =	sadd.s32 $0x2602, s26;
	s13 =	sld [smem:$0x7A5];
	v7 =	vor.u32 s18, v0;
	s9 =	sadd.s32 $0x3C01, s15;
	v5 =	vld [tilespmem:s22+$0x4000];
	[tilespmem:v4+s29+$0x0] =	vst.idx.msk $0xffff, v3  }
0x4aa: {  	v14 =	vor.u32 s19, v0;
	s19 =	sadd.s32 $0x202, s17;
	s24 =	smov.u32 s23;
	s14 =	sadd.s32 $0x2601, s26;
	v3 =	vld [tilespmem:s25+$0x4000];
	v4 =	vor.u32 s9, v0;
	[tilespmem:v2+s29+$0x0] =	vst.idx.msk $0xffff, v1  }
0x4ab: {  	s10 =	sadd.s32 $0x2600, s26;
	s16 =	sadd.s32 $0x3C02, s15;
	s22 =	sld [smem:$0x7A6];
	v2 =	vor.u32 s14, v0;
	v1 =	vld [tilespmem:s3+$0x4000];
	[tilespmem:v8+s29+$0x0] =	vst.idx.msk $0xffff, v6  }
0x4ac: {  	s23 =	sor.u32 $0x840, s30;
	s0 =	sadd.s32 $0x2A00, s26;
	v63 =	vor.u32 s16, v0;
	s16 =	sld [smem:$0x7A7];
	v8 =	vor.u32 s10, v0;
	v6 =	vld [tilespmem:s13+$0x4000];
	[tilespmem:v62+s29+$0x0] =	vst.idx.msk $0xffff, v11  }
0x4ad: {  	s18 =	sadd.s32 $0x2A01, s26;
	s6 =	sadd.s32 $0x3E01, s15;
	s5 =	sadd.s32 $0x3E02, s15;
	[tilespmem:v10+s29+$0x0] =	vst.idx.msk $0xffff, v9;
	v11 =	vld [tilespmem:s20+$0x4000]  }
0x4ae: {  	s4 =	sadd.s32 $0x3E00, s15;
	s15 =	sadd.s32 $0x2A02, s26;
	s9 =	sadd.s32 $0x2803, s26;
	[tilespmem:v7+s29+$0x0] =	vst.idx.msk $0xffff, v5;
	v13 =	vld [tilespmem:s22+$0x4000]  }
0x4af: {  	s14 =	sadd.s32 $0x2802, s26;
	s25 =	sadd.s32 $0x402, s17;
	v16 =	vor.u32 s9, v0;
	s9 =	sld [smem:$0x7A8];
	[tilespmem:v4+s29+$0x0] =	vst.idx.msk $0xffff, v3  }
0x4b0: {  	s3 =	sand.u32 $0x3, s11;
	s10 =	simm.s32 $0x1;
	s13 =	sadd.s32 $0x2801, s26;
	v15 =	vld [tilespmem:s23+$0x4000];
	[tilespmem:v2+s29+$0x0] =	vst.idx.msk $0xffff, v1  }
.Ltmp7:
0x4b1: {  	v9 =	vor.u32 s4, v0;
	s4 =	sshll.u32 s3, $0x8;
	v3 =	vld [tilespmem:s7+$0x4000];
	[tilespmem:v8+s29+$0x0] =	vst.idx.msk $0xffff, v6;
	v6 =	vor.u32 s13, v0;
	s13 =	sld [smem:$0x7AA];
	(pc) =	sbr.rel @p2 .LBB2_6-.Ltmp7, $4  }
0x4b2: {  	s3 =	sadd.s32 $0x2, s17;
	s23 =	sadd.s32 $0x200, s17;
	v7 =	vld [tilespmem:s9+$0x4000];
	[tilespmem:v63+s29+$0x0] =	vst.idx.msk $0xffff, v11;
	s9 =	sld [smem:$0x7A9]  }
0x4b3: {  	s10 =	simm.s32 @!p1 $0x0;
	s20 =	sadd.s32 $0x401, s17;
	s22 =	sadd.s32 $0x201, s17;
	v5 =	vld [tilespmem:s16+$0x4000];
	[tilespmem:v14+s29+$0x0] =	vst.idx.msk $0xffff, v13  }
0x4b4: {  	v10 =	vor.u32 s2, v0;
	s2 =	sshll.u32 s10, $0x9;
	s10 =	sadd.s32 $0x2A03, s26;
	s7 =	sand.u32 $0x3000, s1;
	v1 =	vld [tilespmem:s13+$0x4000]  }
0x4b5: {  	v2 =	vor.u32 s14, v0;
	v8 =	vor.u32 s6, v0;
	[tilespmem:v16+s29+$0x0] =	vst.idx.msk $0xffff, v15;
	s16 =	sadd.s32 $0x1, s17;
	s17 =	sadd.s32 $0x4, s17;
	s13 =	sor.u32 $0x850, s30;
	v4 =	vld [tilespmem:s9+$0x4000]  }
0x4b6: {  	s7 =	sor.u32 $0x4000, s7  }
0x4b7: {  	s6 =	sand.u32 $0x380, s12;
	s11 =	sadd.s32 $0xFFFFFE80, s12;
	s14 =	sadd.s32 $0x3, s8  }
0x4b8: {  	s17 =	sadd.s32 $0xFFFFFF00, s12;
	s6 =	sor.u32 s6, s7;
	s11 =	sand.u32 $0x200, s11  }
0x4b9: {  	v11 =	vor.u32 s14, v0;
	s14 =	sadd.s32 $0xFFFFFF80, s12;
	s17 =	sand.u32 $0x280, s17;
	v12 =	vld [tilespmem:s6+$0x0];
	s11 =	sor.u32 s11, s7  }
0x4ba: {  	v14 =	vor.u32 s8, v0;
	s9 =	sand.u32 $0x300, s14;
	s12 =	sor.u32 s17, s7;
	v13 =	vld [tilespmem:s11+$0x0]  }
0x4bb: {  	v15 =	vor.u32 s16, v0;
	s7 =	sor.u32 s9, s7;
	v16 =	vld [tilespmem:s12+$0x0]  }
0x4bc: {  	v17 =	vor.u32 s3, v0;
	v18 =	vld [tilespmem:s7+$0x0];
	_ =	sdelay $0x1  }
0x4bd: {  	s17 =	sadd.s32 $0x203, s8;
	[tilespmem:v11+s29+$0x0] =	vst.idx.msk $0xffff, v12  }
0x4be: {  	v24 =	vor.u32 s17, v0;
	v12 =	vld [tilespmem:s6+$0x10];
	[tilespmem:v14+s29+$0x0] =	vst.idx.msk $0xffff, v13  }
0x4bf: {  	v25 =	vor.u32 s23, v0;
	[tilespmem:v15+s29+$0x0] =	vst.idx.msk $0xffff, v16;
	v14 =	vld [tilespmem:s11+$0x10]  }
0x4c0: {  	v26 =	vor.u32 s22, v0;
	v16 =	vld [tilespmem:s12+$0x10];
	[tilespmem:v17+s29+$0x0] =	vst.idx.msk $0xffff, v18  }
0x4c1: {  	v27 =	vor.u32 s19, v0;
	v18 =	vld [tilespmem:s7+$0x10];
	_ =	sdelay $0x1  }
0x4c2: {  	s19 =	sadd.s32 $0x403, s8;
	[tilespmem:v24+s29+$0x0] =	vst.idx.msk $0xffff, v12  }
0x4c3: {  	v28 =	vor.u32 s19, v0;
	v12 =	vld [tilespmem:s6+$0x20];
	[tilespmem:v25+s29+$0x0] =	vst.idx.msk $0xffff, v14  }
0x4c4: {  	v29 =	vor.u32 s28, v0;
	[tilespmem:v26+s29+$0x0] =	vst.idx.msk $0xffff, v16;
	v14 =	vld [tilespmem:s11+$0x20]  }
0x4c5: {  	v30 =	vor.u32 s20, v0;
	v16 =	vld [tilespmem:s12+$0x20];
	[tilespmem:v27+s29+$0x0] =	vst.idx.msk $0xffff, v18  }
0x4c6: {  	v31 =	vor.u32 s25, v0;
	v18 =	vld [tilespmem:s7+$0x20];
	_ =	sdelay $0x1  }
0x4c7: {  	s22 =	sadd.s32 $0x603, s8;
	[tilespmem:v28+s29+$0x0] =	vst.idx.msk $0xffff, v12  }
0x4c8: {  	s23 =	sadd.s32 $0x600, s8;
	v32 =	vor.u32 s22, v0;
	v12 =	vld [tilespmem:s6+$0x30];
	[tilespmem:v29+s29+$0x0] =	vst.idx.msk $0xffff, v14  }
0x4c9: {  	s25 =	sadd.s32 $0x601, s8;
	v33 =	vor.u32 s23, v0;
	[tilespmem:v30+s29+$0x0] =	vst.idx.msk $0xffff, v16;
	v14 =	vld [tilespmem:s11+$0x30]  }
0x4ca: {  	s28 =	sadd.s32 $0x602, s8;
	v34 =	vor.u32 s25, v0;
	v16 =	vld [tilespmem:s12+$0x30];
	[tilespmem:v31+s29+$0x0] =	vst.idx.msk $0xffff, v18  }
0x4cb: {  	v35 =	vor.u32 s28, v0;
	v18 =	vld [tilespmem:s7+$0x30];
	_ =	sdelay $0x1  }
0x4cc: {  	s9 =	sadd.s32 $0x803, s8;
	[tilespmem:v32+s29+$0x0] =	vst.idx.msk $0xffff, v12  }
0x4cd: {  	s14 =	sadd.s32 $0x800, s8;
	v36 =	vor.u32 s9, v0;
	v12 =	vld [tilespmem:s6+$0x40];
	[tilespmem:v33+s29+$0x0] =	vst.idx.msk $0xffff, v14  }
0x4ce: {  	s16 =	sadd.s32 $0x801, s8;
	v37 =	vor.u32 s14, v0;
	[tilespmem:v34+s29+$0x0] =	vst.idx.msk $0xffff, v16;
	v14 =	vld [tilespmem:s11+$0x40]  }
0x4cf: {  	v38 =	vor.u32 s16, v0;
	s17 =	sadd.s32 $0x802, s8;
	v16 =	vld [tilespmem:s12+$0x40];
	[tilespmem:v35+s29+$0x0] =	vst.idx.msk $0xffff, v18  }
0x4d0: {  	v39 =	vor.u32 s17, v0;
	v18 =	vld [tilespmem:s7+$0x40];
	_ =	sdelay $0x1  }
0x4d1: {  	s19 =	sadd.s32 $0xA03, s8;
	[tilespmem:v36+s29+$0x0] =	vst.idx.msk $0xffff, v12  }
0x4d2: {  	s20 =	sadd.s32 $0xA00, s8;
	v40 =	vor.u32 s19, v0;
	v12 =	vld [tilespmem:s6+$0x50];
	[tilespmem:v37+s29+$0x0] =	vst.idx.msk $0xffff, v14  }
0x4d3: {  	v41 =	vor.u32 s20, v0;
	s22 =	sadd.s32 $0xA01, s8;
	[tilespmem:v38+s29+$0x0] =	vst.idx.msk $0xffff, v16;
	v14 =	vld [tilespmem:s11+$0x50]  }
0x4d4: {  	s23 =	sadd.s32 $0xA02, s8;
	v42 =	vor.u32 s22, v0;
	v16 =	vld [tilespmem:s12+$0x50];
	[tilespmem:v39+s29+$0x0] =	vst.idx.msk $0xffff, v18  }
0x4d5: {  	v43 =	vor.u32 s23, v0;
	v18 =	vld [tilespmem:s7+$0x50];
	_ =	sdelay $0x1  }
0x4d6: {  	s25 =	sadd.s32 $0xC03, s8;
	[tilespmem:v40+s29+$0x0] =	vst.idx.msk $0xffff, v12  }
0x4d7: {  	s28 =	sadd.s32 $0xC00, s8;
	v44 =	vor.u32 s25, v0;
	v12 =	vld [tilespmem:s6+$0x60];
	[tilespmem:v41+s29+$0x0] =	vst.idx.msk $0xffff, v14  }
0x4d8: {  	v45 =	vor.u32 s28, v0;
	s9 =	sadd.s32 $0xC01, s8;
	[tilespmem:v42+s29+$0x0] =	vst.idx.msk $0xffff, v16;
	v14 =	vld [tilespmem:s11+$0x60]  }
0x4d9: {  	s14 =	sadd.s32 $0xC02, s8;
	v46 =	vor.u32 s9, v0;
	v16 =	vld [tilespmem:s12+$0x60];
	[tilespmem:v43+s29+$0x0] =	vst.idx.msk $0xffff, v18  }
0x4da: {  	v47 =	vor.u32 s14, v0;
	v18 =	vld [tilespmem:s7+$0x60]  }
0x4db: {  	[tilespmem:v6+s29+$0x0] =	vst.idx.msk $0xffff, v3  }
0x4dc: {  	s16 =	sadd.s32 $0xE03, s8;
	[tilespmem:v44+s29+$0x0] =	vst.idx.msk $0xffff, v12  }
0x4dd: {  	v48 =	vor.u32 s16, v0;
	s17 =	sadd.s32 $0xE00, s8;
	[tilespmem:v45+s29+$0x0] =	vst.idx.msk $0xffff, v14;
	v12 =	vld [tilespmem:s6+$0x70]  }
0x4de: {  	s19 =	sadd.s32 $0xE01, s8;
	v49 =	vor.u32 s17, v0;
	[tilespmem:v46+s29+$0x0] =	vst.idx.msk $0xffff, v16;
	v14 =	vld [tilespmem:s11+$0x70]  }
0x4df: {  	s20 =	sadd.s32 $0xE02, s8;
	v50 =	vor.u32 s19, v0;
	[tilespmem:v47+s29+$0x0] =	vst.idx.msk $0xffff, v18;
	v16 =	vld [tilespmem:s12+$0x70]  }
0x4e0: {  	[tilespmem:v10+s29+$0x0] =	vst.idx.msk $0xffff, v7;
	v51 =	vor.u32 s20, v0;
	v52 =	vld [tilespmem:s7+$0x70]  }
0x4e1: {  	[tilespmem:v9+s29+$0x0] =	vst.idx.msk $0xffff, v5  }
0x4e2: {  	s22 =	sadd.s32 $0x1003, s8;
	[tilespmem:v48+s29+$0x0] =	vst.idx.msk $0xffff, v12  }
0x4e3: {  	s23 =	sadd.s32 $0x1000, s8;
	v53 =	vor.u32 s22, v0;
	[tilespmem:v49+s29+$0x0] =	vst.idx.msk $0xffff, v14;
	v54 =	vld [tilespmem:s6+$0x400]  }
0x4e4: {  	s25 =	sadd.s32 $0x1001, s8;
	v55 =	vor.u32 s23, v0;
	[tilespmem:v50+s29+$0x0] =	vst.idx.msk $0xffff, v16;
	v56 =	vld [tilespmem:s11+$0x400]  }
0x4e5: {  	s28 =	sadd.s32 $0x1002, s8;
	v57 =	vor.u32 s25, v0;
	[tilespmem:v51+s29+$0x0] =	vst.idx.msk $0xffff, v52;
	v58 =	vld [tilespmem:s12+$0x400]  }
0x4e6: {  	v59 =	vor.u32 s28, v0;
	[tilespmem:v2+s29+$0x0] =	vst.idx.msk $0xffff, v1;
	v3 =	vld [tilespmem:s7+$0x400]  }
0x4e7: {  	v60 =	vld [tilespmem:s13+$0x4000];
	v61 =	vor.u32 s10, v0;
	[tilespmem:v8+s29+$0x0] =	vst.idx.msk $0xffff, v4  }
0x4e8: {  	[tilespmem:v53+s29+$0x0] =	vst.idx.msk $0xffff, v54  }
0x4e9: {  	[tilespmem:v55+s29+$0x0] =	vst.idx.msk $0xffff, v56  }
0x4ea: {  	s9 =	sadd.s32 $0x1203, s8;
	v26 =	vld [tilespmem:s21+$0x4000];
	v27 =	vor.u32 s18, v0;
	[tilespmem:v57+s29+$0x0] =	vst.idx.msk $0xffff, v58  }
0x4eb: {  	s10 =	sadd.s32 $0x1200, s8;
	v62 =	vor.u32 s9, v0;
	v63 =	vld [tilespmem:s6+$0x410];
	[tilespmem:v59+s29+$0x0] =	vst.idx.msk $0xffff, v3  }
0x4ec: {  	s13 =	sadd.s32 $0x1201, s8;
	v16 =	vor.u32 s10, v0;
	v10 =	vld [tilespmem:s11+$0x410];
	s16 =	sld [smem:$0x7AB];
	[tilespmem:v61+s29+$0x0] =	vst.idx.msk $0xffff, v60  }
0x4ed: {  	s14 =	sadd.s32 $0x1202, s8;
	v17 =	vor.u32 s13, v0;
	v18 =	vld [tilespmem:s12+$0x410];
	s17 =	sld [smem:$0x7AC]  }
0x4ee: {  	v3 =	vor.u32 s14, v0;
	v1 =	vld [tilespmem:s7+$0x410]  }
0x4ef: {  	v19 =	vor.u32 s5, v0;
	[tilespmem:v27+s29+$0x0] =	vst.idx.msk $0xffff, v26;
	v2 =	vld [tilespmem:s16+$0x4000]  }
0x4f0: {  	v21 =	vor.u32 s0, v0;
	s19 =	sadd.s32 $0x1403, s8;
	[tilespmem:v62+s29+$0x0] =	vst.idx.msk $0xffff, v63;
	v20 =	vld [tilespmem:s17+$0x4000]  }
0x4f1: {  	s20 =	sadd.s32 $0x1400, s8;
	v22 =	vor.u32 s19, v0;
	v8 =	vld [tilespmem:s6+$0x420];
	[tilespmem:v16+s29+$0x0] =	vst.idx.msk $0xffff, v10  }
0x4f2: {  	v23 =	vor.u32 s20, v0;
	s22 =	sadd.s32 $0x1401, s8;
	[tilespmem:v17+s29+$0x0] =	vst.idx.msk $0xffff, v18;
	v10 =	vld [tilespmem:s11+$0x420]  }
0x4f3: {  	s25 =	sor.u32 $0x860, s30;
	s28 =	sadd.s32 $0x2C03, s26;
	v24 =	vor.u32 s22, v0;
	v11 =	vld [tilespmem:s12+$0x420];
	[tilespmem:v3+s29+$0x0] =	vst.idx.msk $0xffff, v1  }
0x4f4: {  	s23 =	sadd.s32 $0x1402, s8;
	v25 =	vor.u32 s28, v0;
	v3 =	vld [tilespmem:s25+$0x4000];
	[tilespmem:v19+s29+$0x0] =	vst.idx.msk $0xffff, v2  }
0x4f5: {  	v1 =	vor.u32 s23, v0;
	v2 =	vld [tilespmem:s7+$0x420];
	[tilespmem:v21+s29+$0x0] =	vst.idx.msk $0xffff, v20  }
0x4f6: {  	[tilespmem:v22+s29+$0x0] =	vst.idx.msk $0xffff, v8  }
0x4f7: {  	[tilespmem:v23+s29+$0x0] =	vst.idx.msk $0xffff, v10  }
0x4f8: {  	s5 =	sadd.s32 $0x1603, s8;
	[tilespmem:v24+s29+$0x0] =	vst.idx.msk $0xffff, v11  }
0x4f9: {  	s9 =	sadd.s32 $0x1600, s8;
	v28 =	vor.u32 s5, v0;
	v8 =	vld [tilespmem:s6+$0x430];
	[tilespmem:v25+s29+$0x0] =	vst.idx.msk $0xffff, v3  }
0x4fa: {  	v29 =	vor.u32 s9, v0;
	s10 =	sadd.s32 $0x1601, s8;
	v10 =	vld [tilespmem:s11+$0x430];
	[tilespmem:v1+s29+$0x0] =	vst.idx.msk $0xffff, v2  }
0x4fb: {  	v30 =	vor.u32 s10, v0;
	s14 =	sor.u32 $0x870, s30;
	s16 =	sadd.s32 $0x2E03, s26;
	v11 =	vld [tilespmem:s12+$0x430];
	s17 =	sld [smem:$0x7B0]  }
0x4fc: {  	s13 =	sadd.s32 $0x1602, s8;
	v31 =	vor.u32 s16, v0;
	v3 =	vld [tilespmem:s14+$0x4000]  }
0x4fd: {  	v1 =	vor.u32 s13, v0;
	v2 =	vld [tilespmem:s7+$0x430]  }
0x4fe: {  	v33 =	vor.u32 s15, v0;
	[tilespmem:v28+s29+$0x0] =	vst.idx.msk $0xffff, v8;
	v32 =	vld [tilespmem:s17+$0x4000]  }
0x4ff: {  	[tilespmem:v29+s29+$0x0] =	vst.idx.msk $0xffff, v10  }
0x500: {  	[tilespmem:v30+s29+$0x0] =	vst.idx.msk $0xffff, v11  }
0x501: {  	s18 =	sadd.s32 $0x1803, s8;
	[tilespmem:v31+s29+$0x0] =	vst.idx.msk $0xffff, v3  }
0x502: {  	s19 =	sadd.s32 $0x1800, s8;
	v34 =	vor.u32 s18, v0;
	v8 =	vld [tilespmem:s6+$0x440];
	[tilespmem:v1+s29+$0x0] =	vst.idx.msk $0xffff, v2  }
0x503: {  	s20 =	sadd.s32 $0x1801, s8;
	v35 =	vor.u32 s19, v0;
	v10 =	vld [tilespmem:s11+$0x440];
	[tilespmem:v33+s29+$0x0] =	vst.idx.msk $0xffff, v32  }
0x504: {  	s22 =	sor.u32 $0xC00, s30;
	v36 =	vor.u32 s20, v0;
	s23 =	sadd.s32 $0x3003, s26;
	v11 =	vld [tilespmem:s12+$0x440];
	s28 =	sld [smem:$0x7AD]  }
0x505: {  	s21 =	sadd.s32 $0x1802, s8;
	v37 =	vor.u32 s23, v0;
	v3 =	vld [tilespmem:s22+$0x4000]  }
0x506: {  	s25 =	sadd.s32 $0x2C00, s26;
	v1 =	vor.u32 s21, v0;
	v2 =	vld [tilespmem:s7+$0x440]  }
0x507: {  	v39 =	vor.u32 s25, v0;
	[tilespmem:v34+s29+$0x0] =	vst.idx.msk $0xffff, v8;
	v38 =	vld [tilespmem:s28+$0x4000]  }
0x508: {  	[tilespmem:v35+s29+$0x0] =	vst.idx.msk $0xffff, v10  }
0x509: {  	[tilespmem:v36+s29+$0x0] =	vst.idx.msk $0xffff, v11  }
0x50a: {  	s5 =	sadd.s32 $0x1A03, s8;
	[tilespmem:v37+s29+$0x0] =	vst.idx.msk $0xffff, v3  }
0x50b: {  	s9 =	sadd.s32 $0x1A00, s8;
	v40 =	vor.u32 s5, v0;
	v8 =	vld [tilespmem:s6+$0x450];
	[tilespmem:v1+s29+$0x0] =	vst.idx.msk $0xffff, v2  }
0x50c: {  	v41 =	vor.u32 s9, v0;
	s10 =	sadd.s32 $0x1A01, s8;
	v10 =	vld [tilespmem:s11+$0x450];
	[tilespmem:v39+s29+$0x0] =	vst.idx.msk $0xffff, v38  }
0x50d: {  	v42 =	vor.u32 s10, v0;
	s13 =	sadd.s32 $0x1A02, s8;
	v11 =	vld [tilespmem:s12+$0x450];
	s17 =	sld [smem:$0x7B6]  }
0x50e: {  	s15 =	sadd.s32 $0x3203, s26;
	s14 =	sor.u32 $0xC10, s30;
	v1 =	vor.u32 s13, v0;
	v2 =	vld [tilespmem:s7+$0x450]  }
0x50f: {  	v43 =	vor.u32 s15, v0;
	s16 =	sadd.s32 $0x2C01, s26;
	v3 =	vld [tilespmem:s14+$0x4000]  }
0x510: {  	v45 =	vor.u32 s16, v0;
	[tilespmem:v40+s29+$0x0] =	vst.idx.msk $0xffff, v8;
	v44 =	vld [tilespmem:s17+$0x4000]  }
0x511: {  	[tilespmem:v41+s29+$0x0] =	vst.idx.msk $0xffff, v10  }
0x512: {  	[tilespmem:v42+s29+$0x0] =	vst.idx.msk $0xffff, v11  }
0x513: {  	s18 =	sadd.s32 $0x1C03, s8;
	[tilespmem:v1+s29+$0x0] =	vst.idx.msk $0xffff, v2  }
0x514: {  	s19 =	sadd.s32 $0x1C00, s8;
	v46 =	vor.u32 s18, v0;
	[tilespmem:v43+s29+$0x0] =	vst.idx.msk $0xffff, v3;
	v8 =	vld [tilespmem:s6+$0x460]  }
0x515: {  	s20 =	sadd.s32 $0x1C01, s8;
	v47 =	vor.u32 s19, v0;
	v10 =	vld [tilespmem:s11+$0x460];
	[tilespmem:v45+s29+$0x0] =	vst.idx.msk $0xffff, v44  }
0x516: {  	v48 =	vor.u32 s20, v0;
	s21 =	sadd.s32 $0x1C02, s8;
	v11 =	vld [tilespmem:s12+$0x460];
	s28 =	sld [smem:$0x7B1]  }
0x517: {  	s23 =	sadd.s32 $0x3403, s26;
	s22 =	sor.u32 $0xC20, s30;
	v1 =	vor.u32 s21, v0;
	v2 =	vld [tilespmem:s7+$0x460]  }
0x518: {  	s25 =	sadd.s32 $0x2C02, s26;
	v49 =	vor.u32 s23, v0;
	v3 =	vld [tilespmem:s22+$0x4000]  }
0x519: {  	v51 =	vor.u32 s25, v0;
	[tilespmem:v46+s29+$0x0] =	vst.idx.msk $0xffff, v8;
	v50 =	vld [tilespmem:s28+$0x4000]  }
0x51a: {  	s9 =	sld [smem:$0x7BE];
	[tilespmem:v47+s29+$0x0] =	vst.idx.msk $0xffff, v10  }
0x51b: {  	[tilespmem:v48+s29+$0x0] =	vst.idx.msk $0xffff, v11  }
0x51c: {  	s5 =	sadd.s32 $0x1E03, s8;
	[tilespmem:v1+s29+$0x0] =	vst.idx.msk $0xffff, v2  }
0x51d: {  	v52 =	vor.u32 s5, v0;
	s10 =	sadd.s32 $0x1E00, s8;
	v7 =	vld [tilespmem:s6+$0x470];
	[tilespmem:v49+s29+$0x0] =	vst.idx.msk $0xffff, v3  }
0x51e: {  	v53 =	vor.u32 s10, v0;
	v9 =	vld [tilespmem:s11+$0x470];
	s11 =	sadd.s32 $0x1E01, s8;
	[tilespmem:v51+s29+$0x0] =	vst.idx.msk $0xffff, v50  }
0x51f: {  	v5 =	vld [tilespmem:s12+$0x470];
	s12 =	sadd.s32 $0x1E02, s8;
	v54 =	vor.u32 s11, v0;
	s17 =	sld [smem:$0x7AE]  }
0x520: {  	s14 =	sadd.s32 $0x3603, s26;
	s13 =	sor.u32 $0xC30, s30;
	v1 =	vld [tilespmem:s7+$0x470];
	v2 =	vor.u32 s12, v0;
	s0 =	sadd.s32 $0x4, s9  }
0x521: {  	s16 =	sadd.s32 $0x2E00, s26;
	v55 =	vor.u32 s14, v0;
	v3 =	vld [tilespmem:s13+$0x4000];
	s0 =	sand.u32 $0x7, s0  }
0x522: {  	v57 =	vor.u32 s16, v0;
	s0 =	sshll.u32 s0, $0x7;
	[tilespmem:v52+s29+$0x0] =	vst.idx.msk $0xffff, v7;
	v56 =	vld [tilespmem:s17+$0x4000]  }
0x523: {  	s0 =	sadd.s32 s1, s0;
	[tilespmem:v53+s29+$0x0] =	vst.idx.msk $0xffff, v9  }
0x524: {  	s15 =	sadd.s32 s1, s4;
	s3 =	sadd.s32 $0x180, s0;
	[tilespmem:v54+s29+$0x0] =	vst.idx.msk $0xffff, v5  }
0x525: {  	s19 =	sadd.s32 $0x2003, s8;
	s1 =	sadd.s32 s2, s1;
	s18 =	sor.u32 $0x800, s3;
	[tilespmem:v2+s29+$0x0] =	vst.idx.msk $0xffff, v1  }
0x526: {  	v58 =	vor.u32 s19, v0;
	s21 =	sadd.s32 $0x2000, s8;
	s4 =	sadd.s32 $0x80, s0;
	s20 =	sor.u32 $0x800, s1;
	[tilespmem:v55+s29+$0x0] =	vst.idx.msk $0xffff, v3;
	v7 =	vld [tilespmem:s18+$0x4000]  }
0x527: {  	v59 =	vor.u32 s21, v0;
	s22 =	sadd.s32 $0x2001, s8;
	s2 =	sadd.s32 $0x100, s15;
	s23 =	sor.u32 $0x800, s4;
	v9 =	vld [tilespmem:s20+$0x4000];
	[tilespmem:v57+s29+$0x0] =	vst.idx.msk $0xffff, v56  }
0x528: {  	v60 =	vor.u32 s22, v0;
	s28 =	sadd.s32 $0x2002, s8;
	s25 =	sor.u32 $0x800, s2;
	v5 =	vld [tilespmem:s23+$0x4000];
	s9 =	sld [smem:$0x7B7]  }
0x529: {  	s5 =	sor.u32 $0xC40, s30;
	s6 =	sadd.s32 $0x3803, s26;
	v2 =	vor.u32 s28, v0;
	v1 =	vld [tilespmem:s25+$0x4000]  }
0x52a: {  	v61 =	vor.u32 s6, v0;
	s7 =	sadd.s32 $0x2E01, s26;
	v3 =	vld [tilespmem:s5+$0x4000]  }
0x52b: {  	v63 =	vor.u32 s7, v0;
	[tilespmem:v58+s29+$0x0] =	vst.idx.msk $0xffff, v7;
	v62 =	vld [tilespmem:s9+$0x4000]  }
0x52c: {  	[tilespmem:v59+s29+$0x0] =	vst.idx.msk $0xffff, v9  }
0x52d: {  	[tilespmem:v60+s29+$0x0] =	vst.idx.msk $0xffff, v5  }
0x52e: {  	s11 =	sadd.s32 $0x2203, s8;
	s10 =	sor.u32 $0x810, s3;
	[tilespmem:v2+s29+$0x0] =	vst.idx.msk $0xffff, v1  }
0x52f: {  	s13 =	sadd.s32 $0x2200, s8;
	v16 =	vor.u32 s11, v0;
	s12 =	sor.u32 $0x810, s1;
	[tilespmem:v61+s29+$0x0] =	vst.idx.msk $0xffff, v3;
	v7 =	vld [tilespmem:s10+$0x4000]  }
0x530: {  	v17 =	vor.u32 s13, v0;
	s15 =	sadd.s32 $0x2201, s8;
	s14 =	sor.u32 $0x810, s4;
	v9 =	vld [tilespmem:s12+$0x4000];
	[tilespmem:v63+s29+$0x0] =	vst.idx.msk $0xffff, v62  }
0x531: {  	v18 =	vor.u32 s15, v0;
	s16 =	sor.u32 $0x810, s2;
	s17 =	sadd.s32 $0x2202, s8;
	v5 =	vld [tilespmem:s14+$0x4000];
	s21 =	sld [smem:$0x7B2]  }
0x532: {  	s19 =	sadd.s32 $0x3A03, s26;
	s18 =	sor.u32 $0xC50, s30;
	v2 =	vor.u32 s17, v0;
	v1 =	vld [tilespmem:s16+$0x4000]  }
0x533: {  	v19 =	vor.u32 s19, v0;
	s20 =	sadd.s32 $0x2E02, s26;
	v3 =	vld [tilespmem:s18+$0x4000]  }
0x534: {  	v21 =	vor.u32 s20, v0;
	[tilespmem:v16+s29+$0x0] =	vst.idx.msk $0xffff, v7;
	v20 =	vld [tilespmem:s21+$0x4000]  }
0x535: {  	[tilespmem:v17+s29+$0x0] =	vst.idx.msk $0xffff, v9  }
0x536: {  	[tilespmem:v18+s29+$0x0] =	vst.idx.msk $0xffff, v5  }
0x537: {  	s22 =	sor.u32 $0x820, s3;
	s23 =	sadd.s32 $0x2403, s8;
	[tilespmem:v2+s29+$0x0] =	vst.idx.msk $0xffff, v1  }
0x538: {  	s28 =	sadd.s32 $0x2400, s8;
	s25 =	sor.u32 $0x820, s1;
	v22 =	vor.u32 s23, v0;
	[tilespmem:v19+s29+$0x0] =	vst.idx.msk $0xffff, v3;
	v7 =	vld [tilespmem:s22+$0x4000]  }
0x539: {  	s6 =	sadd.s32 $0x2401, s8;
	v23 =	vor.u32 s28, v0;
	s5 =	sor.u32 $0x820, s4;
	v9 =	vld [tilespmem:s25+$0x4000];
	[tilespmem:v21+s29+$0x0] =	vst.idx.msk $0xffff, v20  }
0x53a: {  	v24 =	vor.u32 s6, v0;
	s7 =	sor.u32 $0x820, s2;
	s9 =	sadd.s32 $0x2402, s8;
	v5 =	vld [tilespmem:s5+$0x4000];
	s13 =	sld [smem:$0x7AF]  }
0x53b: {  	s11 =	sadd.s32 $0x3C03, s26;
	s10 =	sor.u32 $0xC60, s30;
	v2 =	vor.u32 s9, v0;
	v1 =	vld [tilespmem:s7+$0x4000]  }
0x53c: {  	v25 =	vor.u32 s11, v0;
	s12 =	sadd.s32 $0x3000, s26;
	v3 =	vld [tilespmem:s10+$0x4000]  }
0x53d: {  	v27 =	vor.u32 s12, v0;
	[tilespmem:v22+s29+$0x0] =	vst.idx.msk $0xffff, v7;
	v26 =	vld [tilespmem:s13+$0x4000]  }
0x53e: {  	s15 =	sadd.s32 $0x2603, s8;
	s14 =	sor.u32 $0x830, s3;
	[tilespmem:v23+s29+$0x0] =	vst.idx.msk $0xffff, v9  }
0x53f: {  	v28 =	vor.u32 s15, v0;
	s17 =	sadd.s32 $0x2600, s8;
	s16 =	sor.u32 $0x830, s1;
	[tilespmem:v24+s29+$0x0] =	vst.idx.msk $0xffff, v5;
	v7 =	vld [tilespmem:s14+$0x4000]  }
0x540: {  	s19 =	sadd.s32 $0x2601, s8;
	v29 =	vor.u32 s17, v0;
	s18 =	sor.u32 $0x830, s4;
	[tilespmem:v2+s29+$0x0] =	vst.idx.msk $0xffff, v1;
	v9 =	vld [tilespmem:s16+$0x4000]  }
0x541: {  	v30 =	vor.u32 s19, v0;
	s20 =	sor.u32 $0x830, s2;
	s21 =	sadd.s32 $0x2602, s8;
	[tilespmem:v25+s29+$0x0] =	vst.idx.msk $0xffff, v3;
	v5 =	vld [tilespmem:s18+$0x4000]  }
0x542: {  	s23 =	sadd.s32 $0x3E03, s26;
	s22 =	sor.u32 $0xC70, s30;
	v2 =	vor.u32 s21, v0;
	v1 =	vld [tilespmem:s20+$0x4000];
	[tilespmem:v27+s29+$0x0] =	vst.idx.msk $0xffff, v26  }
0x543: {  	v31 =	vor.u32 s23, v0;
	v3 =	vld [tilespmem:s22+$0x4000];
	s28 =	sld [smem:$0x7B8]  }
0x544: {  	[tilespmem:v28+s29+$0x0] =	vst.idx.msk $0xffff, v7  }
0x545: {  	s25 =	sadd.s32 $0x3001, s26;
	[tilespmem:v29+s29+$0x0] =	vst.idx.msk $0xffff, v9  }
0x546: {  	v33 =	vor.u32 s25, v0;
	[tilespmem:v30+s29+$0x0] =	vst.idx.msk $0xffff, v5;
	v32 =	vld [tilespmem:s28+$0x4000]  }
0x547: {  	s6 =	sadd.s32 $0x2803, s8;
	s5 =	sor.u32 $0x840, s3;
	[tilespmem:v2+s29+$0x0] =	vst.idx.msk $0xffff, v1  }
0x548: {  	v34 =	vor.u32 s6, v0;
	s9 =	sadd.s32 $0x2800, s8;
	s7 =	sor.u32 $0x840, s1;
	[tilespmem:v31+s29+$0x0] =	vst.idx.msk $0xffff, v3;
	v7 =	vld [tilespmem:s5+$0x4000]  }
0x549: {  	s11 =	sadd.s32 $0x2801, s8;
	v35 =	vor.u32 s9, v0;
	s10 =	sor.u32 $0x840, s4;
	v9 =	vld [tilespmem:s7+$0x4000];
	s15 =	sld [smem:$0x7B3]  }
0x54a: {  	v36 =	vor.u32 s11, v0;
	s12 =	sor.u32 $0x840, s2;
	s13 =	sadd.s32 $0x2802, s8;
	v5 =	vld [tilespmem:s10+$0x4000]  }
0x54b: {  	s14 =	sadd.s32 $0x3002, s26;
	v2 =	vor.u32 s13, v0;
	v1 =	vld [tilespmem:s12+$0x4000];
	[tilespmem:v33+s29+$0x0] =	vst.idx.msk $0xffff, v32  }
0x54c: {  	s16 =	sadd.s32 $0x3200, s26;
	v37 =	vor.u32 s14, v0;
	v3 =	vld [tilespmem:s15+$0x4000];
	s17 =	rddreg [dreg:$0x1f]  }
0x54d: {  	v39 =	vor.u32 s16, v0;
	[tilespmem:v34+s29+$0x0] =	vst.idx.msk $0xffff, v7;
	v38 =	vld [tilespmem:s17+$0x4000]  }
0x54e: {  	[tilespmem:v35+s29+$0x0] =	vst.idx.msk $0xffff, v9  }
0x54f: {  	[tilespmem:v36+s29+$0x0] =	vst.idx.msk $0xffff, v5  }
0x550: {  	s19 =	sor.u32 $0x850, s3;
	s18 =	sadd.s32 $0x2A03, s8;
	[tilespmem:v2+s29+$0x0] =	vst.idx.msk $0xffff, v1  }
0x551: {  	s21 =	sadd.s32 $0x2A00, s8;
	s20 =	sor.u32 $0x850, s1;
	v40 =	vor.u32 s18, v0;
	[tilespmem:v37+s29+$0x0] =	vst.idx.msk $0xffff, v3;
	v7 =	vld [tilespmem:s19+$0x4000]  }
0x552: {  	s23 =	sadd.s32 $0x2A01, s8;
	v41 =	vor.u32 s21, v0;
	s22 =	sor.u32 $0x850, s4;
	v9 =	vld [tilespmem:s20+$0x4000];
	s7 =	sld [smem:$0x7B9];
	[tilespmem:v39+s29+$0x0] =	vst.idx.msk $0xffff, v38  }
0x553: {  	v42 =	vor.u32 s23, v0;
	s25 =	sor.u32 $0x850, s2;
	s28 =	sadd.s32 $0x2A02, s8;
	v5 =	vld [tilespmem:s22+$0x4000];
	s10 =	sld [smem:$0x7B4]  }
0x554: {  	s6 =	sadd.s32 $0x3201, s26;
	v2 =	vor.u32 s28, v0;
	v1 =	vld [tilespmem:s25+$0x4000]  }
0x555: {  	v43 =	vor.u32 s6, v0;
	s9 =	sadd.s32 $0x3202, s26;
	v3 =	vld [tilespmem:s7+$0x4000]  }
0x556: {  	v45 =	vor.u32 s9, v0;
	[tilespmem:v40+s29+$0x0] =	vst.idx.msk $0xffff, v7;
	v44 =	vld [tilespmem:s10+$0x4000]  }
0x557: {  	[tilespmem:v41+s29+$0x0] =	vst.idx.msk $0xffff, v9  }
0x558: {  	s11 =	sor.u32 $0x860, s3;
	s12 =	sadd.s32 $0x2C03, s8;
	[tilespmem:v42+s29+$0x0] =	vst.idx.msk $0xffff, v5  }
0x559: {  	s14 =	sadd.s32 $0x2C00, s8;
	s13 =	sor.u32 $0x860, s1;
	v46 =	vor.u32 s12, v0;
	[tilespmem:v2+s29+$0x0] =	vst.idx.msk $0xffff, v1;
	v7 =	vld [tilespmem:s11+$0x4000]  }
0x55a: {  	s16 =	sadd.s32 $0x2C01, s8;
	v47 =	vor.u32 s14, v0;
	s15 =	sor.u32 $0x860, s4;
	v9 =	vld [tilespmem:s13+$0x4000];
	[tilespmem:v43+s29+$0x0] =	vst.idx.msk $0xffff, v3  }
0x55b: {  	s18 =	sadd.s32 $0x2C02, s8;
	v48 =	vor.u32 s16, v0;
	s17 =	sor.u32 $0x860, s2;
	v5 =	vld [tilespmem:s15+$0x4000];
	s20 =	rddreg [dreg:$0x19];
	[tilespmem:v45+s29+$0x0] =	vst.idx.msk $0xffff, v44  }
0x55c: {  	s19 =	sadd.s32 $0x3400, s26;
	v2 =	vor.u32 s18, v0;
	v1 =	vld [tilespmem:s17+$0x4000];
	s22 =	sld [smem:$0x7BA]  }
0x55d: {  	v49 =	vor.u32 s19, v0;
	v3 =	vld [tilespmem:s20+$0x4000]  }
0x55e: {  	s21 =	sadd.s32 $0x3401, s26;
	[tilespmem:v46+s29+$0x0] =	vst.idx.msk $0xffff, v7  }
0x55f: {  	s23 =	sor.u32 $0x870, s3;
	v51 =	vor.u32 s21, v0;
	s25 =	sadd.s32 $0x2E03, s8;
	[tilespmem:v47+s29+$0x0] =	vst.idx.msk $0xffff, v9;
	v50 =	vld [tilespmem:s22+$0x4000]  }
0x560: {  	s6 =	sadd.s32 $0x2E00, s8;
	s28 =	sor.u32 $0x870, s1;
	v52 =	vor.u32 s25, v0;
	[tilespmem:v48+s29+$0x0] =	vst.idx.msk $0xffff, v5;
	v7 =	vld [tilespmem:s23+$0x4000]  }
0x561: {  	v53 =	vor.u32 s6, v0;
	s9 =	sadd.s32 $0x2E01, s8;
	s7 =	sor.u32 $0x870, s4;
	[tilespmem:v2+s29+$0x0] =	vst.idx.msk $0xffff, v1;
	v9 =	vld [tilespmem:s28+$0x4000]  }
0x562: {  	s11 =	sadd.s32 $0x2E02, s8;
	s10 =	sor.u32 $0x870, s2;
	v1 =	vor.u32 s9, v0;
	[tilespmem:v49+s29+$0x0] =	vst.idx.msk $0xffff, v3;
	v54 =	vld [tilespmem:s7+$0x4000]  }
0x563: {  	s12 =	sadd.s32 $0x3402, s26;
	v3 =	vor.u32 s11, v0;
	v2 =	vld [tilespmem:s10+$0x4000];
	s13 =	rddreg [dreg:$0x1d]  }
0x564: {  	v56 =	vor.u32 s12, v0;
	v55 =	vld [tilespmem:s13+$0x4000];
	[tilespmem:v51+s29+$0x0] =	vst.idx.msk $0xffff, v50  }
0x565: {  	s14 =	sadd.s32 $0x3600, s26;
	s15 =	rddreg [dreg:$0x13];
	[tilespmem:v52+s29+$0x0] =	vst.idx.msk $0xffff, v7  }
0x566: {  	v58 =	vor.u32 s14, v0;
	[tilespmem:v53+s29+$0x0] =	vst.idx.msk $0xffff, v9;
	v57 =	vld [tilespmem:s15+$0x4000]  }
0x567: {  	[tilespmem:v1+s29+$0x0] =	vst.idx.msk $0xffff, v54  }
0x568: {  	s16 =	sor.u32 $0xC00, s3;
	s17 =	sadd.s32 $0x3003, s8;
	[tilespmem:v3+s29+$0x0] =	vst.idx.msk $0xffff, v2  }
0x569: {  	s19 =	sadd.s32 $0x3000, s8;
	s18 =	sor.u32 $0xC00, s1;
	v59 =	vor.u32 s17, v0;
	[tilespmem:v56+s29+$0x0] =	vst.idx.msk $0xffff, v55;
	v7 =	vld [tilespmem:s16+$0x4000]  }
0x56a: {  	s21 =	sadd.s32 $0x3001, s8;
	s20 =	sor.u32 $0xC00, s4;
	v1 =	vor.u32 s19, v0;
	v5 =	vld [tilespmem:s18+$0x4000];
	s28 =	sld [smem:$0x7BB]  }
0x56b: {  	s23 =	sadd.s32 $0x3002, s8;
	s22 =	sor.u32 $0xC00, s2;
	v2 =	vor.u32 s21, v0;
	v60 =	vld [tilespmem:s20+$0x4000];
	[tilespmem:v58+s29+$0x0] =	vst.idx.msk $0xffff, v57  }
0x56c: {  	s25 =	sadd.s32 $0x3601, s26;
	v61 =	vor.u32 s23, v0;
	v3 =	vld [tilespmem:s22+$0x4000];
	s7 =	sld [smem:$0x7B5]  }
0x56d: {  	v63 =	vor.u32 s25, v0;
	v62 =	vld [tilespmem:s28+$0x4000]  }
0x56e: {  	s6 =	sadd.s32 $0x3602, s26;
	[tilespmem:v59+s29+$0x0] =	vst.idx.msk $0xffff, v7  }
0x56f: {  	v17 =	vor.u32 s6, v0;
	s9 =	sor.u32 $0xC10, s3;
	s10 =	sadd.s32 $0x3203, s8;
	[tilespmem:v1+s29+$0x0] =	vst.idx.msk $0xffff, v5;
	v16 =	vld [tilespmem:s7+$0x4000]  }
0x570: {  	s12 =	sadd.s32 $0x3200, s8;
	s11 =	sor.u32 $0xC10, s1;
	v18 =	vor.u32 s10, v0;
	[tilespmem:v2+s29+$0x0] =	vst.idx.msk $0xffff, v60;
	v7 =	vld [tilespmem:s9+$0x4000]  }
0x571: {  	s14 =	sadd.s32 $0x3201, s8;
	s13 =	sor.u32 $0xC10, s4;
	v2 =	vor.u32 s12, v0;
	[tilespmem:v61+s29+$0x0] =	vst.idx.msk $0xffff, v3;
	v1 =	vld [tilespmem:s11+$0x4000]  }
0x572: {  	s15 =	sor.u32 $0xC10, s2;
	s16 =	sadd.s32 $0x3202, s8;
	v3 =	vor.u32 s14, v0;
	v19 =	vld [tilespmem:s13+$0x4000];
	[tilespmem:v63+s29+$0x0] =	vst.idx.msk $0xffff, v62  }
0x573: {  	s17 =	sadd.s32 $0x3800, s26;
	v21 =	vor.u32 s16, v0;
	v20 =	vld [tilespmem:s15+$0x4000];
	s18 =	rddreg [dreg:$0x14]  }
0x574: {  	v23 =	vor.u32 s17, v0;
	v22 =	vld [tilespmem:s18+$0x4000];
	[tilespmem:v17+s29+$0x0] =	vst.idx.msk $0xffff, v16  }
0x575: {  	s19 =	sadd.s32 $0x3801, s26;
	s20 =	rddreg [dreg:$0x1e];
	[tilespmem:v18+s29+$0x0] =	vst.idx.msk $0xffff, v7  }
0x576: {  	s21 =	sor.u32 $0xC20, s3;
	v25 =	vor.u32 s19, v0;
	s22 =	sadd.s32 $0x3403, s8;
	[tilespmem:v2+s29+$0x0] =	vst.idx.msk $0xffff, v1;
	v24 =	vld [tilespmem:s20+$0x4000]  }
0x577: {  	s25 =	sadd.s32 $0x3400, s8;
	s23 =	sor.u32 $0xC20, s1;
	v26 =	vor.u32 s22, v0;
	[tilespmem:v3+s29+$0x0] =	vst.idx.msk $0xffff, v19;
	v7 =	vld [tilespmem:s21+$0x4000]  }
0x578: {  	s6 =	sadd.s32 $0x3401, s8;
	s28 =	sor.u32 $0xC20, s4;
	v2 =	vor.u32 s25, v0;
	[tilespmem:v21+s29+$0x0] =	vst.idx.msk $0xffff, v20;
	v1 =	vld [tilespmem:s23+$0x4000]  }
0x579: {  	v27 =	vor.u32 s6, v0;
	s9 =	sadd.s32 $0x3402, s8;
	s7 =	sor.u32 $0xC20, s2;
	[tilespmem:v23+s29+$0x0] =	vst.idx.msk $0xffff, v22;
	v3 =	vld [tilespmem:s28+$0x4000]  }
0x57a: {  	s10 =	sadd.s32 $0x3802, s26;
	v28 =	vor.u32 s9, v0;
	v9 =	vld [tilespmem:s7+$0x4000];
	s11 =	rddreg [dreg:$0x12]  }
0x57b: {  	v30 =	vor.u32 s10, v0;
	s12 =	sadd.s32 $0x3A00, s26;
	v29 =	vld [tilespmem:s11+$0x4000];
	[tilespmem:v25+s29+$0x0] =	vst.idx.msk $0xffff, v24  }
0x57c: {  	v32 =	vor.u32 s12, v0;
	v31 =	vld [tilespmem:s31+$0x4000];
	[tilespmem:v26+s29+$0x0] =	vst.idx.msk $0xffff, v7  }
0x57d: {  	s14 =	sadd.s32 $0x3603, s8;
	s13 =	sor.u32 $0xC30, s3;
	[tilespmem:v2+s29+$0x0] =	vst.idx.msk $0xffff, v1  }
0x57e: {  	s16 =	sadd.s32 $0x3600, s8;
	s15 =	sor.u32 $0xC30, s1;
	v33 =	vor.u32 s14, v0;
	[tilespmem:v27+s29+$0x0] =	vst.idx.msk $0xffff, v3;
	v7 =	vld [tilespmem:s13+$0x4000]  }
0x57f: {  	s17 =	sor.u32 $0xC30, s4;
	s18 =	sadd.s32 $0x3601, s8;
	v2 =	vor.u32 s16, v0;
	[tilespmem:v28+s29+$0x0] =	vst.idx.msk $0xffff, v9;
	v1 =	vld [tilespmem:s15+$0x4000]  }
0x580: {  	s19 =	sor.u32 $0xC30, s2;
	v34 =	vor.u32 s18, v0;
	s20 =	sadd.s32 $0x3602, s8;
	v3 =	vld [tilespmem:s17+$0x4000];
	[tilespmem:v30+s29+$0x0] =	vst.idx.msk $0xffff, v29  }
0x581: {  	s21 =	sadd.s32 $0x3A01, s26;
	v35 =	vor.u32 s20, v0;
	v9 =	vld [tilespmem:s19+$0x4000];
	s22 =	rddreg [dreg:$0x15];
	[tilespmem:v32+s29+$0x0] =	vst.idx.msk $0xffff, v31  }
0x582: {  	s23 =	sadd.s32 $0x3A02, s26;
	v37 =	vor.u32 s21, v0;
	v36 =	vld [tilespmem:s22+$0x4000];
	s25 =	rddreg [dreg:$0xe]  }
0x583: {  	v39 =	vor.u32 s23, v0;
	v38 =	vld [tilespmem:s25+$0x4000];
	[tilespmem:v33+s29+$0x0] =	vst.idx.msk $0xffff, v7  }
0x584: {  	[tilespmem:v2+s29+$0x0] =	vst.idx.msk $0xffff, v1  }
0x585: {  	s13 =	sadd.s32 $0x3C00, s26;
	[tilespmem:v34+s29+$0x0] =	vst.idx.msk $0xffff, v3  }
0x586: {  	s28 =	sor.u32 $0xC40, s3;
	s31 =	sadd.s32 $0x3803, s8;
	v44 =	vor.u32 s13, v0;
	v43 =	vld [tilespmem:s24+$0x4000];
	[tilespmem:v35+s29+$0x0] =	vst.idx.msk $0xffff, v9  }
0x587: {  	s6 =	sor.u32 $0xC40, s1;
	s7 =	sadd.s32 $0x3800, s8;
	v40 =	vor.u32 s31, v0;
	v7 =	vld [tilespmem:s28+$0x4000];
	[tilespmem:v37+s29+$0x0] =	vst.idx.msk $0xffff, v36  }
0x588: {  	s10 =	sadd.s32 $0x3801, s8;
	s9 =	sor.u32 $0xC40, s4;
	v2 =	vor.u32 s7, v0;
	v1 =	vld [tilespmem:s6+$0x4000];
	[tilespmem:v39+s29+$0x0] =	vst.idx.msk $0xffff, v38  }
0x589: {  	v41 =	vor.u32 s10, v0;
	s12 =	sadd.s32 $0x3802, s8;
	s11 =	sor.u32 $0xC40, s2;
	v3 =	vld [tilespmem:s9+$0x4000];
	s15 =	sld [smem:$0x7BC]  }
0x58a: {  	v42 =	vor.u32 s12, v0;
	v9 =	vld [tilespmem:s11+$0x4000]  }
0x58b: {  	s14 =	sadd.s32 $0x3C01, s26;
	[tilespmem:v44+s29+$0x0] =	vst.idx.msk $0xffff, v43  }
0x58c: {  	v46 =	vor.u32 s14, v0;
	s16 =	sor.u32 $0xC50, s3;
	s17 =	sadd.s32 $0x3A03, s8;
	[tilespmem:v40+s29+$0x0] =	vst.idx.msk $0xffff, v7;
	v45 =	vld [tilespmem:s15+$0x4000]  }
0x58d: {  	s18 =	sor.u32 $0xC50, s1;
	s19 =	sadd.s32 $0x3A00, s8;
	v47 =	vor.u32 s17, v0;
	[tilespmem:v2+s29+$0x0] =	vst.idx.msk $0xffff, v1;
	v7 =	vld [tilespmem:s16+$0x4000]  }
0x58e: {  	s20 =	sor.u32 $0xC50, s4;
	s21 =	sadd.s32 $0x3A01, s8;
	[tilespmem:v41+s29+$0x0] =	vst.idx.msk $0xffff, v3;
	v2 =	vor.u32 s19, v0;
	v1 =	vld [tilespmem:s18+$0x4000]  }
0x58f: {  	s23 =	sadd.s32 $0x3A02, s8;
	v48 =	vor.u32 s21, v0;
	s22 =	sor.u32 $0xC50, s2;
	[tilespmem:v42+s29+$0x0] =	vst.idx.msk $0xffff, v9;
	v3 =	vld [tilespmem:s20+$0x4000]  }
0x590: {  	v49 =	vor.u32 s23, v0;
	s24 =	sadd.s32 $0x3C02, s26;
	v9 =	vld [tilespmem:s22+$0x4000];
	s25 =	rddreg [dreg:$0xa]  }
0x591: {  	v51 =	vor.u32 s24, v0;
	v50 =	vld [tilespmem:s25+$0x4000];
	[tilespmem:v46+s29+$0x0] =	vst.idx.msk $0xffff, v45  }
0x592: {  	s31 =	rddreg [dreg:$0x4];
	[tilespmem:v47+s29+$0x0] =	vst.idx.msk $0xffff, v7  }
0x593: {  	s28 =	sadd.s32 $0x3E00, s26;
	[tilespmem:v2+s29+$0x0] =	vst.idx.msk $0xffff, v1  }
0x594: {  	v53 =	vor.u32 s28, v0;
	[tilespmem:v48+s29+$0x0] =	vst.idx.msk $0xffff, v3;
	v52 =	vld [tilespmem:s31+$0x4000]  }
0x595: {  	s5 =	sor.u32 $0xC60, s3;
	s6 =	sadd.s32 $0x3C03, s8;
	[tilespmem:v49+s29+$0x0] =	vst.idx.msk $0xffff, v9  }
0x596: {  	s7 =	sor.u32 $0xC60, s1;
	s9 =	sadd.s32 $0x3C00, s8;
	v54 =	vor.u32 s6, v0;
	[tilespmem:v51+s29+$0x0] =	vst.idx.msk $0xffff, v50;
	v7 =	vld [tilespmem:s5+$0x4000]  }
0x597: {  	s10 =	sor.u32 $0xC60, s4;
	s11 =	sadd.s32 $0x3C01, s8;
	v2 =	vor.u32 s9, v0;
	v1 =	vld [tilespmem:s7+$0x4000];
	s15 =	sld [smem:$0x7BD]  }
0x598: {  	s12 =	sor.u32 $0xC60, s2;
	s13 =	sadd.s32 $0x3C02, s8;
	v55 =	vor.u32 s11, v0;
	v3 =	vld [tilespmem:s10+$0x4000]  }
0x599: {  	s14 =	sadd.s32 $0x3E01, s26;
	v56 =	vor.u32 s13, v0;
	v9 =	vld [tilespmem:s12+$0x4000];
	[tilespmem:v53+s29+$0x0] =	vst.idx.msk $0xffff, v52  }
0x59a: {  	v58 =	vor.u32 s14, v0;
	s16 =	sadd.s32 $0x3E02, s26;
	v57 =	vld [tilespmem:s15+$0x4000];
	s17 =	rddreg [dreg:$0x7]  }
0x59b: {  	s19 =	sadd.s32 $0x3E03, s8;
	s18 =	sor.u32 $0xC70, s3;
	v60 =	vor.u32 s16, v0;
	[tilespmem:v54+s29+$0x0] =	vst.idx.msk $0xffff, v7;
	v59 =	vld [tilespmem:s17+$0x4000]  }
0x59c: {  	s21 =	sadd.s32 $0x3E00, s8;
	s20 =	sor.u32 $0xC70, s1;
	v61 =	vor.u32 s19, v0;
	[tilespmem:v2+s29+$0x0] =	vst.idx.msk $0xffff, v1;
	v7 =	vld [tilespmem:s18+$0x4000]  }
0x59d: {  	s23 =	sadd.s32 $0x3E01, s8;
	s22 =	sor.u32 $0xC70, s4;
	v2 =	vor.u32 s21, v0;
	[tilespmem:v55+s29+$0x0] =	vst.idx.msk $0xffff, v3;
	v1 =	vld [tilespmem:s20+$0x4000]  }
0x59e: {  	v62 =	vor.u32 s23, v0;
	[tilespmem:v56+s29+$0x0] =	vst.idx.msk $0xffff, v9;
	v3 =	vld [tilespmem:s22+$0x4000]  }
0x59f: {  	[tilespmem:v58+s29+$0x0] =	vst.idx.msk $0xffff, v57  }
0x5a0: {  	[tilespmem:v60+s29+$0x0] =	vst.idx.msk $0xffff, v59  }
0x5a1: {  	[tilespmem:v61+s29+$0x0] =	vst.idx.msk $0xffff, v7  }
0x5a2: {  	s24 =	sor.u32 $0xC70, s2;
	s25 =	sadd.s32 $0x3E02, s8;
	[tilespmem:v2+s29+$0x0] =	vst.idx.msk $0xffff, v1  }
0x5a3: {  	v63 =	vor.u32 s25, v0;
	v9 =	vld [tilespmem:s24+$0x4000];
	[tilespmem:v62+s29+$0x0] =	vst.idx.msk $0xffff, v3  }
0x5a4: {  	s26 =	sld [smem:$0x7E0]  }
.Ltmp8:
0x5a5: {  	_ = 	snop;
	(pc) =	sbr.rel .LBB2_8-.Ltmp8, $4  }
0x5a6: {  	_ = 	snop  }
0x5a7: {  	s28 =	rddreg [dreg:$0x1];
	s0 =	sshll.u32 s26, $0xB  }
0x5a8: {  	s30 =	simm.s32 $0x8000;
	s31 =	simm.s32 $0x0;
	[tilespmem:v63+s29+$0x0] =	vst.idx.msk $0xffff, v9;
	s0 =	sadd.s32 s28, s0  }
0x5a9: {  	[hbm4b:s0+s31] =	stream.linear.scatter [tilespmem:s29], [sflag:$0x4], $0x4000, $0x38;
	[tilespmem:$0x11800] =	vst v63  }
.LBB2_10:
0x5aa: {  	s0 =	sld [smem:$0x7FA]  }
0x5ab: {  	s1 =	simm.s32 $0x7A1400  }
0x5ac: {  	s2 =	simm.s32 $0x400;
	s3 =	simm.s32 $0x10000;
	s5 =	simm.s32 $0x5  }
0x5ad: {  	[tilespmem:s3], [sflag:$0x5] =	stream.strided.gather [hbm4b:s0+s2], $0x1000, s1, s2, $0x38;
	[tilespmem:$0x11800] =	vst v63  }
0x5ae: {  	_ =	swait.ge [sflag:s5], $0x1000  }
0x5af: {  	[sflag:s5] =	ssyncset.done $0x0  }
0x5b0: {  	s8 =	simm.s32 $0x1;
	s3 =	simm.s32 $0x10100;
	[sflag:s5] =	ssyncadd.s32 $0xFFFFF000  }
0x5b1: {  	s6 =	simm.s32 $0x3;
	v4 =	vor.u32 s8, v0;
	v3 =	vld [tilespmem:s3+$0xFFFFFF80]  }
0x5b2: {  	v2 =	vor.u32 s6, v0;
	v1 =	vld [tilespmem:s3+$0x80]  }
0x5b3: {  	s9 =	simm.s32 $0x2  }
0x5b4: {  	s11 =	simm.s32 $0x0;
	v6 =	vor.u32 s9, v0;
	v5 =	vld [tilespmem:s3+$0x0]  }
0x5b5: {  	v8 =	vor.u32 s11, v0;
	v7 =	vld [tilespmem:s3+$0xFFFFFF00]  }
0x5b6: {  	s12 =	simm.s32 $0x201;
	[tilespmem:v4+s7+$0x0] =	vst.idx.msk $0xffff, v3  }
0x5b7: {  	s10 =	simm.s32 $0x203;
	[tilespmem:v2+s7+$0x0] =	vst.idx.msk $0xffff, v1;
	v4 =	vor.u32 s12, v0;
	v3 =	vld [tilespmem:s3+$0xFFFFFF90]  }
0x5b8: {  	v2 =	vor.u32 s10, v0;
	v1 =	vld [tilespmem:s3+$0x90]  }
0x5b9: {  	s13 =	simm.s32 $0x202;
	[tilespmem:v6+s7+$0x0] =	vst.idx.msk $0xffff, v5  }
0x5ba: {  	s15 =	simm.s32 $0x200;
	v6 =	vor.u32 s13, v0;
	[tilespmem:v8+s7+$0x0] =	vst.idx.msk $0xffff, v7;
	v5 =	vld [tilespmem:s3+$0x10]  }
0x5bb: {  	s18 =	simm.s32 $0x7;
	s0 =	simm.s32 $0x10300;
	v8 =	vor.u32 s15, v0;
	v7 =	vld [tilespmem:s3+$0xFFFFFF10]  }
0x5bc: {  	s16 =	simm.s32 $0x401;
	v10 =	vor.u32 s18, v0;
	v9 =	vld [tilespmem:s0+$0x80];
	[tilespmem:v4+s7+$0x0] =	vst.idx.msk $0xffff, v3  }
0x5bd: {  	s14 =	simm.s32 $0x403;
	[tilespmem:v2+s7+$0x0] =	vst.idx.msk $0xffff, v1;
	v4 =	vor.u32 s16, v0;
	v3 =	vld [tilespmem:s3+$0xFFFFFFA0]  }
0x5be: {  	s19 =	simm.s32 $0x5;
	v2 =	vor.u32 s14, v0;
	v1 =	vld [tilespmem:s3+$0xA0]  }
0x5bf: {  	v12 =	vor.u32 s19, v0;
	s1 =	simm.s32 $0x4;
	v11 =	vld [tilespmem:s0+$0xFFFFFF80];
	[tilespmem:v6+s7+$0x0] =	vst.idx.msk $0xffff, v5  }
0x5c0: {  	s17 =	simm.s32 $0x402;
	[tilespmem:v8+s7+$0x0] =	vst.idx.msk $0xffff, v7;
	v7 =	vld [tilespmem:s0+$0xFFFFFF00];
	v8 =	vor.u32 s1, v0  }
0x5c1: {  	s21 =	simm.s32 $0x6;
	[tilespmem:v10+s7+$0x0] =	vst.idx.msk $0xffff, v9;
	v6 =	vor.u32 s17, v0;
	v5 =	vld [tilespmem:s3+$0x20]  }
0x5c2: {  	s4 =	simm.s32 $0x207;
	[tilespmem:v4+s7+$0x0] =	vst.idx.msk $0xffff, v3;
	v3 =	vld [tilespmem:s0+$0x0];
	v4 =	vor.u32 s21, v0  }
0x5c3: {  	s20 =	simm.s32 $0x603;
	v10 =	vor.u32 s4, v0;
	v9 =	vld [tilespmem:s0+$0x90];
	[tilespmem:v2+s7+$0x0] =	vst.idx.msk $0xffff, v1  }
0x5c4: {  	s23 =	simm.s32 $0x205;
	[tilespmem:v12+s7+$0x0] =	vst.idx.msk $0xffff, v11;
	v2 =	vor.u32 s20, v0;
	v1 =	vld [tilespmem:s3+$0xB0]  }
0x5c5: {  	s22 =	simm.s32 $0x400;
	v63 =	vor.u32 s23, v0;
	v11 =	vld [tilespmem:s0+$0xFFFFFF90];
	[tilespmem:v8+s7+$0x0] =	vst.idx.msk $0xffff, v7  }
0x5c6: {  	s26 =	simm.s32 $0x204;
	[tilespmem:v6+s7+$0x0] =	vst.idx.msk $0xffff, v5;
	v5 =	vld [tilespmem:s3+$0xFFFFFF20];
	v6 =	vor.u32 s22, v0  }
0x5c7: {  	s25 =	simm.s32 $0x206;
	v15 =	vor.u32 s26, v0;
	v14 =	vld [tilespmem:s0+$0xFFFFFF10];
	[tilespmem:v4+s7+$0x0] =	vst.idx.msk $0xffff, v3  }
0x5c8: {  	s24 =	simm.s32 $0x601;
	v13 =	vor.u32 s25, v0;
	[tilespmem:v10+s7+$0x0] =	vst.idx.msk $0xffff, v9;
	v8 =	vld [tilespmem:s0+$0x10]  }
0x5c9: {  	s28 =	simm.s32 $0x602;
	[tilespmem:v2+s7+$0x0] =	vst.idx.msk $0xffff, v1;
	v1 =	vld [tilespmem:s3+$0xFFFFFFB0];
	v2 =	vor.u32 s24, v0  }
0x5ca: {  	s29 =	simm.s32 $0x407;
	[tilespmem:v63+s7+$0x0] =	vst.idx.msk $0xffff, v11;
	v7 =	vor.u32 s28, v0;
	v3 =	vld [tilespmem:s3+$0x30]  }
0x5cb: {  	s5 =	simm.s32 $0x405;
	v9 =	vor.u32 s29, v0;
	[tilespmem:v6+s7+$0x0] =	vst.idx.msk $0xffff, v5;
	v4 =	vld [tilespmem:s0+$0xA0]  }
0x5cc: {  	s31 =	simm.s32 $0x600;
	v5 =	vld [tilespmem:s0+$0xFFFFFFA0];
	v6 =	vor.u32 s5, v0;
	[tilespmem:v15+s7+$0x0] =	vst.idx.msk $0xffff, v14  }
0x5cd: {  	s6 =	simm.s32 $0x406;
	s2 =	simm.s32 $0x8;
	v10 =	vor.u32 s31, v0;
	[tilespmem:v13+s7+$0x0] =	vst.idx.msk $0xffff, v8;
	v8 =	vld [tilespmem:s3+$0xFFFFFF30]  }
0x5ce: {  	s4 =	simm.s32 $0xC;
	s5 =	simm.s32 $0xB;
	[tilespmem:v2+s7+$0x0] =	vst.idx.msk $0xffff, v1;
	v2 =	vor.u32 s6, v0;
	s3 =	simm.s32 $0x10500;
	v1 =	vld [tilespmem:s0+$0x20]  }
.LBB2_11:
0x5cf: {  	p1 =	slt.u32 s4, $0x1C;
	s6 =	sadd.s32 $0x1, s2;
	v11 =	vld [tilespmem:s3+$0x80];
	v12 =	vor.u32 s5, v0;
	[tilespmem:v7+s7+$0x0] =	vst.idx.msk $0xffff, v3  }
0x5d0: {  	s5 =	sadd.s32 $0x603, s1;
	v3 =	vld [tilespmem:s3+$0xFFFFFF80];
	v7 =	vor.u32 s6, v0;
	[tilespmem:v9+s7+$0x0] =	vst.idx.msk $0xffff, v4  }
0x5d1: {  	s6 =	sadd.s32 $0x2, s2;
	[tilespmem:v6+s7+$0x0] =	vst.idx.msk $0xffff, v5;
	v4 =	vld [tilespmem:s0+$0xB0];
	v5 =	vor.u32 s5, v0  }
0x5d2: {  	v9 =	vor.u32 s6, v0;
	v6 =	vld [tilespmem:s3+$0x0];
	[tilespmem:v10+s7+$0x0] =	vst.idx.msk $0xffff, v8  }
0x5d3: {  	s5 =	sadd.s32 $0x400, s1;
	v10 =	vor.u32 s2, v0;
	v8 =	vld [tilespmem:s3+$0xFFFFFF00];
	[tilespmem:v2+s7+$0x0] =	vst.idx.msk $0xffff, v1  }
0x5d4: {  	s6 =	sadd.s32 $0x203, s2;
	v2 =	vor.u32 s5, v0;
	[tilespmem:v12+s7+$0x0] =	vst.idx.msk $0xffff, v11;
	v1 =	vld [tilespmem:s0+$0xFFFFFF20]  }
0x5d5: {  	s5 =	sadd.s32 $0x201, s2;
	[tilespmem:v7+s7+$0x0] =	vst.idx.msk $0xffff, v3;
	v3 =	vld [tilespmem:s3+$0x90];
	v7 =	vor.u32 s6, v0  }
0x5d6: {  	v12 =	vor.u32 s5, v0;
	s5 =	sadd.s32 $0x601, s1;
	v11 =	vld [tilespmem:s3+$0xFFFFFF90];
	[tilespmem:v5+s7+$0x0] =	vst.idx.msk $0xffff, v4  }
0x5d7: {  	s6 =	sadd.s32 $0x202, s2;
	v14 =	vor.u32 s5, v0;
	[tilespmem:v9+s7+$0x0] =	vst.idx.msk $0xffff, v6;
	v13 =	vld [tilespmem:s0+$0xFFFFFFB0]  }
0x5d8: {  	s5 =	sadd.s32 $0x200, s2;
	[tilespmem:v10+s7+$0x0] =	vst.idx.msk $0xffff, v8;
	v8 =	vld [tilespmem:s3+$0x10];
	v10 =	vor.u32 s6, v0  }
0x5d9: {  	v16 =	vor.u32 s5, v0;
	s5 =	sadd.s32 $0x602, s1;
	v15 =	vld [tilespmem:s3+$0xFFFFFF10];
	[tilespmem:v2+s7+$0x0] =	vst.idx.msk $0xffff, v1  }
.Ltmp9:
0x5da: {  	s6 =	sadd.s32 $0x403, s2;
	[tilespmem:v7+s7+$0x0] =	vst.idx.msk $0xffff, v3;
	v3 =	vld [tilespmem:s0+$0x30];
	v7 =	vor.u32 s5, v0;
	(pc) =	sbr.rel @p1 .LBB2_11-.Ltmp9, $4  }
0x5db: {  	v9 =	vor.u32 s6, v0;
	s5 =	sadd.s32 $0x401, s2;
	[tilespmem:v12+s7+$0x0] =	vst.idx.msk $0xffff, v11;
	v4 =	vld [tilespmem:s3+$0xA0]  }
0x5dc: {  	v6 =	vor.u32 s5, v0;
	s5 =	sadd.s32 $0x600, s1;
	s1 =	smov.u32 s2;
	s2 =	smov.u32 s4;
	v5 =	vld [tilespmem:s3+$0xFFFFFFA0];
	[tilespmem:v14+s7+$0x0] =	vst.idx.msk $0xffff, v13  }
0x5dd: {  	s6 =	sadd.s32 $0x402, s1;
	[tilespmem:v10+s7+$0x0] =	vst.idx.msk $0xffff, v8;
	v8 =	vld [tilespmem:s0+$0xFFFFFF30];
	v10 =	vor.u32 s5, v0;
	s0 =	smov.u32 s3  }
0x5de: {  	s4 =	sadd.s32 $0x4, s4;
	s5 =	sadd.s32 $0x3, s2;
	v2 =	vor.u32 s6, v0;
	s3 =	sadd.s32 $0x200, s3;
	[tilespmem:v16+s7+$0x0] =	vst.idx.msk $0xffff, v15;
	v1 =	vld [tilespmem:s0+$0x20]  }
0x5df: {  	_ =	sdelay $0x1  }
0x5e0: {  	v11 =	vld [tilespmem:s3+$0x80];
	v12 =	vor.u32 s5, v0  }
0x5e1: {  	s4 =	sadd.s32 $0x1, s2;
	v39 =	vld [tilespmem:s3+$0xFFFFFF00];
	v40 =	vor.u32 s2, v0  }
0x5e2: {  	[tilespmem:v7+s7+$0x0] =	vst.idx.msk $0xffff, v3;
	v3 =	vld [tilespmem:s3+$0xFFFFFF80];
	v36 =	vor.u32 s4, v0  }
0x5e3: {  	s9 =	sadd.s32 $0x2, s2;
	[tilespmem:v9+s7+$0x0] =	vst.idx.msk $0xffff, v4  }
0x5e4: {  	v37 =	vld [tilespmem:s3+$0x0];
	v38 =	vor.u32 s9, v0;
	[tilespmem:v6+s7+$0x0] =	vst.idx.msk $0xffff, v5  }
0x5e5: {  	s15 =	sadd.s32 $0x400, s1;
	[tilespmem:v12+s7+$0x0] =	vst.idx.msk $0xffff, v11  }
0x5e6: {  	s11 =	sadd.s32 $0x203, s2;
	v47 =	vld [tilespmem:s0+$0xFFFFFF20];
	v48 =	vor.u32 s15, v0;
	[tilespmem:v40+s7+$0x0] =	vst.idx.msk $0xffff, v39  }
0x5e7: {  	s14 =	sadd.s32 $0x200, s2;
	v43 =	vor.u32 s11, v0;
	[tilespmem:v36+s7+$0x0] =	vst.idx.msk $0xffff, v3;
	v3 =	vld [tilespmem:s3+$0x90]  }
0x5e8: {  	s12 =	sadd.s32 $0x201, s2;
	[tilespmem:v2+s7+$0x0] =	vst.idx.msk $0xffff, v1;
	v2 =	vor.u32 s14, v0;
	v1 =	vld [tilespmem:s3+$0xFFFFFF10]  }
0x5e9: {  	s13 =	sadd.s32 $0x202, s2;
	v45 =	vor.u32 s12, v0;
	[tilespmem:v38+s7+$0x0] =	vst.idx.msk $0xffff, v37;
	v44 =	vld [tilespmem:s3+$0xFFFFFF90]  }
0x5ea: {  	s10 =	sadd.s32 $0x603, s1;
	v46 =	vor.u32 s13, v0;
	[tilespmem:v10+s7+$0x0] =	vst.idx.msk $0xffff, v8;
	v4 =	vld [tilespmem:s3+$0x10]  }
0x5eb: {  	s16 =	sadd.s32 $0x601, s1;
	v42 =	vor.u32 s10, v0;
	v41 =	vld [tilespmem:s0+$0xB0];
	[tilespmem:v48+s7+$0x0] =	vst.idx.msk $0xffff, v47  }
0x5ec: {  	s17 =	sadd.s32 $0x403, s2;
	v50 =	vor.u32 s16, v0;
	v49 =	vld [tilespmem:s0+$0xFFFFFFB0];
	[tilespmem:v43+s7+$0x0] =	vst.idx.msk $0xffff, v3  }
0x5ed: {  	s20 =	sadd.s32 $0x400, s2;
	v51 =	vor.u32 s17, v0;
	[tilespmem:v2+s7+$0x0] =	vst.idx.msk $0xffff, v1;
	v3 =	vld [tilespmem:s3+$0xA0]  }
0x5ee: {  	s18 =	sadd.s32 $0x401, s2;
	v54 =	vor.u32 s20, v0;
	[tilespmem:v45+s7+$0x0] =	vst.idx.msk $0xffff, v44;
	v53 =	vld [tilespmem:s3+$0xFFFFFF20]  }
0x5ef: {  	s19 =	sadd.s32 $0x402, s2;
	v52 =	vor.u32 s18, v0;
	[tilespmem:v46+s7+$0x0] =	vst.idx.msk $0xffff, v4;
	v11 =	vld [tilespmem:s3+$0xFFFFFFA0]  }
0x5f0: {  	s21 =	sadd.s32 $0x602, s1;
	[tilespmem:v42+s7+$0x0] =	vst.idx.msk $0xffff, v41;
	v2 =	vor.u32 s19, v0;
	v1 =	vld [tilespmem:s3+$0x20]  }
0x5f1: {  	s22 =	sadd.s32 $0x600, s1;
	v56 =	vor.u32 s21, v0;
	v55 =	vld [tilespmem:s0+$0x30];
	[tilespmem:v50+s7+$0x0] =	vst.idx.msk $0xffff, v49  }
0x5f2: {  	s23 =	sadd.s32 $0x603, s2;
	v58 =	vor.u32 s22, v0;
	v57 =	vld [tilespmem:s0+$0xFFFFFF30];
	[tilespmem:v51+s7+$0x0] =	vst.idx.msk $0xffff, v3  }
0x5f3: {  	s26 =	sadd.s32 $0x600, s2;
	v59 =	vor.u32 s23, v0;
	[tilespmem:v54+s7+$0x0] =	vst.idx.msk $0xffff, v53;
	v3 =	vld [tilespmem:s3+$0xB0]  }
0x5f4: {  	s24 =	sadd.s32 $0x601, s2;
	v63 =	vor.u32 s26, v0;
	[tilespmem:v52+s7+$0x0] =	vst.idx.msk $0xffff, v11;
	v62 =	vld [tilespmem:s3+$0xFFFFFF30]  }
0x5f5: {  	s25 =	sadd.s32 $0x602, s2;
	[tilespmem:v2+s7+$0x0] =	vst.idx.msk $0xffff, v1;
	v2 =	vor.u32 s24, v0;
	v1 =	vld [tilespmem:s3+$0xFFFFFFB0]  }
0x5f6: {  	v61 =	vor.u32 s25, v0;
	[tilespmem:v56+s7+$0x0] =	vst.idx.msk $0xffff, v55;
	v60 =	vld [tilespmem:s3+$0x30]  }
0x5f7: {  	[tilespmem:v58+s7+$0x0] =	vst.idx.msk $0xffff, v57  }
0x5f8: {  	[tilespmem:v59+s7+$0x0] =	vst.idx.msk $0xffff, v3  }
0x5f9: {  	[tilespmem:v63+s7+$0x0] =	vst.idx.msk $0xffff, v62  }
0x5fa: {  	[tilespmem:v2+s7+$0x0] =	vst.idx.msk $0xffff, v1  }
0x5fb: {  	[tilespmem:v61+s7+$0x0] =	vst.idx.msk $0xffff, v60  }
0x5fc: {  	s29 =	sld [smem:$0x7FB];
	_ =	sdelay $0x1  }
.Ltmp10:
0x5fd: {  	s28 =	simm.s32 $0x0;
	s31 =	simm.s32 $0x5;
	(pc) =	sbr.rel .LBB2_13-.Ltmp10, $4  }
0x5fe: {  	[hbm4b:s29+s28] =	stream.linear.scatter [tilespmem:s7], [sflag:$0x5], $0x800, $0x38;
	[tilespmem:$0x11800] =	vst v63  }
0x5ff: {  	_ =	swait.ge [sflag:s31], $0x800  }
0x600: {  	[sflag:s31] =	ssyncset.done $0x0  }
0x601: {  	s1 =	sld [smem:$0x7F7];
	[sflag:s31] =	ssyncadd.s32 $0xFFFFF800  }
.LBB2_14:
0x602: {  	_ =	sfence.sel $0x180000  }
0x603: {  	[bflag:$0x0] =	sbarrier.arrive $0xFFFF  }
0x604: {  	_ =	strace $0x90000047  }
0x605: {  	s0 =	stileid.u32;
	[bflag:$0x2] =	sbarrier.arrive $0xFFFF  }
0x606: {  	p0 =	sne.s32 s0, $0x0;
	s0 =	rddreg [dreg:$0x2]  }
0x607: {  	s0 =	sadd.s32 @!p0 $0x100000, s0  }
0x608: {  	[sflag:s0] =	ssyncadd.tile.s32 @!p0 $0x1;
	_ =	shalt  }
.Lfunc_end2:
_tile_overlayer_lowered:
.L_overlay_start_2:
0x609: {  	(tag) =	ssettag $0x2  }
0x60a: {  	s0 =	rddreg [dreg:$0x0];
	s2 =	stileid.u32  }
0x60b: {  	s1 =	rddreg [dreg:$0x1];
	p0 =	sne.s32 s2, $0x0  }
0x60c: {  	s3 =	rddreg [dreg:$0x2];
	[bflag:$0x3] =	sbarrier.arrive $0xFFFF;
	s2 =	simm.s32 @!p0 $0x1C05  }
0x60d: {  	[timem:s3], [sflag:s2] =	dma.local @!p0 [hbm:s0], s1  }
0x60e: {  	s0 =	simm.s32 @!p0 $0x5  }
0x60f: {  	_ =	swait.ge @!p0 [sflag:s0], s1  }
0x610: {  	s1 =	ssub.s32 @!p0 $0x0, s1;
	[sflag:s0] =	ssyncset.done @!p0 $0x0  }
0x611: {  	[sflag:s0] =	ssyncadd.s32 @!p0 s1  }
0x612: {  	[bflag:$0x3] =	sbarrier.arrive $0xFFFF  }
0x613: {  	_ =	shalt  }

</sc_bundles>
